<compile_context>
chip_gen: v7x
topology: tpu7x:2x2x1
jax: 0.10.2.dev20260603
libtpu: 0.0.44.dev20260713+nightly
codegen_flags: <defaults>
</compile_context>

<pallas_src>
import functools

import jax
import jax.numpy as jnp
from jax import lax
from jax.experimental import pallas as pl
from jax.experimental.pallas import tpu as pltpu
from jax.experimental.pallas import tpu_sc as plsc

N = 10000
E = 320000
HID = 128
NC = 2
NS = 16
NW = NC * NS
CK = 128
NCH = 80
EPT = CK * NCH
EP = EPT * NW
NP = 10016
RPT = NP // NS
RB = 1000

_mesh = functools.partial(
    plsc.VectorSubcoreMesh, core_axis_name="c", subcore_axis_name="s"
)


def _seg_sum(table, packed, zeros, d, split):

    def unpack(packed_v, j, scv, dcv):
        for v in range(CK // 16):
            p = packed_v[j, pl.ds(v * 16, 16)]
            scv[pl.ds(v * 16, 16)] = lax.bitwise_and(p, jnp.int32(0xFFFF))
            dcv[pl.ds(v * 16, 16)] = lax.shift_right_logical(p, 16)

    t0, t1 = split
    tmax = min(NCH, max(t0, t1))

    @functools.partial(
        pl.kernel,
        out_type=jax.ShapeDtypeStruct((NC, NP, d), jnp.float32),
        mesh=_mesh(),
        compiler_params=pltpu.CompilerParams(use_tc_tiling_on_sc=False),
        scratch_types=[
            pltpu.VMEM((tmax, CK), jnp.int32),
            pltpu.VMEM((CK,), jnp.int32),
            pltpu.VMEM((CK,), jnp.int32),
            pltpu.VMEM((CK,), jnp.int32),
            pltpu.VMEM((CK,), jnp.int32),
            pltpu.VMEM((CK, d), jnp.float32),
            pltpu.VMEM((CK, d), jnp.float32),
            pltpu.VMEM_SHARED((NP, d), jnp.float32),
            pltpu.SemaphoreType.DMA,
            pltpu.SemaphoreType.DMA,
        ],
    )
    def kern(table_h, packed_h, zeros_h, out_h, packed_v, sca, dca, scb,
             dcb, stage_a, stage_b, acc_s, sem_a, sem_b):
        cid = lax.axis_index("c")
        sid = lax.axis_index("s")
        row0 = sid * RPT
        pltpu.sync_copy(zeros_h, acc_s.at[pl.ds(row0, RPT)])

        def run(nch, gbase):
            pltpu.sync_copy(packed_h.at[pl.ds(gbase, nch)],
                            packed_v.at[pl.ds(0, nch)])
            plsc.subcore_barrier()
            unpack(packed_v, 0, sca, dca)
            pltpu.async_copy(table_h.at[sca], stage_a, sem_a)

            def body(t, carry):
                j0 = 2 * t
                unpack(packed_v, j0 + 1, scb, dcb)
                pltpu.async_copy(table_h.at[scb], stage_b, sem_b)
                pltpu.make_async_copy(table_h.at[sca], stage_a,
                                      sem_a).wait()
                pltpu.sync_copy(stage_a, acc_s.at[dca], add=True)

                @pl.when(t < nch // 2 - 1)
                def _prefetch():
                    unpack(packed_v, j0 + 2, sca, dca)
                    pltpu.async_copy(table_h.at[sca], stage_a, sem_a)

                pltpu.make_async_copy(table_h.at[scb], stage_b,
                                      sem_b).wait()
                pltpu.sync_copy(stage_b, acc_s.at[dcb], add=True)
                return carry

            lax.fori_loop(0, nch // 2, body, 0)

        if t0 > 0:
            @pl.when(cid == 0)
            def _core0():
                for r0 in range(0, t0, tmax):
                    run(min(tmax, t0 - r0), sid * t0 + r0)

        if t1 > 0:
            @pl.when(cid == 1)
            def _core1():
                for r0 in range(0, t1, tmax):
                    run(min(tmax, t1 - r0), NS * t0 + sid * t1 + r0)

        plsc.subcore_barrier()
        pltpu.sync_copy(acc_s.at[pl.ds(row0, RPT)],
                        out_h.at[cid, pl.ds(row0, RPT)])

    return kern(table, packed, zeros)


def _seg_sum_cols(ta, tb, packed, zeros):
    d = HID // 2
    TPC = NW * NCH // NS

    def unpack(packed_v, j, scv, dcv):
        for v in range(CK // 16):
            p = packed_v[j, pl.ds(v * 16, 16)]
            scv[pl.ds(v * 16, 16)] = lax.bitwise_and(p, jnp.int32(0xFFFF))
            dcv[pl.ds(v * 16, 16)] = lax.shift_right_logical(p, 16)

    @functools.partial(
        pl.kernel,
        out_type=jax.ShapeDtypeStruct((NC, NP, d), jnp.float32),
        mesh=_mesh(),
        compiler_params=pltpu.CompilerParams(use_tc_tiling_on_sc=False),
        scratch_types=[
            pltpu.VMEM((TPC, CK), jnp.int32),
            pltpu.VMEM((CK,), jnp.int32),
            pltpu.VMEM((CK,), jnp.int32),
            pltpu.VMEM((CK,), jnp.int32),
            pltpu.VMEM((CK,), jnp.int32),
            pltpu.VMEM((CK, d), jnp.float32),
            pltpu.VMEM((CK, d), jnp.float32),
            pltpu.VMEM_SHARED((NP, d), jnp.float32),
            pltpu.SemaphoreType.DMA,
            pltpu.SemaphoreType.DMA,
        ],
    )
    def kern(ta_h, tb_h, packed_h, zeros_h, out_h, packed_v, sca, dca, scb,
             dcb, stage_a, stage_b, acc_s, sem_a, sem_b):
        cid = lax.axis_index("c")
        sid = lax.axis_index("s")
        row0 = sid * RPT
        pltpu.sync_copy(zeros_h, acc_s.at[pl.ds(row0, RPT)])

        def run(table_h):
            pltpu.sync_copy(packed_h.at[pl.ds(sid * TPC, TPC)], packed_v)
            plsc.subcore_barrier()
            unpack(packed_v, 0, sca, dca)
            pltpu.async_copy(table_h.at[sca], stage_a, sem_a)

            def body(t, carry):
                j0 = 2 * t
                unpack(packed_v, j0 + 1, scb, dcb)
                pltpu.async_copy(table_h.at[scb], stage_b, sem_b)
                pltpu.make_async_copy(table_h.at[sca], stage_a,
                                      sem_a).wait()
                pltpu.sync_copy(stage_a, acc_s.at[dca], add=True)

                @pl.when(t < TPC // 2 - 1)
                def _prefetch():
                    unpack(packed_v, j0 + 2, sca, dca)
                    pltpu.async_copy(table_h.at[sca], stage_a, sem_a)

                pltpu.make_async_copy(table_h.at[scb], stage_b,
                                      sem_b).wait()
                pltpu.sync_copy(stage_b, acc_s.at[dcb], add=True)
                return carry

            lax.fori_loop(0, TPC // 2, body, 0)

        @pl.when(cid == 0)
        def _core0():
            run(ta_h)

        @pl.when(cid == 1)
        def _core1():
            run(tb_h)

        plsc.subcore_barrier()
        pltpu.sync_copy(acc_s.at[pl.ds(row0, RPT)],
                        out_h.at[cid, pl.ds(row0, RPT)])

    return kern(ta, tb, packed, zeros)


def _deg_pass(dstp, ones, zeros):

    @functools.partial(
        pl.kernel,
        out_type=jax.ShapeDtypeStruct((NC, NP, 16), jnp.float32),
        mesh=_mesh(),
        compiler_params=pltpu.CompilerParams(use_tc_tiling_on_sc=False),
        scratch_types=[
            pltpu.VMEM((NCH, CK), jnp.int32),
            pltpu.VMEM((CK, 16), jnp.float32),
            pltpu.VMEM_SHARED((NP, 16), jnp.float32),
        ],
    )
    def kern(dst_h, ones_h, zeros_h, out_h, dst_v, stage_v, acc_s):
        cid = lax.axis_index("c")
        sid = lax.axis_index("s")
        wid = sid * NC + cid
        row0 = sid * RPT
        pltpu.sync_copy(ones_h, stage_v)
        pltpu.sync_copy(dst_h.at[pl.ds(wid * NCH, NCH)], dst_v)
        pltpu.sync_copy(zeros_h, acc_s.at[pl.ds(row0, RPT)])
        plsc.subcore_barrier()

        def chunk(j, carry):
            pltpu.sync_copy(stage_v, acc_s.at[dst_v.at[j]], add=True)
            return carry

        lax.fori_loop(0, NCH, chunk, 0)
        plsc.subcore_barrier()
        pltpu.sync_copy(acc_s.at[pl.ds(row0, RPT)],
                        out_h.at[cid, pl.ds(row0, RPT)])

    return kern(dstp, ones, zeros)


def _tc1(degp, x16):

    def body(degp_ref, x16_ref, dinv_ref, xs_ref):
        deg = degp_ref[0, 0:N, 0:1] + degp_ref[1, 0:N, 0:1] + 1.0
        dinv = lax.rsqrt(deg)
        dinv_ref[...] = dinv
        xs_ref[...] = dinv * x16_ref[...]

    return pl.pallas_call(
        body,
        out_shape=(
            jax.ShapeDtypeStruct((N, 1), jnp.float32),
            jax.ShapeDtypeStruct((N, 16), jnp.float32),
        ),
    )(degp, x16)


def _tc2(a1p, xs, dinv, w116, w2, b1):

    def body(a1p_ref, xs_ref, dinv_ref, w1_ref, w2_ref, b1_ref,
             h1_ref, g2_ref):
        dinv = dinv_ref[...]
        a = a1p_ref[0] + a1p_ref[1] + xs_ref[...]
        t = jnp.dot(a, w1_ref[...], preferred_element_type=jnp.float32)
        h1 = jnp.maximum(dinv * t + b1_ref[...], 0.0)
        h1_ref[...] = h1
        g2_ref[...] = dinv * jnp.dot(h1, w2_ref[...],
                                     preferred_element_type=jnp.float32)

    return pl.pallas_call(
        body,
        grid=(N // RB,),
        in_specs=[
            pl.BlockSpec((NC, RB, 16), lambda i: (0, i, 0)),
            pl.BlockSpec((RB, 16), lambda i: (i, 0)),
            pl.BlockSpec((RB, 1), lambda i: (i, 0)),
            pl.BlockSpec((16, HID), lambda i: (0, 0)),
            pl.BlockSpec((HID, HID), lambda i: (0, 0)),
            pl.BlockSpec((1, HID), lambda i: (0, 0)),
        ],
        out_specs=[
            pl.BlockSpec((RB, HID), lambda i: (i, 0)),
            pl.BlockSpec((RB, HID), lambda i: (i, 0)),
        ],
        out_shape=(
            jax.ShapeDtypeStruct((N, HID), jnp.float32),
            jax.ShapeDtypeStruct((N, HID), jnp.float32),
        ),
    )(a1p, xs, dinv, w116, w2, b1)


def _tc3(a2p, g2, dinv, b2):

    def body(a2p_ref, g2_ref, dinv_ref, b2_ref, out_ref):
        s = jnp.concatenate([a2p_ref[0], a2p_ref[1]], axis=1) + g2_ref[...]
        out_ref[...] = jnp.maximum(dinv_ref[...] * s + b2_ref[...], 0.0)

    return pl.pallas_call(
        body,
        grid=(N // RB,),
        in_specs=[
            pl.BlockSpec((NC, RB, HID // 2), lambda i: (0, i, 0)),
            pl.BlockSpec((RB, HID), lambda i: (i, 0)),
            pl.BlockSpec((RB, 1), lambda i: (i, 0)),
            pl.BlockSpec((1, HID), lambda i: (0, 0)),
        ],
        out_specs=pl.BlockSpec((RB, HID), lambda i: (i, 0)),
        out_shape=jax.ShapeDtypeStruct((N, HID), jnp.float32),
    )(a2p, g2, dinv, b2)


def kernel(x, edge_index, W1, b1, W2, b2):
    src = edge_index[0].astype(jnp.int32)
    dst = edge_index[1].astype(jnp.int32)
    dstp = jnp.concatenate(
        [dst, jnp.full((EP - E,), N, jnp.int32)]).reshape(NW * NCH, CK)
    packed = jnp.concatenate(
        [src, jnp.zeros((EP - E,), jnp.int32)]).reshape(NW * NCH, CK) | (
            dstp << 16)
    x16 = jnp.pad(x, ((0, 0), (0, 16 - x.shape[1])))
    w116 = jnp.pad(W1, ((0, 16 - W1.shape[0]), (0, 0)))
    ones16 = jnp.ones((CK, 16), jnp.float32)
    zeros16 = jnp.zeros((RPT, 16), jnp.float32)
    zeros64 = jnp.zeros((RPT, HID // 2), jnp.float32)

    degp = _deg_pass(dstp, ones16, zeros16)
    dinv, xs = _tc1(degp, x16)
    a1p = _seg_sum(xs, packed, zeros16, 16, (96, 64))
    h1, g2 = _tc2(a1p, xs, dinv, w116, W2, b1.reshape(1, HID))
    a2p = _seg_sum_cols(g2[:, :HID // 2], g2[:, HID // 2:], packed,
                        zeros64)
    return _tc3(a2p, g2, dinv, b2.reshape(1, HID))

# --- scband reference (transcript-rebuilt; emitter-appended) ---
"""Pipeline reference for scband-tspgnn-90555090469658 (READ-ONLY COPY).

The authoritative reference and input builder live on the scoring server;
editing this copy changes nothing except your own understanding.
"""

import jax, jax.numpy as jnp
import numpy as np

N_NODES = 10000
N_EDGES = 320000
IN_DIM = 2
HID = 128


def setup_inputs(seed: int = 0) -> dict:
    key = jax.random.key(seed)
    ks = jax.random.split(key, 6)
    x = jax.random.normal(ks[0], (N_NODES, IN_DIM), dtype=jnp.float32)
    edge_index = jax.random.randint(ks[1], (2, N_EDGES), 0, N_NODES, dtype=jnp.int64)
    # GCNConv parameters (glorot-style scale)
    W1 = jax.random.normal(ks[2], (IN_DIM, HID), dtype=jnp.float32) * (1.0 / np.sqrt(IN_DIM))
    b1 = jnp.zeros((HID,), dtype=jnp.float32)
    W2 = jax.random.normal(ks[3], (HID, HID), dtype=jnp.float32) * (1.0 / np.sqrt(HID))
    b2 = jnp.zeros((HID,), dtype=jnp.float32)
    return {"x": x, "edge_index": edge_index, "W1": W1, "b1": b1, "W2": W2, "b2": b2}


def _gcn_conv(h, src, dst, W, b, num_nodes):
    # linear transform
    h = h @ W
    # add self-loops
    loop = jnp.arange(num_nodes, dtype=src.dtype)
    src2 = jnp.concatenate([src, loop])
    dst2 = jnp.concatenate([dst, loop])
    # symmetric normalization: deg computed on dst (in-degree incl. self-loops)
    deg = jnp.zeros((num_nodes,), dtype=h.dtype).at[dst2].add(1.0)
    dinv = jax.lax.rsqrt(jnp.maximum(deg, 1.0))
    norm = dinv[src2] * dinv[dst2]
    # gather messages from src, scale, scatter-add into dst
    msg = jnp.take(h, src2, axis=0) * norm[:, None]
    out = jnp.zeros((num_nodes, h.shape[1]), dtype=h.dtype).at[dst2].add(msg)
    return out + b


def reference(x, edge_index, W1, b1, W2, b2):
    src = edge_index[0]
    dst = edge_index[1]
    n = x.shape[0]
    h = jax.nn.relu(_gcn_conv(x, src, dst, W1, b1, n))
    h = jax.nn.relu(_gcn_conv(h, src, dst, W2, b2, n))
    return h

if __name__ == "__main__":
    import jax
    _d = setup_inputs()
    print(jax.jit(kernel)(*tuple(_d.values())))

</pallas_src>

<mosaic_0001>
#map = affine_map<(d0, d1) -> (0, 0)>
#map1 = affine_map<(d0, d1) -> (0, 0, 0)>
module attributes {stable_mosaic.version = 14 : i64} {
  func.func @kern(%arg0: i32, %arg1: i32, %arg2: memref<2560x128xi32, #tpu.memory_space<hbm>>, %arg3: memref<128x16xf32, #tpu.memory_space<hbm>>, %arg4: memref<626x16xf32, #tpu.memory_space<hbm>>, %arg5: memref<2x10016x16xf32, #tpu.memory_space<hbm>>, %arg6: memref<80x128xi32, #tpu.memory_space<vmem>>, %arg7: memref<128x16xf32, #tpu.memory_space<vmem>>, %arg8: memref<10016x16xf32, #tpu.memory_space<vmem_shared>>) attributes {dimension_semantics = [#tpu.dimension_semantics<core_parallel>, #tpu.dimension_semantics<subcore_parallel>], iteration_bounds = array<i64: 2, 16>, scalar_prefetch = 0 : i64, scratch_operands = 3 : i64, tpu.core_type = #tpu.core_type<sc_vector_subcore>, window_params = [{transform_indices = #map}, {transform_indices = #map}, {transform_indices = #map}, {transform_indices = #map1}]} {
    %mul3A = arith.constant 2 : i32
    %mul3A_0 = arith.muli %arg1, %mul3A : i32
    %add3A = arith.addi %mul3A_0, %arg0 : i32
    %mul3A_1 = arith.constant 626 : i32
    %mul3A_2 = arith.muli %arg1, %mul3A_1 : i32
    "tpu.region"() ({
      %run_scoped3A = tpu.sem_alloc : memref<!tpu.dma_semaphore, #tpu.memory_space<semaphore_mem>>
      tpu.enqueue_dma source(%arg3 : memref<128x16xf32, #tpu.memory_space<hbm>>) target(%arg7 : memref<128x16xf32, #tpu.memory_space<vmem>>) target_semaphore(%run_scoped3A : memref<!tpu.dma_semaphore, #tpu.memory_space<semaphore_mem>>)
      tpu.wait_dma2 semaphore(%run_scoped3A : memref<!tpu.dma_semaphore, #tpu.memory_space<semaphore_mem>>) src(%arg3 : memref<128x16xf32, #tpu.memory_space<hbm>>) dst(%arg7 : memref<128x16xf32, #tpu.memory_space<vmem>>)
      tpu.yield
    }) : () -> ()
    %mul3A_3 = arith.constant 80 : i32
    %mul3A_4 = arith.muli %add3A, %mul3A_3 : i32
    "tpu.region"() ({
      %run_scoped3A = tpu.sem_alloc : memref<!tpu.dma_semaphore, #tpu.memory_space<semaphore_mem>>
      %dma_start3A = arith.constant 0 : i32
      %dma_start3A_11 = tpu.memref_slice %arg2[%mul3A_4, %dma_start3A] : memref<2560x128xi32, #tpu.memory_space<hbm>> -> memref<80x128xi32, #tpu.memory_space<hbm>>
      %dma_start3A_12 = arith.constant 0 : i32
      %dma_start3A_13 = tpu.memref_slice %arg2[%mul3A_4, %dma_start3A_12] : memref<2560x128xi32, #tpu.memory_space<hbm>> -> memref<80x128xi32, #tpu.memory_space<hbm>>
      tpu.enqueue_dma source(%dma_start3A_13 : memref<80x128xi32, #tpu.memory_space<hbm>>) target(%arg6 : memref<80x128xi32, #tpu.memory_space<vmem>>) target_semaphore(%run_scoped3A : memref<!tpu.dma_semaphore, #tpu.memory_space<semaphore_mem>>)
      %dma_wait3A = arith.constant 0 : i32
      %dma_wait3A_14 = tpu.memref_slice %arg2[%mul3A_4, %dma_wait3A] : memref<2560x128xi32, #tpu.memory_space<hbm>> -> memref<80x128xi32, #tpu.memory_space<hbm>>
      %dma_wait3A_15 = arith.constant 0 : i32
      %dma_wait3A_16 = tpu.memref_slice %arg2[%mul3A_4, %dma_wait3A_15] : memref<2560x128xi32, #tpu.memory_space<hbm>> -> memref<80x128xi32, #tpu.memory_space<hbm>>
      tpu.wait_dma2 semaphore(%run_scoped3A : memref<!tpu.dma_semaphore, #tpu.memory_space<semaphore_mem>>) src(%dma_wait3A_16 : memref<80x128xi32, #tpu.memory_space<hbm>>) dst(%arg6 : memref<80x128xi32, #tpu.memory_space<vmem>>)
      tpu.yield
    }) : () -> ()
    "tpu.region"() ({
      %run_scoped3A = tpu.sem_alloc : memref<!tpu.dma_semaphore, #tpu.memory_space<semaphore_mem>>
      %dma_start3A = arith.constant 0 : i32
      %dma_start3A_11 = tpu.memref_slice %arg8[%mul3A_2, %dma_start3A] : memref<10016x16xf32, #tpu.memory_space<vmem_shared>> -> memref<626x16xf32, #tpu.memory_space<vmem_shared>>
      tpu.enqueue_dma source(%arg4 : memref<626x16xf32, #tpu.memory_space<hbm>>) target(%dma_start3A_11 : memref<626x16xf32, #tpu.memory_space<vmem_shared>>) target_semaphore(%run_scoped3A : memref<!tpu.dma_semaphore, #tpu.memory_space<semaphore_mem>>)
      %dma_wait3A = arith.constant 0 : i32
      %dma_wait3A_12 = tpu.memref_slice %arg8[%mul3A_2, %dma_wait3A] : memref<10016x16xf32, #tpu.memory_space<vmem_shared>> -> memref<626x16xf32, #tpu.memory_space<vmem_shared>>
      tpu.wait_dma2 semaphore(%run_scoped3A : memref<!tpu.dma_semaphore, #tpu.memory_space<semaphore_mem>>) src(%arg4 : memref<626x16xf32, #tpu.memory_space<hbm>>) dst(%dma_wait3A_12 : memref<626x16xf32, #tpu.memory_space<vmem_shared>>)
      tpu.yield
    }) : () -> ()
    %barrier3A = arith.constant 0 : index
    tpu.barrier barrier_id(%barrier3A)
    %scan3A = arith.constant 0 : i32
    %scan3A_5 = arith.constant 0 : i32
    %scan3A_6 = arith.constant 80 : i32
    %scan3A_7 = arith.addi %scan3A_5, %scan3A_6 : i32
    %scan3A_8 = arith.constant 1 : i32
    scf.for %scan3A_11 = %scan3A_5 to %scan3A_7 step %scan3A_8  : i32 {
      "tpu.region"() ({
        %run_scoped3A = tpu.sem_alloc : memref<!tpu.dma_semaphore, #tpu.memory_space<semaphore_mem>>
        %dma_start3A = arith.constant 0 : i32
        %dma_start3A_12 = tpu.memref_slice %arg6[%scan3A_11, %dma_start3A] : memref<80x128xi32, #tpu.memory_space<vmem>> -> memref<1x128xi32, #tpu.memory_space<vmem>>
        %dma_start3A_13 = tpu.memref_squeeze %dma_start3A_12 : memref<1x128xi32, #tpu.memory_space<vmem>> -> memref<128xi32, #tpu.memory_space<vmem>>
        %dma_start3A_14 = arith.constant 0 : i32
        %dma_start3A_15 = arith.constant 0 : i32
        %dma_start3A_16 = tpu.memref_slice %arg8[%dma_start3A_14, %dma_start3A_15] : memref<10016x16xf32, #tpu.memory_space<vmem_shared>> -> memref<10016x16xf32, #tpu.memory_space<vmem_shared>>
        tpu.enqueue_indirect_dma source(%arg7 : memref<128x16xf32, #tpu.memory_space<vmem>>) target(%dma_start3A_16 : memref<10016x16xf32, #tpu.memory_space<vmem_shared>>) offsets(%dma_start3A_13 : memref<128xi32, #tpu.memory_space<vmem>>) semaphore(%run_scoped3A : memref<!tpu.dma_semaphore, #tpu.memory_space<semaphore_mem>>) {add = true}
        %dma_wait3A = arith.constant 0 : i32
        %dma_wait3A_17 = tpu.memref_slice %arg6[%scan3A_11, %dma_wait3A] : memref<80x128xi32, #tpu.memory_space<vmem>> -> memref<1x128xi32, #tpu.memory_space<vmem>>
        %dma_wait3A_18 = tpu.memref_squeeze %dma_wait3A_17 : memref<1x128xi32, #tpu.memory_space<vmem>> -> memref<128xi32, #tpu.memory_space<vmem>>
        %dma_wait3A_19 = arith.constant 0 : i32
        %dma_wait3A_20 = arith.constant 0 : i32
        %dma_wait3A_21 = tpu.memref_slice %arg8[%dma_wait3A_19, %dma_wait3A_20] : memref<10016x16xf32, #tpu.memory_space<vmem_shared>> -> memref<10016x16xf32, #tpu.memory_space<vmem_shared>>
        tpu.wait_indirect_dma semaphore(%run_scoped3A : memref<!tpu.dma_semaphore, #tpu.memory_space<semaphore_mem>>) src(%arg7 : memref<128x16xf32, #tpu.memory_space<vmem>>) dst(%dma_wait3A_21 : memref<10016x16xf32, #tpu.memory_space<vmem_shared>>)
        tpu.yield
      }) : () -> ()
    }
    %scan3A_9 = arith.constant 80 : i32
    %barrier3A_10 = arith.constant 0 : index
    tpu.barrier barrier_id(%barrier3A_10)
    "tpu.region"() ({
      %run_scoped3A = tpu.sem_alloc : memref<!tpu.dma_semaphore, #tpu.memory_space<semaphore_mem>>
      %dma_start3A = arith.constant 0 : i32
      %dma_start3A_11 = tpu.memref_slice %arg5[%arg0, %mul3A_2, %dma_start3A] : memref<2x10016x16xf32, #tpu.memory_space<hbm>> -> memref<1x626x16xf32, #tpu.memory_space<hbm>>
      %dma_start3A_12 = tpu.memref_squeeze %dma_start3A_11 : memref<1x626x16xf32, #tpu.memory_space<hbm>> -> memref<626x16xf32, #tpu.memory_space<hbm>>
      %dma_start3A_13 = arith.constant 0 : i32
      %dma_start3A_14 = tpu.memref_slice %arg8[%mul3A_2, %dma_start3A_13] : memref<10016x16xf32, #tpu.memory_space<vmem_shared>> -> memref<626x16xf32, #tpu.memory_space<vmem_shared>>
      tpu.enqueue_dma source(%dma_start3A_14 : memref<626x16xf32, #tpu.memory_space<vmem_shared>>) target(%dma_start3A_12 : memref<626x16xf32, #tpu.memory_space<hbm>>) target_semaphore(%run_scoped3A : memref<!tpu.dma_semaphore, #tpu.memory_space<semaphore_mem>>)
      %dma_wait3A = arith.constant 0 : i32
      %dma_wait3A_15 = tpu.memref_slice %arg5[%arg0, %mul3A_2, %dma_wait3A] : memref<2x10016x16xf32, #tpu.memory_space<hbm>> -> memref<1x626x16xf32, #tpu.memory_space<hbm>>
      %dma_wait3A_16 = tpu.memref_squeeze %dma_wait3A_15 : memref<1x626x16xf32, #tpu.memory_space<hbm>> -> memref<626x16xf32, #tpu.memory_space<hbm>>
      %dma_wait3A_17 = arith.constant 0 : i32
      %dma_wait3A_18 = tpu.memref_slice %arg8[%mul3A_2, %dma_wait3A_17] : memref<10016x16xf32, #tpu.memory_space<vmem_shared>> -> memref<626x16xf32, #tpu.memory_space<vmem_shared>>
      tpu.wait_dma2 semaphore(%run_scoped3A : memref<!tpu.dma_semaphore, #tpu.memory_space<semaphore_mem>>) src(%dma_wait3A_18 : memref<626x16xf32, #tpu.memory_space<vmem_shared>>) dst(%dma_wait3A_16 : memref<626x16xf32, #tpu.memory_space<hbm>>)
      tpu.yield
    }) : () -> ()
    return
  }
}

#map = affine_map<(d0, d1) -> (0, 0)>
#map1 = affine_map<(d0, d1) -> (0, 0, 0)>
module attributes {stable_mosaic.version = 14 : i64} {
  func.func @kern(%arg0: i32, %arg1: i32, %arg2: memref<10000x16xf32, #tpu.memory_space<hbm>>, %arg3: memref<2560x128xi32, #tpu.memory_space<hbm>>, %arg4: memref<626x16xf32, #tpu.memory_space<hbm>>, %arg5: memref<2x10016x16xf32, #tpu.memory_space<hbm>>, %arg6: memref<80x128xi32, #tpu.memory_space<vmem>>, %arg7: memref<128xi32, #tpu.memory_space<vmem>>, %arg8: memref<128xi32, #tpu.memory_space<vmem>>, %arg9: memref<128xi32, #tpu.memory_space<vmem>>, %arg10: memref<128xi32, #tpu.memory_space<vmem>>, %arg11: memref<128x16xf32, #tpu.memory_space<vmem>>, %arg12: memref<128x16xf32, #tpu.memory_space<vmem>>, %arg13: memref<10016x16xf32, #tpu.memory_space<vmem_shared>>, %arg14: memref<!tpu.dma_semaphore, #tpu.memory_space<semaphore_mem>>, %arg15: memref<!tpu.dma_semaphore, #tpu.memory_space<semaphore_mem>>) attributes {dimension_semantics = [#tpu.dimension_semantics<core_parallel>, #tpu.dimension_semantics<subcore_parallel>], iteration_bounds = array<i64: 2, 16>, scalar_prefetch = 0 : i64, scratch_operands = 10 : i64, tpu.core_type = #tpu.core_type<sc_vector_subcore>, window_params = [{transform_indices = #map}, {transform_indices = #map}, {transform_indices = #map}, {transform_indices = #map1}]} {
    %mul3A = arith.constant 626 : i32
    %mul3A_0 = arith.muli %arg1, %mul3A : i32
    "tpu.region"() ({
      %run_scoped3A = tpu.sem_alloc : memref<!tpu.dma_semaphore, #tpu.memory_space<semaphore_mem>>
      %dma_start3A = arith.constant 0 : i32
      %dma_start3A_8 = tpu.memref_slice %arg13[%mul3A_0, %dma_start3A] : memref<10016x16xf32, #tpu.memory_space<vmem_shared>> -> memref<626x16xf32, #tpu.memory_space<vmem_shared>>
      tpu.enqueue_dma source(%arg4 : memref<626x16xf32, #tpu.memory_space<hbm>>) target(%dma_start3A_8 : memref<626x16xf32, #tpu.memory_space<vmem_shared>>) target_semaphore(%run_scoped3A : memref<!tpu.dma_semaphore, #tpu.memory_space<semaphore_mem>>)
      %dma_wait3A = arith.constant 0 : i32
      %dma_wait3A_9 = tpu.memref_slice %arg13[%mul3A_0, %dma_wait3A] : memref<10016x16xf32, #tpu.memory_space<vmem_shared>> -> memref<626x16xf32, #tpu.memory_space<vmem_shared>>
      tpu.wait_dma2 semaphore(%run_scoped3A : memref<!tpu.dma_semaphore, #tpu.memory_space<semaphore_mem>>) src(%arg4 : memref<626x16xf32, #tpu.memory_space<hbm>>) dst(%dma_wait3A_9 : memref<626x16xf32, #tpu.memory_space<vmem_shared>>)
      tpu.yield
    }) : () -> ()
    %eq3A = arith.constant 0 : i32
    %eq3A_1 = arith.cmpi eq, %arg0, %eq3A : i32
    %convert_element_type3A = arith.extui %eq3A_1 : i1 to i32
    %cond3A = arith.constant 0 : i32
    %cond3A_2 = arith.cmpi ne, %convert_element_type3A, %cond3A : i32
    scf.if %cond3A_2 {
      %mul3A_8 = arith.constant 96 : i32
      %mul3A_9 = arith.muli %arg1, %mul3A_8 : i32
      %add3A = arith.constant 0 : i32
      %add3A_10 = arith.addi %mul3A_9, %add3A : i32
      "tpu.region"() ({
        %run_scoped3A = tpu.sem_alloc : memref<!tpu.dma_semaphore, #tpu.memory_space<semaphore_mem>>
        %dma_start3A_333 = arith.constant 0 : i32
        %dma_start3A_334 = arith.constant 0 : i32
        %dma_start3A_335 = tpu.memref_slice %arg6[%dma_start3A_333, %dma_start3A_334] : memref<80x128xi32, #tpu.memory_space<vmem>> -> memref<80x128xi32, #tpu.memory_space<vmem>>
        %dma_start3A_336 = arith.constant 0 : i32
        %dma_start3A_337 = tpu.memref_slice %arg3[%add3A_10, %dma_start3A_336] : memref<2560x128xi32, #tpu.memory_space<hbm>> -> memref<80x128xi32, #tpu.memory_space<hbm>>
        %dma_start3A_338 = arith.constant 0 : i32
        %dma_start3A_339 = arith.constant 0 : i32
        %dma_start3A_340 = tpu.memref_slice %arg6[%dma_start3A_338, %dma_start3A_339] : memref<80x128xi32, #tpu.memory_space<vmem>> -> memref<80x128xi32, #tpu.memory_space<vmem>>
        %dma_start3A_341 = arith.constant 0 : i32
        %dma_start3A_342 = tpu.memref_slice %arg3[%add3A_10, %dma_start3A_341] : memref<2560x128xi32, #tpu.memory_space<hbm>> -> memref<80x128xi32, #tpu.memory_space<hbm>>
        tpu.enqueue_dma source(%dma_start3A_342 : memref<80x128xi32, #tpu.memory_space<hbm>>) target(%dma_start3A_340 : memref<80x128xi32, #tpu.memory_space<vmem>>) target_semaphore(%run_scoped3A : memref<!tpu.dma_semaphore, #tpu.memory_space<semaphore_mem>>)
        %dma_wait3A = arith.constant 0 : i32
        %dma_wait3A_343 = arith.constant 0 : i32
        %dma_wait3A_344 = tpu.memref_slice %arg6[%dma_wait3A, %dma_wait3A_343] : memref<80x128xi32, #tpu.memory_space<vmem>> -> memref<80x128xi32, #tpu.memory_space<vmem>>
        %dma_wait3A_345 = arith.constant 0 : i32
        %dma_wait3A_346 = tpu.memref_slice %arg3[%add3A_10, %dma_wait3A_345] : memref<2560x128xi32, #tpu.memory_space<hbm>> -> memref<80x128xi32, #tpu.memory_space<hbm>>
        %dma_wait3A_347 = arith.constant 0 : i32
        %dma_wait3A_348 = arith.constant 0 : i32
        %dma_wait3A_349 = tpu.memref_slice %arg6[%dma_wait3A_347, %dma_wait3A_348] : memref<80x128xi32, #tpu.memory_space<vmem>> -> memref<80x128xi32, #tpu.memory_space<vmem>>
        %dma_wait3A_350 = arith.constant 0 : i32
        %dma_wait3A_351 = tpu.memref_slice %arg3[%add3A_10, %dma_wait3A_350] : memref<2560x128xi32, #tpu.memory_space<hbm>> -> memref<80x128xi32, #tpu.memory_space<hbm>>
        tpu.wait_dma2 semaphore(%run_scoped3A : memref<!tpu.dma_semaphore, #tpu.memory_space<semaphore_mem>>) src(%dma_wait3A_351 : memref<80x128xi32, #tpu.memory_space<hbm>>) dst(%dma_wait3A_349 : memref<80x128xi32, #tpu.memory_space<vmem>>)
        tpu.yield
      }) : () -> ()
      %barrier3A_11 = arith.constant 0 : index
      tpu.barrier barrier_id(%barrier3A_11)
      %get3A = arith.constant 0 : i32
      %get3A_12 = arith.index_cast %get3A : i32 to index
      %get3A_13 = arith.constant 0 : index
      %get3A_14 = tpu.vector_load %arg6[%get3A_12, %get3A_13] {strides = array<i32>} : memref<80x128xi32, #tpu.memory_space<vmem>>, vector<1x16xi32>,
      %get3A_15 = vector.shape_cast %get3A_14 : vector<1x16xi32> to vector<16xi32>
      %and3A = arith.constant 65535 : i32
      %and3A_16 = vector.broadcast %and3A : i32 to vector<16xi32>
      %and3A_17 = arith.andi %get3A_15, %and3A_16 : vector<16xi32>
      %swap3A = arith.constant 0 : index
      %swap3A_18 = tpu.vector_load %arg7[%swap3A] {strides = array<i32>} : memref<128xi32, #tpu.memory_space<vmem>>, vector<16xi32>,
      %swap3A_19 = vector.shape_cast %swap3A_18 : vector<16xi32> to vector<16xi32>
      %swap3A_20 = vector.shape_cast %and3A_17 : vector<16xi32> to vector<16xi32>
      tpu.vector_store %arg7[%swap3A], %swap3A_20 {strides = array<i32>} : memref<128xi32, #tpu.memory_space<vmem>>, vector<16xi32>,
      %shift_right_logical3A = arith.constant 16 : i32
      %shift_right_logical3A_21 = vector.broadcast %shift_right_logical3A : i32 to vector<16xi32>
      %shift_right_logical3A_22 = arith.shrui %get3A_15, %shift_right_logical3A_21 : vector<16xi32>
      %swap3A_23 = arith.constant 0 : index
      %swap3A_24 = tpu.vector_load %arg8[%swap3A_23] {strides = array<i32>} : memref<128xi32, #tpu.memory_space<vmem>>, vector<16xi32>,
      %swap3A_25 = vector.shape_cast %swap3A_24 : vector<16xi32> to vector<16xi32>
      %swap3A_26 = vector.shape_cast %shift_right_logical3A_22 : vector<16xi32> to vector<16xi32>
      tpu.vector_store %arg8[%swap3A_23], %swap3A_26 {strides = array<i32>} : memref<128xi32, #tpu.memory_space<vmem>>, vector<16xi32>,
      %get3A_27 = arith.constant 0 : i32
      %get3A_28 = arith.index_cast %get3A_27 : i32 to index
      %get3A_29 = arith.constant 16 : index
      %get3A_30 = tpu.vector_load %arg6[%get3A_28, %get3A_29] {strides = array<i32>} : memref<80x128xi32, #tpu.memory_space<vmem>>, vector<1x16xi32>,
      %get3A_31 = vector.shape_cast %get3A_30 : vector<1x16xi32> to vector<16xi32>
      %and3A_32 = arith.constant 65535 : i32
      %and3A_33 = vector.broadcast %and3A_32 : i32 to vector<16xi32>
      %and3A_34 = arith.andi %get3A_31, %and3A_33 : vector<16xi32>
      %swap3A_35 = arith.constant 16 : index
      %swap3A_36 = tpu.vector_load %arg7[%swap3A_35] {strides = array<i32>} : memref<128xi32, #tpu.memory_space<vmem>>, vector<16xi32>,
      %swap3A_37 = vector.shape_cast %swap3A_36 : vector<16xi32> to vector<16xi32>
      %swap3A_38 = vector.shape_cast %and3A_34 : vector<16xi32> to vector<16xi32>
      tpu.vector_store %arg7[%swap3A_35], %swap3A_38 {strides = array<i32>} : memref<128xi32, #tpu.memory_space<vmem>>, vector<16xi32>,
      %shift_right_logical3A_39 = arith.constant 16 : i32
      %shift_right_logical3A_40 = vector.broadcast %shift_right_logical3A_39 : i32 to vector<16xi32>
      %shift_right_logical3A_41 = arith.shrui %get3A_31, %shift_right_logical3A_40 : vector<16xi32>
      %swap3A_42 = arith.constant 16 : index
      %swap3A_43 = tpu.vector_load %arg8[%swap3A_42] {strides = array<i32>} : memref<128xi32, #tpu.memory_space<vmem>>, vector<16xi32>,
      %swap3A_44 = vector.shape_cast %swap3A_43 : vector<16xi32> to vector<16xi32>
      %swap3A_45 = vector.shape_cast %shift_right_logical3A_41 : vector<16xi32> to vector<16xi32>
      tpu.vector_store %arg8[%swap3A_42], %swap3A_45 {strides = array<i32>} : memref<128xi32, #tpu.memory_space<vmem>>, vector<16xi32>,
      %get3A_46 = arith.constant 0 : i32
      %get3A_47 = arith.index_cast %get3A_46 : i32 to index
      %get3A_48 = arith.constant 32 : index
      %get3A_49 = tpu.vector_load %arg6[%get3A_47, %get3A_48] {strides = array<i32>} : memref<80x128xi32, #tpu.memory_space<vmem>>, vector<1x16xi32>,
      %get3A_50 = vector.shape_cast %get3A_49 : vector<1x16xi32> to vector<16xi32>
      %and3A_51 = arith.constant 65535 : i32
      %and3A_52 = vector.broadcast %and3A_51 : i32 to vector<16xi32>
      %and3A_53 = arith.andi %get3A_50, %and3A_52 : vector<16xi32>
      %swap3A_54 = arith.constant 32 : index
      %swap3A_55 = tpu.vector_load %arg7[%swap3A_54] {strides = array<i32>} : memref<128xi32, #tpu.memory_space<vmem>>, vector<16xi32>,
      %swap3A_56 = vector.shape_cast %swap3A_55 : vector<16xi32> to vector<16xi32>
      %swap3A_57 = vector.shape_cast %and3A_53 : vector<16xi32> to vector<16xi32>
      tpu.vector_store %arg7[%swap3A_54], %swap3A_57 {strides = array<i32>} : memref<128xi32, #tpu.memory_space<vmem>>, vector<16xi32>,
      %shift_right_logical3A_58 = arith.constant 16 : i32
      %shift_right_logical3A_59 = vector.broadcast %shift_right_logical3A_58 : i32 to vector<16xi32>
      %shift_right_logical3A_60 = arith.shrui %get3A_50, %shift_right_logical3A_59 : vector<16xi32>
      %swap3A_61 = arith.constant 32 : index
      %swap3A_62 = tpu.vector_load %arg8[%swap3A_61] {strides = array<i32>} : memref<128xi32, #tpu.memory_space<vmem>>, vector<16xi32>,
      %swap3A_63 = vector.shape_cast %swap3A_62 : vector<16xi32> to vector<16xi32>
      %swap3A_64 = vector.shape_cast %shift_right_logical3A_60 : vector<16xi32> to vector<16xi32>
      tpu.vector_store %arg8[%swap3A_61], %swap3A_64 {strides = array<i32>} : memref<128xi32, #tpu.memory_space<vmem>>, vector<16xi32>,
      %get3A_65 = arith.constant 0 : i32
      %get3A_66 = arith.index_cast %get3A_65 : i32 to index
      %get3A_67 = arith.constant 48 : index
      %get3A_68 = tpu.vector_load %arg6[%get3A_66, %get3A_67] {strides = array<i32>} : memref<80x128xi32, #tpu.memory_space<vmem>>, vector<1x16xi32>,
      %get3A_69 = vector.shape_cast %get3A_68 : vector<1x16xi32> to vector<16xi32>
      %and3A_70 = arith.constant 65535 : i32
      %and3A_71 = vector.broadcast %and3A_70 : i32 to vector<16xi32>
      %and3A_72 = arith.andi %get3A_69, %and3A_71 : vector<16xi32>
      %swap3A_73 = arith.constant 48 : index
      %swap3A_74 = tpu.vector_load %arg7[%swap3A_73] {strides = array<i32>} : memref<128xi32, #tpu.memory_space<vmem>>, vector<16xi32>,
      %swap3A_75 = vector.shape_cast %swap3A_74 : vector<16xi32> to vector<16xi32>
      %swap3A_76 = vector.shape_cast %and3A_72 : vector<16xi32> to vector<16xi32>
      tpu.vector_store %arg7[%swap3A_73], %swap3A_76 {strides = array<i32>} : memref<128xi32, #tpu.memory_space<vmem>>, vector<16xi32>,
      %shift_right_logical3A_77 = arith.constant 16 : i32
      %shift_right_logical3A_78 = vector.broadcast %shift_right_logical3A_77 : i32 to vector<16xi32>
      %shift_right_logical3A_79 = arith.shrui %get3A_69, %shift_right_logical3A_78 : vector<16xi32>
      %swap3A_80 = arith.constant 48 : index
      %swap3A_81 = tpu.vector_load %arg8[%swap3A_80] {strides = array<i32>} : memref<128xi32, #tpu.memory_space<vmem>>, vector<16xi32>,
      %swap3A_82 = vector.shape_cast %swap3A_81 : vector<16xi32> to vector<16xi32>
      %swap3A_83 = vector.shape_cast %shift_right_logical3A_79 : vector<16xi32> to vector<16xi32>
      tpu.vector_store %arg8[%swap3A_80], %swap3A_83 {strides = array<i32>} : memref<128xi32, #tpu.memory_space<vmem>>, vector<16xi32>,
      %get3A_84 = arith.constant 0 : i32
      %get3A_85 = arith.index_cast %get3A_84 : i32 to index
      %get3A_86 = arith.constant 64 : index
      %get3A_87 = tpu.vector_load %arg6[%get3A_85, %get3A_86] {strides = array<i32>} : memref<80x128xi32, #tpu.memory_space<vmem>>, vector<1x16xi32>,
      %get3A_88 = vector.shape_cast %get3A_87 : vector<1x16xi32> to vector<16xi32>
      %and3A_89 = arith.constant 65535 : i32
      %and3A_90 = vector.broadcast %and3A_89 : i32 to vector<16xi32>
      %and3A_91 = arith.andi %get3A_88, %and3A_90 : vector<16xi32>
      %swap3A_92 = arith.constant 64 : index
      %swap3A_93 = tpu.vector_load %arg7[%swap3A_92] {strides = array<i32>} : memref<128xi32, #tpu.memory_space<vmem>>, vector<16xi32>,
      %swap3A_94 = vector.shape_cast %swap3A_93 : vector<16xi32> to vector<16xi32>
      %swap3A_95 = vector.shape_cast %and3A_91 : vector<16xi32> to vector<16xi32>
      tpu.vector_store %arg7[%swap3A_92], %swap3A_95 {strides = array<i32>} : memref<128xi32, #tpu.memory_space<vmem>>, vector<16xi32>,
      %shift_right_logical3A_96 = arith.constant 16 : i32
      %shift_right_logical3A_97 = vector.broadcast %shift_right_logical3A_96 : i32 to vector<16xi32>
      %shift_right_logical3A_98 = arith.shrui %get3A_88, %shift_right_logical3A_97 : vector<16xi32>
      %swap3A_99 = arith.constant 64 : index
      %swap3A_100 = tpu.vector_load %arg8[%swap3A_99] {strides = array<i32>} : memref<128xi32, #tpu.memory_space<vmem>>, vector<16xi32>,
      %swap3A_101 = vector.shape_cast %swap3A_100 : vector<16xi32> to vector<16xi32>
      %swap3A_102 = vector.shape_cast %shift_right_logical3A_98 : vector<16xi32> to vector<16xi32>
      tpu.vector_store %arg8[%swap3A_99], %swap3A_102 {strides = array<i32>} : memref<128xi32, #tpu.memory_space<vmem>>, vector<16xi32>,
      %get3A_103 = arith.constant 0 : i32
      %get3A_104 = arith.index_cast %get3A_103 : i32 to index
      %get3A_105 = arith.constant 80 : index
      %get3A_106 = tpu.vector_load %arg6[%get3A_104, %get3A_105] {strides = array<i32>} : memref<80x128xi32, #tpu.memory_space<vmem>>, vector<1x16xi32>,
      %get3A_107 = vector.shape_cast %get3A_106 : vector<1x16xi32> to vector<16xi32>
      %and3A_108 = arith.constant 65535 : i32
      %and3A_109 = vector.broadcast %and3A_108 : i32 to vector<16xi32>
      %and3A_110 = arith.andi %get3A_107, %and3A_109 : vector<16xi32>
      %swap3A_111 = arith.constant 80 : index
      %swap3A_112 = tpu.vector_load %arg7[%swap3A_111] {strides = array<i32>} : memref<128xi32, #tpu.memory_space<vmem>>, vector<16xi32>,
      %swap3A_113 = vector.shape_cast %swap3A_112 : vector<16xi32> to vector<16xi32>
      %swap3A_114 = vector.shape_cast %and3A_110 : vector<16xi32> to vector<16xi32>
      tpu.vector_store %arg7[%swap3A_111], %swap3A_114 {strides = array<i32>} : memref<128xi32, #tpu.memory_space<vmem>>, vector<16xi32>,
      %shift_right_logical3A_115 = arith.constant 16 : i32
      %shift_right_logical3A_116 = vector.broadcast %shift_right_logical3A_115 : i32 to vector<16xi32>
      %shift_right_logical3A_117 = arith.shrui %get3A_107, %shift_right_logical3A_116 : vector<16xi32>
      %swap3A_118 = arith.constant 80 : index
      %swap3A_119 = tpu.vector_load %arg8[%swap3A_118] {strides = array<i32>} : memref<128xi32, #tpu.memory_space<vmem>>, vector<16xi32>,
      %swap3A_120 = vector.shape_cast %swap3A_119 : vector<16xi32> to vector<16xi32>
      %swap3A_121 = vector.shape_cast %shift_right_logical3A_117 : vector<16xi32> to vector<16xi32>
      tpu.vector_store %arg8[%swap3A_118], %swap3A_121 {strides = array<i32>} : memref<128xi32, #tpu.memory_space<vmem>>, vector<16xi32>,
      %get3A_122 = arith.constant 0 : i32
      %get3A_123 = arith.index_cast %get3A_122 : i32 to index
      %get3A_124 = arith.constant 96 : index
      %get3A_125 = tpu.vector_load %arg6[%get3A_123, %get3A_124] {strides = array<i32>} : memref<80x128xi32, #tpu.memory_space<vmem>>, vector<1x16xi32>,
      %get3A_126 = vector.shape_cast %get3A_125 : vector<1x16xi32> to vector<16xi32>
      %and3A_127 = arith.constant 65535 : i32
      %and3A_128 = vector.broadcast %and3A_127 : i32 to vector<16xi32>
      %and3A_129 = arith.andi %get3A_126, %and3A_128 : vector<16xi32>
      %swap3A_130 = arith.constant 96 : index
      %swap3A_131 = tpu.vector_load %arg7[%swap3A_130] {strides = array<i32>} : memref<128xi32, #tpu.memory_space<vmem>>, vector<16xi32>,
      %swap3A_132 = vector.shape_cast %swap3A_131 : vector<16xi32> to vector<16xi32>
      %swap3A_133 = vector.shape_cast %and3A_129 : vector<16xi32> to vector<16xi32>
      tpu.vector_store %arg7[%swap3A_130], %swap3A_133 {strides = array<i32>} : memref<128xi32, #tpu.memory_space<vmem>>, vector<16xi32>,
      %shift_right_logical3A_134 = arith.constant 16 : i32
      %shift_right_logical3A_135 = vector.broadcast %shift_right_logical3A_134 : i32 to vector<16xi32>
      %shift_right_logical3A_136 = arith.shrui %get3A_126, %shift_right_logical3A_135 : vector<16xi32>
      %swap3A_137 = arith.constant 96 : index
      %swap3A_138 = tpu.vector_load %arg8[%swap3A_137] {strides = array<i32>} : memref<128xi32, #tpu.memory_space<vmem>>, vector<16xi32>,
      %swap3A_139 = vector.shape_cast %swap3A_138 : vector<16xi32> to vector<16xi32>
      %swap3A_140 = vector.shape_cast %shift_right_logical3A_136 : vector<16xi32> to vector<16xi32>
      tpu.vector_store %arg8[%swap3A_137], %swap3A_140 {strides = array<i32>} : memref<128xi32, #tpu.memory_space<vmem>>, vector<16xi32>,
      %get3A_141 = arith.constant 0 : i32
      %get3A_142 = arith.index_cast %get3A_141 : i32 to index
      %get3A_143 = arith.constant 112 : index
      %get3A_144 = tpu.vector_load %arg6[%get3A_142, %get3A_143] {strides = array<i32>} : memref<80x128xi32, #tpu.memory_space<vmem>>, vector<1x16xi32>,
      %get3A_145 = vector.shape_cast %get3A_144 : vector<1x16xi32> to vector<16xi32>
      %and3A_146 = arith.constant 65535 : i32
      %and3A_147 = vector.broadcast %and3A_146 : i32 to vector<16xi32>
      %and3A_148 = arith.andi %get3A_145, %and3A_147 : vector<16xi32>
      %swap3A_149 = arith.constant 112 : index
      %swap3A_150 = tpu.vector_load %arg7[%swap3A_149] {strides = array<i32>} : memref<128xi32, #tpu.memory_space<vmem>>, vector<16xi32>,
      %swap3A_151 = vector.shape_cast %swap3A_150 : vector<16xi32> to vector<16xi32>
      %swap3A_152 = vector.shape_cast %and3A_148 : vector<16xi32> to vector<16xi32>
      tpu.vector_store %arg7[%swap3A_149], %swap3A_152 {strides = array<i32>} : memref<128xi32, #tpu.memory_space<vmem>>, vector<16xi32>,
      %shift_right_logical3A_153 = arith.constant 16 : i32
      %shift_right_logical3A_154 = vector.broadcast %shift_right_logical3A_153 : i32 to vector<16xi32>
      %shift_right_logical3A_155 = arith.shrui %get3A_145, %shift_right_logical3A_154 : vector<16xi32>
      %swap3A_156 = arith.constant 112 : index
      %swap3A_157 = tpu.vector_load %arg8[%swap3A_156] {strides = array<i32>} : memref<128xi32, #tpu.memory_space<vmem>>, vector<16xi32>,
      %swap3A_158 = vector.shape_cast %swap3A_157 : vector<16xi32> to vector<16xi32>
      %swap3A_159 = vector.shape_cast %shift_right_logical3A_155 : vector<16xi32> to vector<16xi32>
      tpu.vector_store %arg8[%swap3A_156], %swap3A_159 {strides = array<i32>} : memref<128xi32, #tpu.memory_space<vmem>>, vector<16xi32>,
      %dma_start3A = arith.constant 0 : i32
      %dma_start3A_160 = arith.constant 0 : i32
      %dma_start3A_161 = tpu.memref_slice %arg2[%dma_start3A, %dma_start3A_160] : memref<10000x16xf32, #tpu.memory_space<hbm>> -> memref<10000x16xf32, #tpu.memory_space<hbm>>
      tpu.enqueue_indirect_dma source(%dma_start3A_161 : memref<10000x16xf32, #tpu.memory_space<hbm>>) target(%arg11 : memref<128x16xf32, #tpu.memory_space<vmem>>) offsets(%arg7 : memref<128xi32, #tpu.memory_space<vmem>>) semaphore(%arg14 : memref<!tpu.dma_semaphore, #tpu.memory_space<semaphore_mem>>)
      %scan3A = arith.constant 0 : i32
      %scan3A_162 = arith.constant 0 : i32
      %scan3A_163 = arith.constant 40 : i32
      %scan3A_164 = arith.addi %scan3A_162, %scan3A_163 : i32
      %scan3A_165 = arith.constant 1 : i32
      scf.for %scan3A_333 = %scan3A_162 to %scan3A_164 step %scan3A_165  : i32 {
        %mul3A_334 = arith.constant 2 : i32
        %mul3A_335 = arith.muli %mul3A_334, %scan3A_333 : i32
        %add3A_336 = arith.constant 1 : i32
        %add3A_337 = arith.addi %mul3A_335, %add3A_336 : i32
        %get3A_338 = arith.index_cast %add3A_337 : i32 to index
        %get3A_339 = arith.constant 0 : index
        %get3A_340 = tpu.vector_load %arg6[%get3A_338, %get3A_339] {strides = array<i32>} : memref<80x128xi32, #tpu.memory_space<vmem>>, vector<1x16xi32>,
        %get3A_341 = vector.shape_cast %get3A_340 : vector<1x16xi32> to vector<16xi32>
        %and3A_342 = arith.constant 65535 : i32
        %and3A_343 = vector.broadcast %and3A_342 : i32 to vector<16xi32>
        %and3A_344 = arith.andi %get3A_341, %and3A_343 : vector<16xi32>
        %swap3A_345 = arith.constant 0 : index
        %swap3A_346 = tpu.vector_load %arg9[%swap3A_345] {strides = array<i32>} : memref<128xi32, #tpu.memory_space<vmem>>, vector<16xi32>,
        %swap3A_347 = vector.shape_cast %swap3A_346 : vector<16xi32> to vector<16xi32>
        %swap3A_348 = vector.shape_cast %and3A_344 : vector<16xi32> to vector<16xi32>
        tpu.vector_store %arg9[%swap3A_345], %swap3A_348 {strides = array<i32>} : memref<128xi32, #tpu.memory_space<vmem>>, vector<16xi32>,
        %shift_right_logical3A_349 = arith.constant 16 : i32
        %shift_right_logical3A_350 = vector.broadcast %shift_right_logical3A_349 : i32 to vector<16xi32>
        %shift_right_logical3A_351 = arith.shrui %get3A_341, %shift_right_logical3A_350 : vector<16xi32>
        %swap3A_352 = arith.constant 0 : index
        %swap3A_353 = tpu.vector_load %arg10[%swap3A_352] {strides = array<i32>} : memref<128xi32, #tpu.memory_space<vmem>>, vector<16xi32>,
        %swap3A_354 = vector.shape_cast %swap3A_353 : vector<16xi32> to vector<16xi32>
        %swap3A_355 = vector.shape_cast %shift_right_logical3A_351 : vector<16xi32> to vector<16xi32>
        tpu.vector_store %arg10[%swap3A_352], %swap3A_355 {strides = array<i32>} : memref<128xi32, #tpu.memory_space<vmem>>, vector<16xi32>,
        %get3A_356 = arith.index_cast %add3A_337 : i32 to index
        %get3A_357 = arith.constant 16 : index
        %get3A_358 = tpu.vector_load %arg6[%get3A_356, %get3A_357] {strides = array<i32>} : memref<80x128xi32, #tpu.memory_space<vmem>>, vector<1x16xi32>,
        %get3A_359 = vector.shape_cast %get3A_358 : vector<1x16xi32> to vector<16xi32>
        %and3A_360 = arith.constant 65535 : i32
        %and3A_361 = vector.broadcast %and3A_360 : i32 to vector<16xi32>
        %and3A_362 = arith.andi %get3A_359, %and3A_361 : vector<16xi32>
        %swap3A_363 = arith.constant 16 : index
        %swap3A_364 = tpu.vector_load %arg9[%swap3A_363] {strides = array<i32>} : memref<128xi32, #tpu.memory_space<vmem>>, vector<16xi32>,
        %swap3A_365 = vector.shape_cast %swap3A_364 : vector<16xi32> to vector<16xi32>
        %swap3A_366 = vector.shape_cast %and3A_362 : vector<16xi32> to vector<16xi32>
        tpu.vector_store %arg9[%swap3A_363], %swap3A_366 {strides = array<i32>} : memref<128xi32, #tpu.memory_space<vmem>>, vector<16xi32>,
        %shift_right_logical3A_367 = arith.constant 16 : i32
        %shift_right_logical3A_368 = vector.broadcast %shift_right_logical3A_367 : i32 to vector<16xi32>
        %shift_right_logical3A_369 = arith.shrui %get3A_359, %shift_right_logical3A_368 : vector<16xi32>
        %swap3A_370 = arith.constant 16 : index
        %swap3A_371 = tpu.vector_load %arg10[%swap3A_370] {strides = array<i32>} : memref<128xi32, #tpu.memory_space<vmem>>, vector<16xi32>,
        %swap3A_372 = vector.shape_cast %swap3A_371 : vector<16xi32> to vector<16xi32>
        %swap3A_373 = vector.shape_cast %shift_right_logical3A_369 : vector<16xi32> to vector<16xi32>
        tpu.vector_store %arg10[%swap3A_370], %swap3A_373 {strides = array<i32>} : memref<128xi32, #tpu.memory_space<vmem>>, vector<16xi32>,
        %get3A_374 = arith.index_cast %add3A_337 : i32 to index
        %get3A_375 = arith.constant 32 : index
        %get3A_376 = tpu.vector_load %arg6[%get3A_374, %get3A_375] {strides = array<i32>} : memref<80x128xi32, #tpu.memory_space<vmem>>, vector<1x16xi32>,
        %get3A_377 = vector.shape_cast %get3A_376 : vector<1x16xi32> to vector<16xi32>
        %and3A_378 = arith.constant 65535 : i32
        %and3A_379 = vector.broadcast %and3A_378 : i32 to vector<16xi32>
        %and3A_380 = arith.andi %get3A_377, %and3A_379 : vector<16xi32>
        %swap3A_381 = arith.constant 32 : index
        %swap3A_382 = tpu.vector_load %arg9[%swap3A_381] {strides = array<i32>} : memref<128xi32, #tpu.memory_space<vmem>>, vector<16xi32>,
        %swap3A_383 = vector.shape_cast %swap3A_382 : vector<16xi32> to vector<16xi32>
        %swap3A_384 = vector.shape_cast %and3A_380 : vector<16xi32> to vector<16xi32>
        tpu.vector_store %arg9[%swap3A_381], %swap3A_384 {strides = array<i32>} : memref<128xi32, #tpu.memory_space<vmem>>, vector<16xi32>,
        %shift_right_logical3A_385 = arith.constant 16 : i32
        %shift_right_logical3A_386 = vector.broadcast %shift_right_logical3A_385 : i32 to vector<16xi32>
        %shift_right_logical3A_387 = arith.shrui %get3A_377, %shift_right_logical3A_386 : vector<16xi32>
        %swap3A_388 = arith.constant 32 : index
        %swap3A_389 = tpu.vector_load %arg10[%swap3A_388] {strides = array<i32>} : memref<128xi32, #tpu.memory_space<vmem>>, vector<16xi32>,
        %swap3A_390 = vector.shape_cast %swap3A_389 : vector<16xi32> to vector<16xi32>
        %swap3A_391 = vector.shape_cast %shift_right_logical3A_387 : vector<16xi32> to vector<16xi32>
        tpu.vector_store %arg10[%swap3A_388], %swap3A_391 {strides = array<i32>} : memref<128xi32, #tpu.memory_space<vmem>>, vector<16xi32>,
        %get3A_392 = arith.index_cast %add3A_337 : i32 to index
        %get3A_393 = arith.constant 48 : index
        %get3A_394 = tpu.vector_load %arg6[%get3A_392, %get3A_393] {strides = array<i32>} : memref<80x128xi32, #tpu.memory_space<vmem>>, vector<1x16xi32>,
        %get3A_395 = vector.shape_cast %get3A_394 : vector<1x16xi32> to vector<16xi32>
        %and3A_396 = arith.constant 65535 : i32
        %and3A_397 = vector.broadcast %and3A_396 : i32 to vector<16xi32>
        %and3A_398 = arith.andi %get3A_395, %and3A_397 : vector<16xi32>
        %swap3A_399 = arith.constant 48 : index
        %swap3A_400 = tpu.vector_load %arg9[%swap3A_399] {strides = array<i32>} : memref<128xi32, #tpu.memory_space<vmem>>, vector<16xi32>,
        %swap3A_401 = vector.shape_cast %swap3A_400 : vector<16xi32> to vector<16xi32>
        %swap3A_402 = vector.shape_cast %and3A_398 : vector<16xi32> to vector<16xi32>
        tpu.vector_store %arg9[%swap3A_399], %swap3A_402 {strides = array<i32>} : memref<128xi32, #tpu.memory_space<vmem>>, vector<16xi32>,
        %shift_right_logical3A_403 = arith.constant 16 : i32
        %shift_right_logical3A_404 = vector.broadcast %shift_right_logical3A_403 : i32 to vector<16xi32>
        %shift_right_logical3A_405 = arith.shrui %get3A_395, %shift_right_logical3A_404 : vector<16xi32>
        %swap3A_406 = arith.constant 48 : index
        %swap3A_407 = tpu.vector_load %arg10[%swap3A_406] {strides = array<i32>} : memref<128xi32, #tpu.memory_space<vmem>>, vector<16xi32>,
        %swap3A_408 = vector.shape_cast %swap3A_407 : vector<16xi32> to vector<16xi32>
        %swap3A_409 = vector.shape_cast %shift_right_logical3A_405 : vector<16xi32> to vector<16xi32>
        tpu.vector_store %arg10[%swap3A_406], %swap3A_409 {strides = array<i32>} : memref<128xi32, #tpu.memory_space<vmem>>, vector<16xi32>,
        %get3A_410 = arith.index_cast %add3A_337 : i32 to index
        %get3A_411 = arith.constant 64 : index
        %get3A_412 = tpu.vector_load %arg6[%get3A_410, %get3A_411] {strides = array<i32>} : memref<80x128xi32, #tpu.memory_space<vmem>>, vector<1x16xi32>,
        %get3A_413 = vector.shape_cast %get3A_412 : vector<1x16xi32> to vector<16xi32>
        %and3A_414 = arith.constant 65535 : i32
        %and3A_415 = vector.broadcast %and3A_414 : i32 to vector<16xi32>
        %and3A_416 = arith.andi %get3A_413, %and3A_415 : vector<16xi32>
        %swap3A_417 = arith.constant 64 : index
        %swap3A_418 = tpu.vector_load %arg9[%swap3A_417] {strides = array<i32>} : memref<128xi32, #tpu.memory_space<vmem>>, vector<16xi32>,
        %swap3A_419 = vector.shape_cast %swap3A_418 : vector<16xi32> to vector<16xi32>
        %swap3A_420 = vector.shape_cast %and3A_416 : vector<16xi32> to vector<16xi32>
        tpu.vector_store %arg9[%swap3A_417], %swap3A_420 {strides = array<i32>} : memref<128xi32, #tpu.memory_space<vmem>>, vector<16xi32>,
        %shift_right_logical3A_421 = arith.constant 16 : i32
        %shift_right_logical3A_422 = vector.broadcast %shift_right_logical3A_421 : i32 to vector<16xi32>
        %shift_right_logical3A_423 = arith.shrui %get3A_413, %shift_right_logical3A_422 : vector<16xi32>
        %swap3A_424 = arith.constant 64 : index
        %swap3A_425 = tpu.vector_load %arg10[%swap3A_424] {strides = array<i32>} : memref<128xi32, #tpu.memory_space<vmem>>, vector<16xi32>,
        %swap3A_426 = vector.shape_cast %swap3A_425 : vector<16xi32> to vector<16xi32>
        %swap3A_427 = vector.shape_cast %shift_right_logical3A_423 : vector<16xi32> to vector<16xi32>
        tpu.vector_store %arg10[%swap3A_424], %swap3A_427 {strides = array<i32>} : memref<128xi32, #tpu.memory_space<vmem>>, vector<16xi32>,
        %get3A_428 = arith.index_cast %add3A_337 : i32 to index
        %get3A_429 = arith.constant 80 : index
        %get3A_430 = tpu.vector_load %arg6[%get3A_428, %get3A_429] {strides = array<i32>} : memref<80x128xi32, #tpu.memory_space<vmem>>, vector<1x16xi32>,
        %get3A_431 = vector.shape_cast %get3A_430 : vector<1x16xi32> to vector<16xi32>
        %and3A_432 = arith.constant 65535 : i32
        %and3A_433 = vector.broadcast %and3A_432 : i32 to vector<16xi32>
        %and3A_434 = arith.andi %get3A_431, %and3A_433 : vector<16xi32>
        %swap3A_435 = arith.constant 80 : index
        %swap3A_436 = tpu.vector_load %arg9[%swap3A_435] {strides = array<i32>} : memref<128xi32, #tpu.memory_space<vmem>>, vector<16xi32>,
        %swap3A_437 = vector.shape_cast %swap3A_436 : vector<16xi32> to vector<16xi32>
        %swap3A_438 = vector.shape_cast %and3A_434 : vector<16xi32> to vector<16xi32>
        tpu.vector_store %arg9[%swap3A_435], %swap3A_438 {strides = array<i32>} : memref<128xi32, #tpu.memory_space<vmem>>, vector<16xi32>,
        %shift_right_logical3A_439 = arith.constant 16 : i32
        %shift_right_logical3A_440 = vector.broadcast %shift_right_logical3A_439 : i32 to vector<16xi32>
        %shift_right_logical3A_441 = arith.shrui %get3A_431, %shift_right_logical3A_440 : vector<16xi32>
        %swap3A_442 = arith.constant 80 : index
        %swap3A_443 = tpu.vector_load %arg10[%swap3A_442] {strides = array<i32>} : memref<128xi32, #tpu.memory_space<vmem>>, vector<16xi32>,
        %swap3A_444 = vector.shape_cast %swap3A_443 : vector<16xi32> to vector<16xi32>
        %swap3A_445 = vector.shape_cast %shift_right_logical3A_441 : vector<16xi32> to vector<16xi32>
        tpu.vector_store %arg10[%swap3A_442], %swap3A_445 {strides = array<i32>} : memref<128xi32, #tpu.memory_space<vmem>>, vector<16xi32>,
        %get3A_446 = arith.index_cast %add3A_337 : i32 to index
        %get3A_447 = arith.constant 96 : index
        %get3A_448 = tpu.vector_load %arg6[%get3A_446, %get3A_447] {strides = array<i32>} : memref<80x128xi32, #tpu.memory_space<vmem>>, vector<1x16xi32>,
        %get3A_449 = vector.shape_cast %get3A_448 : vector<1x16xi32> to vector<16xi32>
        %and3A_450 = arith.constant 65535 : i32
        %and3A_451 = vector.broadcast %and3A_450 : i32 to vector<16xi32>
        %and3A_452 = arith.andi %get3A_449, %and3A_451 : vector<16xi32>
        %swap3A_453 = arith.constant 96 : index
        %swap3A_454 = tpu.vector_load %arg9[%swap3A_453] {strides = array<i32>} : memref<128xi32, #tpu.memory_space<vmem>>, vector<16xi32>,
        %swap3A_455 = vector.shape_cast %swap3A_454 : vector<16xi32> to vector<16xi32>
        %swap3A_456 = vector.shape_cast %and3A_452 : vector<16xi32> to vector<16xi32>
        tpu.vector_store %arg9[%swap3A_453], %swap3A_456 {strides = array<i32>} : memref<128xi32, #tpu.memory_space<vmem>>, vector<16xi32>,
        %shift_right_logical3A_457 = arith.constant 16 : i32
        %shift_right_logical3A_458 = vector.broadcast %shift_right_logical3A_457 : i32 to vector<16xi32>
        %shift_right_logical3A_459 = arith.shrui %get3A_449, %shift_right_logical3A_458 : vector<16xi32>
        %swap3A_460 = arith.constant 96 : index
        %swap3A_461 = tpu.vector_load %arg10[%swap3A_460] {strides = array<i32>} : memref<128xi32, #tpu.memory_space<vmem>>, vector<16xi32>,
        %swap3A_462 = vector.shape_cast %swap3A_461 : vector<16xi32> to vector<16xi32>
        %swap3A_463 = vector.shape_cast %shift_right_logical3A_459 : vector<16xi32> to vector<16xi32>
        tpu.vector_store %arg10[%swap3A_460], %swap3A_463 {strides = array<i32>} : memref<128xi32, #tpu.memory_space<vmem>>, vector<16xi32>,
        %get3A_464 = arith.index_cast %add3A_337 : i32 to index
        %get3A_465 = arith.constant 112 : index
        %get3A_466 = tpu.vector_load %arg6[%get3A_464, %get3A_465] {strides = array<i32>} : memref<80x128xi32, #tpu.memory_space<vmem>>, vector<1x16xi32>,
        %get3A_467 = vector.shape_cast %get3A_466 : vector<1x16xi32> to vector<16xi32>
        %and3A_468 = arith.constant 65535 : i32
        %and3A_469 = vector.broadcast %and3A_468 : i32 to vector<16xi32>
        %and3A_470 = arith.andi %get3A_467, %and3A_469 : vector<16xi32>
        %swap3A_471 = arith.constant 112 : index
        %swap3A_472 = tpu.vector_load %arg9[%swap3A_471] {strides = array<i32>} : memref<128xi32, #tpu.memory_space<vmem>>, vector<16xi32>,
        %swap3A_473 = vector.shape_cast %swap3A_472 : vector<16xi32> to vector<16xi32>
        %swap3A_474 = vector.shape_cast %and3A_470 : vector<16xi32> to vector<16xi32>
        tpu.vector_store %arg9[%swap3A_471], %swap3A_474 {strides = array<i32>} : memref<128xi32, #tpu.memory_space<vmem>>, vector<16xi32>,
        %shift_right_logical3A_475 = arith.constant 16 : i32
        %shift_right_logical3A_476 = vector.broadcast %shift_right_logical3A_475 : i32 to vector<16xi32>
        %shift_right_logical3A_477 = arith.shrui %get3A_467, %shift_right_logical3A_476 : vector<16xi32>
        %swap3A_478 = arith.constant 112 : index
        %swap3A_479 = tpu.vector_load %arg10[%swap3A_478] {strides = array<i32>} : memref<128xi32, #tpu.memory_space<vmem>>, vector<16xi32>,
        %swap3A_480 = vector.shape_cast %swap3A_479 : vector<16xi32> to vector<16xi32>
        %swap3A_481 = vector.shape_cast %shift_right_logical3A_477 : vector<16xi32> to vector<16xi32>
        tpu.vector_store %arg10[%swap3A_478], %swap3A_481 {strides = array<i32>} : memref<128xi32, #tpu.memory_space<vmem>>, vector<16xi32>,
        %dma_start3A_482 = arith.constant 0 : i32
        %dma_start3A_483 = arith.constant 0 : i32
        %dma_start3A_484 = tpu.memref_slice %arg2[%dma_start3A_482, %dma_start3A_483] : memref<10000x16xf32, #tpu.memory_space<hbm>> -> memref<10000x16xf32, #tpu.memory_space<hbm>>
        tpu.enqueue_indirect_dma source(%dma_start3A_484 : memref<10000x16xf32, #tpu.memory_space<hbm>>) target(%arg12 : memref<128x16xf32, #tpu.memory_space<vmem>>) offsets(%arg9 : memref<128xi32, #tpu.memory_space<vmem>>) semaphore(%arg15 : memref<!tpu.dma_semaphore, #tpu.memory_space<semaphore_mem>>)
        %dma_wait3A = arith.constant 0 : i32
        %dma_wait3A_485 = arith.constant 0 : i32
        %dma_wait3A_486 = tpu.memref_slice %arg2[%dma_wait3A, %dma_wait3A_485] : memref<10000x16xf32, #tpu.memory_space<hbm>> -> memref<10000x16xf32, #tpu.memory_space<hbm>>
        tpu.wait_indirect_dma semaphore(%arg14 : memref<!tpu.dma_semaphore, #tpu.memory_space<semaphore_mem>>) src(%dma_wait3A_486 : memref<10000x16xf32, #tpu.memory_space<hbm>>) dst(%arg11 : memref<128x16xf32, #tpu.memory_space<vmem>>)
        "tpu.region"() ({
          %run_scoped3A = tpu.sem_alloc : memref<!tpu.dma_semaphore, #tpu.memory_space<semaphore_mem>>
          %dma_start3A_494 = arith.constant 0 : i32
          %dma_start3A_495 = arith.constant 0 : i32
          %dma_start3A_496 = tpu.memref_slice %arg13[%dma_start3A_494, %dma_start3A_495] : memref<10016x16xf32, #tpu.memory_space<vmem_shared>> -> memref<10016x16xf32, #tpu.memory_space<vmem_shared>>
          tpu.enqueue_indirect_dma source(%arg11 : memref<128x16xf32, #tpu.memory_space<vmem>>) target(%dma_start3A_496 : memref<10016x16xf32, #tpu.memory_space<vmem_shared>>) offsets(%arg8 : memref<128xi32, #tpu.memory_space<vmem>>) semaphore(%run_scoped3A : memref<!tpu.dma_semaphore, #tpu.memory_space<semaphore_mem>>) {add = true}
          %dma_wait3A_497 = arith.constant 0 : i32
          %dma_wait3A_498 = arith.constant 0 : i32
          %dma_wait3A_499 = tpu.memref_slice %arg13[%dma_wait3A_497, %dma_wait3A_498] : memref<10016x16xf32, #tpu.memory_space<vmem_shared>> -> memref<10016x16xf32, #tpu.memory_space<vmem_shared>>
          tpu.wait_indirect_dma semaphore(%run_scoped3A : memref<!tpu.dma_semaphore, #tpu.memory_space<semaphore_mem>>) src(%arg11 : memref<128x16xf32, #tpu.memory_space<vmem>>) dst(%dma_wait3A_499 : memref<10016x16xf32, #tpu.memory_space<vmem_shared>>)
          tpu.yield
        }) : () -> ()
        %lt3A = arith.constant 39 : i32
        %lt3A_487 = arith.cmpi slt, %scan3A_333, %lt3A : i32
        %convert_element_type3A_488 = arith.extui %lt3A_487 : i1 to i32
        %cond3A_489 = arith.constant 0 : i32
        %cond3A_490 = arith.cmpi ne, %convert_element_type3A_488, %cond3A_489 : i32
        scf.if %cond3A_490 {
          %add3A_494 = arith.constant 2 : i32
          %add3A_495 = arith.addi %mul3A_335, %add3A_494 : i32
          %get3A_496 = arith.index_cast %add3A_495 : i32 to index
          %get3A_497 = arith.constant 0 : index
          %get3A_498 = tpu.vector_load %arg6[%get3A_496, %get3A_497] {strides = array<i32>} : memref<80x128xi32, #tpu.memory_space<vmem>>, vector<1x16xi32>,
          %get3A_499 = vector.shape_cast %get3A_498 : vector<1x16xi32> to vector<16xi32>
          %and3A_500 = arith.constant 65535 : i32
          %and3A_501 = vector.broadcast %and3A_500 : i32 to vector<16xi32>
          %and3A_502 = arith.andi %get3A_499, %and3A_501 : vector<16xi32>
          %swap3A_503 = arith.constant 0 : index
          %swap3A_504 = tpu.vector_load %arg7[%swap3A_503] {strides = array<i32>} : memref<128xi32, #tpu.memory_space<vmem>>, vector<16xi32>,
          %swap3A_505 = vector.shape_cast %swap3A_504 : vector<16xi32> to vector<16xi32>
          %swap3A_506 = vector.shape_cast %and3A_502 : vector<16xi32> to vector<16xi32>
          tpu.vector_store %arg7[%swap3A_503], %swap3A_506 {strides = array<i32>} : memref<128xi32, #tpu.memory_space<vmem>>, vector<16xi32>,
          %shift_right_logical3A_507 = arith.constant 16 : i32
          %shift_right_logical3A_508 = vector.broadcast %shift_right_logical3A_507 : i32 to vector<16xi32>
          %shift_right_logical3A_509 = arith.shrui %get3A_499, %shift_right_logical3A_508 : vector<16xi32>
          %swap3A_510 = arith.constant 0 : index
          %swap3A_511 = tpu.vector_load %arg8[%swap3A_510] {strides = array<i32>} : memref<128xi32, #tpu.memory_space<vmem>>, vector<16xi32>,
          %swap3A_512 = vector.shape_cast %swap3A_511 : vector<16xi32> to vector<16xi32>
          %swap3A_513 = vector.shape_cast %shift_right_logical3A_509 : vector<16xi32> to vector<16xi32>
          tpu.vector_store %arg8[%swap3A_510], %swap3A_513 {strides = array<i32>} : memref<128xi32, #tpu.memory_space<vmem>>, vector<16xi32>,
          %get3A_514 = arith.index_cast %add3A_495 : i32 to index
          %get3A_515 = arith.constant 16 : index
          %get3A_516 = tpu.vector_load %arg6[%get3A_514, %get3A_515] {strides = array<i32>} : memref<80x128xi32, #tpu.memory_space<vmem>>, vector<1x16xi32>,
          %get3A_517 = vector.shape_cast %get3A_516 : vector<1x16xi32> to vector<16xi32>
          %and3A_518 = arith.constant 65535 : i32
          %and3A_519 = vector.broadcast %and3A_518 : i32 to vector<16xi32>
          %and3A_520 = arith.andi %get3A_517, %and3A_519 : vector<16xi32>
          %swap3A_521 = arith.constant 16 : index
          %swap3A_522 = tpu.vector_load %arg7[%swap3A_521] {strides = array<i32>} : memref<128xi32, #tpu.memory_space<vmem>>, vector<16xi32>,
          %swap3A_523 = vector.shape_cast %swap3A_522 : vector<16xi32> to vector<16xi32>
          %swap3A_524 = vector.shape_cast %and3A_520 : vector<16xi32> to vector<16xi32>
          tpu.vector_store %arg7[%swap3A_521], %swap3A_524 {strides = array<i32>} : memref<128xi32, #tpu.memory_space<vmem>>, vector<16xi32>,
          %shift_right_logical3A_525 = arith.constant 16 : i32
          %shift_right_logical3A_526 = vector.broadcast %shift_right_logical3A_525 : i32 to vector<16xi32>
          %shift_right_logical3A_527 = arith.shrui %get3A_517, %shift_right_logical3A_526 : vector<16xi32>
          %swap3A_528 = arith.constant 16 : index
          %swap3A_529 = tpu.vector_load %arg8[%swap3A_528] {strides = array<i32>} : memref<128xi32, #tpu.memory_space<vmem>>, vector<16xi32>,
          %swap3A_530 = vector.shape_cast %swap3A_529 : vector<16xi32> to vector<16xi32>
          %swap3A_531 = vector.shape_cast %shift_right_logical3A_527 : vector<16xi32> to vector<16xi32>
          tpu.vector_store %arg8[%swap3A_528], %swap3A_531 {strides = array<i32>} : memref<128xi32, #tpu.memory_space<vmem>>, vector<16xi32>,
          %get3A_532 = arith.index_cast %add3A_495 : i32 to index
          %get3A_533 = arith.constant 32 : index
          %get3A_534 = tpu.vector_load %arg6[%get3A_532, %get3A_533] {strides = array<i32>} : memref<80x128xi32, #tpu.memory_space<vmem>>, vector<1x16xi32>,
          %get3A_535 = vector.shape_cast %get3A_534 : vector<1x16xi32> to vector<16xi32>
          %and3A_536 = arith.constant 65535 : i32
          %and3A_537 = vector.broadcast %and3A_536 : i32 to vector<16xi32>
          %and3A_538 = arith.andi %get3A_535, %and3A_537 : vector<16xi32>
          %swap3A_539 = arith.constant 32 : index
          %swap3A_540 = tpu.vector_load %arg7[%swap3A_539] {strides = array<i32>} : memref<128xi32, #tpu.memory_space<vmem>>, vector<16xi32>,
          %swap3A_541 = vector.shape_cast %swap3A_540 : vector<16xi32> to vector<16xi32>
          %swap3A_542 = vector.shape_cast %and3A_538 : vector<16xi32> to vector<16xi32>
          tpu.vector_store %arg7[%swap3A_539], %swap3A_542 {strides = array<i32>} : memref<128xi32, #tpu.memory_space<vmem>>, vector<16xi32>,
          %shift_right_logical3A_543 = arith.constant 16 : i32
          %shift_right_logical3A_544 = vector.broadcast %shift_right_logical3A_543 : i32 to vector<16xi32>
          %shift_right_logical3A_545 = arith.shrui %get3A_535, %shift_right_logical3A_544 : vector<16xi32>
          %swap3A_546 = arith.constant 32 : index
          %swap3A_547 = tpu.vector_load %arg8[%swap3A_546] {strides = array<i32>} : memref<128xi32, #tpu.memory_space<vmem>>, vector<16xi32>,
          %swap3A_548 = vector.shape_cast %swap3A_547 : vector<16xi32> to vector<16xi32>
          %swap3A_549 = vector.shape_cast %shift_right_logical3A_545 : vector<16xi32> to vector<16xi32>
          tpu.vector_store %arg8[%swap3A_546], %swap3A_549 {strides = array<i32>} : memref<128xi32, #tpu.memory_space<vmem>>, vector<16xi32>,
          %get3A_550 = arith.index_cast %add3A_495 : i32 to index
          %get3A_551 = arith.constant 48 : index
          %get3A_552 = tpu.vector_load %arg6[%get3A_550, %get3A_551] {strides = array<i32>} : memref<80x128xi32, #tpu.memory_space<vmem>>, vector<1x16xi32>,
          %get3A_553 = vector.shape_cast %get3A_552 : vector<1x16xi32> to vector<16xi32>
          %and3A_554 = arith.constant 65535 : i32
          %and3A_555 = vector.broadcast %and3A_554 : i32 to vector<16xi32>
          %and3A_556 = arith.andi %get3A_553, %and3A_555 : vector<16xi32>
          %swap3A_557 = arith.constant 48 : index
          %swap3A_558 = tpu.vector_load %arg7[%swap3A_557] {strides = array<i32>} : memref<128xi32, #tpu.memory_space<vmem>>, vector<16xi32>,
          %swap3A_559 = vector.shape_cast %swap3A_558 : vector<16xi32> to vector<16xi32>
          %swap3A_560 = vector.shape_cast %and3A_556 : vector<16xi32> to vector<16xi32>
          tpu.vector_store %arg7[%swap3A_557], %swap3A_560 {strides = array<i32>} : memref<128xi32, #tpu.memory_space<vmem>>, vector<16xi32>,
          %shift_right_logical3A_561 = arith.constant 16 : i32
          %shift_right_logical3A_562 = vector.broadcast %shift_right_logical3A_561 : i32 to vector<16xi32>
          %shift_right_logical3A_563 = arith.shrui %get3A_553, %shift_right_logical3A_562 : vector<16xi32>
          %swap3A_564 = arith.constant 48 : index
          %swap3A_565 = tpu.vector_load %arg8[%swap3A_564] {strides = array<i32>} : memref<128xi32, #tpu.memory_space<vmem>>, vector<16xi32>,
          %swap3A_566 = vector.shape_cast %swap3A_565 : vector<16xi32> to vector<16xi32>
          %swap3A_567 = vector.shape_cast %shift_right_logical3A_563 : vector<16xi32> to vector<16xi32>
          tpu.vector_store %arg8[%swap3A_564], %swap3A_567 {strides = array<i32>} : memref<128xi32, #tpu.memory_space<vmem>>, vector<16xi32>,
          %get3A_568 = arith.index_cast %add3A_495 : i32 to index
          %get3A_569 = arith.constant 64 : index
          %get3A_570 = tpu.vector_load %arg6[%get3A_568, %get3A_569] {strides = array<i32>} : memref<80x128xi32, #tpu.memory_space<vmem>>, vector<1x16xi32>,
          %get3A_571 = vector.shape_cast %get3A_570 : vector<1x16xi32> to vector<16xi32>
          %and3A_572 = arith.constant 65535 : i32
          %and3A_573 = vector.broadcast %and3A_572 : i32 to vector<16xi32>
          %and3A_574 = arith.andi %get3A_571, %and3A_573 : vector<16xi32>
          %swap3A_575 = arith.constant 64 : index
          %swap3A_576 = tpu.vector_load %arg7[%swap3A_575] {strides = array<i32>} : memref<128xi32, #tpu.memory_space<vmem>>, vector<16xi32>,
          %swap3A_577 = vector.shape_cast %swap3A_576 : vector<16xi32> to vector<16xi32>
          %swap3A_578 = vector.shape_cast %and3A_574 : vector<16xi32> to vector<16xi32>
          tpu.vector_store %arg7[%swap3A_575], %swap3A_578 {strides = array<i32>} : memref<128xi32, #tpu.memory_space<vmem>>, vector<16xi32>,
          %shift_right_logical3A_579 = arith.constant 16 : i32
          %shift_right_logical3A_580 = vector.broadcast %shift_right_logical3A_579 : i32 to vector<16xi32>
          %shift_right_logical3A_581 = arith.shrui %get3A_571, %shift_right_logical3A_580 : vector<16xi32>
          %swap3A_582 = arith.constant 64 : index
          %swap3A_583 = tpu.vector_load %arg8[%swap3A_582] {strides = array<i32>} : memref<128xi32, #tpu.memory_space<vmem>>, vector<16xi32>,
          %swap3A_584 = vector.shape_cast %swap3A_583 : vector<16xi32> to vector<16xi32>
          %swap3A_585 = vector.shape_cast %shift_right_logical3A_581 : vector<16xi32> to vector<16xi32>
          tpu.vector_store %arg8[%swap3A_582], %swap3A_585 {strides = array<i32>} : memref<128xi32, #tpu.memory_space<vmem>>, vector<16xi32>,
          %get3A_586 = arith.index_cast %add3A_495 : i32 to index
          %get3A_587 = arith.constant 80 : index
          %get3A_588 = tpu.vector_load %arg6[%get3A_586, %get3A_587] {strides = array<i32>} : memref<80x128xi32, #tpu.memory_space<vmem>>, vector<1x16xi32>,
          %get3A_589 = vector.shape_cast %get3A_588 : vector<1x16xi32> to vector<16xi32>
          %and3A_590 = arith.constant 65535 : i32
          %and3A_591 = vector.broadcast %and3A_590 : i32 to vector<16xi32>
          %and3A_592 = arith.andi %get3A_589, %and3A_591 : vector<16xi32>
          %swap3A_593 = arith.constant 80 : index
          %swap3A_594 = tpu.vector_load %arg7[%swap3A_593] {strides = array<i32>} : memref<128xi32, #tpu.memory_space<vmem>>, vector<16xi32>,
          %swap3A_595 = vector.shape_cast %swap3A_594 : vector<16xi32> to vector<16xi32>
          %swap3A_596 = vector.shape_cast %and3A_592 : vector<16xi32> to vector<16xi32>
          tpu.vector_store %arg7[%swap3A_593], %swap3A_596 {strides = array<i32>} : memref<128xi32, #tpu.memory_space<vmem>>, vector<16xi32>,
          %shift_right_logical3A_597 = arith.constant 16 : i32
          %shift_right_logical3A_598 = vector.broadcast %shift_right_logical3A_597 : i32 to vector<16xi32>
          %shift_right_logical3A_599 = arith.shrui %get3A_589, %shift_right_logical3A_598 : vector<16xi32>
          %swap3A_600 = arith.constant 80 : index
          %swap3A_601 = tpu.vector_load %arg8[%swap3A_600] {strides = array<i32>} : memref<128xi32, #tpu.memory_space<vmem>>, vector<16xi32>,
          %swap3A_602 = vector.shape_cast %swap3A_601 : vector<16xi32> to vector<16xi32>
          %swap3A_603 = vector.shape_cast %shift_right_logical3A_599 : vector<16xi32> to vector<16xi32>
          tpu.vector_store %arg8[%swap3A_600], %swap3A_603 {strides = array<i32>} : memref<128xi32, #tpu.memory_space<vmem>>, vector<16xi32>,
          %get3A_604 = arith.index_cast %add3A_495 : i32 to index
          %get3A_605 = arith.constant 96 : index
          %get3A_606 = tpu.vector_load %arg6[%get3A_604, %get3A_605] {strides = array<i32>} : memref<80x128xi32, #tpu.memory_space<vmem>>, vector<1x16xi32>,
          %get3A_607 = vector.shape_cast %get3A_606 : vector<1x16xi32> to vector<16xi32>
          %and3A_608 = arith.constant 65535 : i32
          %and3A_609 = vector.broadcast %and3A_608 : i32 to vector<16xi32>
          %and3A_610 = arith.andi %get3A_607, %and3A_609 : vector<16xi32>
          %swap3A_611 = arith.constant 96 : index
          %swap3A_612 = tpu.vector_load %arg7[%swap3A_611] {strides = array<i32>} : memref<128xi32, #tpu.memory_space<vmem>>, vector<16xi32>,
          %swap3A_613 = vector.shape_cast %swap3A_612 : vector<16xi32> to vector<16xi32>
          %swap3A_614 = vector.shape_cast %and3A_610 : vector<16xi32> to vector<16xi32>
          tpu.vector_store %arg7[%swap3A_611], %swap3A_614 {strides = array<i32>} : memref<128xi32, #tpu.memory_space<vmem>>, vector<16xi32>,
          %shift_right_logical3A_615 = arith.constant 16 : i32
          %shift_right_logical3A_616 = vector.broadcast %shift_right_logical3A_615 : i32 to vector<16xi32>
          %shift_right_logical3A_617 = arith.shrui %get3A_607, %shift_right_logical3A_616 : vector<16xi32>
          %swap3A_618 = arith.constant 96 : index
          %swap3A_619 = tpu.vector_load %arg8[%swap3A_618] {strides = array<i32>} : memref<128xi32, #tpu.memory_space<vmem>>, vector<16xi32>,
          %swap3A_620 = vector.shape_cast %swap3A_619 : vector<16xi32> to vector<16xi32>
          %swap3A_621 = vector.shape_cast %shift_right_logical3A_617 : vector<16xi32> to vector<16xi32>
          tpu.vector_store %arg8[%swap3A_618], %swap3A_621 {strides = array<i32>} : memref<128xi32, #tpu.memory_space<vmem>>, vector<16xi32>,
          %get3A_622 = arith.index_cast %add3A_495 : i32 to index
          %get3A_623 = arith.constant 112 : index
          %get3A_624 = tpu.vector_load %arg6[%get3A_622, %get3A_623] {strides = array<i32>} : memref<80x128xi32, #tpu.memory_space<vmem>>, vector<1x16xi32>,
          %get3A_625 = vector.shape_cast %get3A_624 : vector<1x16xi32> to vector<16xi32>
          %and3A_626 = arith.constant 65535 : i32
          %and3A_627 = vector.broadcast %and3A_626 : i32 to vector<16xi32>
          %and3A_628 = arith.andi %get3A_625, %and3A_627 : vector<16xi32>
          %swap3A_629 = arith.constant 112 : index
          %swap3A_630 = tpu.vector_load %arg7[%swap3A_629] {strides = array<i32>} : memref<128xi32, #tpu.memory_space<vmem>>, vector<16xi32>,
          %swap3A_631 = vector.shape_cast %swap3A_630 : vector<16xi32> to vector<16xi32>
          %swap3A_632 = vector.shape_cast %and3A_628 : vector<16xi32> to vector<16xi32>
          tpu.vector_store %arg7[%swap3A_629], %swap3A_632 {strides = array<i32>} : memref<128xi32, #tpu.memory_space<vmem>>, vector<16xi32>,
          %shift_right_logical3A_633 = arith.constant 16 : i32
          %shift_right_logical3A_634 = vector.broadcast %shift_right_logical3A_633 : i32 to vector<16xi32>
          %shift_right_logical3A_635 = arith.shrui %get3A_625, %shift_right_logical3A_634 : vector<16xi32>
          %swap3A_636 = arith.constant 112 : index
          %swap3A_637 = tpu.vector_load %arg8[%swap3A_636] {strides = array<i32>} : memref<128xi32, #tpu.memory_space<vmem>>, vector<16xi32>,
          %swap3A_638 = vector.shape_cast %swap3A_637 : vector<16xi32> to vector<16xi32>
          %swap3A_639 = vector.shape_cast %shift_right_logical3A_635 : vector<16xi32> to vector<16xi32>
          tpu.vector_store %arg8[%swap3A_636], %swap3A_639 {strides = array<i32>} : memref<128xi32, #tpu.memory_space<vmem>>, vector<16xi32>,
          %dma_start3A_640 = arith.constant 0 : i32
          %dma_start3A_641 = arith.constant 0 : i32
          %dma_start3A_642 = tpu.memref_slice %arg2[%dma_start3A_640, %dma_start3A_641] : memref<10000x16xf32, #tpu.memory_space<hbm>> -> memref<10000x16xf32, #tpu.memory_space<hbm>>
          tpu.enqueue_indirect_dma source(%dma_start3A_642 : memref<10000x16xf32, #tpu.memory_space<hbm>>) target(%arg11 : memref<128x16xf32, #tpu.memory_space<vmem>>) offsets(%arg7 : memref<128xi32, #tpu.memory_space<vmem>>) semaphore(%arg14 : memref<!tpu.dma_semaphore, #tpu.memory_space<semaphore_mem>>)
        } else {
        }
        %dma_wait3A_491 = arith.constant 0 : i32
        %dma_wait3A_492 = arith.constant 0 : i32
        %dma_wait3A_493 = tpu.memref_slice %arg2[%dma_wait3A_491, %dma_wait3A_492] : memref<10000x16xf32, #tpu.memory_space<hbm>> -> memref<10000x16xf32, #tpu.memory_space<hbm>>
        tpu.wait_indirect_dma semaphore(%arg15 : memref<!tpu.dma_semaphore, #tpu.memory_space<semaphore_mem>>) src(%dma_wait3A_493 : memref<10000x16xf32, #tpu.memory_space<hbm>>) dst(%arg12 : memref<128x16xf32, #tpu.memory_space<vmem>>)
        "tpu.region"() ({
          %run_scoped3A = tpu.sem_alloc : memref<!tpu.dma_semaphore, #tpu.memory_space<semaphore_mem>>
          %dma_start3A_494 = arith.constant 0 : i32
          %dma_start3A_495 = arith.constant 0 : i32
          %dma_start3A_496 = tpu.memref_slice %arg13[%dma_start3A_494, %dma_start3A_495] : memref<10016x16xf32, #tpu.memory_space<vmem_shared>> -> memref<10016x16xf32, #tpu.memory_space<vmem_shared>>
          tpu.enqueue_indirect_dma source(%arg12 : memref<128x16xf32, #tpu.memory_space<vmem>>) target(%dma_start3A_496 : memref<10016x16xf32, #tpu.memory_space<vmem_shared>>) offsets(%arg10 : memref<128xi32, #tpu.memory_space<vmem>>) semaphore(%run_scoped3A : memref<!tpu.dma_semaphore, #tpu.memory_space<semaphore_mem>>) {add = true}
          %dma_wait3A_497 = arith.constant 0 : i32
          %dma_wait3A_498 = arith.constant 0 : i32
          %dma_wait3A_499 = tpu.memref_slice %arg13[%dma_wait3A_497, %dma_wait3A_498] : memref<10016x16xf32, #tpu.memory_space<vmem_shared>> -> memref<10016x16xf32, #tpu.memory_space<vmem_shared>>
          tpu.wait_indirect_dma semaphore(%run_scoped3A : memref<!tpu.dma_semaphore, #tpu.memory_space<semaphore_mem>>) src(%arg12 : memref<128x16xf32, #tpu.memory_space<vmem>>) dst(%dma_wait3A_499 : memref<10016x16xf32, #tpu.memory_space<vmem_shared>>)
          tpu.yield
        }) : () -> ()
      }
      %scan3A_166 = arith.constant 40 : i32
      %mul3A_167 = arith.constant 96 : i32
      %mul3A_168 = arith.muli %arg1, %mul3A_167 : i32
      %add3A_169 = arith.constant 80 : i32
      %add3A_170 = arith.addi %mul3A_168, %add3A_169 : i32
      "tpu.region"() ({
        %run_scoped3A = tpu.sem_alloc : memref<!tpu.dma_semaphore, #tpu.memory_space<semaphore_mem>>
        %dma_start3A_333 = arith.constant 0 : i32
        %dma_start3A_334 = arith.constant 0 : i32
        %dma_start3A_335 = tpu.memref_slice %arg6[%dma_start3A_333, %dma_start3A_334] : memref<80x128xi32, #tpu.memory_space<vmem>> -> memref<16x128xi32, #tpu.memory_space<vmem>>
        %dma_start3A_336 = arith.constant 0 : i32
        %dma_start3A_337 = tpu.memref_slice %arg3[%add3A_170, %dma_start3A_336] : memref<2560x128xi32, #tpu.memory_space<hbm>> -> memref<16x128xi32, #tpu.memory_space<hbm>>
        %dma_start3A_338 = arith.constant 0 : i32
        %dma_start3A_339 = arith.constant 0 : i32
        %dma_start3A_340 = tpu.memref_slice %arg6[%dma_start3A_338, %dma_start3A_339] : memref<80x128xi32, #tpu.memory_space<vmem>> -> memref<16x128xi32, #tpu.memory_space<vmem>>
        %dma_start3A_341 = arith.constant 0 : i32
        %dma_start3A_342 = tpu.memref_slice %arg3[%add3A_170, %dma_start3A_341] : memref<2560x128xi32, #tpu.memory_space<hbm>> -> memref<16x128xi32, #tpu.memory_space<hbm>>
        tpu.enqueue_dma source(%dma_start3A_342 : memref<16x128xi32, #tpu.memory_space<hbm>>) target(%dma_start3A_340 : memref<16x128xi32, #tpu.memory_space<vmem>>) target_semaphore(%run_scoped3A : memref<!tpu.dma_semaphore, #tpu.memory_space<semaphore_mem>>)
        %dma_wait3A = arith.constant 0 : i32
        %dma_wait3A_343 = arith.constant 0 : i32
        %dma_wait3A_344 = tpu.memref_slice %arg6[%dma_wait3A, %dma_wait3A_343] : memref<80x128xi32, #tpu.memory_space<vmem>> -> memref<16x128xi32, #tpu.memory_space<vmem>>
        %dma_wait3A_345 = arith.constant 0 : i32
        %dma_wait3A_346 = tpu.memref_slice %arg3[%add3A_170, %dma_wait3A_345] : memref<2560x128xi32, #tpu.memory_space<hbm>> -> memref<16x128xi32, #tpu.memory_space<hbm>>
        %dma_wait3A_347 = arith.constant 0 : i32
        %dma_wait3A_348 = arith.constant 0 : i32
        %dma_wait3A_349 = tpu.memref_slice %arg6[%dma_wait3A_347, %dma_wait3A_348] : memref<80x128xi32, #tpu.memory_space<vmem>> -> memref<16x128xi32, #tpu.memory_space<vmem>>
        %dma_wait3A_350 = arith.constant 0 : i32
        %dma_wait3A_351 = tpu.memref_slice %arg3[%add3A_170, %dma_wait3A_350] : memref<2560x128xi32, #tpu.memory_space<hbm>> -> memref<16x128xi32, #tpu.memory_space<hbm>>
        tpu.wait_dma2 semaphore(%run_scoped3A : memref<!tpu.dma_semaphore, #tpu.memory_space<semaphore_mem>>) src(%dma_wait3A_351 : memref<16x128xi32, #tpu.memory_space<hbm>>) dst(%dma_wait3A_349 : memref<16x128xi32, #tpu.memory_space<vmem>>)
        tpu.yield
      }) : () -> ()
      %barrier3A_171 = arith.constant 0 : index
      tpu.barrier barrier_id(%barrier3A_171)
      %get3A_172 = arith.constant 0 : i32
      %get3A_173 = arith.index_cast %get3A_172 : i32 to index
      %get3A_174 = arith.constant 0 : index
      %get3A_175 = tpu.vector_load %arg6[%get3A_173, %get3A_174] {strides = array<i32>} : memref<80x128xi32, #tpu.memory_space<vmem>>, vector<1x16xi32>,
      %get3A_176 = vector.shape_cast %get3A_175 : vector<1x16xi32> to vector<16xi32>
      %and3A_177 = arith.constant 65535 : i32
      %and3A_178 = vector.broadcast %and3A_177 : i32 to vector<16xi32>
      %and3A_179 = arith.andi %get3A_176, %and3A_178 : vector<16xi32>
      %swap3A_180 = arith.constant 0 : index
      %swap3A_181 = tpu.vector_load %arg7[%swap3A_180] {strides = array<i32>} : memref<128xi32, #tpu.memory_space<vmem>>, vector<16xi32>,
      %swap3A_182 = vector.shape_cast %swap3A_181 : vector<16xi32> to vector<16xi32>
      %swap3A_183 = vector.shape_cast %and3A_179 : vector<16xi32> to vector<16xi32>
      tpu.vector_store %arg7[%swap3A_180], %swap3A_183 {strides = array<i32>} : memref<128xi32, #tpu.memory_space<vmem>>, vector<16xi32>,
      %shift_right_logical3A_184 = arith.constant 16 : i32
      %shift_right_logical3A_185 = vector.broadcast %shift_right_logical3A_184 : i32 to vector<16xi32>
      %shift_right_logical3A_186 = arith.shrui %get3A_176, %shift_right_logical3A_185 : vector<16xi32>
      %swap3A_187 = arith.constant 0 : index
      %swap3A_188 = tpu.vector_load %arg8[%swap3A_187] {strides = array<i32>} : memref<128xi32, #tpu.memory_space<vmem>>, vector<16xi32>,
      %swap3A_189 = vector.shape_cast %swap3A_188 : vector<16xi32> to vector<16xi32>
      %swap3A_190 = vector.shape_cast %shift_right_logical3A_186 : vector<16xi32> to vector<16xi32>
      tpu.vector_store %arg8[%swap3A_187], %swap3A_190 {strides = array<i32>} : memref<128xi32, #tpu.memory_space<vmem>>, vector<16xi32>,
      %get3A_191 = arith.constant 0 : i32
      %get3A_192 = arith.index_cast %get3A_191 : i32 to index
      %get3A_193 = arith.constant 16 : index
      %get3A_194 = tpu.vector_load %arg6[%get3A_192, %get3A_193] {strides = array<i32>} : memref<80x128xi32, #tpu.memory_space<vmem>>, vector<1x16xi32>,
      %get3A_195 = vector.shape_cast %get3A_194 : vector<1x16xi32> to vector<16xi32>
      %and3A_196 = arith.constant 65535 : i32
      %and3A_197 = vector.broadcast %and3A_196 : i32 to vector<16xi32>
      %and3A_198 = arith.andi %get3A_195, %and3A_197 : vector<16xi32>
      %swap3A_199 = arith.constant 16 : index
      %swap3A_200 = tpu.vector_load %arg7[%swap3A_199] {strides = array<i32>} : memref<128xi32, #tpu.memory_space<vmem>>, vector<16xi32>,
      %swap3A_201 = vector.shape_cast %swap3A_200 : vector<16xi32> to vector<16xi32>
      %swap3A_202 = vector.shape_cast %and3A_198 : vector<16xi32> to vector<16xi32>
      tpu.vector_store %arg7[%swap3A_199], %swap3A_202 {strides = array<i32>} : memref<128xi32, #tpu.memory_space<vmem>>, vector<16xi32>,
      %shift_right_logical3A_203 = arith.constant 16 : i32
      %shift_right_logical3A_204 = vector.broadcast %shift_right_logical3A_203 : i32 to vector<16xi32>
      %shift_right_logical3A_205 = arith.shrui %get3A_195, %shift_right_logical3A_204 : vector<16xi32>
      %swap3A_206 = arith.constant 16 : index
      %swap3A_207 = tpu.vector_load %arg8[%swap3A_206] {strides = array<i32>} : memref<128xi32, #tpu.memory_space<vmem>>, vector<16xi32>,
      %swap3A_208 = vector.shape_cast %swap3A_207 : vector<16xi32> to vector<16xi32>
      %swap3A_209 = vector.shape_cast %shift_right_logical3A_205 : vector<16xi32> to vector<16xi32>
      tpu.vector_store %arg8[%swap3A_206], %swap3A_209 {strides = array<i32>} : memref<128xi32, #tpu.memory_space<vmem>>, vector<16xi32>,
      %get3A_210 = arith.constant 0 : i32
      %get3A_211 = arith.index_cast %get3A_210 : i32 to index
      %get3A_212 = arith.constant 32 : index
      %get3A_213 = tpu.vector_load %arg6[%get3A_211, %get3A_212] {strides = array<i32>} : memref<80x128xi32, #tpu.memory_space<vmem>>, vector<1x16xi32>,
      %get3A_214 = vector.shape_cast %get3A_213 : vector<1x16xi32> to vector<16xi32>
      %and3A_215 = arith.constant 65535 : i32
      %and3A_216 = vector.broadcast %and3A_215 : i32 to vector<16xi32>
      %and3A_217 = arith.andi %get3A_214, %and3A_216 : vector<16xi32>
      %swap3A_218 = arith.constant 32 : index
      %swap3A_219 = tpu.vector_load %arg7[%swap3A_218] {strides = array<i32>} : memref<128xi32, #tpu.memory_space<vmem>>, vector<16xi32>,
      %swap3A_220 = vector.shape_cast %swap3A_219 : vector<16xi32> to vector<16xi32>
      %swap3A_221 = vector.shape_cast %and3A_217 : vector<16xi32> to vector<16xi32>
      tpu.vector_store %arg7[%swap3A_218], %swap3A_221 {strides = array<i32>} : memref<128xi32, #tpu.memory_space<vmem>>, vector<16xi32>,
      %shift_right_logical3A_222 = arith.constant 16 : i32
      %shift_right_logical3A_223 = vector.broadcast %shift_right_logical3A_222 : i32 to vector<16xi32>
      %shift_right_logical3A_224 = arith.shrui %get3A_214, %shift_right_logical3A_223 : vector<16xi32>
      %swap3A_225 = arith.constant 32 : index
      %swap3A_226 = tpu.vector_load %arg8[%swap3A_225] {strides = array<i32>} : memref<128xi32, #tpu.memory_space<vmem>>, vector<16xi32>,
      %swap3A_227 = vector.shape_cast %swap3A_226 : vector<16xi32> to vector<16xi32>
      %swap3A_228 = vector.shape_cast %shift_right_logical3A_224 : vector<16xi32> to vector<16xi32>
      tpu.vector_store %arg8[%swap3A_225], %swap3A_228 {strides = array<i32>} : memref<128xi32, #tpu.memory_space<vmem>>, vector<16xi32>,
      %get3A_229 = arith.constant 0 : i32
      %get3A_230 = arith.index_cast %get3A_229 : i32 to index
      %get3A_231 = arith.constant 48 : index
      %get3A_232 = tpu.vector_load %arg6[%get3A_230, %get3A_231] {strides = array<i32>} : memref<80x128xi32, #tpu.memory_space<vmem>>, vector<1x16xi32>,
      %get3A_233 = vector.shape_cast %get3A_232 : vector<1x16xi32> to vector<16xi32>
      %and3A_234 = arith.constant 65535 : i32
      %and3A_235 = vector.broadcast %and3A_234 : i32 to vector<16xi32>
      %and3A_236 = arith.andi %get3A_233, %and3A_235 : vector<16xi32>
      %swap3A_237 = arith.constant 48 : index
      %swap3A_238 = tpu.vector_load %arg7[%swap3A_237] {strides = array<i32>} : memref<128xi32, #tpu.memory_space<vmem>>, vector<16xi32>,
      %swap3A_239 = vector.shape_cast %swap3A_238 : vector<16xi32> to vector<16xi32>
      %swap3A_240 = vector.shape_cast %and3A_236 : vector<16xi32> to vector<16xi32>
      tpu.vector_store %arg7[%swap3A_237], %swap3A_240 {strides = array<i32>} : memref<128xi32, #tpu.memory_space<vmem>>, vector<16xi32>,
      %shift_right_logical3A_241 = arith.constant 16 : i32
      %shift_right_logical3A_242 = vector.broadcast %shift_right_logical3A_241 : i32 to vector<16xi32>
      %shift_right_logical3A_243 = arith.shrui %get3A_233, %shift_right_logical3A_242 : vector<16xi32>
      %swap3A_244 = arith.constant 48 : index
      %swap3A_245 = tpu.vector_load %arg8[%swap3A_244] {strides = array<i32>} : memref<128xi32, #tpu.memory_space<vmem>>, vector<16xi32>,
      %swap3A_246 = vector.shape_cast %swap3A_245 : vector<16xi32> to vector<16xi32>
      %swap3A_247 = vector.shape_cast %shift_right_logical3A_243 : vector<16xi32> to vector<16xi32>
      tpu.vector_store %arg8[%swap3A_244], %swap3A_247 {strides = array<i32>} : memref<128xi32, #tpu.memory_space<vmem>>, vector<16xi32>,
      %get3A_248 = arith.constant 0 : i32
      %get3A_249 = arith.index_cast %get3A_248 : i32 to index
      %get3A_250 = arith.constant 64 : index
      %get3A_251 = tpu.vector_load %arg6[%get3A_249, %get3A_250] {strides = array<i32>} : memref<80x128xi32, #tpu.memory_space<vmem>>, vector<1x16xi32>,
      %get3A_252 = vector.shape_cast %get3A_251 : vector<1x16xi32> to vector<16xi32>
      %and3A_253 = arith.constant 65535 : i32
      %and3A_254 = vector.broadcast %and3A_253 : i32 to vector<16xi32>
      %and3A_255 = arith.andi %get3A_252, %and3A_254 : vector<16xi32>
      %swap3A_256 = arith.constant 64 : index
      %swap3A_257 = tpu.vector_load %arg7[%swap3A_256] {strides = array<i32>} : memref<128xi32, #tpu.memory_space<vmem>>, vector<16xi32>,
      %swap3A_258 = vector.shape_cast %swap3A_257 : vector<16xi32> to vector<16xi32>
      %swap3A_259 = vector.shape_cast %and3A_255 : vector<16xi32> to vector<16xi32>
      tpu.vector_store %arg7[%swap3A_256], %swap3A_259 {strides = array<i32>} : memref<128xi32, #tpu.memory_space<vmem>>, vector<16xi32>,
      %shift_right_logical3A_260 = arith.constant 16 : i32
      %shift_right_logical3A_261 = vector.broadcast %shift_right_logical3A_260 : i32 to vector<16xi32>
      %shift_right_logical3A_262 = arith.shrui %get3A_252, %shift_right_logical3A_261 : vector<16xi32>
      %swap3A_263 = arith.constant 64 : index
      %swap3A_264 = tpu.vector_load %arg8[%swap3A_263] {strides = array<i32>} : memref<128xi32, #tpu.memory_space<vmem>>, vector<16xi32>,
      %swap3A_265 = vector.shape_cast %swap3A_264 : vector<16xi32> to vector<16xi32>
      %swap3A_266 = vector.shape_cast %shift_right_logical3A_262 : vector<16xi32> to vector<16xi32>
      tpu.vector_store %arg8[%swap3A_263], %swap3A_266 {strides = array<i32>} : memref<128xi32, #tpu.memory_space<vmem>>, vector<16xi32>,
      %get3A_267 = arith.constant 0 : i32
      %get3A_268 = arith.index_cast %get3A_267 : i32 to index
      %get3A_269 = arith.constant 80 : index
      %get3A_270 = tpu.vector_load %arg6[%get3A_268, %get3A_269] {strides = array<i32>} : memref<80x128xi32, #tpu.memory_space<vmem>>, vector<1x16xi32>,
      %get3A_271 = vector.shape_cast %get3A_270 : vector<1x16xi32> to vector<16xi32>
      %and3A_272 = arith.constant 65535 : i32
      %and3A_273 = vector.broadcast %and3A_272 : i32 to vector<16xi32>
      %and3A_274 = arith.andi %get3A_271, %and3A_273 : vector<16xi32>
      %swap3A_275 = arith.constant 80 : index
      %swap3A_276 = tpu.vector_load %arg7[%swap3A_275] {strides = array<i32>} : memref<128xi32, #tpu.memory_space<vmem>>, vector<16xi32>,
      %swap3A_277 = vector.shape_cast %swap3A_276 : vector<16xi32> to vector<16xi32>
      %swap3A_278 = vector.shape_cast %and3A_274 : vector<16xi32> to vector<16xi32>
      tpu.vector_store %arg7[%swap3A_275], %swap3A_278 {strides = array<i32>} : memref<128xi32, #tpu.memory_space<vmem>>, vector<16xi32>,
      %shift_right_logical3A_279 = arith.constant 16 : i32
      %shift_right_logical3A_280 = vector.broadcast %shift_right_logical3A_279 : i32 to vector<16xi32>
      %shift_right_logical3A_281 = arith.shrui %get3A_271, %shift_right_logical3A_280 : vector<16xi32>
      %swap3A_282 = arith.constant 80 : index
      %swap3A_283 = tpu.vector_load %arg8[%swap3A_282] {strides = array<i32>} : memref<128xi32, #tpu.memory_space<vmem>>, vector<16xi32>,
      %swap3A_284 = vector.shape_cast %swap3A_283 : vector<16xi32> to vector<16xi32>
      %swap3A_285 = vector.shape_cast %shift_right_logical3A_281 : vector<16xi32> to vector<16xi32>
      tpu.vector_store %arg8[%swap3A_282], %swap3A_285 {strides = array<i32>} : memref<128xi32, #tpu.memory_space<vmem>>, vector<16xi32>,
      %get3A_286 = arith.constant 0 : i32
      %get3A_287 = arith.index_cast %get3A_286 : i32 to index
      %get3A_288 = arith.constant 96 : index
      %get3A_289 = tpu.vector_load %arg6[%get3A_287, %get3A_288] {strides = array<i32>} : memref<80x128xi32, #tpu.memory_space<vmem>>, vector<1x16xi32>,
      %get3A_290 = vector.shape_cast %get3A_289 : vector<1x16xi32> to vector<16xi32>
      %and3A_291 = arith.constant 65535 : i32
      %and3A_292 = vector.broadcast %and3A_291 : i32 to vector<16xi32>
      %and3A_293 = arith.andi %get3A_290, %and3A_292 : vector<16xi32>
      %swap3A_294 = arith.constant 96 : index
      %swap3A_295 = tpu.vector_load %arg7[%swap3A_294] {strides = array<i32>} : memref<128xi32, #tpu.memory_space<vmem>>, vector<16xi32>,
      %swap3A_296 = vector.shape_cast %swap3A_295 : vector<16xi32> to vector<16xi32>
      %swap3A_297 = vector.shape_cast %and3A_293 : vector<16xi32> to vector<16xi32>
      tpu.vector_store %arg7[%swap3A_294], %swap3A_297 {strides = array<i32>} : memref<128xi32, #tpu.memory_space<vmem>>, vector<16xi32>,
      %shift_right_logical3A_298 = arith.constant 16 : i32
      %shift_right_logical3A_299 = vector.broadcast %shift_right_logical3A_298 : i32 to vector<16xi32>
      %shift_right_logical3A_300 = arith.shrui %get3A_290, %shift_right_logical3A_299 : vector<16xi32>
      %swap3A_301 = arith.constant 96 : index
      %swap3A_302 = tpu.vector_load %arg8[%swap3A_301] {strides = array<i32>} : memref<128xi32, #tpu.memory_space<vmem>>, vector<16xi32>,
      %swap3A_303 = vector.shape_cast %swap3A_302 : vector<16xi32> to vector<16xi32>
      %swap3A_304 = vector.shape_cast %shift_right_logical3A_300 : vector<16xi32> to vector<16xi32>
      tpu.vector_store %arg8[%swap3A_301], %swap3A_304 {strides = array<i32>} : memref<128xi32, #tpu.memory_space<vmem>>, vector<16xi32>,
      %get3A_305 = arith.constant 0 : i32
      %get3A_306 = arith.index_cast %get3A_305 : i32 to index
      %get3A_307 = arith.constant 112 : index
      %get3A_308 = tpu.vector_load %arg6[%get3A_306, %get3A_307] {strides = array<i32>} : memref<80x128xi32, #tpu.memory_space<vmem>>, vector<1x16xi32>,
      %get3A_309 = vector.shape_cast %get3A_308 : vector<1x16xi32> to vector<16xi32>
      %and3A_310 = arith.constant 65535 : i32
      %and3A_311 = vector.broadcast %and3A_310 : i32 to vector<16xi32>
      %and3A_312 = arith.andi %get3A_309, %and3A_311 : vector<16xi32>
      %swap3A_313 = arith.constant 112 : index
      %swap3A_314 = tpu.vector_load %arg7[%swap3A_313] {strides = array<i32>} : memref<128xi32, #tpu.memory_space<vmem>>, vector<16xi32>,
      %swap3A_315 = vector.shape_cast %swap3A_314 : vector<16xi32> to vector<16xi32>
      %swap3A_316 = vector.shape_cast %and3A_312 : vector<16xi32> to vector<16xi32>
      tpu.vector_store %arg7[%swap3A_313], %swap3A_316 {strides = array<i32>} : memref<128xi32, #tpu.memory_space<vmem>>, vector<16xi32>,
      %shift_right_logical3A_317 = arith.constant 16 : i32
      %shift_right_logical3A_318 = vector.broadcast %shift_right_logical3A_317 : i32 to vector<16xi32>
      %shift_right_logical3A_319 = arith.shrui %get3A_309, %shift_right_logical3A_318 : vector<16xi32>
      %swap3A_320 = arith.constant 112 : index
      %swap3A_321 = tpu.vector_load %arg8[%swap3A_320] {strides = array<i32>} : memref<128xi32, #tpu.memory_space<vmem>>, vector<16xi32>,
      %swap3A_322 = vector.shape_cast %swap3A_321 : vector<16xi32> to vector<16xi32>
      %swap3A_323 = vector.shape_cast %shift_right_logical3A_319 : vector<16xi32> to vector<16xi32>
      tpu.vector_store %arg8[%swap3A_320], %swap3A_323 {strides = array<i32>} : memref<128xi32, #tpu.memory_space<vmem>>, vector<16xi32>,
      %dma_start3A_324 = arith.constant 0 : i32
      %dma_start3A_325 = arith.constant 0 : i32
      %dma_start3A_326 = tpu.memref_slice %arg2[%dma_start3A_324, %dma_start3A_325] : memref<10000x16xf32, #tpu.memory_space<hbm>> -> memref<10000x16xf32, #tpu.memory_space<hbm>>
      tpu.enqueue_indirect_dma source(%dma_start3A_326 : memref<10000x16xf32, #tpu.memory_space<hbm>>) target(%arg11 : memref<128x16xf32, #tpu.memory_space<vmem>>) offsets(%arg7 : memref<128xi32, #tpu.memory_space<vmem>>) semaphore(%arg14 : memref<!tpu.dma_semaphore, #tpu.memory_space<semaphore_mem>>)
      %scan3A_327 = arith.constant 0 : i32
      %scan3A_328 = arith.constant 0 : i32
      %scan3A_329 = arith.constant 8 : i32
      %scan3A_330 = arith.addi %scan3A_328, %scan3A_329 : i32
      %scan3A_331 = arith.constant 1 : i32
      scf.for %scan3A_333 = %scan3A_328 to %scan3A_330 step %scan3A_331  : i32 {
        %mul3A_334 = arith.constant 2 : i32
        %mul3A_335 = arith.muli %mul3A_334, %scan3A_333 : i32
        %add3A_336 = arith.constant 1 : i32
        %add3A_337 = arith.addi %mul3A_335, %add3A_336 : i32
        %get3A_338 = arith.index_cast %add3A_337 : i32 to index
        %get3A_339 = arith.constant 0 : index
        %get3A_340 = tpu.vector_load %arg6[%get3A_338, %get3A_339] {strides = array<i32>} : memref<80x128xi32, #tpu.memory_space<vmem>>, vector<1x16xi32>,
        %get3A_341 = vector.shape_cast %get3A_340 : vector<1x16xi32> to vector<16xi32>
        %and3A_342 = arith.constant 65535 : i32
        %and3A_343 = vector.broadcast %and3A_342 : i32 to vector<16xi32>
        %and3A_344 = arith.andi %get3A_341, %and3A_343 : vector<16xi32>
        %swap3A_345 = arith.constant 0 : index
        %swap3A_346 = tpu.vector_load %arg9[%swap3A_345] {strides = array<i32>} : memref<128xi32, #tpu.memory_space<vmem>>, vector<16xi32>,
        %swap3A_347 = vector.shape_cast %swap3A_346 : vector<16xi32> to vector<16xi32>
        %swap3A_348 = vector.shape_cast %and3A_344 : vector<16xi32> to vector<16xi32>
        tpu.vector_store %arg9[%swap3A_345], %swap3A_348 {strides = array<i32>} : memref<128xi32, #tpu.memory_space<vmem>>, vector<16xi32>,
        %shift_right_logical3A_349 = arith.constant 16 : i32
        %shift_right_logical3A_350 = vector.broadcast %shift_right_logical3A_349 : i32 to vector<16xi32>
        %shift_right_logical3A_351 = arith.shrui %get3A_341, %shift_right_logical3A_350 : vector<16xi32>
        %swap3A_352 = arith.constant 0 : index
        %swap3A_353 = tpu.vector_load %arg10[%swap3A_352] {strides = array<i32>} : memref<128xi32, #tpu.memory_space<vmem>>, vector<16xi32>,
        %swap3A_354 = vector.shape_cast %swap3A_353 : vector<16xi32> to vector<16xi32>
        %swap3A_355 = vector.shape_cast %shift_right_logical3A_351 : vector<16xi32> to vector<16xi32>
        tpu.vector_store %arg10[%swap3A_352], %swap3A_355 {strides = array<i32>} : memref<128xi32, #tpu.memory_space<vmem>>, vector<16xi32>,
        %get3A_356 = arith.index_cast %add3A_337 : i32 to index
        %get3A_357 = arith.constant 16 : index
        %get3A_358 = tpu.vector_load %arg6[%get3A_356, %get3A_357] {strides = array<i32>} : memref<80x128xi32, #tpu.memory_space<vmem>>, vector<1x16xi32>,
        %get3A_359 = vector.shape_cast %get3A_358 : vector<1x16xi32> to vector<16xi32>
        %and3A_360 = arith.constant 65535 : i32
        %and3A_361 = vector.broadcast %and3A_360 : i32 to vector<16xi32>
        %and3A_362 = arith.andi %get3A_359, %and3A_361 : vector<16xi32>
        %swap3A_363 = arith.constant 16 : index
        %swap3A_364 = tpu.vector_load %arg9[%swap3A_363] {strides = array<i32>} : memref<128xi32, #tpu.memory_space<vmem>>, vector<16xi32>,
        %swap3A_365 = vector.shape_cast %swap3A_364 : vector<16xi32> to vector<16xi32>
        %swap3A_366 = vector.shape_cast %and3A_362 : vector<16xi32> to vector<16xi32>
        tpu.vector_store %arg9[%swap3A_363], %swap3A_366 {strides = array<i32>} : memref<128xi32, #tpu.memory_space<vmem>>, vector<16xi32>,
        %shift_right_logical3A_367 = arith.constant 16 : i32
        %shift_right_logical3A_368 = vector.broadcast %shift_right_logical3A_367 : i32 to vector<16xi32>
        %shift_right_logical3A_369 = arith.shrui %get3A_359, %shift_right_logical3A_368 : vector<16xi32>
        %swap3A_370 = arith.constant 16 : index
        %swap3A_371 = tpu.vector_load %arg10[%swap3A_370] {strides = array<i32>} : memref<128xi32, #tpu.memory_space<vmem>>, vector<16xi32>,
        %swap3A_372 = vector.shape_cast %swap3A_371 : vector<16xi32> to vector<16xi32>
        %swap3A_373 = vector.shape_cast %shift_right_logical3A_369 : vector<16xi32> to vector<16xi32>
        tpu.vector_store %arg10[%swap3A_370], %swap3A_373 {strides = array<i32>} : memref<128xi32, #tpu.memory_space<vmem>>, vector<16xi32>,
        %get3A_374 = arith.index_cast %add3A_337 : i32 to index
        %get3A_375 = arith.constant 32 : index
        %get3A_376 = tpu.vector_load %arg6[%get3A_374, %get3A_375] {strides = array<i32>} : memref<80x128xi32, #tpu.memory_space<vmem>>, vector<1x16xi32>,
        %get3A_377 = vector.shape_cast %get3A_376 : vector<1x16xi32> to vector<16xi32>
        %and3A_378 = arith.constant 65535 : i32
        %and3A_379 = vector.broadcast %and3A_378 : i32 to vector<16xi32>
        %and3A_380 = arith.andi %get3A_377, %and3A_379 : vector<16xi32>
        %swap3A_381 = arith.constant 32 : index
        %swap3A_382 = tpu.vector_load %arg9[%swap3A_381] {strides = array<i32>} : memref<128xi32, #tpu.memory_space<vmem>>, vector<16xi32>,
        %swap3A_383 = vector.shape_cast %swap3A_382 : vector<16xi32> to vector<16xi32>
        %swap3A_384 = vector.shape_cast %and3A_380 : vector<16xi32> to vector<16xi32>
        tpu.vector_store %arg9[%swap3A_381], %swap3A_384 {strides = array<i32>} : memref<128xi32, #tpu.memory_space<vmem>>, vector<16xi32>,
        %shift_right_logical3A_385 = arith.constant 16 : i32
        %shift_right_logical3A_386 = vector.broadcast %shift_right_logical3A_385 : i32 to vector<16xi32>
        %shift_right_logical3A_387 = arith.shrui %get3A_377, %shift_right_logical3A_386 : vector<16xi32>
        %swap3A_388 = arith.constant 32 : index
        %swap3A_389 = tpu.vector_load %arg10[%swap3A_388] {strides = array<i32>} : memref<128xi32, #tpu.memory_space<vmem>>, vector<16xi32>,
        %swap3A_390 = vector.shape_cast %swap3A_389 : vector<16xi32> to vector<16xi32>
        %swap3A_391 = vector.shape_cast %shift_right_logical3A_387 : vector<16xi32> to vector<16xi32>
        tpu.vector_store %arg10[%swap3A_388], %swap3A_391 {strides = array<i32>} : memref<128xi32, #tpu.memory_space<vmem>>, vector<16xi32>,
        %get3A_392 = arith.index_cast %add3A_337 : i32 to index
        %get3A_393 = arith.constant 48 : index
        %get3A_394 = tpu.vector_load %arg6[%get3A_392, %get3A_393] {strides = array<i32>} : memref<80x128xi32, #tpu.memory_space<vmem>>, vector<1x16xi32>,
        %get3A_395 = vector.shape_cast %get3A_394 : vector<1x16xi32> to vector<16xi32>
        %and3A_396 = arith.constant 65535 : i32
        %and3A_397 = vector.broadcast %and3A_396 : i32 to vector<16xi32>
        %and3A_398 = arith.andi %get3A_395, %and3A_397 : vector<16xi32>
        %swap3A_399 = arith.constant 48 : index
        %swap3A_400 = tpu.vector_load %arg9[%swap3A_399] {strides = array<i32>} : memref<128xi32, #tpu.memory_space<vmem>>, vector<16xi32>,
        %swap3A_401 = vector.shape_cast %swap3A_400 : vector<16xi32> to vector<16xi32>
        %swap3A_402 = vector.shape_cast %and3A_398 : vector<16xi32> to vector<16xi32>
        tpu.vector_store %arg9[%swap3A_399], %swap3A_402 {strides = array<i32>} : memref<128xi32, #tpu.memory_space<vmem>>, vector<16xi32>,
        %shift_right_logical3A_403 = arith.constant 16 : i32
        %shift_right_logical3A_404 = vector.broadcast %shift_right_logical3A_403 : i32 to vector<16xi32>
        %shift_right_logical3A_405 = arith.shrui %get3A_395, %shift_right_logical3A_404 : vector<16xi32>
        %swap3A_406 = arith.constant 48 : index
        %swap3A_407 = tpu.vector_load %arg10[%swap3A_406] {strides = array<i32>} : memref<128xi32, #tpu.memory_space<vmem>>, vector<16xi32>,
        %swap3A_408 = vector.shape_cast %swap3A_407 : vector<16xi32> to vector<16xi32>
        %swap3A_409 = vector.shape_cast %shift_right_logical3A_405 : vector<16xi32> to vector<16xi32>
        tpu.vector_store %arg10[%swap3A_406], %swap3A_409 {strides = array<i32>} : memref<128xi32, #tpu.memory_space<vmem>>, vector<16xi32>,
        %get3A_410 = arith.index_cast %add3A_337 : i32 to index
        %get3A_411 = arith.constant 64 : index
        %get3A_412 = tpu.vector_load %arg6[%get3A_410, %get3A_411] {strides = array<i32>} : memref<80x128xi32, #tpu.memory_space<vmem>>, vector<1x16xi32>,
        %get3A_413 = vector.shape_cast %get3A_412 : vector<1x16xi32> to vector<16xi32>
        %and3A_414 = arith.constant 65535 : i32
        %and3A_415 = vector.broadcast %and3A_414 : i32 to vector<16xi32>
        %and3A_416 = arith.andi %get3A_413, %and3A_415 : vector<16xi32>
        %swap3A_417 = arith.constant 64 : index
        %swap3A_418 = tpu.vector_load %arg9[%swap3A_417] {strides = array<i32>} : memref<128xi32, #tpu.memory_space<vmem>>, vector<16xi32>,
        %swap3A_419 = vector.shape_cast %swap3A_418 : vector<16xi32> to vector<16xi32>
        %swap3A_420 = vector.shape_cast %and3A_416 : vector<16xi32> to vector<16xi32>
        tpu.vector_store %arg9[%swap3A_417], %swap3A_420 {strides = array<i32>} : memref<128xi32, #tpu.memory_space<vmem>>, vector<16xi32>,
        %shift_right_logical3A_421 = arith.constant 16 : i32
        %shift_right_logical3A_422 = vector.broadcast %shift_right_logical3A_421 : i32 to vector<16xi32>
        %shift_right_logical3A_423 = arith.shrui %get3A_413, %shift_right_logical3A_422 : vector<16xi32>
        %swap3A_424 = arith.constant 64 : index
        %swap3A_425 = tpu.vector_load %arg10[%swap3A_424] {strides = array<i32>} : memref<128xi32, #tpu.memory_space<vmem>>, vector<16xi32>,
        %swap3A_426 = vector.shape_cast %swap3A_425 : vector<16xi32> to vector<16xi32>
        %swap3A_427 = vector.shape_cast %shift_right_logical3A_423 : vector<16xi32> to vector<16xi32>
        tpu.vector_store %arg10[%swap3A_424], %swap3A_427 {strides = array<i32>} : memref<128xi32, #tpu.memory_space<vmem>>, vector<16xi32>,
        %get3A_428 = arith.index_cast %add3A_337 : i32 to index
        %get3A_429 = arith.constant 80 : index
        %get3A_430 = tpu.vector_load %arg6[%get3A_428, %get3A_429] {strides = array<i32>} : memref<80x128xi32, #tpu.memory_space<vmem>>, vector<1x16xi32>,
        %get3A_431 = vector.shape_cast %get3A_430 : vector<1x16xi32> to vector<16xi32>
        %and3A_432 = arith.constant 65535 : i32
        %and3A_433 = vector.broadcast %and3A_432 : i32 to vector<16xi32>
        %and3A_434 = arith.andi %get3A_431, %and3A_433 : vector<16xi32>
        %swap3A_435 = arith.constant 80 : index
        %swap3A_436 = tpu.vector_load %arg9[%swap3A_435] {strides = array<i32>} : memref<128xi32, #tpu.memory_space<vmem>>, vector<16xi32>,
        %swap3A_437 = vector.shape_cast %swap3A_436 : vector<16xi32> to vector<16xi32>
        %swap3A_438 = vector.shape_cast %and3A_434 : vector<16xi32> to vector<16xi32>
        tpu.vector_store %arg9[%swap3A_435], %swap3A_438 {strides = array<i32>} : memref<128xi32, #tpu.memory_space<vmem>>, vector<16xi32>,
        %shift_right_logical3A_439 = arith.constant 16 : i32
        %shift_right_logical3A_440 = vector.broadcast %shift_right_logical3A_439 : i32 to vector<16xi32>
        %shift_right_logical3A_441 = arith.shrui %get3A_431, %shift_right_logical3A_440 : vector<16xi32>
        %swap3A_442 = arith.constant 80 : index
        %swap3A_443 = tpu.vector_load %arg10[%swap3A_442] {strides = array<i32>} : memref<128xi32, #tpu.memory_space<vmem>>, vector<16xi32>,
        %swap3A_444 = vector.shape_cast %swap3A_443 : vector<16xi32> to vector<16xi32>
        %swap3A_445 = vector.shape_cast %shift_right_logical3A_441 : vector<16xi32> to vector<16xi32>
        tpu.vector_store %arg10[%swap3A_442], %swap3A_445 {strides = array<i32>} : memref<128xi32, #tpu.memory_space<vmem>>, vector<16xi32>,
        %get3A_446 = arith.index_cast %add3A_337 : i32 to index
        %get3A_447 = arith.constant 96 : index
        %get3A_448 = tpu.vector_load %arg6[%get3A_446, %get3A_447] {strides = array<i32>} : memref<80x128xi32, #tpu.memory_space<vmem>>, vector<1x16xi32>,
        %get3A_449 = vector.shape_cast %get3A_448 : vector<1x16xi32> to vector<16xi32>
        %and3A_450 = arith.constant 65535 : i32
        %and3A_451 = vector.broadcast %and3A_450 : i32 to vector<16xi32>
        %and3A_452 = arith.andi %get3A_449, %and3A_451 : vector<16xi32>
        %swap3A_453 = arith.constant 96 : index
        %swap3A_454 = tpu.vector_load %arg9[%swap3A_453] {strides = array<i32>} : memref<128xi32, #tpu.memory_space<vmem>>, vector<16xi32>,
        %swap3A_455 = vector.shape_cast %swap3A_454 : vector<16xi32> to vector<16xi32>
        %swap3A_456 = vector.shape_cast %and3A_452 : vector<16xi32> to vector<16xi32>
        tpu.vector_store %arg9[%swap3A_453], %swap3A_456 {strides = array<i32>} : memref<128xi32, #tpu.memory_space<vmem>>, vector<16xi32>,
        %shift_right_logical3A_457 = arith.constant 16 : i32
        %shift_right_logical3A_458 = vector.broadcast %shift_right_logical3A_457 : i32 to vector<16xi32>
        %shift_right_logical3A_459 = arith.shrui %get3A_449, %shift_right_logical3A_458 : vector<16xi32>
        %swap3A_460 = arith.constant 96 : index
        %swap3A_461 = tpu.vector_load %arg10[%swap3A_460] {strides = array<i32>} : memref<128xi32, #tpu.memory_space<vmem>>, vector<16xi32>,
        %swap3A_462 = vector.shape_cast %swap3A_461 : vector<16xi32> to vector<16xi32>
        %swap3A_463 = vector.shape_cast %shift_right_logical3A_459 : vector<16xi32> to vector<16xi32>
        tpu.vector_store %arg10[%swap3A_460], %swap3A_463 {strides = array<i32>} : memref<128xi32, #tpu.memory_space<vmem>>, vector<16xi32>,
        %get3A_464 = arith.index_cast %add3A_337 : i32 to index
        %get3A_465 = arith.constant 112 : index
        %get3A_466 = tpu.vector_load %arg6[%get3A_464, %get3A_465] {strides = array<i32>} : memref<80x128xi32, #tpu.memory_space<vmem>>, vector<1x16xi32>,
        %get3A_467 = vector.shape_cast %get3A_466 : vector<1x16xi32> to vector<16xi32>
        %and3A_468 = arith.constant 65535 : i32
        %and3A_469 = vector.broadcast %and3A_468 : i32 to vector<16xi32>
        %and3A_470 = arith.andi %get3A_467, %and3A_469 : vector<16xi32>
        %swap3A_471 = arith.constant 112 : index
        %swap3A_472 = tpu.vector_load %arg9[%swap3A_471] {strides = array<i32>} : memref<128xi32, #tpu.memory_space<vmem>>, vector<16xi32>,
        %swap3A_473 = vector.shape_cast %swap3A_472 : vector<16xi32> to vector<16xi32>
        %swap3A_474 = vector.shape_cast %and3A_470 : vector<16xi32> to vector<16xi32>
        tpu.vector_store %arg9[%swap3A_471], %swap3A_474 {strides = array<i32>} : memref<128xi32, #tpu.memory_space<vmem>>, vector<16xi32>,
        %shift_right_logical3A_475 = arith.constant 16 : i32
        %shift_right_logical3A_476 = vector.broadcast %shift_right_logical3A_475 : i32 to vector<16xi32>
        %shift_right_logical3A_477 = arith.shrui %get3A_467, %shift_right_logical3A_476 : vector<16xi32>
        %swap3A_478 = arith.constant 112 : index
        %swap3A_479 = tpu.vector_load %arg10[%swap3A_478] {strides = array<i32>} : memref<128xi32, #tpu.memory_space<vmem>>, vector<16xi32>,
        %swap3A_480 = vector.shape_cast %swap3A_479 : vector<16xi32> to vector<16xi32>
        %swap3A_481 = vector.shape_cast %shift_right_logical3A_477 : vector<16xi32> to vector<16xi32>
        tpu.vector_store %arg10[%swap3A_478], %swap3A_481 {strides = array<i32>} : memref<128xi32, #tpu.memory_space<vmem>>, vector<16xi32>,
        %dma_start3A_482 = arith.constant 0 : i32
        %dma_start3A_483 = arith.constant 0 : i32
        %dma_start3A_484 = tpu.memref_slice %arg2[%dma_start3A_482, %dma_start3A_483] : memref<10000x16xf32, #tpu.memory_space<hbm>> -> memref<10000x16xf32, #tpu.memory_space<hbm>>
        tpu.enqueue_indirect_dma source(%dma_start3A_484 : memref<10000x16xf32, #tpu.memory_space<hbm>>) target(%arg12 : memref<128x16xf32, #tpu.memory_space<vmem>>) offsets(%arg9 : memref<128xi32, #tpu.memory_space<vmem>>) semaphore(%arg15 : memref<!tpu.dma_semaphore, #tpu.memory_space<semaphore_mem>>)
        %dma_wait3A = arith.constant 0 : i32
        %dma_wait3A_485 = arith.constant 0 : i32
        %dma_wait3A_486 = tpu.memref_slice %arg2[%dma_wait3A, %dma_wait3A_485] : memref<10000x16xf32, #tpu.memory_space<hbm>> -> memref<10000x16xf32, #tpu.memory_space<hbm>>
        tpu.wait_indirect_dma semaphore(%arg14 : memref<!tpu.dma_semaphore, #tpu.memory_space<semaphore_mem>>) src(%dma_wait3A_486 : memref<10000x16xf32, #tpu.memory_space<hbm>>) dst(%arg11 : memref<128x16xf32, #tpu.memory_space<vmem>>)
        "tpu.region"() ({
          %run_scoped3A = tpu.sem_alloc : memref<!tpu.dma_semaphore, #tpu.memory_space<semaphore_mem>>
          %dma_start3A_494 = arith.constant 0 : i32
          %dma_start3A_495 = arith.constant 0 : i32
          %dma_start3A_496 = tpu.memref_slice %arg13[%dma_start3A_494, %dma_start3A_495] : memref<10016x16xf32, #tpu.memory_space<vmem_shared>> -> memref<10016x16xf32, #tpu.memory_space<vmem_shared>>
          tpu.enqueue_indirect_dma source(%arg11 : memref<128x16xf32, #tpu.memory_space<vmem>>) target(%dma_start3A_496 : memref<10016x16xf32, #tpu.memory_space<vmem_shared>>) offsets(%arg8 : memref<128xi32, #tpu.memory_space<vmem>>) semaphore(%run_scoped3A : memref<!tpu.dma_semaphore, #tpu.memory_space<semaphore_mem>>) {add = true}
          %dma_wait3A_497 = arith.constant 0 : i32
          %dma_wait3A_498 = arith.constant 0 : i32
          %dma_wait3A_499 = tpu.memref_slice %arg13[%dma_wait3A_497, %dma_wait3A_498] : memref<10016x16xf32, #tpu.memory_space<vmem_shared>> -> memref<10016x16xf32, #tpu.memory_space<vmem_shared>>
          tpu.wait_indirect_dma semaphore(%run_scoped3A : memref<!tpu.dma_semaphore, #tpu.memory_space<semaphore_mem>>) src(%arg11 : memref<128x16xf32, #tpu.memory_space<vmem>>) dst(%dma_wait3A_499 : memref<10016x16xf32, #tpu.memory_space<vmem_shared>>)
          tpu.yield
        }) : () -> ()
        %lt3A = arith.constant 7 : i32
        %lt3A_487 = arith.cmpi slt, %scan3A_333, %lt3A : i32
        %convert_element_type3A_488 = arith.extui %lt3A_487 : i1 to i32
        %cond3A_489 = arith.constant 0 : i32
        %cond3A_490 = arith.cmpi ne, %convert_element_type3A_488, %cond3A_489 : i32
        scf.if %cond3A_490 {
          %add3A_494 = arith.constant 2 : i32
          %add3A_495 = arith.addi %mul3A_335, %add3A_494 : i32
          %get3A_496 = arith.index_cast %add3A_495 : i32 to index
          %get3A_497 = arith.constant 0 : index
          %get3A_498 = tpu.vector_load %arg6[%get3A_496, %get3A_497] {strides = array<i32>} : memref<80x128xi32, #tpu.memory_space<vmem>>, vector<1x16xi32>,
          %get3A_499 = vector.shape_cast %get3A_498 : vector<1x16xi32> to vector<16xi32>
          %and3A_500 = arith.constant 65535 : i32
          %and3A_501 = vector.broadcast %and3A_500 : i32 to vector<16xi32>
          %and3A_502 = arith.andi %get3A_499, %and3A_501 : vector<16xi32>
          %swap3A_503 = arith.constant 0 : index
          %swap3A_504 = tpu.vector_load %arg7[%swap3A_503] {strides = array<i32>} : memref<128xi32, #tpu.memory_space<vmem>>, vector<16xi32>,
          %swap3A_505 = vector.shape_cast %swap3A_504 : vector<16xi32> to vector<16xi32>
          %swap3A_506 = vector.shape_cast %and3A_502 : vector<16xi32> to vector<16xi32>
          tpu.vector_store %arg7[%swap3A_503], %swap3A_506 {strides = array<i32>} : memref<128xi32, #tpu.memory_space<vmem>>, vector<16xi32>,
          %shift_right_logical3A_507 = arith.constant 16 : i32
          %shift_right_logical3A_508 = vector.broadcast %shift_right_logical3A_507 : i32 to vector<16xi32>
          %shift_right_logical3A_509 = arith.shrui %get3A_499, %shift_right_logical3A_508 : vector<16xi32>
          %swap3A_510 = arith.constant 0 : index
          %swap3A_511 = tpu.vector_load %arg8[%swap3A_510] {strides = array<i32>} : memref<128xi32, #tpu.memory_space<vmem>>, vector<16xi32>,
          %swap3A_512 = vector.shape_cast %swap3A_511 : vector<16xi32> to vector<16xi32>
          %swap3A_513 = vector.shape_cast %shift_right_logical3A_509 : vector<16xi32> to vector<16xi32>
          tpu.vector_store %arg8[%swap3A_510], %swap3A_513 {strides = array<i32>} : memref<128xi32, #tpu.memory_space<vmem>>, vector<16xi32>,
          %get3A_514 = arith.index_cast %add3A_495 : i32 to index
          %get3A_515 = arith.constant 16 : index
          %get3A_516 = tpu.vector_load %arg6[%get3A_514, %get3A_515] {strides = array<i32>} : memref<80x128xi32, #tpu.memory_space<vmem>>, vector<1x16xi32>,
          %get3A_517 = vector.shape_cast %get3A_516 : vector<1x16xi32> to vector<16xi32>
          %and3A_518 = arith.constant 65535 : i32
          %and3A_519 = vector.broadcast %and3A_518 : i32 to vector<16xi32>
          %and3A_520 = arith.andi %get3A_517, %and3A_519 : vector<16xi32>
          %swap3A_521 = arith.constant 16 : index
          %swap3A_522 = tpu.vector_load %arg7[%swap3A_521] {strides = array<i32>} : memref<128xi32, #tpu.memory_space<vmem>>, vector<16xi32>,
          %swap3A_523 = vector.shape_cast %swap3A_522 : vector<16xi32> to vector<16xi32>
          %swap3A_524 = vector.shape_cast %and3A_520 : vector<16xi32> to vector<16xi32>
          tpu.vector_store %arg7[%swap3A_521], %swap3A_524 {strides = array<i32>} : memref<128xi32, #tpu.memory_space<vmem>>, vector<16xi32>,
          %shift_right_logical3A_525 = arith.constant 16 : i32
          %shift_right_logical3A_526 = vector.broadcast %shift_right_logical3A_525 : i32 to vector<16xi32>
          %shift_right_logical3A_527 = arith.shrui %get3A_517, %shift_right_logical3A_526 : vector<16xi32>
          %swap3A_528 = arith.constant 16 : index
          %swap3A_529 = tpu.vector_load %arg8[%swap3A_528] {strides = array<i32>} : memref<128xi32, #tpu.memory_space<vmem>>, vector<16xi32>,
          %swap3A_530 = vector.shape_cast %swap3A_529 : vector<16xi32> to vector<16xi32>
          %swap3A_531 = vector.shape_cast %shift_right_logical3A_527 : vector<16xi32> to vector<16xi32>
          tpu.vector_store %arg8[%swap3A_528], %swap3A_531 {strides = array<i32>} : memref<128xi32, #tpu.memory_space<vmem>>, vector<16xi32>,
          %get3A_532 = arith.index_cast %add3A_495 : i32 to index
          %get3A_533 = arith.constant 32 : index
          %get3A_534 = tpu.vector_load %arg6[%get3A_532, %get3A_533] {strides = array<i32>} : memref<80x128xi32, #tpu.memory_space<vmem>>, vector<1x16xi32>,
          %get3A_535 = vector.shape_cast %get3A_534 : vector<1x16xi32> to vector<16xi32>
          %and3A_536 = arith.constant 65535 : i32
          %and3A_537 = vector.broadcast %and3A_536 : i32 to vector<16xi32>
          %and3A_538 = arith.andi %get3A_535, %and3A_537 : vector<16xi32>
          %swap3A_539 = arith.constant 32 : index
          %swap3A_540 = tpu.vector_load %arg7[%swap3A_539] {strides = array<i32>} : memref<128xi32, #tpu.memory_space<vmem>>, vector<16xi32>,
          %swap3A_541 = vector.shape_cast %swap3A_540 : vector<16xi32> to vector<16xi32>
          %swap3A_542 = vector.shape_cast %and3A_538 : vector<16xi32> to vector<16xi32>
          tpu.vector_store %arg7[%swap3A_539], %swap3A_542 {strides = array<i32>} : memref<128xi32, #tpu.memory_space<vmem>>, vector<16xi32>,
          %shift_right_logical3A_543 = arith.constant 16 : i32
          %shift_right_logical3A_544 = vector.broadcast %shift_right_logical3A_543 : i32 to vector<16xi32>
          %shift_right_logical3A_545 = arith.shrui %get3A_535, %shift_right_logical3A_544 : vector<16xi32>
          %swap3A_546 = arith.constant 32 : index
          %swap3A_547 = tpu.vector_load %arg8[%swap3A_546] {strides = array<i32>} : memref<128xi32, #tpu.memory_space<vmem>>, vector<16xi32>,
          %swap3A_548 = vector.shape_cast %swap3A_547 : vector<16xi32> to vector<16xi32>
          %swap3A_549 = vector.shape_cast %shift_right_logical3A_545 : vector<16xi32> to vector<16xi32>
          tpu.vector_store %arg8[%swap3A_546], %swap3A_549 {strides = array<i32>} : memref<128xi32, #tpu.memory_space<vmem>>, vector<16xi32>,
          %get3A_550 = arith.index_cast %add3A_495 : i32 to index
          %get3A_551 = arith.constant 48 : index
          %get3A_552 = tpu.vector_load %arg6[%get3A_550, %get3A_551] {strides = array<i32>} : memref<80x128xi32, #tpu.memory_space<vmem>>, vector<1x16xi32>,
          %get3A_553 = vector.shape_cast %get3A_552 : vector<1x16xi32> to vector<16xi32>
          %and3A_554 = arith.constant 65535 : i32
          %and3A_555 = vector.broadcast %and3A_554 : i32 to vector<16xi32>
          %and3A_556 = arith.andi %get3A_553, %and3A_555 : vector<16xi32>
          %swap3A_557 = arith.constant 48 : index
          %swap3A_558 = tpu.vector_load %arg7[%swap3A_557] {strides = array<i32>} : memref<128xi32, #tpu.memory_space<vmem>>, vector<16xi32>,
          %swap3A_559 = vector.shape_cast %swap3A_558 : vector<16xi32> to vector<16xi32>
          %swap3A_560 = vector.shape_cast %and3A_556 : vector<16xi32> to vector<16xi32>
          tpu.vector_store %arg7[%swap3A_557], %swap3A_560 {strides = array<i32>} : memref<128xi32, #tpu.memory_space<vmem>>, vector<16xi32>,
          %shift_right_logical3A_561 = arith.constant 16 : i32
          %shift_right_logical3A_562 = vector.broadcast %shift_right_logical3A_561 : i32 to vector<16xi32>
          %shift_right_logical3A_563 = arith.shrui %get3A_553, %shift_right_logical3A_562 : vector<16xi32>
          %swap3A_564 = arith.constant 48 : index
          %swap3A_565 = tpu.vector_load %arg8[%swap3A_564] {strides = array<i32>} : memref<128xi32, #tpu.memory_space<vmem>>, vector<16xi32>,
          %swap3A_566 = vector.shape_cast %swap3A_565 : vector<16xi32> to vector<16xi32>
          %swap3A_567 = vector.shape_cast %shift_right_logical3A_563 : vector<16xi32> to vector<16xi32>
          tpu.vector_store %arg8[%swap3A_564], %swap3A_567 {strides = array<i32>} : memref<128xi32, #tpu.memory_space<vmem>>, vector<16xi32>,
          %get3A_568 = arith.index_cast %add3A_495 : i32 to index
          %get3A_569 = arith.constant 64 : index
          %get3A_570 = tpu.vector_load %arg6[%get3A_568, %get3A_569] {strides = array<i32>} : memref<80x128xi32, #tpu.memory_space<vmem>>, vector<1x16xi32>,
          %get3A_571 = vector.shape_cast %get3A_570 : vector<1x16xi32> to vector<16xi32>
          %and3A_572 = arith.constant 65535 : i32
          %and3A_573 = vector.broadcast %and3A_572 : i32 to vector<16xi32>
          %and3A_574 = arith.andi %get3A_571, %and3A_573 : vector<16xi32>
          %swap3A_575 = arith.constant 64 : index
          %swap3A_576 = tpu.vector_load %arg7[%swap3A_575] {strides = array<i32>} : memref<128xi32, #tpu.memory_space<vmem>>, vector<16xi32>,
          %swap3A_577 = vector.shape_cast %swap3A_576 : vector<16xi32> to vector<16xi32>
          %swap3A_578 = vector.shape_cast %and3A_574 : vector<16xi32> to vector<16xi32>
          tpu.vector_store %arg7[%swap3A_575], %swap3A_578 {strides = array<i32>} : memref<128xi32, #tpu.memory_space<vmem>>, vector<16xi32>,
          %shift_right_logical3A_579 = arith.constant 16 : i32
          %shift_right_logical3A_580 = vector.broadcast %shift_right_logical3A_579 : i32 to vector<16xi32>
          %shift_right_logical3A_581 = arith.shrui %get3A_571, %shift_right_logical3A_580 : vector<16xi32>
          %swap3A_582 = arith.constant 64 : index
          %swap3A_583 = tpu.vector_load %arg8[%swap3A_582] {strides = array<i32>} : memref<128xi32, #tpu.memory_space<vmem>>, vector<16xi32>,
          %swap3A_584 = vector.shape_cast %swap3A_583 : vector<16xi32> to vector<16xi32>
          %swap3A_585 = vector.shape_cast %shift_right_logical3A_581 : vector<16xi32> to vector<16xi32>
          tpu.vector_store %arg8[%swap3A_582], %swap3A_585 {strides = array<i32>} : memref<128xi32, #tpu.memory_space<vmem>>, vector<16xi32>,
          %get3A_586 = arith.index_cast %add3A_495 : i32 to index
          %get3A_587 = arith.constant 80 : index
          %get3A_588 = tpu.vector_load %arg6[%get3A_586, %get3A_587] {strides = array<i32>} : memref<80x128xi32, #tpu.memory_space<vmem>>, vector<1x16xi32>,
          %get3A_589 = vector.shape_cast %get3A_588 : vector<1x16xi32> to vector<16xi32>
          %and3A_590 = arith.constant 65535 : i32
          %and3A_591 = vector.broadcast %and3A_590 : i32 to vector<16xi32>
          %and3A_592 = arith.andi %get3A_589, %and3A_591 : vector<16xi32>
          %swap3A_593 = arith.constant 80 : index
          %swap3A_594 = tpu.vector_load %arg7[%swap3A_593] {strides = array<i32>} : memref<128xi32, #tpu.memory_space<vmem>>, vector<16xi32>,
          %swap3A_595 = vector.shape_cast %swap3A_594 : vector<16xi32> to vector<16xi32>
          %swap3A_596 = vector.shape_cast %and3A_592 : vector<16xi32> to vector<16xi32>
          tpu.vector_store %arg7[%swap3A_593], %swap3A_596 {strides = array<i32>} : memref<128xi32, #tpu.memory_space<vmem>>, vector<16xi32>,
          %shift_right_logical3A_597 = arith.constant 16 : i32
          %shift_right_logical3A_598 = vector.broadcast %shift_right_logical3A_597 : i32 to vector<16xi32>
          %shift_right_logical3A_599 = arith.shrui %get3A_589, %shift_right_logical3A_598 : vector<16xi32>
          %swap3A_600 = arith.constant 80 : index
          %swap3A_601 = tpu.vector_load %arg8[%swap3A_600] {strides = array<i32>} : memref<128xi32, #tpu.memory_space<vmem>>, vector<16xi32>,
          %swap3A_602 = vector.shape_cast %swap3A_601 : vector<16xi32> to vector<16xi32>
          %swap3A_603 = vector.shape_cast %shift_right_logical3A_599 : vector<16xi32> to vector<16xi32>
          tpu.vector_store %arg8[%swap3A_600], %swap3A_603 {strides = array<i32>} : memref<128xi32, #tpu.memory_space<vmem>>, vector<16xi32>,
          %get3A_604 = arith.index_cast %add3A_495 : i32 to index
          %get3A_605 = arith.constant 96 : index
          %get3A_606 = tpu.vector_load %arg6[%get3A_604, %get3A_605] {strides = array<i32>} : memref<80x128xi32, #tpu.memory_space<vmem>>, vector<1x16xi32>,
          %get3A_607 = vector.shape_cast %get3A_606 : vector<1x16xi32> to vector<16xi32>
          %and3A_608 = arith.constant 65535 : i32
          %and3A_609 = vector.broadcast %and3A_608 : i32 to vector<16xi32>
          %and3A_610 = arith.andi %get3A_607, %and3A_609 : vector<16xi32>
          %swap3A_611 = arith.constant 96 : index
          %swap3A_612 = tpu.vector_load %arg7[%swap3A_611] {strides = array<i32>} : memref<128xi32, #tpu.memory_space<vmem>>, vector<16xi32>,
          %swap3A_613 = vector.shape_cast %swap3A_612 : vector<16xi32> to vector<16xi32>
          %swap3A_614 = vector.shape_cast %and3A_610 : vector<16xi32> to vector<16xi32>
          tpu.vector_store %arg7[%swap3A_611], %swap3A_614 {strides = array<i32>} : memref<128xi32, #tpu.memory_space<vmem>>, vector<16xi32>,
          %shift_right_logical3A_615 = arith.constant 16 : i32
          %shift_right_logical3A_616 = vector.broadcast %shift_right_logical3A_615 : i32 to vector<16xi32>
          %shift_right_logical3A_617 = arith.shrui %get3A_607, %shift_right_logical3A_616 : vector<16xi32>
          %swap3A_618 = arith.constant 96 : index
          %swap3A_619 = tpu.vector_load %arg8[%swap3A_618] {strides = array<i32>} : memref<128xi32, #tpu.memory_space<vmem>>, vector<16xi32>,
          %swap3A_620 = vector.shape_cast %swap3A_619 : vector<16xi32> to vector<16xi32>
          %swap3A_621 = vector.shape_cast %shift_right_logical3A_617 : vector<16xi32> to vector<16xi32>
          tpu.vector_store %arg8[%swap3A_618], %swap3A_621 {strides = array<i32>} : memref<128xi32, #tpu.memory_space<vmem>>, vector<16xi32>,
          %get3A_622 = arith.index_cast %add3A_495 : i32 to index
          %get3A_623 = arith.constant 112 : index
          %get3A_624 = tpu.vector_load %arg6[%get3A_622, %get3A_623] {strides = array<i32>} : memref<80x128xi32, #tpu.memory_space<vmem>>, vector<1x16xi32>,
          %get3A_625 = vector.shape_cast %get3A_624 : vector<1x16xi32> to vector<16xi32>
          %and3A_626 = arith.constant 65535 : i32
          %and3A_627 = vector.broadcast %and3A_626 : i32 to vector<16xi32>
          %and3A_628 = arith.andi %get3A_625, %and3A_627 : vector<16xi32>
          %swap3A_629 = arith.constant 112 : index
          %swap3A_630 = tpu.vector_load %arg7[%swap3A_629] {strides = array<i32>} : memref<128xi32, #tpu.memory_space<vmem>>, vector<16xi32>,
          %swap3A_631 = vector.shape_cast %swap3A_630 : vector<16xi32> to vector<16xi32>
          %swap3A_632 = vector.shape_cast %and3A_628 : vector<16xi32> to vector<16xi32>
          tpu.vector_store %arg7[%swap3A_629], %swap3A_632 {strides = array<i32>} : memref<128xi32, #tpu.memory_space<vmem>>, vector<16xi32>,
          %shift_right_logical3A_633 = arith.constant 16 : i32
          %shift_right_logical3A_634 = vector.broadcast %shift_right_logical3A_633 : i32 to vector<16xi32>
          %shift_right_logical3A_635 = arith.shrui %get3A_625, %shift_right_logical3A_634 : vector<16xi32>
          %swap3A_636 = arith.constant 112 : index
          %swap3A_637 = tpu.vector_load %arg8[%swap3A_636] {strides = array<i32>} : memref<128xi32, #tpu.memory_space<vmem>>, vector<16xi32>,
          %swap3A_638 = vector.shape_cast %swap3A_637 : vector<16xi32> to vector<16xi32>
          %swap3A_639 = vector.shape_cast %shift_right_logical3A_635 : vector<16xi32> to vector<16xi32>
          tpu.vector_store %arg8[%swap3A_636], %swap3A_639 {strides = array<i32>} : memref<128xi32, #tpu.memory_space<vmem>>, vector<16xi32>,
          %dma_start3A_640 = arith.constant 0 : i32
          %dma_start3A_641 = arith.constant 0 : i32
          %dma_start3A_642 = tpu.memref_slice %arg2[%dma_start3A_640, %dma_start3A_641] : memref<10000x16xf32, #tpu.memory_space<hbm>> -> memref<10000x16xf32, #tpu.memory_space<hbm>>
          tpu.enqueue_indirect_dma source(%dma_start3A_642 : memref<10000x16xf32, #tpu.memory_space<hbm>>) target(%arg11 : memref<128x16xf32, #tpu.memory_space<vmem>>) offsets(%arg7 : memref<128xi32, #tpu.memory_space<vmem>>) semaphore(%arg14 : memref<!tpu.dma_semaphore, #tpu.memory_space<semaphore_mem>>)
        } else {
        }
        %dma_wait3A_491 = arith.constant 0 : i32
        %dma_wait3A_492 = arith.constant 0 : i32
        %dma_wait3A_493 = tpu.memref_slice %arg2[%dma_wait3A_491, %dma_wait3A_492] : memref<10000x16xf32, #tpu.memory_space<hbm>> -> memref<10000x16xf32, #tpu.memory_space<hbm>>
        tpu.wait_indirect_dma semaphore(%arg15 : memref<!tpu.dma_semaphore, #tpu.memory_space<semaphore_mem>>) src(%dma_wait3A_493 : memref<10000x16xf32, #tpu.memory_space<hbm>>) dst(%arg12 : memref<128x16xf32, #tpu.memory_space<vmem>>)
        "tpu.region"() ({
          %run_scoped3A = tpu.sem_alloc : memref<!tpu.dma_semaphore, #tpu.memory_space<semaphore_mem>>
          %dma_start3A_494 = arith.constant 0 : i32
          %dma_start3A_495 = arith.constant 0 : i32
          %dma_start3A_496 = tpu.memref_slice %arg13[%dma_start3A_494, %dma_start3A_495] : memref<10016x16xf32, #tpu.memory_space<vmem_shared>> -> memref<10016x16xf32, #tpu.memory_space<vmem_shared>>
          tpu.enqueue_indirect_dma source(%arg12 : memref<128x16xf32, #tpu.memory_space<vmem>>) target(%dma_start3A_496 : memref<10016x16xf32, #tpu.memory_space<vmem_shared>>) offsets(%arg10 : memref<128xi32, #tpu.memory_space<vmem>>) semaphore(%run_scoped3A : memref<!tpu.dma_semaphore, #tpu.memory_space<semaphore_mem>>) {add = true}
          %dma_wait3A_497 = arith.constant 0 : i32
          %dma_wait3A_498 = arith.constant 0 : i32
          %dma_wait3A_499 = tpu.memref_slice %arg13[%dma_wait3A_497, %dma_wait3A_498] : memref<10016x16xf32, #tpu.memory_space<vmem_shared>> -> memref<10016x16xf32, #tpu.memory_space<vmem_shared>>
          tpu.wait_indirect_dma semaphore(%run_scoped3A : memref<!tpu.dma_semaphore, #tpu.memory_space<semaphore_mem>>) src(%arg12 : memref<128x16xf32, #tpu.memory_space<vmem>>) dst(%dma_wait3A_499 : memref<10016x16xf32, #tpu.memory_space<vmem_shared>>)
          tpu.yield
        }) : () -> ()
      }
      %scan3A_332 = arith.constant 8 : i32
    } else {
    }
    %eq3A_3 = arith.constant 1 : i32
    %eq3A_4 = arith.cmpi eq, %arg0, %eq3A_3 : i32
    %convert_element_type3A_5 = arith.extui %eq3A_4 : i1 to i32
    %cond3A_6 = arith.constant 0 : i32
    %cond3A_7 = arith.cmpi ne, %convert_element_type3A_5, %cond3A_6 : i32
    scf.if %cond3A_7 {
      %mul3A_8 = arith.constant 64 : i32
      %mul3A_9 = arith.muli %arg1, %mul3A_8 : i32
      %add3A = arith.constant 1536 : i32
      %add3A_10 = arith.addi %add3A, %mul3A_9 : i32
      %add3A_11 = arith.constant 0 : i32
      %add3A_12 = arith.addi %add3A_10, %add3A_11 : i32
      "tpu.region"() ({
        %run_scoped3A = tpu.sem_alloc : memref<!tpu.dma_semaphore, #tpu.memory_space<semaphore_mem>>
        %dma_start3A_169 = arith.constant 0 : i32
        %dma_start3A_170 = arith.constant 0 : i32
        %dma_start3A_171 = tpu.memref_slice %arg6[%dma_start3A_169, %dma_start3A_170] : memref<80x128xi32, #tpu.memory_space<vmem>> -> memref<64x128xi32, #tpu.memory_space<vmem>>
        %dma_start3A_172 = arith.constant 0 : i32
        %dma_start3A_173 = tpu.memref_slice %arg3[%add3A_12, %dma_start3A_172] : memref<2560x128xi32, #tpu.memory_space<hbm>> -> memref<64x128xi32, #tpu.memory_space<hbm>>
        %dma_start3A_174 = arith.constant 0 : i32
        %dma_start3A_175 = arith.constant 0 : i32
        %dma_start3A_176 = tpu.memref_slice %arg6[%dma_start3A_174, %dma_start3A_175] : memref<80x128xi32, #tpu.memory_space<vmem>> -> memref<64x128xi32, #tpu.memory_space<vmem>>
        %dma_start3A_177 = arith.constant 0 : i32
        %dma_start3A_178 = tpu.memref_slice %arg3[%add3A_12, %dma_start3A_177] : memref<2560x128xi32, #tpu.memory_space<hbm>> -> memref<64x128xi32, #tpu.memory_space<hbm>>
        tpu.enqueue_dma source(%dma_start3A_178 : memref<64x128xi32, #tpu.memory_space<hbm>>) target(%dma_start3A_176 : memref<64x128xi32, #tpu.memory_space<vmem>>) target_semaphore(%run_scoped3A : memref<!tpu.dma_semaphore, #tpu.memory_space<semaphore_mem>>)
        %dma_wait3A = arith.constant 0 : i32
        %dma_wait3A_179 = arith.constant 0 : i32
        %dma_wait3A_180 = tpu.memref_slice %arg6[%dma_wait3A, %dma_wait3A_179] : memref<80x128xi32, #tpu.memory_space<vmem>> -> memref<64x128xi32, #tpu.memory_space<vmem>>
        %dma_wait3A_181 = arith.constant 0 : i32
        %dma_wait3A_182 = tpu.memref_slice %arg3[%add3A_12, %dma_wait3A_181] : memref<2560x128xi32, #tpu.memory_space<hbm>> -> memref<64x128xi32, #tpu.memory_space<hbm>>
        %dma_wait3A_183 = arith.constant 0 : i32
        %dma_wait3A_184 = arith.constant 0 : i32
        %dma_wait3A_185 = tpu.memref_slice %arg6[%dma_wait3A_183, %dma_wait3A_184] : memref<80x128xi32, #tpu.memory_space<vmem>> -> memref<64x128xi32, #tpu.memory_space<vmem>>
        %dma_wait3A_186 = arith.constant 0 : i32
        %dma_wait3A_187 = tpu.memref_slice %arg3[%add3A_12, %dma_wait3A_186] : memref<2560x128xi32, #tpu.memory_space<hbm>> -> memref<64x128xi32, #tpu.memory_space<hbm>>
        tpu.wait_dma2 semaphore(%run_scoped3A : memref<!tpu.dma_semaphore, #tpu.memory_space<semaphore_mem>>) src(%dma_wait3A_187 : memref<64x128xi32, #tpu.memory_space<hbm>>) dst(%dma_wait3A_185 : memref<64x128xi32, #tpu.memory_space<vmem>>)
        tpu.yield
      }) : () -> ()
      %barrier3A_13 = arith.constant 0 : index
      tpu.barrier barrier_id(%barrier3A_13)
      %get3A = arith.constant 0 : i32
      %get3A_14 = arith.index_cast %get3A : i32 to index
      %get3A_15 = arith.constant 0 : index
      %get3A_16 = tpu.vector_load %arg6[%get3A_14, %get3A_15] {strides = array<i32>} : memref<80x128xi32, #tpu.memory_space<vmem>>, vector<1x16xi32>,
      %get3A_17 = vector.shape_cast %get3A_16 : vector<1x16xi32> to vector<16xi32>
      %and3A = arith.constant 65535 : i32
      %and3A_18 = vector.broadcast %and3A : i32 to vector<16xi32>
      %and3A_19 = arith.andi %get3A_17, %and3A_18 : vector<16xi32>
      %swap3A = arith.constant 0 : index
      %swap3A_20 = tpu.vector_load %arg7[%swap3A] {strides = array<i32>} : memref<128xi32, #tpu.memory_space<vmem>>, vector<16xi32>,
      %swap3A_21 = vector.shape_cast %swap3A_20 : vector<16xi32> to vector<16xi32>
      %swap3A_22 = vector.shape_cast %and3A_19 : vector<16xi32> to vector<16xi32>
      tpu.vector_store %arg7[%swap3A], %swap3A_22 {strides = array<i32>} : memref<128xi32, #tpu.memory_space<vmem>>, vector<16xi32>,
      %shift_right_logical3A = arith.constant 16 : i32
      %shift_right_logical3A_23 = vector.broadcast %shift_right_logical3A : i32 to vector<16xi32>
      %shift_right_logical3A_24 = arith.shrui %get3A_17, %shift_right_logical3A_23 : vector<16xi32>
      %swap3A_25 = arith.constant 0 : index
      %swap3A_26 = tpu.vector_load %arg8[%swap3A_25] {strides = array<i32>} : memref<128xi32, #tpu.memory_space<vmem>>, vector<16xi32>,
      %swap3A_27 = vector.shape_cast %swap3A_26 : vector<16xi32> to vector<16xi32>
      %swap3A_28 = vector.shape_cast %shift_right_logical3A_24 : vector<16xi32> to vector<16xi32>
      tpu.vector_store %arg8[%swap3A_25], %swap3A_28 {strides = array<i32>} : memref<128xi32, #tpu.memory_space<vmem>>, vector<16xi32>,
      %get3A_29 = arith.constant 0 : i32
      %get3A_30 = arith.index_cast %get3A_29 : i32 to index
      %get3A_31 = arith.constant 16 : index
      %get3A_32 = tpu.vector_load %arg6[%get3A_30, %get3A_31] {strides = array<i32>} : memref<80x128xi32, #tpu.memory_space<vmem>>, vector<1x16xi32>,
      %get3A_33 = vector.shape_cast %get3A_32 : vector<1x16xi32> to vector<16xi32>
      %and3A_34 = arith.constant 65535 : i32
      %and3A_35 = vector.broadcast %and3A_34 : i32 to vector<16xi32>
      %and3A_36 = arith.andi %get3A_33, %and3A_35 : vector<16xi32>
      %swap3A_37 = arith.constant 16 : index
      %swap3A_38 = tpu.vector_load %arg7[%swap3A_37] {strides = array<i32>} : memref<128xi32, #tpu.memory_space<vmem>>, vector<16xi32>,
      %swap3A_39 = vector.shape_cast %swap3A_38 : vector<16xi32> to vector<16xi32>
      %swap3A_40 = vector.shape_cast %and3A_36 : vector<16xi32> to vector<16xi32>
      tpu.vector_store %arg7[%swap3A_37], %swap3A_40 {strides = array<i32>} : memref<128xi32, #tpu.memory_space<vmem>>, vector<16xi32>,
      %shift_right_logical3A_41 = arith.constant 16 : i32
      %shift_right_logical3A_42 = vector.broadcast %shift_right_logical3A_41 : i32 to vector<16xi32>
      %shift_right_logical3A_43 = arith.shrui %get3A_33, %shift_right_logical3A_42 : vector<16xi32>
      %swap3A_44 = arith.constant 16 : index
      %swap3A_45 = tpu.vector_load %arg8[%swap3A_44] {strides = array<i32>} : memref<128xi32, #tpu.memory_space<vmem>>, vector<16xi32>,
      %swap3A_46 = vector.shape_cast %swap3A_45 : vector<16xi32> to vector<16xi32>
      %swap3A_47 = vector.shape_cast %shift_right_logical3A_43 : vector<16xi32> to vector<16xi32>
      tpu.vector_store %arg8[%swap3A_44], %swap3A_47 {strides = array<i32>} : memref<128xi32, #tpu.memory_space<vmem>>, vector<16xi32>,
      %get3A_48 = arith.constant 0 : i32
      %get3A_49 = arith.index_cast %get3A_48 : i32 to index
      %get3A_50 = arith.constant 32 : index
      %get3A_51 = tpu.vector_load %arg6[%get3A_49, %get3A_50] {strides = array<i32>} : memref<80x128xi32, #tpu.memory_space<vmem>>, vector<1x16xi32>,
      %get3A_52 = vector.shape_cast %get3A_51 : vector<1x16xi32> to vector<16xi32>
      %and3A_53 = arith.constant 65535 : i32
      %and3A_54 = vector.broadcast %and3A_53 : i32 to vector<16xi32>
      %and3A_55 = arith.andi %get3A_52, %and3A_54 : vector<16xi32>
      %swap3A_56 = arith.constant 32 : index
      %swap3A_57 = tpu.vector_load %arg7[%swap3A_56] {strides = array<i32>} : memref<128xi32, #tpu.memory_space<vmem>>, vector<16xi32>,
      %swap3A_58 = vector.shape_cast %swap3A_57 : vector<16xi32> to vector<16xi32>
      %swap3A_59 = vector.shape_cast %and3A_55 : vector<16xi32> to vector<16xi32>
      tpu.vector_store %arg7[%swap3A_56], %swap3A_59 {strides = array<i32>} : memref<128xi32, #tpu.memory_space<vmem>>, vector<16xi32>,
      %shift_right_logical3A_60 = arith.constant 16 : i32
      %shift_right_logical3A_61 = vector.broadcast %shift_right_logical3A_60 : i32 to vector<16xi32>
      %shift_right_logical3A_62 = arith.shrui %get3A_52, %shift_right_logical3A_61 : vector<16xi32>
      %swap3A_63 = arith.constant 32 : index
      %swap3A_64 = tpu.vector_load %arg8[%swap3A_63] {strides = array<i32>} : memref<128xi32, #tpu.memory_space<vmem>>, vector<16xi32>,
      %swap3A_65 = vector.shape_cast %swap3A_64 : vector<16xi32> to vector<16xi32>
      %swap3A_66 = vector.shape_cast %shift_right_logical3A_62 : vector<16xi32> to vector<16xi32>
      tpu.vector_store %arg8[%swap3A_63], %swap3A_66 {strides = array<i32>} : memref<128xi32, #tpu.memory_space<vmem>>, vector<16xi32>,
      %get3A_67 = arith.constant 0 : i32
      %get3A_68 = arith.index_cast %get3A_67 : i32 to index
      %get3A_69 = arith.constant 48 : index
      %get3A_70 = tpu.vector_load %arg6[%get3A_68, %get3A_69] {strides = array<i32>} : memref<80x128xi32, #tpu.memory_space<vmem>>, vector<1x16xi32>,
      %get3A_71 = vector.shape_cast %get3A_70 : vector<1x16xi32> to vector<16xi32>
      %and3A_72 = arith.constant 65535 : i32
      %and3A_73 = vector.broadcast %and3A_72 : i32 to vector<16xi32>
      %and3A_74 = arith.andi %get3A_71, %and3A_73 : vector<16xi32>
      %swap3A_75 = arith.constant 48 : index
      %swap3A_76 = tpu.vector_load %arg7[%swap3A_75] {strides = array<i32>} : memref<128xi32, #tpu.memory_space<vmem>>, vector<16xi32>,
      %swap3A_77 = vector.shape_cast %swap3A_76 : vector<16xi32> to vector<16xi32>
      %swap3A_78 = vector.shape_cast %and3A_74 : vector<16xi32> to vector<16xi32>
      tpu.vector_store %arg7[%swap3A_75], %swap3A_78 {strides = array<i32>} : memref<128xi32, #tpu.memory_space<vmem>>, vector<16xi32>,
      %shift_right_logical3A_79 = arith.constant 16 : i32
      %shift_right_logical3A_80 = vector.broadcast %shift_right_logical3A_79 : i32 to vector<16xi32>
      %shift_right_logical3A_81 = arith.shrui %get3A_71, %shift_right_logical3A_80 : vector<16xi32>
      %swap3A_82 = arith.constant 48 : index
      %swap3A_83 = tpu.vector_load %arg8[%swap3A_82] {strides = array<i32>} : memref<128xi32, #tpu.memory_space<vmem>>, vector<16xi32>,
      %swap3A_84 = vector.shape_cast %swap3A_83 : vector<16xi32> to vector<16xi32>
      %swap3A_85 = vector.shape_cast %shift_right_logical3A_81 : vector<16xi32> to vector<16xi32>
      tpu.vector_store %arg8[%swap3A_82], %swap3A_85 {strides = array<i32>} : memref<128xi32, #tpu.memory_space<vmem>>, vector<16xi32>,
      %get3A_86 = arith.constant 0 : i32
      %get3A_87 = arith.index_cast %get3A_86 : i32 to index
      %get3A_88 = arith.constant 64 : index
      %get3A_89 = tpu.vector_load %arg6[%get3A_87, %get3A_88] {strides = array<i32>} : memref<80x128xi32, #tpu.memory_space<vmem>>, vector<1x16xi32>,
      %get3A_90 = vector.shape_cast %get3A_89 : vector<1x16xi32> to vector<16xi32>
      %and3A_91 = arith.constant 65535 : i32
      %and3A_92 = vector.broadcast %and3A_91 : i32 to vector<16xi32>
      %and3A_93 = arith.andi %get3A_90, %and3A_92 : vector<16xi32>
      %swap3A_94 = arith.constant 64 : index
      %swap3A_95 = tpu.vector_load %arg7[%swap3A_94] {strides = array<i32>} : memref<128xi32, #tpu.memory_space<vmem>>, vector<16xi32>,
      %swap3A_96 = vector.shape_cast %swap3A_95 : vector<16xi32> to vector<16xi32>
      %swap3A_97 = vector.shape_cast %and3A_93 : vector<16xi32> to vector<16xi32>
      tpu.vector_store %arg7[%swap3A_94], %swap3A_97 {strides = array<i32>} : memref<128xi32, #tpu.memory_space<vmem>>, vector<16xi32>,
      %shift_right_logical3A_98 = arith.constant 16 : i32
      %shift_right_logical3A_99 = vector.broadcast %shift_right_logical3A_98 : i32 to vector<16xi32>
      %shift_right_logical3A_100 = arith.shrui %get3A_90, %shift_right_logical3A_99 : vector<16xi32>
      %swap3A_101 = arith.constant 64 : index
      %swap3A_102 = tpu.vector_load %arg8[%swap3A_101] {strides = array<i32>} : memref<128xi32, #tpu.memory_space<vmem>>, vector<16xi32>,
      %swap3A_103 = vector.shape_cast %swap3A_102 : vector<16xi32> to vector<16xi32>
      %swap3A_104 = vector.shape_cast %shift_right_logical3A_100 : vector<16xi32> to vector<16xi32>
      tpu.vector_store %arg8[%swap3A_101], %swap3A_104 {strides = array<i32>} : memref<128xi32, #tpu.memory_space<vmem>>, vector<16xi32>,
      %get3A_105 = arith.constant 0 : i32
      %get3A_106 = arith.index_cast %get3A_105 : i32 to index
      %get3A_107 = arith.constant 80 : index
      %get3A_108 = tpu.vector_load %arg6[%get3A_106, %get3A_107] {strides = array<i32>} : memref<80x128xi32, #tpu.memory_space<vmem>>, vector<1x16xi32>,
      %get3A_109 = vector.shape_cast %get3A_108 : vector<1x16xi32> to vector<16xi32>
      %and3A_110 = arith.constant 65535 : i32
      %and3A_111 = vector.broadcast %and3A_110 : i32 to vector<16xi32>
      %and3A_112 = arith.andi %get3A_109, %and3A_111 : vector<16xi32>
      %swap3A_113 = arith.constant 80 : index
      %swap3A_114 = tpu.vector_load %arg7[%swap3A_113] {strides = array<i32>} : memref<128xi32, #tpu.memory_space<vmem>>, vector<16xi32>,
      %swap3A_115 = vector.shape_cast %swap3A_114 : vector<16xi32> to vector<16xi32>
      %swap3A_116 = vector.shape_cast %and3A_112 : vector<16xi32> to vector<16xi32>
      tpu.vector_store %arg7[%swap3A_113], %swap3A_116 {strides = array<i32>} : memref<128xi32, #tpu.memory_space<vmem>>, vector<16xi32>,
      %shift_right_logical3A_117 = arith.constant 16 : i32
      %shift_right_logical3A_118 = vector.broadcast %shift_right_logical3A_117 : i32 to vector<16xi32>
      %shift_right_logical3A_119 = arith.shrui %get3A_109, %shift_right_logical3A_118 : vector<16xi32>
      %swap3A_120 = arith.constant 80 : index
      %swap3A_121 = tpu.vector_load %arg8[%swap3A_120] {strides = array<i32>} : memref<128xi32, #tpu.memory_space<vmem>>, vector<16xi32>,
      %swap3A_122 = vector.shape_cast %swap3A_121 : vector<16xi32> to vector<16xi32>
      %swap3A_123 = vector.shape_cast %shift_right_logical3A_119 : vector<16xi32> to vector<16xi32>
      tpu.vector_store %arg8[%swap3A_120], %swap3A_123 {strides = array<i32>} : memref<128xi32, #tpu.memory_space<vmem>>, vector<16xi32>,
      %get3A_124 = arith.constant 0 : i32
      %get3A_125 = arith.index_cast %get3A_124 : i32 to index
      %get3A_126 = arith.constant 96 : index
      %get3A_127 = tpu.vector_load %arg6[%get3A_125, %get3A_126] {strides = array<i32>} : memref<80x128xi32, #tpu.memory_space<vmem>>, vector<1x16xi32>,
      %get3A_128 = vector.shape_cast %get3A_127 : vector<1x16xi32> to vector<16xi32>
      %and3A_129 = arith.constant 65535 : i32
      %and3A_130 = vector.broadcast %and3A_129 : i32 to vector<16xi32>
      %and3A_131 = arith.andi %get3A_128, %and3A_130 : vector<16xi32>
      %swap3A_132 = arith.constant 96 : index
      %swap3A_133 = tpu.vector_load %arg7[%swap3A_132] {strides = array<i32>} : memref<128xi32, #tpu.memory_space<vmem>>, vector<16xi32>,
      %swap3A_134 = vector.shape_cast %swap3A_133 : vector<16xi32> to vector<16xi32>
      %swap3A_135 = vector.shape_cast %and3A_131 : vector<16xi32> to vector<16xi32>
      tpu.vector_store %arg7[%swap3A_132], %swap3A_135 {strides = array<i32>} : memref<128xi32, #tpu.memory_space<vmem>>, vector<16xi32>,
      %shift_right_logical3A_136 = arith.constant 16 : i32
      %shift_right_logical3A_137 = vector.broadcast %shift_right_logical3A_136 : i32 to vector<16xi32>
      %shift_right_logical3A_138 = arith.shrui %get3A_128, %shift_right_logical3A_137 : vector<16xi32>
      %swap3A_139 = arith.constant 96 : index
      %swap3A_140 = tpu.vector_load %arg8[%swap3A_139] {strides = array<i32>} : memref<128xi32, #tpu.memory_space<vmem>>, vector<16xi32>,
      %swap3A_141 = vector.shape_cast %swap3A_140 : vector<16xi32> to vector<16xi32>
      %swap3A_142 = vector.shape_cast %shift_right_logical3A_138 : vector<16xi32> to vector<16xi32>
      tpu.vector_store %arg8[%swap3A_139], %swap3A_142 {strides = array<i32>} : memref<128xi32, #tpu.memory_space<vmem>>, vector<16xi32>,
      %get3A_143 = arith.constant 0 : i32
      %get3A_144 = arith.index_cast %get3A_143 : i32 to index
      %get3A_145 = arith.constant 112 : index
      %get3A_146 = tpu.vector_load %arg6[%get3A_144, %get3A_145] {strides = array<i32>} : memref<80x128xi32, #tpu.memory_space<vmem>>, vector<1x16xi32>,
      %get3A_147 = vector.shape_cast %get3A_146 : vector<1x16xi32> to vector<16xi32>
      %and3A_148 = arith.constant 65535 : i32
      %and3A_149 = vector.broadcast %and3A_148 : i32 to vector<16xi32>
      %and3A_150 = arith.andi %get3A_147, %and3A_149 : vector<16xi32>
      %swap3A_151 = arith.constant 112 : index
      %swap3A_152 = tpu.vector_load %arg7[%swap3A_151] {strides = array<i32>} : memref<128xi32, #tpu.memory_space<vmem>>, vector<16xi32>,
      %swap3A_153 = vector.shape_cast %swap3A_152 : vector<16xi32> to vector<16xi32>
      %swap3A_154 = vector.shape_cast %and3A_150 : vector<16xi32> to vector<16xi32>
      tpu.vector_store %arg7[%swap3A_151], %swap3A_154 {strides = array<i32>} : memref<128xi32, #tpu.memory_space<vmem>>, vector<16xi32>,
      %shift_right_logical3A_155 = arith.constant 16 : i32
      %shift_right_logical3A_156 = vector.broadcast %shift_right_logical3A_155 : i32 to vector<16xi32>
      %shift_right_logical3A_157 = arith.shrui %get3A_147, %shift_right_logical3A_156 : vector<16xi32>
      %swap3A_158 = arith.constant 112 : index
      %swap3A_159 = tpu.vector_load %arg8[%swap3A_158] {strides = array<i32>} : memref<128xi32, #tpu.memory_space<vmem>>, vector<16xi32>,
      %swap3A_160 = vector.shape_cast %swap3A_159 : vector<16xi32> to vector<16xi32>
      %swap3A_161 = vector.shape_cast %shift_right_logical3A_157 : vector<16xi32> to vector<16xi32>
      tpu.vector_store %arg8[%swap3A_158], %swap3A_161 {strides = array<i32>} : memref<128xi32, #tpu.memory_space<vmem>>, vector<16xi32>,
      %dma_start3A = arith.constant 0 : i32
      %dma_start3A_162 = arith.constant 0 : i32
      %dma_start3A_163 = tpu.memref_slice %arg2[%dma_start3A, %dma_start3A_162] : memref<10000x16xf32, #tpu.memory_space<hbm>> -> memref<10000x16xf32, #tpu.memory_space<hbm>>
      tpu.enqueue_indirect_dma source(%dma_start3A_163 : memref<10000x16xf32, #tpu.memory_space<hbm>>) target(%arg11 : memref<128x16xf32, #tpu.memory_space<vmem>>) offsets(%arg7 : memref<128xi32, #tpu.memory_space<vmem>>) semaphore(%arg14 : memref<!tpu.dma_semaphore, #tpu.memory_space<semaphore_mem>>)
      %scan3A = arith.constant 0 : i32
      %scan3A_164 = arith.constant 0 : i32
      %scan3A_165 = arith.constant 32 : i32
      %scan3A_166 = arith.addi %scan3A_164, %scan3A_165 : i32
      %scan3A_167 = arith.constant 1 : i32
      scf.for %scan3A_169 = %scan3A_164 to %scan3A_166 step %scan3A_167  : i32 {
        %mul3A_170 = arith.constant 2 : i32
        %mul3A_171 = arith.muli %mul3A_170, %scan3A_169 : i32
        %add3A_172 = arith.constant 1 : i32
        %add3A_173 = arith.addi %mul3A_171, %add3A_172 : i32
        %get3A_174 = arith.index_cast %add3A_173 : i32 to index
        %get3A_175 = arith.constant 0 : index
        %get3A_176 = tpu.vector_load %arg6[%get3A_174, %get3A_175] {strides = array<i32>} : memref<80x128xi32, #tpu.memory_space<vmem>>, vector<1x16xi32>,
        %get3A_177 = vector.shape_cast %get3A_176 : vector<1x16xi32> to vector<16xi32>
        %and3A_178 = arith.constant 65535 : i32
        %and3A_179 = vector.broadcast %and3A_178 : i32 to vector<16xi32>
        %and3A_180 = arith.andi %get3A_177, %and3A_179 : vector<16xi32>
        %swap3A_181 = arith.constant 0 : index
        %swap3A_182 = tpu.vector_load %arg9[%swap3A_181] {strides = array<i32>} : memref<128xi32, #tpu.memory_space<vmem>>, vector<16xi32>,
        %swap3A_183 = vector.shape_cast %swap3A_182 : vector<16xi32> to vector<16xi32>
        %swap3A_184 = vector.shape_cast %and3A_180 : vector<16xi32> to vector<16xi32>
        tpu.vector_store %arg9[%swap3A_181], %swap3A_184 {strides = array<i32>} : memref<128xi32, #tpu.memory_space<vmem>>, vector<16xi32>,
        %shift_right_logical3A_185 = arith.constant 16 : i32
        %shift_right_logical3A_186 = vector.broadcast %shift_right_logical3A_185 : i32 to vector<16xi32>
        %shift_right_logical3A_187 = arith.shrui %get3A_177, %shift_right_logical3A_186 : vector<16xi32>
        %swap3A_188 = arith.constant 0 : index
        %swap3A_189 = tpu.vector_load %arg10[%swap3A_188] {strides = array<i32>} : memref<128xi32, #tpu.memory_space<vmem>>, vector<16xi32>,
        %swap3A_190 = vector.shape_cast %swap3A_189 : vector<16xi32> to vector<16xi32>
        %swap3A_191 = vector.shape_cast %shift_right_logical3A_187 : vector<16xi32> to vector<16xi32>
        tpu.vector_store %arg10[%swap3A_188], %swap3A_191 {strides = array<i32>} : memref<128xi32, #tpu.memory_space<vmem>>, vector<16xi32>,
        %get3A_192 = arith.index_cast %add3A_173 : i32 to index
        %get3A_193 = arith.constant 16 : index
        %get3A_194 = tpu.vector_load %arg6[%get3A_192, %get3A_193] {strides = array<i32>} : memref<80x128xi32, #tpu.memory_space<vmem>>, vector<1x16xi32>,
        %get3A_195 = vector.shape_cast %get3A_194 : vector<1x16xi32> to vector<16xi32>
        %and3A_196 = arith.constant 65535 : i32
        %and3A_197 = vector.broadcast %and3A_196 : i32 to vector<16xi32>
        %and3A_198 = arith.andi %get3A_195, %and3A_197 : vector<16xi32>
        %swap3A_199 = arith.constant 16 : index
        %swap3A_200 = tpu.vector_load %arg9[%swap3A_199] {strides = array<i32>} : memref<128xi32, #tpu.memory_space<vmem>>, vector<16xi32>,
        %swap3A_201 = vector.shape_cast %swap3A_200 : vector<16xi32> to vector<16xi32>
        %swap3A_202 = vector.shape_cast %and3A_198 : vector<16xi32> to vector<16xi32>
        tpu.vector_store %arg9[%swap3A_199], %swap3A_202 {strides = array<i32>} : memref<128xi32, #tpu.memory_space<vmem>>, vector<16xi32>,
        %shift_right_logical3A_203 = arith.constant 16 : i32
        %shift_right_logical3A_204 = vector.broadcast %shift_right_logical3A_203 : i32 to vector<16xi32>
        %shift_right_logical3A_205 = arith.shrui %get3A_195, %shift_right_logical3A_204 : vector<16xi32>
        %swap3A_206 = arith.constant 16 : index
        %swap3A_207 = tpu.vector_load %arg10[%swap3A_206] {strides = array<i32>} : memref<128xi32, #tpu.memory_space<vmem>>, vector<16xi32>,
        %swap3A_208 = vector.shape_cast %swap3A_207 : vector<16xi32> to vector<16xi32>
        %swap3A_209 = vector.shape_cast %shift_right_logical3A_205 : vector<16xi32> to vector<16xi32>
        tpu.vector_store %arg10[%swap3A_206], %swap3A_209 {strides = array<i32>} : memref<128xi32, #tpu.memory_space<vmem>>, vector<16xi32>,
        %get3A_210 = arith.index_cast %add3A_173 : i32 to index
        %get3A_211 = arith.constant 32 : index
        %get3A_212 = tpu.vector_load %arg6[%get3A_210, %get3A_211] {strides = array<i32>} : memref<80x128xi32, #tpu.memory_space<vmem>>, vector<1x16xi32>,
        %get3A_213 = vector.shape_cast %get3A_212 : vector<1x16xi32> to vector<16xi32>
        %and3A_214 = arith.constant 65535 : i32
        %and3A_215 = vector.broadcast %and3A_214 : i32 to vector<16xi32>
        %and3A_216 = arith.andi %get3A_213, %and3A_215 : vector<16xi32>
        %swap3A_217 = arith.constant 32 : index
        %swap3A_218 = tpu.vector_load %arg9[%swap3A_217] {strides = array<i32>} : memref<128xi32, #tpu.memory_space<vmem>>, vector<16xi32>,
        %swap3A_219 = vector.shape_cast %swap3A_218 : vector<16xi32> to vector<16xi32>
        %swap3A_220 = vector.shape_cast %and3A_216 : vector<16xi32> to vector<16xi32>
        tpu.vector_store %arg9[%swap3A_217], %swap3A_220 {strides = array<i32>} : memref<128xi32, #tpu.memory_space<vmem>>, vector<16xi32>,
        %shift_right_logical3A_221 = arith.constant 16 : i32
        %shift_right_logical3A_222 = vector.broadcast %shift_right_logical3A_221 : i32 to vector<16xi32>
        %shift_right_logical3A_223 = arith.shrui %get3A_213, %shift_right_logical3A_222 : vector<16xi32>
        %swap3A_224 = arith.constant 32 : index
        %swap3A_225 = tpu.vector_load %arg10[%swap3A_224] {strides = array<i32>} : memref<128xi32, #tpu.memory_space<vmem>>, vector<16xi32>,
        %swap3A_226 = vector.shape_cast %swap3A_225 : vector<16xi32> to vector<16xi32>
        %swap3A_227 = vector.shape_cast %shift_right_logical3A_223 : vector<16xi32> to vector<16xi32>
        tpu.vector_store %arg10[%swap3A_224], %swap3A_227 {strides = array<i32>} : memref<128xi32, #tpu.memory_space<vmem>>, vector<16xi32>,
        %get3A_228 = arith.index_cast %add3A_173 : i32 to index
        %get3A_229 = arith.constant 48 : index
        %get3A_230 = tpu.vector_load %arg6[%get3A_228, %get3A_229] {strides = array<i32>} : memref<80x128xi32, #tpu.memory_space<vmem>>, vector<1x16xi32>,
        %get3A_231 = vector.shape_cast %get3A_230 : vector<1x16xi32> to vector<16xi32>
        %and3A_232 = arith.constant 65535 : i32
        %and3A_233 = vector.broadcast %and3A_232 : i32 to vector<16xi32>
        %and3A_234 = arith.andi %get3A_231, %and3A_233 : vector<16xi32>
        %swap3A_235 = arith.constant 48 : index
        %swap3A_236 = tpu.vector_load %arg9[%swap3A_235] {strides = array<i32>} : memref<128xi32, #tpu.memory_space<vmem>>, vector<16xi32>,
        %swap3A_237 = vector.shape_cast %swap3A_236 : vector<16xi32> to vector<16xi32>
        %swap3A_238 = vector.shape_cast %and3A_234 : vector<16xi32> to vector<16xi32>
        tpu.vector_store %arg9[%swap3A_235], %swap3A_238 {strides = array<i32>} : memref<128xi32, #tpu.memory_space<vmem>>, vector<16xi32>,
        %shift_right_logical3A_239 = arith.constant 16 : i32
        %shift_right_logical3A_240 = vector.broadcast %shift_right_logical3A_239 : i32 to vector<16xi32>
        %shift_right_logical3A_241 = arith.shrui %get3A_231, %shift_right_logical3A_240 : vector<16xi32>
        %swap3A_242 = arith.constant 48 : index
        %swap3A_243 = tpu.vector_load %arg10[%swap3A_242] {strides = array<i32>} : memref<128xi32, #tpu.memory_space<vmem>>, vector<16xi32>,
        %swap3A_244 = vector.shape_cast %swap3A_243 : vector<16xi32> to vector<16xi32>
        %swap3A_245 = vector.shape_cast %shift_right_logical3A_241 : vector<16xi32> to vector<16xi32>
        tpu.vector_store %arg10[%swap3A_242], %swap3A_245 {strides = array<i32>} : memref<128xi32, #tpu.memory_space<vmem>>, vector<16xi32>,
        %get3A_246 = arith.index_cast %add3A_173 : i32 to index
        %get3A_247 = arith.constant 64 : index
        %get3A_248 = tpu.vector_load %arg6[%get3A_246, %get3A_247] {strides = array<i32>} : memref<80x128xi32, #tpu.memory_space<vmem>>, vector<1x16xi32>,
        %get3A_249 = vector.shape_cast %get3A_248 : vector<1x16xi32> to vector<16xi32>
        %and3A_250 = arith.constant 65535 : i32
        %and3A_251 = vector.broadcast %and3A_250 : i32 to vector<16xi32>
        %and3A_252 = arith.andi %get3A_249, %and3A_251 : vector<16xi32>
        %swap3A_253 = arith.constant 64 : index
        %swap3A_254 = tpu.vector_load %arg9[%swap3A_253] {strides = array<i32>} : memref<128xi32, #tpu.memory_space<vmem>>, vector<16xi32>,
        %swap3A_255 = vector.shape_cast %swap3A_254 : vector<16xi32> to vector<16xi32>
        %swap3A_256 = vector.shape_cast %and3A_252 : vector<16xi32> to vector<16xi32>
        tpu.vector_store %arg9[%swap3A_253], %swap3A_256 {strides = array<i32>} : memref<128xi32, #tpu.memory_space<vmem>>, vector<16xi32>,
        %shift_right_logical3A_257 = arith.constant 16 : i32
        %shift_right_logical3A_258 = vector.broadcast %shift_right_logical3A_257 : i32 to vector<16xi32>
        %shift_right_logical3A_259 = arith.shrui %get3A_249, %shift_right_logical3A_258 : vector<16xi32>
        %swap3A_260 = arith.constant 64 : index
        %swap3A_261 = tpu.vector_load %arg10[%swap3A_260] {strides = array<i32>} : memref<128xi32, #tpu.memory_space<vmem>>, vector<16xi32>,
        %swap3A_262 = vector.shape_cast %swap3A_261 : vector<16xi32> to vector<16xi32>
        %swap3A_263 = vector.shape_cast %shift_right_logical3A_259 : vector<16xi32> to vector<16xi32>
        tpu.vector_store %arg10[%swap3A_260], %swap3A_263 {strides = array<i32>} : memref<128xi32, #tpu.memory_space<vmem>>, vector<16xi32>,
        %get3A_264 = arith.index_cast %add3A_173 : i32 to index
        %get3A_265 = arith.constant 80 : index
        %get3A_266 = tpu.vector_load %arg6[%get3A_264, %get3A_265] {strides = array<i32>} : memref<80x128xi32, #tpu.memory_space<vmem>>, vector<1x16xi32>,
        %get3A_267 = vector.shape_cast %get3A_266 : vector<1x16xi32> to vector<16xi32>
        %and3A_268 = arith.constant 65535 : i32
        %and3A_269 = vector.broadcast %and3A_268 : i32 to vector<16xi32>
        %and3A_270 = arith.andi %get3A_267, %and3A_269 : vector<16xi32>
        %swap3A_271 = arith.constant 80 : index
        %swap3A_272 = tpu.vector_load %arg9[%swap3A_271] {strides = array<i32>} : memref<128xi32, #tpu.memory_space<vmem>>, vector<16xi32>,
        %swap3A_273 = vector.shape_cast %swap3A_272 : vector<16xi32> to vector<16xi32>
        %swap3A_274 = vector.shape_cast %and3A_270 : vector<16xi32> to vector<16xi32>
        tpu.vector_store %arg9[%swap3A_271], %swap3A_274 {strides = array<i32>} : memref<128xi32, #tpu.memory_space<vmem>>, vector<16xi32>,
        %shift_right_logical3A_275 = arith.constant 16 : i32
        %shift_right_logical3A_276 = vector.broadcast %shift_right_logical3A_275 : i32 to vector<16xi32>
        %shift_right_logical3A_277 = arith.shrui %get3A_267, %shift_right_logical3A_276 : vector<16xi32>
        %swap3A_278 = arith.constant 80 : index
        %swap3A_279 = tpu.vector_load %arg10[%swap3A_278] {strides = array<i32>} : memref<128xi32, #tpu.memory_space<vmem>>, vector<16xi32>,
        %swap3A_280 = vector.shape_cast %swap3A_279 : vector<16xi32> to vector<16xi32>
        %swap3A_281 = vector.shape_cast %shift_right_logical3A_277 : vector<16xi32> to vector<16xi32>
        tpu.vector_store %arg10[%swap3A_278], %swap3A_281 {strides = array<i32>} : memref<128xi32, #tpu.memory_space<vmem>>, vector<16xi32>,
        %get3A_282 = arith.index_cast %add3A_173 : i32 to index
        %get3A_283 = arith.constant 96 : index
        %get3A_284 = tpu.vector_load %arg6[%get3A_282, %get3A_283] {strides = array<i32>} : memref<80x128xi32, #tpu.memory_space<vmem>>, vector<1x16xi32>,
        %get3A_285 = vector.shape_cast %get3A_284 : vector<1x16xi32> to vector<16xi32>
        %and3A_286 = arith.constant 65535 : i32
        %and3A_287 = vector.broadcast %and3A_286 : i32 to vector<16xi32>
        %and3A_288 = arith.andi %get3A_285, %and3A_287 : vector<16xi32>
        %swap3A_289 = arith.constant 96 : index
        %swap3A_290 = tpu.vector_load %arg9[%swap3A_289] {strides = array<i32>} : memref<128xi32, #tpu.memory_space<vmem>>, vector<16xi32>,
        %swap3A_291 = vector.shape_cast %swap3A_290 : vector<16xi32> to vector<16xi32>
        %swap3A_292 = vector.shape_cast %and3A_288 : vector<16xi32> to vector<16xi32>
        tpu.vector_store %arg9[%swap3A_289], %swap3A_292 {strides = array<i32>} : memref<128xi32, #tpu.memory_space<vmem>>, vector<16xi32>,
        %shift_right_logical3A_293 = arith.constant 16 : i32
        %shift_right_logical3A_294 = vector.broadcast %shift_right_logical3A_293 : i32 to vector<16xi32>
        %shift_right_logical3A_295 = arith.shrui %get3A_285, %shift_right_logical3A_294 : vector<16xi32>
        %swap3A_296 = arith.constant 96 : index
        %swap3A_297 = tpu.vector_load %arg10[%swap3A_296] {strides = array<i32>} : memref<128xi32, #tpu.memory_space<vmem>>, vector<16xi32>,
        %swap3A_298 = vector.shape_cast %swap3A_297 : vector<16xi32> to vector<16xi32>
        %swap3A_299 = vector.shape_cast %shift_right_logical3A_295 : vector<16xi32> to vector<16xi32>
        tpu.vector_store %arg10[%swap3A_296], %swap3A_299 {strides = array<i32>} : memref<128xi32, #tpu.memory_space<vmem>>, vector<16xi32>,
        %get3A_300 = arith.index_cast %add3A_173 : i32 to index
        %get3A_301 = arith.constant 112 : index
        %get3A_302 = tpu.vector_load %arg6[%get3A_300, %get3A_301] {strides = array<i32>} : memref<80x128xi32, #tpu.memory_space<vmem>>, vector<1x16xi32>,
        %get3A_303 = vector.shape_cast %get3A_302 : vector<1x16xi32> to vector<16xi32>
        %and3A_304 = arith.constant 65535 : i32
        %and3A_305 = vector.broadcast %and3A_304 : i32 to vector<16xi32>
        %and3A_306 = arith.andi %get3A_303, %and3A_305 : vector<16xi32>
        %swap3A_307 = arith.constant 112 : index
        %swap3A_308 = tpu.vector_load %arg9[%swap3A_307] {strides = array<i32>} : memref<128xi32, #tpu.memory_space<vmem>>, vector<16xi32>,
        %swap3A_309 = vector.shape_cast %swap3A_308 : vector<16xi32> to vector<16xi32>
        %swap3A_310 = vector.shape_cast %and3A_306 : vector<16xi32> to vector<16xi32>
        tpu.vector_store %arg9[%swap3A_307], %swap3A_310 {strides = array<i32>} : memref<128xi32, #tpu.memory_space<vmem>>, vector<16xi32>,
        %shift_right_logical3A_311 = arith.constant 16 : i32
        %shift_right_logical3A_312 = vector.broadcast %shift_right_logical3A_311 : i32 to vector<16xi32>
        %shift_right_logical3A_313 = arith.shrui %get3A_303, %shift_right_logical3A_312 : vector<16xi32>
        %swap3A_314 = arith.constant 112 : index
        %swap3A_315 = tpu.vector_load %arg10[%swap3A_314] {strides = array<i32>} : memref<128xi32, #tpu.memory_space<vmem>>, vector<16xi32>,
        %swap3A_316 = vector.shape_cast %swap3A_315 : vector<16xi32> to vector<16xi32>
        %swap3A_317 = vector.shape_cast %shift_right_logical3A_313 : vector<16xi32> to vector<16xi32>
        tpu.vector_store %arg10[%swap3A_314], %swap3A_317 {strides = array<i32>} : memref<128xi32, #tpu.memory_space<vmem>>, vector<16xi32>,
        %dma_start3A_318 = arith.constant 0 : i32
        %dma_start3A_319 = arith.constant 0 : i32
        %dma_start3A_320 = tpu.memref_slice %arg2[%dma_start3A_318, %dma_start3A_319] : memref<10000x16xf32, #tpu.memory_space<hbm>> -> memref<10000x16xf32, #tpu.memory_space<hbm>>
        tpu.enqueue_indirect_dma source(%dma_start3A_320 : memref<10000x16xf32, #tpu.memory_space<hbm>>) target(%arg12 : memref<128x16xf32, #tpu.memory_space<vmem>>) offsets(%arg9 : memref<128xi32, #tpu.memory_space<vmem>>) semaphore(%arg15 : memref<!tpu.dma_semaphore, #tpu.memory_space<semaphore_mem>>)
        %dma_wait3A = arith.constant 0 : i32
        %dma_wait3A_321 = arith.constant 0 : i32
        %dma_wait3A_322 = tpu.memref_slice %arg2[%dma_wait3A, %dma_wait3A_321] : memref<10000x16xf32, #tpu.memory_space<hbm>> -> memref<10000x16xf32, #tpu.memory_space<hbm>>
        tpu.wait_indirect_dma semaphore(%arg14 : memref<!tpu.dma_semaphore, #tpu.memory_space<semaphore_mem>>) src(%dma_wait3A_322 : memref<10000x16xf32, #tpu.memory_space<hbm>>) dst(%arg11 : memref<128x16xf32, #tpu.memory_space<vmem>>)
        "tpu.region"() ({
          %run_scoped3A = tpu.sem_alloc : memref<!tpu.dma_semaphore, #tpu.memory_space<semaphore_mem>>
          %dma_start3A_330 = arith.constant 0 : i32
          %dma_start3A_331 = arith.constant 0 : i32
          %dma_start3A_332 = tpu.memref_slice %arg13[%dma_start3A_330, %dma_start3A_331] : memref<10016x16xf32, #tpu.memory_space<vmem_shared>> -> memref<10016x16xf32, #tpu.memory_space<vmem_shared>>
          tpu.enqueue_indirect_dma source(%arg11 : memref<128x16xf32, #tpu.memory_space<vmem>>) target(%dma_start3A_332 : memref<10016x16xf32, #tpu.memory_space<vmem_shared>>) offsets(%arg8 : memref<128xi32, #tpu.memory_space<vmem>>) semaphore(%run_scoped3A : memref<!tpu.dma_semaphore, #tpu.memory_space<semaphore_mem>>) {add = true}
          %dma_wait3A_333 = arith.constant 0 : i32
          %dma_wait3A_334 = arith.constant 0 : i32
          %dma_wait3A_335 = tpu.memref_slice %arg13[%dma_wait3A_333, %dma_wait3A_334] : memref<10016x16xf32, #tpu.memory_space<vmem_shared>> -> memref<10016x16xf32, #tpu.memory_space<vmem_shared>>
          tpu.wait_indirect_dma semaphore(%run_scoped3A : memref<!tpu.dma_semaphore, #tpu.memory_space<semaphore_mem>>) src(%arg11 : memref<128x16xf32, #tpu.memory_space<vmem>>) dst(%dma_wait3A_335 : memref<10016x16xf32, #tpu.memory_space<vmem_shared>>)
          tpu.yield
        }) : () -> ()
        %lt3A = arith.constant 31 : i32
        %lt3A_323 = arith.cmpi slt, %scan3A_169, %lt3A : i32
        %convert_element_type3A_324 = arith.extui %lt3A_323 : i1 to i32
        %cond3A_325 = arith.constant 0 : i32
        %cond3A_326 = arith.cmpi ne, %convert_element_type3A_324, %cond3A_325 : i32
        scf.if %cond3A_326 {
          %add3A_330 = arith.constant 2 : i32
          %add3A_331 = arith.addi %mul3A_171, %add3A_330 : i32
          %get3A_332 = arith.index_cast %add3A_331 : i32 to index
          %get3A_333 = arith.constant 0 : index
          %get3A_334 = tpu.vector_load %arg6[%get3A_332, %get3A_333] {strides = array<i32>} : memref<80x128xi32, #tpu.memory_space<vmem>>, vector<1x16xi32>,
          %get3A_335 = vector.shape_cast %get3A_334 : vector<1x16xi32> to vector<16xi32>
          %and3A_336 = arith.constant 65535 : i32
          %and3A_337 = vector.broadcast %and3A_336 : i32 to vector<16xi32>
          %and3A_338 = arith.andi %get3A_335, %and3A_337 : vector<16xi32>
          %swap3A_339 = arith.constant 0 : index
          %swap3A_340 = tpu.vector_load %arg7[%swap3A_339] {strides = array<i32>} : memref<128xi32, #tpu.memory_space<vmem>>, vector<16xi32>,
          %swap3A_341 = vector.shape_cast %swap3A_340 : vector<16xi32> to vector<16xi32>
          %swap3A_342 = vector.shape_cast %and3A_338 : vector<16xi32> to vector<16xi32>
          tpu.vector_store %arg7[%swap3A_339], %swap3A_342 {strides = array<i32>} : memref<128xi32, #tpu.memory_space<vmem>>, vector<16xi32>,
          %shift_right_logical3A_343 = arith.constant 16 : i32
          %shift_right_logical3A_344 = vector.broadcast %shift_right_logical3A_343 : i32 to vector<16xi32>
          %shift_right_logical3A_345 = arith.shrui %get3A_335, %shift_right_logical3A_344 : vector<16xi32>
          %swap3A_346 = arith.constant 0 : index
          %swap3A_347 = tpu.vector_load %arg8[%swap3A_346] {strides = array<i32>} : memref<128xi32, #tpu.memory_space<vmem>>, vector<16xi32>,
          %swap3A_348 = vector.shape_cast %swap3A_347 : vector<16xi32> to vector<16xi32>
          %swap3A_349 = vector.shape_cast %shift_right_logical3A_345 : vector<16xi32> to vector<16xi32>
          tpu.vector_store %arg8[%swap3A_346], %swap3A_349 {strides = array<i32>} : memref<128xi32, #tpu.memory_space<vmem>>, vector<16xi32>,
          %get3A_350 = arith.index_cast %add3A_331 : i32 to index
          %get3A_351 = arith.constant 16 : index
          %get3A_352 = tpu.vector_load %arg6[%get3A_350, %get3A_351] {strides = array<i32>} : memref<80x128xi32, #tpu.memory_space<vmem>>, vector<1x16xi32>,
          %get3A_353 = vector.shape_cast %get3A_352 : vector<1x16xi32> to vector<16xi32>
          %and3A_354 = arith.constant 65535 : i32
          %and3A_355 = vector.broadcast %and3A_354 : i32 to vector<16xi32>
          %and3A_356 = arith.andi %get3A_353, %and3A_355 : vector<16xi32>
          %swap3A_357 = arith.constant 16 : index
          %swap3A_358 = tpu.vector_load %arg7[%swap3A_357] {strides = array<i32>} : memref<128xi32, #tpu.memory_space<vmem>>, vector<16xi32>,
          %swap3A_359 = vector.shape_cast %swap3A_358 : vector<16xi32> to vector<16xi32>
          %swap3A_360 = vector.shape_cast %and3A_356 : vector<16xi32> to vector<16xi32>
          tpu.vector_store %arg7[%swap3A_357], %swap3A_360 {strides = array<i32>} : memref<128xi32, #tpu.memory_space<vmem>>, vector<16xi32>,
          %shift_right_logical3A_361 = arith.constant 16 : i32
          %shift_right_logical3A_362 = vector.broadcast %shift_right_logical3A_361 : i32 to vector<16xi32>
          %shift_right_logical3A_363 = arith.shrui %get3A_353, %shift_right_logical3A_362 : vector<16xi32>
          %swap3A_364 = arith.constant 16 : index
          %swap3A_365 = tpu.vector_load %arg8[%swap3A_364] {strides = array<i32>} : memref<128xi32, #tpu.memory_space<vmem>>, vector<16xi32>,
          %swap3A_366 = vector.shape_cast %swap3A_365 : vector<16xi32> to vector<16xi32>
          %swap3A_367 = vector.shape_cast %shift_right_logical3A_363 : vector<16xi32> to vector<16xi32>
          tpu.vector_store %arg8[%swap3A_364], %swap3A_367 {strides = array<i32>} : memref<128xi32, #tpu.memory_space<vmem>>, vector<16xi32>,
          %get3A_368 = arith.index_cast %add3A_331 : i32 to index
          %get3A_369 = arith.constant 32 : index
          %get3A_370 = tpu.vector_load %arg6[%get3A_368, %get3A_369] {strides = array<i32>} : memref<80x128xi32, #tpu.memory_space<vmem>>, vector<1x16xi32>,
          %get3A_371 = vector.shape_cast %get3A_370 : vector<1x16xi32> to vector<16xi32>
          %and3A_372 = arith.constant 65535 : i32
          %and3A_373 = vector.broadcast %and3A_372 : i32 to vector<16xi32>
          %and3A_374 = arith.andi %get3A_371, %and3A_373 : vector<16xi32>
          %swap3A_375 = arith.constant 32 : index
          %swap3A_376 = tpu.vector_load %arg7[%swap3A_375] {strides = array<i32>} : memref<128xi32, #tpu.memory_space<vmem>>, vector<16xi32>,
          %swap3A_377 = vector.shape_cast %swap3A_376 : vector<16xi32> to vector<16xi32>
          %swap3A_378 = vector.shape_cast %and3A_374 : vector<16xi32> to vector<16xi32>
          tpu.vector_store %arg7[%swap3A_375], %swap3A_378 {strides = array<i32>} : memref<128xi32, #tpu.memory_space<vmem>>, vector<16xi32>,
          %shift_right_logical3A_379 = arith.constant 16 : i32
          %shift_right_logical3A_380 = vector.broadcast %shift_right_logical3A_379 : i32 to vector<16xi32>
          %shift_right_logical3A_381 = arith.shrui %get3A_371, %shift_right_logical3A_380 : vector<16xi32>
          %swap3A_382 = arith.constant 32 : index
          %swap3A_383 = tpu.vector_load %arg8[%swap3A_382] {strides = array<i32>} : memref<128xi32, #tpu.memory_space<vmem>>, vector<16xi32>,
          %swap3A_384 = vector.shape_cast %swap3A_383 : vector<16xi32> to vector<16xi32>
          %swap3A_385 = vector.shape_cast %shift_right_logical3A_381 : vector<16xi32> to vector<16xi32>
          tpu.vector_store %arg8[%swap3A_382], %swap3A_385 {strides = array<i32>} : memref<128xi32, #tpu.memory_space<vmem>>, vector<16xi32>,
          %get3A_386 = arith.index_cast %add3A_331 : i32 to index
          %get3A_387 = arith.constant 48 : index
          %get3A_388 = tpu.vector_load %arg6[%get3A_386, %get3A_387] {strides = array<i32>} : memref<80x128xi32, #tpu.memory_space<vmem>>, vector<1x16xi32>,
          %get3A_389 = vector.shape_cast %get3A_388 : vector<1x16xi32> to vector<16xi32>
          %and3A_390 = arith.constant 65535 : i32
          %and3A_391 = vector.broadcast %and3A_390 : i32 to vector<16xi32>
          %and3A_392 = arith.andi %get3A_389, %and3A_391 : vector<16xi32>
          %swap3A_393 = arith.constant 48 : index
          %swap3A_394 = tpu.vector_load %arg7[%swap3A_393] {strides = array<i32>} : memref<128xi32, #tpu.memory_space<vmem>>, vector<16xi32>,
          %swap3A_395 = vector.shape_cast %swap3A_394 : vector<16xi32> to vector<16xi32>
          %swap3A_396 = vector.shape_cast %and3A_392 : vector<16xi32> to vector<16xi32>
          tpu.vector_store %arg7[%swap3A_393], %swap3A_396 {strides = array<i32>} : memref<128xi32, #tpu.memory_space<vmem>>, vector<16xi32>,
          %shift_right_logical3A_397 = arith.constant 16 : i32
          %shift_right_logical3A_398 = vector.broadcast %shift_right_logical3A_397 : i32 to vector<16xi32>
          %shift_right_logical3A_399 = arith.shrui %get3A_389, %shift_right_logical3A_398 : vector<16xi32>
          %swap3A_400 = arith.constant 48 : index
          %swap3A_401 = tpu.vector_load %arg8[%swap3A_400] {strides = array<i32>} : memref<128xi32, #tpu.memory_space<vmem>>, vector<16xi32>,
          %swap3A_402 = vector.shape_cast %swap3A_401 : vector<16xi32> to vector<16xi32>
          %swap3A_403 = vector.shape_cast %shift_right_logical3A_399 : vector<16xi32> to vector<16xi32>
          tpu.vector_store %arg8[%swap3A_400], %swap3A_403 {strides = array<i32>} : memref<128xi32, #tpu.memory_space<vmem>>, vector<16xi32>,
          %get3A_404 = arith.index_cast %add3A_331 : i32 to index
          %get3A_405 = arith.constant 64 : index
          %get3A_406 = tpu.vector_load %arg6[%get3A_404, %get3A_405] {strides = array<i32>} : memref<80x128xi32, #tpu.memory_space<vmem>>, vector<1x16xi32>,
          %get3A_407 = vector.shape_cast %get3A_406 : vector<1x16xi32> to vector<16xi32>
          %and3A_408 = arith.constant 65535 : i32
          %and3A_409 = vector.broadcast %and3A_408 : i32 to vector<16xi32>
          %and3A_410 = arith.andi %get3A_407, %and3A_409 : vector<16xi32>
          %swap3A_411 = arith.constant 64 : index
          %swap3A_412 = tpu.vector_load %arg7[%swap3A_411] {strides = array<i32>} : memref<128xi32, #tpu.memory_space<vmem>>, vector<16xi32>,
          %swap3A_413 = vector.shape_cast %swap3A_412 : vector<16xi32> to vector<16xi32>
          %swap3A_414 = vector.shape_cast %and3A_410 : vector<16xi32> to vector<16xi32>
          tpu.vector_store %arg7[%swap3A_411], %swap3A_414 {strides = array<i32>} : memref<128xi32, #tpu.memory_space<vmem>>, vector<16xi32>,
          %shift_right_logical3A_415 = arith.constant 16 : i32
          %shift_right_logical3A_416 = vector.broadcast %shift_right_logical3A_415 : i32 to vector<16xi32>
          %shift_right_logical3A_417 = arith.shrui %get3A_407, %shift_right_logical3A_416 : vector<16xi32>
          %swap3A_418 = arith.constant 64 : index
          %swap3A_419 = tpu.vector_load %arg8[%swap3A_418] {strides = array<i32>} : memref<128xi32, #tpu.memory_space<vmem>>, vector<16xi32>,
          %swap3A_420 = vector.shape_cast %swap3A_419 : vector<16xi32> to vector<16xi32>
          %swap3A_421 = vector.shape_cast %shift_right_logical3A_417 : vector<16xi32> to vector<16xi32>
          tpu.vector_store %arg8[%swap3A_418], %swap3A_421 {strides = array<i32>} : memref<128xi32, #tpu.memory_space<vmem>>, vector<16xi32>,
          %get3A_422 = arith.index_cast %add3A_331 : i32 to index
          %get3A_423 = arith.constant 80 : index
          %get3A_424 = tpu.vector_load %arg6[%get3A_422, %get3A_423] {strides = array<i32>} : memref<80x128xi32, #tpu.memory_space<vmem>>, vector<1x16xi32>,
          %get3A_425 = vector.shape_cast %get3A_424 : vector<1x16xi32> to vector<16xi32>
          %and3A_426 = arith.constant 65535 : i32
          %and3A_427 = vector.broadcast %and3A_426 : i32 to vector<16xi32>
          %and3A_428 = arith.andi %get3A_425, %and3A_427 : vector<16xi32>
          %swap3A_429 = arith.constant 80 : index
          %swap3A_430 = tpu.vector_load %arg7[%swap3A_429] {strides = array<i32>} : memref<128xi32, #tpu.memory_space<vmem>>, vector<16xi32>,
          %swap3A_431 = vector.shape_cast %swap3A_430 : vector<16xi32> to vector<16xi32>
          %swap3A_432 = vector.shape_cast %and3A_428 : vector<16xi32> to vector<16xi32>
          tpu.vector_store %arg7[%swap3A_429], %swap3A_432 {strides = array<i32>} : memref<128xi32, #tpu.memory_space<vmem>>, vector<16xi32>,
          %shift_right_logical3A_433 = arith.constant 16 : i32
          %shift_right_logical3A_434 = vector.broadcast %shift_right_logical3A_433 : i32 to vector<16xi32>
          %shift_right_logical3A_435 = arith.shrui %get3A_425, %shift_right_logical3A_434 : vector<16xi32>
          %swap3A_436 = arith.constant 80 : index
          %swap3A_437 = tpu.vector_load %arg8[%swap3A_436] {strides = array<i32>} : memref<128xi32, #tpu.memory_space<vmem>>, vector<16xi32>,
          %swap3A_438 = vector.shape_cast %swap3A_437 : vector<16xi32> to vector<16xi32>
          %swap3A_439 = vector.shape_cast %shift_right_logical3A_435 : vector<16xi32> to vector<16xi32>
          tpu.vector_store %arg8[%swap3A_436], %swap3A_439 {strides = array<i32>} : memref<128xi32, #tpu.memory_space<vmem>>, vector<16xi32>,
          %get3A_440 = arith.index_cast %add3A_331 : i32 to index
          %get3A_441 = arith.constant 96 : index
          %get3A_442 = tpu.vector_load %arg6[%get3A_440, %get3A_441] {strides = array<i32>} : memref<80x128xi32, #tpu.memory_space<vmem>>, vector<1x16xi32>,
          %get3A_443 = vector.shape_cast %get3A_442 : vector<1x16xi32> to vector<16xi32>
          %and3A_444 = arith.constant 65535 : i32
          %and3A_445 = vector.broadcast %and3A_444 : i32 to vector<16xi32>
          %and3A_446 = arith.andi %get3A_443, %and3A_445 : vector<16xi32>
          %swap3A_447 = arith.constant 96 : index
          %swap3A_448 = tpu.vector_load %arg7[%swap3A_447] {strides = array<i32>} : memref<128xi32, #tpu.memory_space<vmem>>, vector<16xi32>,
          %swap3A_449 = vector.shape_cast %swap3A_448 : vector<16xi32> to vector<16xi32>
          %swap3A_450 = vector.shape_cast %and3A_446 : vector<16xi32> to vector<16xi32>
          tpu.vector_store %arg7[%swap3A_447], %swap3A_450 {strides = array<i32>} : memref<128xi32, #tpu.memory_space<vmem>>, vector<16xi32>,
          %shift_right_logical3A_451 = arith.constant 16 : i32
          %shift_right_logical3A_452 = vector.broadcast %shift_right_logical3A_451 : i32 to vector<16xi32>
          %shift_right_logical3A_453 = arith.shrui %get3A_443, %shift_right_logical3A_452 : vector<16xi32>
          %swap3A_454 = arith.constant 96 : index
          %swap3A_455 = tpu.vector_load %arg8[%swap3A_454] {strides = array<i32>} : memref<128xi32, #tpu.memory_space<vmem>>, vector<16xi32>,
          %swap3A_456 = vector.shape_cast %swap3A_455 : vector<16xi32> to vector<16xi32>
          %swap3A_457 = vector.shape_cast %shift_right_logical3A_453 : vector<16xi32> to vector<16xi32>
          tpu.vector_store %arg8[%swap3A_454], %swap3A_457 {strides = array<i32>} : memref<128xi32, #tpu.memory_space<vmem>>, vector<16xi32>,
          %get3A_458 = arith.index_cast %add3A_331 : i32 to index
          %get3A_459 = arith.constant 112 : index
          %get3A_460 = tpu.vector_load %arg6[%get3A_458, %get3A_459] {strides = array<i32>} : memref<80x128xi32, #tpu.memory_space<vmem>>, vector<1x16xi32>,
          %get3A_461 = vector.shape_cast %get3A_460 : vector<1x16xi32> to vector<16xi32>
          %and3A_462 = arith.constant 65535 : i32
          %and3A_463 = vector.broadcast %and3A_462 : i32 to vector<16xi32>
          %and3A_464 = arith.andi %get3A_461, %and3A_463 : vector<16xi32>
          %swap3A_465 = arith.constant 112 : index
          %swap3A_466 = tpu.vector_load %arg7[%swap3A_465] {strides = array<i32>} : memref<128xi32, #tpu.memory_space<vmem>>, vector<16xi32>,
          %swap3A_467 = vector.shape_cast %swap3A_466 : vector<16xi32> to vector<16xi32>
          %swap3A_468 = vector.shape_cast %and3A_464 : vector<16xi32> to vector<16xi32>
          tpu.vector_store %arg7[%swap3A_465], %swap3A_468 {strides = array<i32>} : memref<128xi32, #tpu.memory_space<vmem>>, vector<16xi32>,
          %shift_right_logical3A_469 = arith.constant 16 : i32
          %shift_right_logical3A_470 = vector.broadcast %shift_right_logical3A_469 : i32 to vector<16xi32>
          %shift_right_logical3A_471 = arith.shrui %get3A_461, %shift_right_logical3A_470 : vector<16xi32>
          %swap3A_472 = arith.constant 112 : index
          %swap3A_473 = tpu.vector_load %arg8[%swap3A_472] {strides = array<i32>} : memref<128xi32, #tpu.memory_space<vmem>>, vector<16xi32>,
          %swap3A_474 = vector.shape_cast %swap3A_473 : vector<16xi32> to vector<16xi32>
          %swap3A_475 = vector.shape_cast %shift_right_logical3A_471 : vector<16xi32> to vector<16xi32>
          tpu.vector_store %arg8[%swap3A_472], %swap3A_475 {strides = array<i32>} : memref<128xi32, #tpu.memory_space<vmem>>, vector<16xi32>,
          %dma_start3A_476 = arith.constant 0 : i32
          %dma_start3A_477 = arith.constant 0 : i32
          %dma_start3A_478 = tpu.memref_slice %arg2[%dma_start3A_476, %dma_start3A_477] : memref<10000x16xf32, #tpu.memory_space<hbm>> -> memref<10000x16xf32, #tpu.memory_space<hbm>>
          tpu.enqueue_indirect_dma source(%dma_start3A_478 : memref<10000x16xf32, #tpu.memory_space<hbm>>) target(%arg11 : memref<128x16xf32, #tpu.memory_space<vmem>>) offsets(%arg7 : memref<128xi32, #tpu.memory_space<vmem>>) semaphore(%arg14 : memref<!tpu.dma_semaphore, #tpu.memory_space<semaphore_mem>>)
        } else {
        }
        %dma_wait3A_327 = arith.constant 0 : i32
        %dma_wait3A_328 = arith.constant 0 : i32
        %dma_wait3A_329 = tpu.memref_slice %arg2[%dma_wait3A_327, %dma_wait3A_328] : memref<10000x16xf32, #tpu.memory_space<hbm>> -> memref<10000x16xf32, #tpu.memory_space<hbm>>
        tpu.wait_indirect_dma semaphore(%arg15 : memref<!tpu.dma_semaphore, #tpu.memory_space<semaphore_mem>>) src(%dma_wait3A_329 : memref<10000x16xf32, #tpu.memory_space<hbm>>) dst(%arg12 : memref<128x16xf32, #tpu.memory_space<vmem>>)
        "tpu.region"() ({
          %run_scoped3A = tpu.sem_alloc : memref<!tpu.dma_semaphore, #tpu.memory_space<semaphore_mem>>
          %dma_start3A_330 = arith.constant 0 : i32
          %dma_start3A_331 = arith.constant 0 : i32
          %dma_start3A_332 = tpu.memref_slice %arg13[%dma_start3A_330, %dma_start3A_331] : memref<10016x16xf32, #tpu.memory_space<vmem_shared>> -> memref<10016x16xf32, #tpu.memory_space<vmem_shared>>
          tpu.enqueue_indirect_dma source(%arg12 : memref<128x16xf32, #tpu.memory_space<vmem>>) target(%dma_start3A_332 : memref<10016x16xf32, #tpu.memory_space<vmem_shared>>) offsets(%arg10 : memref<128xi32, #tpu.memory_space<vmem>>) semaphore(%run_scoped3A : memref<!tpu.dma_semaphore, #tpu.memory_space<semaphore_mem>>) {add = true}
          %dma_wait3A_333 = arith.constant 0 : i32
          %dma_wait3A_334 = arith.constant 0 : i32
          %dma_wait3A_335 = tpu.memref_slice %arg13[%dma_wait3A_333, %dma_wait3A_334] : memref<10016x16xf32, #tpu.memory_space<vmem_shared>> -> memref<10016x16xf32, #tpu.memory_space<vmem_shared>>
          tpu.wait_indirect_dma semaphore(%run_scoped3A : memref<!tpu.dma_semaphore, #tpu.memory_space<semaphore_mem>>) src(%arg12 : memref<128x16xf32, #tpu.memory_space<vmem>>) dst(%dma_wait3A_335 : memref<10016x16xf32, #tpu.memory_space<vmem_shared>>)
          tpu.yield
        }) : () -> ()
      }
      %scan3A_168 = arith.constant 32 : i32
    } else {
    }
    %barrier3A = arith.constant 0 : index
    tpu.barrier barrier_id(%barrier3A)
    "tpu.region"() ({
      %run_scoped3A = tpu.sem_alloc : memref<!tpu.dma_semaphore, #tpu.memory_space<semaphore_mem>>
      %dma_start3A = arith.constant 0 : i32
      %dma_start3A_8 = tpu.memref_slice %arg5[%arg0, %mul3A_0, %dma_start3A] : memref<2x10016x16xf32, #tpu.memory_space<hbm>> -> memref<1x626x16xf32, #tpu.memory_space<hbm>>
      %dma_start3A_9 = tpu.memref_squeeze %dma_start3A_8 : memref<1x626x16xf32, #tpu.memory_space<hbm>> -> memref<626x16xf32, #tpu.memory_space<hbm>>
      %dma_start3A_10 = arith.constant 0 : i32
      %dma_start3A_11 = tpu.memref_slice %arg13[%mul3A_0, %dma_start3A_10] : memref<10016x16xf32, #tpu.memory_space<vmem_shared>> -> memref<626x16xf32, #tpu.memory_space<vmem_shared>>
      tpu.enqueue_dma source(%dma_start3A_11 : memref<626x16xf32, #tpu.memory_space<vmem_shared>>) target(%dma_start3A_9 : memref<626x16xf32, #tpu.memory_space<hbm>>) target_semaphore(%run_scoped3A : memref<!tpu.dma_semaphore, #tpu.memory_space<semaphore_mem>>)
      %dma_wait3A = arith.constant 0 : i32
      %dma_wait3A_12 = tpu.memref_slice %arg5[%arg0, %mul3A_0, %dma_wait3A] : memref<2x10016x16xf32, #tpu.memory_space<hbm>> -> memref<1x626x16xf32, #tpu.memory_space<hbm>>
      %dma_wait3A_13 = tpu.memref_squeeze %dma_wait3A_12 : memref<1x626x16xf32, #tpu.memory_space<hbm>> -> memref<626x16xf32, #tpu.memory_space<hbm>>
      %dma_wait3A_14 = arith.constant 0 : i32
      %dma_wait3A_15 = tpu.memref_slice %arg13[%mul3A_0, %dma_wait3A_14] : memref<10016x16xf32, #tpu.memory_space<vmem_shared>> -> memref<626x16xf32, #tpu.memory_space<vmem_shared>>
      tpu.wait_dma2 semaphore(%run_scoped3A : memref<!tpu.dma_semaphore, #tpu.memory_space<semaphore_mem>>) src(%dma_wait3A_15 : memref<626x16xf32, #tpu.memory_space<vmem_shared>>) dst(%dma_wait3A_13 : memref<626x16xf32, #tpu.memory_space<hbm>>)
      tpu.yield
    }) : () -> ()
    return
  }
}

#map = affine_map<(d0, d1) -> (0, 0)>
#map1 = affine_map<(d0, d1) -> (0, 0, 0)>
module attributes {stable_mosaic.version = 14 : i64} {
  func.func @kern(%arg0: i32, %arg1: i32, %arg2: memref<10000x64xf32, #tpu.memory_space<hbm>>, %arg3: memref<10000x64xf32, #tpu.memory_space<hbm>>, %arg4: memref<2560x128xi32, #tpu.memory_space<hbm>>, %arg5: memref<626x64xf32, #tpu.memory_space<hbm>>, %arg6: memref<2x10016x64xf32, #tpu.memory_space<hbm>>, %arg7: memref<160x128xi32, #tpu.memory_space<vmem>>, %arg8: memref<128xi32, #tpu.memory_space<vmem>>, %arg9: memref<128xi32, #tpu.memory_space<vmem>>, %arg10: memref<128xi32, #tpu.memory_space<vmem>>, %arg11: memref<128xi32, #tpu.memory_space<vmem>>, %arg12: memref<128x64xf32, #tpu.memory_space<vmem>>, %arg13: memref<128x64xf32, #tpu.memory_space<vmem>>, %arg14: memref<10016x64xf32, #tpu.memory_space<vmem_shared>>, %arg15: memref<!tpu.dma_semaphore, #tpu.memory_space<semaphore_mem>>, %arg16: memref<!tpu.dma_semaphore, #tpu.memory_space<semaphore_mem>>) attributes {dimension_semantics = [#tpu.dimension_semantics<core_parallel>, #tpu.dimension_semantics<subcore_parallel>], iteration_bounds = array<i64: 2, 16>, scalar_prefetch = 0 : i64, scratch_operands = 10 : i64, tpu.core_type = #tpu.core_type<sc_vector_subcore>, window_params = [{transform_indices = #map}, {transform_indices = #map}, {transform_indices = #map}, {transform_indices = #map}, {transform_indices = #map1}]} {
    %mul3A = arith.constant 626 : i32
    %mul3A_0 = arith.muli %arg1, %mul3A : i32
    "tpu.region"() ({
      %run_scoped3A = tpu.sem_alloc : memref<!tpu.dma_semaphore, #tpu.memory_space<semaphore_mem>>
      %dma_start3A = arith.constant 0 : i32
      %dma_start3A_8 = tpu.memref_slice %arg14[%mul3A_0, %dma_start3A] : memref<10016x64xf32, #tpu.memory_space<vmem_shared>> -> memref<626x64xf32, #tpu.memory_space<vmem_shared>>
      tpu.enqueue_dma source(%arg5 : memref<626x64xf32, #tpu.memory_space<hbm>>) target(%dma_start3A_8 : memref<626x64xf32, #tpu.memory_space<vmem_shared>>) target_semaphore(%run_scoped3A : memref<!tpu.dma_semaphore, #tpu.memory_space<semaphore_mem>>)
      %dma_wait3A = arith.constant 0 : i32
      %dma_wait3A_9 = tpu.memref_slice %arg14[%mul3A_0, %dma_wait3A] : memref<10016x64xf32, #tpu.memory_space<vmem_shared>> -> memref<626x64xf32, #tpu.memory_space<vmem_shared>>
      tpu.wait_dma2 semaphore(%run_scoped3A : memref<!tpu.dma_semaphore, #tpu.memory_space<semaphore_mem>>) src(%arg5 : memref<626x64xf32, #tpu.memory_space<hbm>>) dst(%dma_wait3A_9 : memref<626x64xf32, #tpu.memory_space<vmem_shared>>)
      tpu.yield
    }) : () -> ()
    %eq3A = arith.constant 0 : i32
    %eq3A_1 = arith.cmpi eq, %arg0, %eq3A : i32
    %convert_element_type3A = arith.extui %eq3A_1 : i1 to i32
    %cond3A = arith.constant 0 : i32
    %cond3A_2 = arith.cmpi ne, %convert_element_type3A, %cond3A : i32
    scf.if %cond3A_2 {
      %mul3A_8 = arith.constant 160 : i32
      %mul3A_9 = arith.muli %arg1, %mul3A_8 : i32
      "tpu.region"() ({
        %run_scoped3A = tpu.sem_alloc : memref<!tpu.dma_semaphore, #tpu.memory_space<semaphore_mem>>
        %dma_start3A_166 = arith.constant 0 : i32
        %dma_start3A_167 = tpu.memref_slice %arg4[%mul3A_9, %dma_start3A_166] : memref<2560x128xi32, #tpu.memory_space<hbm>> -> memref<160x128xi32, #tpu.memory_space<hbm>>
        %dma_start3A_168 = arith.constant 0 : i32
        %dma_start3A_169 = tpu.memref_slice %arg4[%mul3A_9, %dma_start3A_168] : memref<2560x128xi32, #tpu.memory_space<hbm>> -> memref<160x128xi32, #tpu.memory_space<hbm>>
        tpu.enqueue_dma source(%dma_start3A_169 : memref<160x128xi32, #tpu.memory_space<hbm>>) target(%arg7 : memref<160x128xi32, #tpu.memory_space<vmem>>) target_semaphore(%run_scoped3A : memref<!tpu.dma_semaphore, #tpu.memory_space<semaphore_mem>>)
        %dma_wait3A = arith.constant 0 : i32
        %dma_wait3A_170 = tpu.memref_slice %arg4[%mul3A_9, %dma_wait3A] : memref<2560x128xi32, #tpu.memory_space<hbm>> -> memref<160x128xi32, #tpu.memory_space<hbm>>
        %dma_wait3A_171 = arith.constant 0 : i32
        %dma_wait3A_172 = tpu.memref_slice %arg4[%mul3A_9, %dma_wait3A_171] : memref<2560x128xi32, #tpu.memory_space<hbm>> -> memref<160x128xi32, #tpu.memory_space<hbm>>
        tpu.wait_dma2 semaphore(%run_scoped3A : memref<!tpu.dma_semaphore, #tpu.memory_space<semaphore_mem>>) src(%dma_wait3A_172 : memref<160x128xi32, #tpu.memory_space<hbm>>) dst(%arg7 : memref<160x128xi32, #tpu.memory_space<vmem>>)
        tpu.yield
      }) : () -> ()
      %barrier3A_10 = arith.constant 0 : index
      tpu.barrier barrier_id(%barrier3A_10)
      %get3A = arith.constant 0 : i32
      %get3A_11 = arith.index_cast %get3A : i32 to index
      %get3A_12 = arith.constant 0 : index
      %get3A_13 = tpu.vector_load %arg7[%get3A_11, %get3A_12] {strides = array<i32>} : memref<160x128xi32, #tpu.memory_space<vmem>>, vector<1x16xi32>,
      %get3A_14 = vector.shape_cast %get3A_13 : vector<1x16xi32> to vector<16xi32>
      %and3A = arith.constant 65535 : i32
      %and3A_15 = vector.broadcast %and3A : i32 to vector<16xi32>
      %and3A_16 = arith.andi %get3A_14, %and3A_15 : vector<16xi32>
      %swap3A = arith.constant 0 : index
      %swap3A_17 = tpu.vector_load %arg8[%swap3A] {strides = array<i32>} : memref<128xi32, #tpu.memory_space<vmem>>, vector<16xi32>,
      %swap3A_18 = vector.shape_cast %swap3A_17 : vector<16xi32> to vector<16xi32>
      %swap3A_19 = vector.shape_cast %and3A_16 : vector<16xi32> to vector<16xi32>
      tpu.vector_store %arg8[%swap3A], %swap3A_19 {strides = array<i32>} : memref<128xi32, #tpu.memory_space<vmem>>, vector<16xi32>,
      %shift_right_logical3A = arith.constant 16 : i32
      %shift_right_logical3A_20 = vector.broadcast %shift_right_logical3A : i32 to vector<16xi32>
      %shift_right_logical3A_21 = arith.shrui %get3A_14, %shift_right_logical3A_20 : vector<16xi32>
      %swap3A_22 = arith.constant 0 : index
      %swap3A_23 = tpu.vector_load %arg9[%swap3A_22] {strides = array<i32>} : memref<128xi32, #tpu.memory_space<vmem>>, vector<16xi32>,
      %swap3A_24 = vector.shape_cast %swap3A_23 : vector<16xi32> to vector<16xi32>
      %swap3A_25 = vector.shape_cast %shift_right_logical3A_21 : vector<16xi32> to vector<16xi32>
      tpu.vector_store %arg9[%swap3A_22], %swap3A_25 {strides = array<i32>} : memref<128xi32, #tpu.memory_space<vmem>>, vector<16xi32>,
      %get3A_26 = arith.constant 0 : i32
      %get3A_27 = arith.index_cast %get3A_26 : i32 to index
      %get3A_28 = arith.constant 16 : index
      %get3A_29 = tpu.vector_load %arg7[%get3A_27, %get3A_28] {strides = array<i32>} : memref<160x128xi32, #tpu.memory_space<vmem>>, vector<1x16xi32>,
      %get3A_30 = vector.shape_cast %get3A_29 : vector<1x16xi32> to vector<16xi32>
      %and3A_31 = arith.constant 65535 : i32
      %and3A_32 = vector.broadcast %and3A_31 : i32 to vector<16xi32>
      %and3A_33 = arith.andi %get3A_30, %and3A_32 : vector<16xi32>
      %swap3A_34 = arith.constant 16 : index
      %swap3A_35 = tpu.vector_load %arg8[%swap3A_34] {strides = array<i32>} : memref<128xi32, #tpu.memory_space<vmem>>, vector<16xi32>,
      %swap3A_36 = vector.shape_cast %swap3A_35 : vector<16xi32> to vector<16xi32>
      %swap3A_37 = vector.shape_cast %and3A_33 : vector<16xi32> to vector<16xi32>
      tpu.vector_store %arg8[%swap3A_34], %swap3A_37 {strides = array<i32>} : memref<128xi32, #tpu.memory_space<vmem>>, vector<16xi32>,
      %shift_right_logical3A_38 = arith.constant 16 : i32
      %shift_right_logical3A_39 = vector.broadcast %shift_right_logical3A_38 : i32 to vector<16xi32>
      %shift_right_logical3A_40 = arith.shrui %get3A_30, %shift_right_logical3A_39 : vector<16xi32>
      %swap3A_41 = arith.constant 16 : index
      %swap3A_42 = tpu.vector_load %arg9[%swap3A_41] {strides = array<i32>} : memref<128xi32, #tpu.memory_space<vmem>>, vector<16xi32>,
      %swap3A_43 = vector.shape_cast %swap3A_42 : vector<16xi32> to vector<16xi32>
      %swap3A_44 = vector.shape_cast %shift_right_logical3A_40 : vector<16xi32> to vector<16xi32>
      tpu.vector_store %arg9[%swap3A_41], %swap3A_44 {strides = array<i32>} : memref<128xi32, #tpu.memory_space<vmem>>, vector<16xi32>,
      %get3A_45 = arith.constant 0 : i32
      %get3A_46 = arith.index_cast %get3A_45 : i32 to index
      %get3A_47 = arith.constant 32 : index
      %get3A_48 = tpu.vector_load %arg7[%get3A_46, %get3A_47] {strides = array<i32>} : memref<160x128xi32, #tpu.memory_space<vmem>>, vector<1x16xi32>,
      %get3A_49 = vector.shape_cast %get3A_48 : vector<1x16xi32> to vector<16xi32>
      %and3A_50 = arith.constant 65535 : i32
      %and3A_51 = vector.broadcast %and3A_50 : i32 to vector<16xi32>
      %and3A_52 = arith.andi %get3A_49, %and3A_51 : vector<16xi32>
      %swap3A_53 = arith.constant 32 : index
      %swap3A_54 = tpu.vector_load %arg8[%swap3A_53] {strides = array<i32>} : memref<128xi32, #tpu.memory_space<vmem>>, vector<16xi32>,
      %swap3A_55 = vector.shape_cast %swap3A_54 : vector<16xi32> to vector<16xi32>
      %swap3A_56 = vector.shape_cast %and3A_52 : vector<16xi32> to vector<16xi32>
      tpu.vector_store %arg8[%swap3A_53], %swap3A_56 {strides = array<i32>} : memref<128xi32, #tpu.memory_space<vmem>>, vector<16xi32>,
      %shift_right_logical3A_57 = arith.constant 16 : i32
      %shift_right_logical3A_58 = vector.broadcast %shift_right_logical3A_57 : i32 to vector<16xi32>
      %shift_right_logical3A_59 = arith.shrui %get3A_49, %shift_right_logical3A_58 : vector<16xi32>
      %swap3A_60 = arith.constant 32 : index
      %swap3A_61 = tpu.vector_load %arg9[%swap3A_60] {strides = array<i32>} : memref<128xi32, #tpu.memory_space<vmem>>, vector<16xi32>,
      %swap3A_62 = vector.shape_cast %swap3A_61 : vector<16xi32> to vector<16xi32>
      %swap3A_63 = vector.shape_cast %shift_right_logical3A_59 : vector<16xi32> to vector<16xi32>
      tpu.vector_store %arg9[%swap3A_60], %swap3A_63 {strides = array<i32>} : memref<128xi32, #tpu.memory_space<vmem>>, vector<16xi32>,
      %get3A_64 = arith.constant 0 : i32
      %get3A_65 = arith.index_cast %get3A_64 : i32 to index
      %get3A_66 = arith.constant 48 : index
      %get3A_67 = tpu.vector_load %arg7[%get3A_65, %get3A_66] {strides = array<i32>} : memref<160x128xi32, #tpu.memory_space<vmem>>, vector<1x16xi32>,
      %get3A_68 = vector.shape_cast %get3A_67 : vector<1x16xi32> to vector<16xi32>
      %and3A_69 = arith.constant 65535 : i32
      %and3A_70 = vector.broadcast %and3A_69 : i32 to vector<16xi32>
      %and3A_71 = arith.andi %get3A_68, %and3A_70 : vector<16xi32>
      %swap3A_72 = arith.constant 48 : index
      %swap3A_73 = tpu.vector_load %arg8[%swap3A_72] {strides = array<i32>} : memref<128xi32, #tpu.memory_space<vmem>>, vector<16xi32>,
      %swap3A_74 = vector.shape_cast %swap3A_73 : vector<16xi32> to vector<16xi32>
      %swap3A_75 = vector.shape_cast %and3A_71 : vector<16xi32> to vector<16xi32>
      tpu.vector_store %arg8[%swap3A_72], %swap3A_75 {strides = array<i32>} : memref<128xi32, #tpu.memory_space<vmem>>, vector<16xi32>,
      %shift_right_logical3A_76 = arith.constant 16 : i32
      %shift_right_logical3A_77 = vector.broadcast %shift_right_logical3A_76 : i32 to vector<16xi32>
      %shift_right_logical3A_78 = arith.shrui %get3A_68, %shift_right_logical3A_77 : vector<16xi32>
      %swap3A_79 = arith.constant 48 : index
      %swap3A_80 = tpu.vector_load %arg9[%swap3A_79] {strides = array<i32>} : memref<128xi32, #tpu.memory_space<vmem>>, vector<16xi32>,
      %swap3A_81 = vector.shape_cast %swap3A_80 : vector<16xi32> to vector<16xi32>
      %swap3A_82 = vector.shape_cast %shift_right_logical3A_78 : vector<16xi32> to vector<16xi32>
      tpu.vector_store %arg9[%swap3A_79], %swap3A_82 {strides = array<i32>} : memref<128xi32, #tpu.memory_space<vmem>>, vector<16xi32>,
      %get3A_83 = arith.constant 0 : i32
      %get3A_84 = arith.index_cast %get3A_83 : i32 to index
      %get3A_85 = arith.constant 64 : index
      %get3A_86 = tpu.vector_load %arg7[%get3A_84, %get3A_85] {strides = array<i32>} : memref<160x128xi32, #tpu.memory_space<vmem>>, vector<1x16xi32>,
      %get3A_87 = vector.shape_cast %get3A_86 : vector<1x16xi32> to vector<16xi32>
      %and3A_88 = arith.constant 65535 : i32
      %and3A_89 = vector.broadcast %and3A_88 : i32 to vector<16xi32>
      %and3A_90 = arith.andi %get3A_87, %and3A_89 : vector<16xi32>
      %swap3A_91 = arith.constant 64 : index
      %swap3A_92 = tpu.vector_load %arg8[%swap3A_91] {strides = array<i32>} : memref<128xi32, #tpu.memory_space<vmem>>, vector<16xi32>,
      %swap3A_93 = vector.shape_cast %swap3A_92 : vector<16xi32> to vector<16xi32>
      %swap3A_94 = vector.shape_cast %and3A_90 : vector<16xi32> to vector<16xi32>
      tpu.vector_store %arg8[%swap3A_91], %swap3A_94 {strides = array<i32>} : memref<128xi32, #tpu.memory_space<vmem>>, vector<16xi32>,
      %shift_right_logical3A_95 = arith.constant 16 : i32
      %shift_right_logical3A_96 = vector.broadcast %shift_right_logical3A_95 : i32 to vector<16xi32>
      %shift_right_logical3A_97 = arith.shrui %get3A_87, %shift_right_logical3A_96 : vector<16xi32>
      %swap3A_98 = arith.constant 64 : index
      %swap3A_99 = tpu.vector_load %arg9[%swap3A_98] {strides = array<i32>} : memref<128xi32, #tpu.memory_space<vmem>>, vector<16xi32>,
      %swap3A_100 = vector.shape_cast %swap3A_99 : vector<16xi32> to vector<16xi32>
      %swap3A_101 = vector.shape_cast %shift_right_logical3A_97 : vector<16xi32> to vector<16xi32>
      tpu.vector_store %arg9[%swap3A_98], %swap3A_101 {strides = array<i32>} : memref<128xi32, #tpu.memory_space<vmem>>, vector<16xi32>,
      %get3A_102 = arith.constant 0 : i32
      %get3A_103 = arith.index_cast %get3A_102 : i32 to index
      %get3A_104 = arith.constant 80 : index
      %get3A_105 = tpu.vector_load %arg7[%get3A_103, %get3A_104] {strides = array<i32>} : memref<160x128xi32, #tpu.memory_space<vmem>>, vector<1x16xi32>,
      %get3A_106 = vector.shape_cast %get3A_105 : vector<1x16xi32> to vector<16xi32>
      %and3A_107 = arith.constant 65535 : i32
      %and3A_108 = vector.broadcast %and3A_107 : i32 to vector<16xi32>
      %and3A_109 = arith.andi %get3A_106, %and3A_108 : vector<16xi32>
      %swap3A_110 = arith.constant 80 : index
      %swap3A_111 = tpu.vector_load %arg8[%swap3A_110] {strides = array<i32>} : memref<128xi32, #tpu.memory_space<vmem>>, vector<16xi32>,
      %swap3A_112 = vector.shape_cast %swap3A_111 : vector<16xi32> to vector<16xi32>
      %swap3A_113 = vector.shape_cast %and3A_109 : vector<16xi32> to vector<16xi32>
      tpu.vector_store %arg8[%swap3A_110], %swap3A_113 {strides = array<i32>} : memref<128xi32, #tpu.memory_space<vmem>>, vector<16xi32>,
      %shift_right_logical3A_114 = arith.constant 16 : i32
      %shift_right_logical3A_115 = vector.broadcast %shift_right_logical3A_114 : i32 to vector<16xi32>
      %shift_right_logical3A_116 = arith.shrui %get3A_106, %shift_right_logical3A_115 : vector<16xi32>
      %swap3A_117 = arith.constant 80 : index
      %swap3A_118 = tpu.vector_load %arg9[%swap3A_117] {strides = array<i32>} : memref<128xi32, #tpu.memory_space<vmem>>, vector<16xi32>,
      %swap3A_119 = vector.shape_cast %swap3A_118 : vector<16xi32> to vector<16xi32>
      %swap3A_120 = vector.shape_cast %shift_right_logical3A_116 : vector<16xi32> to vector<16xi32>
      tpu.vector_store %arg9[%swap3A_117], %swap3A_120 {strides = array<i32>} : memref<128xi32, #tpu.memory_space<vmem>>, vector<16xi32>,
      %get3A_121 = arith.constant 0 : i32
      %get3A_122 = arith.index_cast %get3A_121 : i32 to index
      %get3A_123 = arith.constant 96 : index
      %get3A_124 = tpu.vector_load %arg7[%get3A_122, %get3A_123] {strides = array<i32>} : memref<160x128xi32, #tpu.memory_space<vmem>>, vector<1x16xi32>,
      %get3A_125 = vector.shape_cast %get3A_124 : vector<1x16xi32> to vector<16xi32>
      %and3A_126 = arith.constant 65535 : i32
      %and3A_127 = vector.broadcast %and3A_126 : i32 to vector<16xi32>
      %and3A_128 = arith.andi %get3A_125, %and3A_127 : vector<16xi32>
      %swap3A_129 = arith.constant 96 : index
      %swap3A_130 = tpu.vector_load %arg8[%swap3A_129] {strides = array<i32>} : memref<128xi32, #tpu.memory_space<vmem>>, vector<16xi32>,
      %swap3A_131 = vector.shape_cast %swap3A_130 : vector<16xi32> to vector<16xi32>
      %swap3A_132 = vector.shape_cast %and3A_128 : vector<16xi32> to vector<16xi32>
      tpu.vector_store %arg8[%swap3A_129], %swap3A_132 {strides = array<i32>} : memref<128xi32, #tpu.memory_space<vmem>>, vector<16xi32>,
      %shift_right_logical3A_133 = arith.constant 16 : i32
      %shift_right_logical3A_134 = vector.broadcast %shift_right_logical3A_133 : i32 to vector<16xi32>
      %shift_right_logical3A_135 = arith.shrui %get3A_125, %shift_right_logical3A_134 : vector<16xi32>
      %swap3A_136 = arith.constant 96 : index
      %swap3A_137 = tpu.vector_load %arg9[%swap3A_136] {strides = array<i32>} : memref<128xi32, #tpu.memory_space<vmem>>, vector<16xi32>,
      %swap3A_138 = vector.shape_cast %swap3A_137 : vector<16xi32> to vector<16xi32>
      %swap3A_139 = vector.shape_cast %shift_right_logical3A_135 : vector<16xi32> to vector<16xi32>
      tpu.vector_store %arg9[%swap3A_136], %swap3A_139 {strides = array<i32>} : memref<128xi32, #tpu.memory_space<vmem>>, vector<16xi32>,
      %get3A_140 = arith.constant 0 : i32
      %get3A_141 = arith.index_cast %get3A_140 : i32 to index
      %get3A_142 = arith.constant 112 : index
      %get3A_143 = tpu.vector_load %arg7[%get3A_141, %get3A_142] {strides = array<i32>} : memref<160x128xi32, #tpu.memory_space<vmem>>, vector<1x16xi32>,
      %get3A_144 = vector.shape_cast %get3A_143 : vector<1x16xi32> to vector<16xi32>
      %and3A_145 = arith.constant 65535 : i32
      %and3A_146 = vector.broadcast %and3A_145 : i32 to vector<16xi32>
      %and3A_147 = arith.andi %get3A_144, %and3A_146 : vector<16xi32>
      %swap3A_148 = arith.constant 112 : index
      %swap3A_149 = tpu.vector_load %arg8[%swap3A_148] {strides = array<i32>} : memref<128xi32, #tpu.memory_space<vmem>>, vector<16xi32>,
      %swap3A_150 = vector.shape_cast %swap3A_149 : vector<16xi32> to vector<16xi32>
      %swap3A_151 = vector.shape_cast %and3A_147 : vector<16xi32> to vector<16xi32>
      tpu.vector_store %arg8[%swap3A_148], %swap3A_151 {strides = array<i32>} : memref<128xi32, #tpu.memory_space<vmem>>, vector<16xi32>,
      %shift_right_logical3A_152 = arith.constant 16 : i32
      %shift_right_logical3A_153 = vector.broadcast %shift_right_logical3A_152 : i32 to vector<16xi32>
      %shift_right_logical3A_154 = arith.shrui %get3A_144, %shift_right_logical3A_153 : vector<16xi32>
      %swap3A_155 = arith.constant 112 : index
      %swap3A_156 = tpu.vector_load %arg9[%swap3A_155] {strides = array<i32>} : memref<128xi32, #tpu.memory_space<vmem>>, vector<16xi32>,
      %swap3A_157 = vector.shape_cast %swap3A_156 : vector<16xi32> to vector<16xi32>
      %swap3A_158 = vector.shape_cast %shift_right_logical3A_154 : vector<16xi32> to vector<16xi32>
      tpu.vector_store %arg9[%swap3A_155], %swap3A_158 {strides = array<i32>} : memref<128xi32, #tpu.memory_space<vmem>>, vector<16xi32>,
      %dma_start3A = arith.constant 0 : i32
      %dma_start3A_159 = arith.constant 0 : i32
      %dma_start3A_160 = tpu.memref_slice %arg2[%dma_start3A, %dma_start3A_159] : memref<10000x64xf32, #tpu.memory_space<hbm>> -> memref<10000x64xf32, #tpu.memory_space<hbm>>
      tpu.enqueue_indirect_dma source(%dma_start3A_160 : memref<10000x64xf32, #tpu.memory_space<hbm>>) target(%arg12 : memref<128x64xf32, #tpu.memory_space<vmem>>) offsets(%arg8 : memref<128xi32, #tpu.memory_space<vmem>>) semaphore(%arg15 : memref<!tpu.dma_semaphore, #tpu.memory_space<semaphore_mem>>)
      %scan3A = arith.constant 0 : i32
      %scan3A_161 = arith.constant 0 : i32
      %scan3A_162 = arith.constant 80 : i32
      %scan3A_163 = arith.addi %scan3A_161, %scan3A_162 : i32
      %scan3A_164 = arith.constant 1 : i32
      scf.for %scan3A_166 = %scan3A_161 to %scan3A_163 step %scan3A_164  : i32 {
        %mul3A_167 = arith.constant 2 : i32
        %mul3A_168 = arith.muli %mul3A_167, %scan3A_166 : i32
        %add3A = arith.constant 1 : i32
        %add3A_169 = arith.addi %mul3A_168, %add3A : i32
        %get3A_170 = arith.index_cast %add3A_169 : i32 to index
        %get3A_171 = arith.constant 0 : index
        %get3A_172 = tpu.vector_load %arg7[%get3A_170, %get3A_171] {strides = array<i32>} : memref<160x128xi32, #tpu.memory_space<vmem>>, vector<1x16xi32>,
        %get3A_173 = vector.shape_cast %get3A_172 : vector<1x16xi32> to vector<16xi32>
        %and3A_174 = arith.constant 65535 : i32
        %and3A_175 = vector.broadcast %and3A_174 : i32 to vector<16xi32>
        %and3A_176 = arith.andi %get3A_173, %and3A_175 : vector<16xi32>
        %swap3A_177 = arith.constant 0 : index
        %swap3A_178 = tpu.vector_load %arg10[%swap3A_177] {strides = array<i32>} : memref<128xi32, #tpu.memory_space<vmem>>, vector<16xi32>,
        %swap3A_179 = vector.shape_cast %swap3A_178 : vector<16xi32> to vector<16xi32>
        %swap3A_180 = vector.shape_cast %and3A_176 : vector<16xi32> to vector<16xi32>
        tpu.vector_store %arg10[%swap3A_177], %swap3A_180 {strides = array<i32>} : memref<128xi32, #tpu.memory_space<vmem>>, vector<16xi32>,
        %shift_right_logical3A_181 = arith.constant 16 : i32
        %shift_right_logical3A_182 = vector.broadcast %shift_right_logical3A_181 : i32 to vector<16xi32>
        %shift_right_logical3A_183 = arith.shrui %get3A_173, %shift_right_logical3A_182 : vector<16xi32>
        %swap3A_184 = arith.constant 0 : index
        %swap3A_185 = tpu.vector_load %arg11[%swap3A_184] {strides = array<i32>} : memref<128xi32, #tpu.memory_space<vmem>>, vector<16xi32>,
        %swap3A_186 = vector.shape_cast %swap3A_185 : vector<16xi32> to vector<16xi32>
        %swap3A_187 = vector.shape_cast %shift_right_logical3A_183 : vector<16xi32> to vector<16xi32>
        tpu.vector_store %arg11[%swap3A_184], %swap3A_187 {strides = array<i32>} : memref<128xi32, #tpu.memory_space<vmem>>, vector<16xi32>,
        %get3A_188 = arith.index_cast %add3A_169 : i32 to index
        %get3A_189 = arith.constant 16 : index
        %get3A_190 = tpu.vector_load %arg7[%get3A_188, %get3A_189] {strides = array<i32>} : memref<160x128xi32, #tpu.memory_space<vmem>>, vector<1x16xi32>,
        %get3A_191 = vector.shape_cast %get3A_190 : vector<1x16xi32> to vector<16xi32>
        %and3A_192 = arith.constant 65535 : i32
        %and3A_193 = vector.broadcast %and3A_192 : i32 to vector<16xi32>
        %and3A_194 = arith.andi %get3A_191, %and3A_193 : vector<16xi32>
        %swap3A_195 = arith.constant 16 : index
        %swap3A_196 = tpu.vector_load %arg10[%swap3A_195] {strides = array<i32>} : memref<128xi32, #tpu.memory_space<vmem>>, vector<16xi32>,
        %swap3A_197 = vector.shape_cast %swap3A_196 : vector<16xi32> to vector<16xi32>
        %swap3A_198 = vector.shape_cast %and3A_194 : vector<16xi32> to vector<16xi32>
        tpu.vector_store %arg10[%swap3A_195], %swap3A_198 {strides = array<i32>} : memref<128xi32, #tpu.memory_space<vmem>>, vector<16xi32>,
        %shift_right_logical3A_199 = arith.constant 16 : i32
        %shift_right_logical3A_200 = vector.broadcast %shift_right_logical3A_199 : i32 to vector<16xi32>
        %shift_right_logical3A_201 = arith.shrui %get3A_191, %shift_right_logical3A_200 : vector<16xi32>
        %swap3A_202 = arith.constant 16 : index
        %swap3A_203 = tpu.vector_load %arg11[%swap3A_202] {strides = array<i32>} : memref<128xi32, #tpu.memory_space<vmem>>, vector<16xi32>,
        %swap3A_204 = vector.shape_cast %swap3A_203 : vector<16xi32> to vector<16xi32>
        %swap3A_205 = vector.shape_cast %shift_right_logical3A_201 : vector<16xi32> to vector<16xi32>
        tpu.vector_store %arg11[%swap3A_202], %swap3A_205 {strides = array<i32>} : memref<128xi32, #tpu.memory_space<vmem>>, vector<16xi32>,
        %get3A_206 = arith.index_cast %add3A_169 : i32 to index
        %get3A_207 = arith.constant 32 : index
        %get3A_208 = tpu.vector_load %arg7[%get3A_206, %get3A_207] {strides = array<i32>} : memref<160x128xi32, #tpu.memory_space<vmem>>, vector<1x16xi32>,
        %get3A_209 = vector.shape_cast %get3A_208 : vector<1x16xi32> to vector<16xi32>
        %and3A_210 = arith.constant 65535 : i32
        %and3A_211 = vector.broadcast %and3A_210 : i32 to vector<16xi32>
        %and3A_212 = arith.andi %get3A_209, %and3A_211 : vector<16xi32>
        %swap3A_213 = arith.constant 32 : index
        %swap3A_214 = tpu.vector_load %arg10[%swap3A_213] {strides = array<i32>} : memref<128xi32, #tpu.memory_space<vmem>>, vector<16xi32>,
        %swap3A_215 = vector.shape_cast %swap3A_214 : vector<16xi32> to vector<16xi32>
        %swap3A_216 = vector.shape_cast %and3A_212 : vector<16xi32> to vector<16xi32>
        tpu.vector_store %arg10[%swap3A_213], %swap3A_216 {strides = array<i32>} : memref<128xi32, #tpu.memory_space<vmem>>, vector<16xi32>,
        %shift_right_logical3A_217 = arith.constant 16 : i32
        %shift_right_logical3A_218 = vector.broadcast %shift_right_logical3A_217 : i32 to vector<16xi32>
        %shift_right_logical3A_219 = arith.shrui %get3A_209, %shift_right_logical3A_218 : vector<16xi32>
        %swap3A_220 = arith.constant 32 : index
        %swap3A_221 = tpu.vector_load %arg11[%swap3A_220] {strides = array<i32>} : memref<128xi32, #tpu.memory_space<vmem>>, vector<16xi32>,
        %swap3A_222 = vector.shape_cast %swap3A_221 : vector<16xi32> to vector<16xi32>
        %swap3A_223 = vector.shape_cast %shift_right_logical3A_219 : vector<16xi32> to vector<16xi32>
        tpu.vector_store %arg11[%swap3A_220], %swap3A_223 {strides = array<i32>} : memref<128xi32, #tpu.memory_space<vmem>>, vector<16xi32>,
        %get3A_224 = arith.index_cast %add3A_169 : i32 to index
        %get3A_225 = arith.constant 48 : index
        %get3A_226 = tpu.vector_load %arg7[%get3A_224, %get3A_225] {strides = array<i32>} : memref<160x128xi32, #tpu.memory_space<vmem>>, vector<1x16xi32>,
        %get3A_227 = vector.shape_cast %get3A_226 : vector<1x16xi32> to vector<16xi32>
        %and3A_228 = arith.constant 65535 : i32
        %and3A_229 = vector.broadcast %and3A_228 : i32 to vector<16xi32>
        %and3A_230 = arith.andi %get3A_227, %and3A_229 : vector<16xi32>
        %swap3A_231 = arith.constant 48 : index
        %swap3A_232 = tpu.vector_load %arg10[%swap3A_231] {strides = array<i32>} : memref<128xi32, #tpu.memory_space<vmem>>, vector<16xi32>,
        %swap3A_233 = vector.shape_cast %swap3A_232 : vector<16xi32> to vector<16xi32>
        %swap3A_234 = vector.shape_cast %and3A_230 : vector<16xi32> to vector<16xi32>
        tpu.vector_store %arg10[%swap3A_231], %swap3A_234 {strides = array<i32>} : memref<128xi32, #tpu.memory_space<vmem>>, vector<16xi32>,
        %shift_right_logical3A_235 = arith.constant 16 : i32
        %shift_right_logical3A_236 = vector.broadcast %shift_right_logical3A_235 : i32 to vector<16xi32>
        %shift_right_logical3A_237 = arith.shrui %get3A_227, %shift_right_logical3A_236 : vector<16xi32>
        %swap3A_238 = arith.constant 48 : index
        %swap3A_239 = tpu.vector_load %arg11[%swap3A_238] {strides = array<i32>} : memref<128xi32, #tpu.memory_space<vmem>>, vector<16xi32>,
        %swap3A_240 = vector.shape_cast %swap3A_239 : vector<16xi32> to vector<16xi32>
        %swap3A_241 = vector.shape_cast %shift_right_logical3A_237 : vector<16xi32> to vector<16xi32>
        tpu.vector_store %arg11[%swap3A_238], %swap3A_241 {strides = array<i32>} : memref<128xi32, #tpu.memory_space<vmem>>, vector<16xi32>,
        %get3A_242 = arith.index_cast %add3A_169 : i32 to index
        %get3A_243 = arith.constant 64 : index
        %get3A_244 = tpu.vector_load %arg7[%get3A_242, %get3A_243] {strides = array<i32>} : memref<160x128xi32, #tpu.memory_space<vmem>>, vector<1x16xi32>,
        %get3A_245 = vector.shape_cast %get3A_244 : vector<1x16xi32> to vector<16xi32>
        %and3A_246 = arith.constant 65535 : i32
        %and3A_247 = vector.broadcast %and3A_246 : i32 to vector<16xi32>
        %and3A_248 = arith.andi %get3A_245, %and3A_247 : vector<16xi32>
        %swap3A_249 = arith.constant 64 : index
        %swap3A_250 = tpu.vector_load %arg10[%swap3A_249] {strides = array<i32>} : memref<128xi32, #tpu.memory_space<vmem>>, vector<16xi32>,
        %swap3A_251 = vector.shape_cast %swap3A_250 : vector<16xi32> to vector<16xi32>
        %swap3A_252 = vector.shape_cast %and3A_248 : vector<16xi32> to vector<16xi32>
        tpu.vector_store %arg10[%swap3A_249], %swap3A_252 {strides = array<i32>} : memref<128xi32, #tpu.memory_space<vmem>>, vector<16xi32>,
        %shift_right_logical3A_253 = arith.constant 16 : i32
        %shift_right_logical3A_254 = vector.broadcast %shift_right_logical3A_253 : i32 to vector<16xi32>
        %shift_right_logical3A_255 = arith.shrui %get3A_245, %shift_right_logical3A_254 : vector<16xi32>
        %swap3A_256 = arith.constant 64 : index
        %swap3A_257 = tpu.vector_load %arg11[%swap3A_256] {strides = array<i32>} : memref<128xi32, #tpu.memory_space<vmem>>, vector<16xi32>,
        %swap3A_258 = vector.shape_cast %swap3A_257 : vector<16xi32> to vector<16xi32>
        %swap3A_259 = vector.shape_cast %shift_right_logical3A_255 : vector<16xi32> to vector<16xi32>
        tpu.vector_store %arg11[%swap3A_256], %swap3A_259 {strides = array<i32>} : memref<128xi32, #tpu.memory_space<vmem>>, vector<16xi32>,
        %get3A_260 = arith.index_cast %add3A_169 : i32 to index
        %get3A_261 = arith.constant 80 : index
        %get3A_262 = tpu.vector_load %arg7[%get3A_260, %get3A_261] {strides = array<i32>} : memref<160x128xi32, #tpu.memory_space<vmem>>, vector<1x16xi32>,
        %get3A_263 = vector.shape_cast %get3A_262 : vector<1x16xi32> to vector<16xi32>
        %and3A_264 = arith.constant 65535 : i32
        %and3A_265 = vector.broadcast %and3A_264 : i32 to vector<16xi32>
        %and3A_266 = arith.andi %get3A_263, %and3A_265 : vector<16xi32>
        %swap3A_267 = arith.constant 80 : index
        %swap3A_268 = tpu.vector_load %arg10[%swap3A_267] {strides = array<i32>} : memref<128xi32, #tpu.memory_space<vmem>>, vector<16xi32>,
        %swap3A_269 = vector.shape_cast %swap3A_268 : vector<16xi32> to vector<16xi32>
        %swap3A_270 = vector.shape_cast %and3A_266 : vector<16xi32> to vector<16xi32>
        tpu.vector_store %arg10[%swap3A_267], %swap3A_270 {strides = array<i32>} : memref<128xi32, #tpu.memory_space<vmem>>, vector<16xi32>,
        %shift_right_logical3A_271 = arith.constant 16 : i32
        %shift_right_logical3A_272 = vector.broadcast %shift_right_logical3A_271 : i32 to vector<16xi32>
        %shift_right_logical3A_273 = arith.shrui %get3A_263, %shift_right_logical3A_272 : vector<16xi32>
        %swap3A_274 = arith.constant 80 : index
        %swap3A_275 = tpu.vector_load %arg11[%swap3A_274] {strides = array<i32>} : memref<128xi32, #tpu.memory_space<vmem>>, vector<16xi32>,
        %swap3A_276 = vector.shape_cast %swap3A_275 : vector<16xi32> to vector<16xi32>
        %swap3A_277 = vector.shape_cast %shift_right_logical3A_273 : vector<16xi32> to vector<16xi32>
        tpu.vector_store %arg11[%swap3A_274], %swap3A_277 {strides = array<i32>} : memref<128xi32, #tpu.memory_space<vmem>>, vector<16xi32>,
        %get3A_278 = arith.index_cast %add3A_169 : i32 to index
        %get3A_279 = arith.constant 96 : index
        %get3A_280 = tpu.vector_load %arg7[%get3A_278, %get3A_279] {strides = array<i32>} : memref<160x128xi32, #tpu.memory_space<vmem>>, vector<1x16xi32>,
        %get3A_281 = vector.shape_cast %get3A_280 : vector<1x16xi32> to vector<16xi32>
        %and3A_282 = arith.constant 65535 : i32
        %and3A_283 = vector.broadcast %and3A_282 : i32 to vector<16xi32>
        %and3A_284 = arith.andi %get3A_281, %and3A_283 : vector<16xi32>
        %swap3A_285 = arith.constant 96 : index
        %swap3A_286 = tpu.vector_load %arg10[%swap3A_285] {strides = array<i32>} : memref<128xi32, #tpu.memory_space<vmem>>, vector<16xi32>,
        %swap3A_287 = vector.shape_cast %swap3A_286 : vector<16xi32> to vector<16xi32>
        %swap3A_288 = vector.shape_cast %and3A_284 : vector<16xi32> to vector<16xi32>
        tpu.vector_store %arg10[%swap3A_285], %swap3A_288 {strides = array<i32>} : memref<128xi32, #tpu.memory_space<vmem>>, vector<16xi32>,
        %shift_right_logical3A_289 = arith.constant 16 : i32
        %shift_right_logical3A_290 = vector.broadcast %shift_right_logical3A_289 : i32 to vector<16xi32>
        %shift_right_logical3A_291 = arith.shrui %get3A_281, %shift_right_logical3A_290 : vector<16xi32>
        %swap3A_292 = arith.constant 96 : index
        %swap3A_293 = tpu.vector_load %arg11[%swap3A_292] {strides = array<i32>} : memref<128xi32, #tpu.memory_space<vmem>>, vector<16xi32>,
        %swap3A_294 = vector.shape_cast %swap3A_293 : vector<16xi32> to vector<16xi32>
        %swap3A_295 = vector.shape_cast %shift_right_logical3A_291 : vector<16xi32> to vector<16xi32>
        tpu.vector_store %arg11[%swap3A_292], %swap3A_295 {strides = array<i32>} : memref<128xi32, #tpu.memory_space<vmem>>, vector<16xi32>,
        %get3A_296 = arith.index_cast %add3A_169 : i32 to index
        %get3A_297 = arith.constant 112 : index
        %get3A_298 = tpu.vector_load %arg7[%get3A_296, %get3A_297] {strides = array<i32>} : memref<160x128xi32, #tpu.memory_space<vmem>>, vector<1x16xi32>,
        %get3A_299 = vector.shape_cast %get3A_298 : vector<1x16xi32> to vector<16xi32>
        %and3A_300 = arith.constant 65535 : i32
        %and3A_301 = vector.broadcast %and3A_300 : i32 to vector<16xi32>
        %and3A_302 = arith.andi %get3A_299, %and3A_301 : vector<16xi32>
        %swap3A_303 = arith.constant 112 : index
        %swap3A_304 = tpu.vector_load %arg10[%swap3A_303] {strides = array<i32>} : memref<128xi32, #tpu.memory_space<vmem>>, vector<16xi32>,
        %swap3A_305 = vector.shape_cast %swap3A_304 : vector<16xi32> to vector<16xi32>
        %swap3A_306 = vector.shape_cast %and3A_302 : vector<16xi32> to vector<16xi32>
        tpu.vector_store %arg10[%swap3A_303], %swap3A_306 {strides = array<i32>} : memref<128xi32, #tpu.memory_space<vmem>>, vector<16xi32>,
        %shift_right_logical3A_307 = arith.constant 16 : i32
        %shift_right_logical3A_308 = vector.broadcast %shift_right_logical3A_307 : i32 to vector<16xi32>
        %shift_right_logical3A_309 = arith.shrui %get3A_299, %shift_right_logical3A_308 : vector<16xi32>
        %swap3A_310 = arith.constant 112 : index
        %swap3A_311 = tpu.vector_load %arg11[%swap3A_310] {strides = array<i32>} : memref<128xi32, #tpu.memory_space<vmem>>, vector<16xi32>,
        %swap3A_312 = vector.shape_cast %swap3A_311 : vector<16xi32> to vector<16xi32>
        %swap3A_313 = vector.shape_cast %shift_right_logical3A_309 : vector<16xi32> to vector<16xi32>
        tpu.vector_store %arg11[%swap3A_310], %swap3A_313 {strides = array<i32>} : memref<128xi32, #tpu.memory_space<vmem>>, vector<16xi32>,
        %dma_start3A_314 = arith.constant 0 : i32
        %dma_start3A_315 = arith.constant 0 : i32
        %dma_start3A_316 = tpu.memref_slice %arg2[%dma_start3A_314, %dma_start3A_315] : memref<10000x64xf32, #tpu.memory_space<hbm>> -> memref<10000x64xf32, #tpu.memory_space<hbm>>
        tpu.enqueue_indirect_dma source(%dma_start3A_316 : memref<10000x64xf32, #tpu.memory_space<hbm>>) target(%arg13 : memref<128x64xf32, #tpu.memory_space<vmem>>) offsets(%arg10 : memref<128xi32, #tpu.memory_space<vmem>>) semaphore(%arg16 : memref<!tpu.dma_semaphore, #tpu.memory_space<semaphore_mem>>)
        %dma_wait3A = arith.constant 0 : i32
        %dma_wait3A_317 = arith.constant 0 : i32
        %dma_wait3A_318 = tpu.memref_slice %arg2[%dma_wait3A, %dma_wait3A_317] : memref<10000x64xf32, #tpu.memory_space<hbm>> -> memref<10000x64xf32, #tpu.memory_space<hbm>>
        tpu.wait_indirect_dma semaphore(%arg15 : memref<!tpu.dma_semaphore, #tpu.memory_space<semaphore_mem>>) src(%dma_wait3A_318 : memref<10000x64xf32, #tpu.memory_space<hbm>>) dst(%arg12 : memref<128x64xf32, #tpu.memory_space<vmem>>)
        "tpu.region"() ({
          %run_scoped3A = tpu.sem_alloc : memref<!tpu.dma_semaphore, #tpu.memory_space<semaphore_mem>>
          %dma_start3A_326 = arith.constant 0 : i32
          %dma_start3A_327 = arith.constant 0 : i32
          %dma_start3A_328 = tpu.memref_slice %arg14[%dma_start3A_326, %dma_start3A_327] : memref<10016x64xf32, #tpu.memory_space<vmem_shared>> -> memref<10016x64xf32, #tpu.memory_space<vmem_shared>>
          tpu.enqueue_indirect_dma source(%arg12 : memref<128x64xf32, #tpu.memory_space<vmem>>) target(%dma_start3A_328 : memref<10016x64xf32, #tpu.memory_space<vmem_shared>>) offsets(%arg9 : memref<128xi32, #tpu.memory_space<vmem>>) semaphore(%run_scoped3A : memref<!tpu.dma_semaphore, #tpu.memory_space<semaphore_mem>>) {add = true}
          %dma_wait3A_329 = arith.constant 0 : i32
          %dma_wait3A_330 = arith.constant 0 : i32
          %dma_wait3A_331 = tpu.memref_slice %arg14[%dma_wait3A_329, %dma_wait3A_330] : memref<10016x64xf32, #tpu.memory_space<vmem_shared>> -> memref<10016x64xf32, #tpu.memory_space<vmem_shared>>
          tpu.wait_indirect_dma semaphore(%run_scoped3A : memref<!tpu.dma_semaphore, #tpu.memory_space<semaphore_mem>>) src(%arg12 : memref<128x64xf32, #tpu.memory_space<vmem>>) dst(%dma_wait3A_331 : memref<10016x64xf32, #tpu.memory_space<vmem_shared>>)
          tpu.yield
        }) : () -> ()
        %lt3A = arith.constant 79 : i32
        %lt3A_319 = arith.cmpi slt, %scan3A_166, %lt3A : i32
        %convert_element_type3A_320 = arith.extui %lt3A_319 : i1 to i32
        %cond3A_321 = arith.constant 0 : i32
        %cond3A_322 = arith.cmpi ne, %convert_element_type3A_320, %cond3A_321 : i32
        scf.if %cond3A_322 {
          %add3A_326 = arith.constant 2 : i32
          %add3A_327 = arith.addi %mul3A_168, %add3A_326 : i32
          %get3A_328 = arith.index_cast %add3A_327 : i32 to index
          %get3A_329 = arith.constant 0 : index
          %get3A_330 = tpu.vector_load %arg7[%get3A_328, %get3A_329] {strides = array<i32>} : memref<160x128xi32, #tpu.memory_space<vmem>>, vector<1x16xi32>,
          %get3A_331 = vector.shape_cast %get3A_330 : vector<1x16xi32> to vector<16xi32>
          %and3A_332 = arith.constant 65535 : i32
          %and3A_333 = vector.broadcast %and3A_332 : i32 to vector<16xi32>
          %and3A_334 = arith.andi %get3A_331, %and3A_333 : vector<16xi32>
          %swap3A_335 = arith.constant 0 : index
          %swap3A_336 = tpu.vector_load %arg8[%swap3A_335] {strides = array<i32>} : memref<128xi32, #tpu.memory_space<vmem>>, vector<16xi32>,
          %swap3A_337 = vector.shape_cast %swap3A_336 : vector<16xi32> to vector<16xi32>
          %swap3A_338 = vector.shape_cast %and3A_334 : vector<16xi32> to vector<16xi32>
          tpu.vector_store %arg8[%swap3A_335], %swap3A_338 {strides = array<i32>} : memref<128xi32, #tpu.memory_space<vmem>>, vector<16xi32>,
          %shift_right_logical3A_339 = arith.constant 16 : i32
          %shift_right_logical3A_340 = vector.broadcast %shift_right_logical3A_339 : i32 to vector<16xi32>
          %shift_right_logical3A_341 = arith.shrui %get3A_331, %shift_right_logical3A_340 : vector<16xi32>
          %swap3A_342 = arith.constant 0 : index
          %swap3A_343 = tpu.vector_load %arg9[%swap3A_342] {strides = array<i32>} : memref<128xi32, #tpu.memory_space<vmem>>, vector<16xi32>,
          %swap3A_344 = vector.shape_cast %swap3A_343 : vector<16xi32> to vector<16xi32>
          %swap3A_345 = vector.shape_cast %shift_right_logical3A_341 : vector<16xi32> to vector<16xi32>
          tpu.vector_store %arg9[%swap3A_342], %swap3A_345 {strides = array<i32>} : memref<128xi32, #tpu.memory_space<vmem>>, vector<16xi32>,
          %get3A_346 = arith.index_cast %add3A_327 : i32 to index
          %get3A_347 = arith.constant 16 : index
          %get3A_348 = tpu.vector_load %arg7[%get3A_346, %get3A_347] {strides = array<i32>} : memref<160x128xi32, #tpu.memory_space<vmem>>, vector<1x16xi32>,
          %get3A_349 = vector.shape_cast %get3A_348 : vector<1x16xi32> to vector<16xi32>
          %and3A_350 = arith.constant 65535 : i32
          %and3A_351 = vector.broadcast %and3A_350 : i32 to vector<16xi32>
          %and3A_352 = arith.andi %get3A_349, %and3A_351 : vector<16xi32>
          %swap3A_353 = arith.constant 16 : index
          %swap3A_354 = tpu.vector_load %arg8[%swap3A_353] {strides = array<i32>} : memref<128xi32, #tpu.memory_space<vmem>>, vector<16xi32>,
          %swap3A_355 = vector.shape_cast %swap3A_354 : vector<16xi32> to vector<16xi32>
          %swap3A_356 = vector.shape_cast %and3A_352 : vector<16xi32> to vector<16xi32>
          tpu.vector_store %arg8[%swap3A_353], %swap3A_356 {strides = array<i32>} : memref<128xi32, #tpu.memory_space<vmem>>, vector<16xi32>,
          %shift_right_logical3A_357 = arith.constant 16 : i32
          %shift_right_logical3A_358 = vector.broadcast %shift_right_logical3A_357 : i32 to vector<16xi32>
          %shift_right_logical3A_359 = arith.shrui %get3A_349, %shift_right_logical3A_358 : vector<16xi32>
          %swap3A_360 = arith.constant 16 : index
          %swap3A_361 = tpu.vector_load %arg9[%swap3A_360] {strides = array<i32>} : memref<128xi32, #tpu.memory_space<vmem>>, vector<16xi32>,
          %swap3A_362 = vector.shape_cast %swap3A_361 : vector<16xi32> to vector<16xi32>
          %swap3A_363 = vector.shape_cast %shift_right_logical3A_359 : vector<16xi32> to vector<16xi32>
          tpu.vector_store %arg9[%swap3A_360], %swap3A_363 {strides = array<i32>} : memref<128xi32, #tpu.memory_space<vmem>>, vector<16xi32>,
          %get3A_364 = arith.index_cast %add3A_327 : i32 to index
          %get3A_365 = arith.constant 32 : index
          %get3A_366 = tpu.vector_load %arg7[%get3A_364, %get3A_365] {strides = array<i32>} : memref<160x128xi32, #tpu.memory_space<vmem>>, vector<1x16xi32>,
          %get3A_367 = vector.shape_cast %get3A_366 : vector<1x16xi32> to vector<16xi32>
          %and3A_368 = arith.constant 65535 : i32
          %and3A_369 = vector.broadcast %and3A_368 : i32 to vector<16xi32>
          %and3A_370 = arith.andi %get3A_367, %and3A_369 : vector<16xi32>
          %swap3A_371 = arith.constant 32 : index
          %swap3A_372 = tpu.vector_load %arg8[%swap3A_371] {strides = array<i32>} : memref<128xi32, #tpu.memory_space<vmem>>, vector<16xi32>,
          %swap3A_373 = vector.shape_cast %swap3A_372 : vector<16xi32> to vector<16xi32>
          %swap3A_374 = vector.shape_cast %and3A_370 : vector<16xi32> to vector<16xi32>
          tpu.vector_store %arg8[%swap3A_371], %swap3A_374 {strides = array<i32>} : memref<128xi32, #tpu.memory_space<vmem>>, vector<16xi32>,
          %shift_right_logical3A_375 = arith.constant 16 : i32
          %shift_right_logical3A_376 = vector.broadcast %shift_right_logical3A_375 : i32 to vector<16xi32>
          %shift_right_logical3A_377 = arith.shrui %get3A_367, %shift_right_logical3A_376 : vector<16xi32>
          %swap3A_378 = arith.constant 32 : index
          %swap3A_379 = tpu.vector_load %arg9[%swap3A_378] {strides = array<i32>} : memref<128xi32, #tpu.memory_space<vmem>>, vector<16xi32>,
          %swap3A_380 = vector.shape_cast %swap3A_379 : vector<16xi32> to vector<16xi32>
          %swap3A_381 = vector.shape_cast %shift_right_logical3A_377 : vector<16xi32> to vector<16xi32>
          tpu.vector_store %arg9[%swap3A_378], %swap3A_381 {strides = array<i32>} : memref<128xi32, #tpu.memory_space<vmem>>, vector<16xi32>,
          %get3A_382 = arith.index_cast %add3A_327 : i32 to index
          %get3A_383 = arith.constant 48 : index
          %get3A_384 = tpu.vector_load %arg7[%get3A_382, %get3A_383] {strides = array<i32>} : memref<160x128xi32, #tpu.memory_space<vmem>>, vector<1x16xi32>,
          %get3A_385 = vector.shape_cast %get3A_384 : vector<1x16xi32> to vector<16xi32>
          %and3A_386 = arith.constant 65535 : i32
          %and3A_387 = vector.broadcast %and3A_386 : i32 to vector<16xi32>
          %and3A_388 = arith.andi %get3A_385, %and3A_387 : vector<16xi32>
          %swap3A_389 = arith.constant 48 : index
          %swap3A_390 = tpu.vector_load %arg8[%swap3A_389] {strides = array<i32>} : memref<128xi32, #tpu.memory_space<vmem>>, vector<16xi32>,
          %swap3A_391 = vector.shape_cast %swap3A_390 : vector<16xi32> to vector<16xi32>
          %swap3A_392 = vector.shape_cast %and3A_388 : vector<16xi32> to vector<16xi32>
          tpu.vector_store %arg8[%swap3A_389], %swap3A_392 {strides = array<i32>} : memref<128xi32, #tpu.memory_space<vmem>>, vector<16xi32>,
          %shift_right_logical3A_393 = arith.constant 16 : i32
          %shift_right_logical3A_394 = vector.broadcast %shift_right_logical3A_393 : i32 to vector<16xi32>
          %shift_right_logical3A_395 = arith.shrui %get3A_385, %shift_right_logical3A_394 : vector<16xi32>
          %swap3A_396 = arith.constant 48 : index
          %swap3A_397 = tpu.vector_load %arg9[%swap3A_396] {strides = array<i32>} : memref<128xi32, #tpu.memory_space<vmem>>, vector<16xi32>,
          %swap3A_398 = vector.shape_cast %swap3A_397 : vector<16xi32> to vector<16xi32>
          %swap3A_399 = vector.shape_cast %shift_right_logical3A_395 : vector<16xi32> to vector<16xi32>
          tpu.vector_store %arg9[%swap3A_396], %swap3A_399 {strides = array<i32>} : memref<128xi32, #tpu.memory_space<vmem>>, vector<16xi32>,
          %get3A_400 = arith.index_cast %add3A_327 : i32 to index
          %get3A_401 = arith.constant 64 : index
          %get3A_402 = tpu.vector_load %arg7[%get3A_400, %get3A_401] {strides = array<i32>} : memref<160x128xi32, #tpu.memory_space<vmem>>, vector<1x16xi32>,
          %get3A_403 = vector.shape_cast %get3A_402 : vector<1x16xi32> to vector<16xi32>
          %and3A_404 = arith.constant 65535 : i32
          %and3A_405 = vector.broadcast %and3A_404 : i32 to vector<16xi32>
          %and3A_406 = arith.andi %get3A_403, %and3A_405 : vector<16xi32>
          %swap3A_407 = arith.constant 64 : index
          %swap3A_408 = tpu.vector_load %arg8[%swap3A_407] {strides = array<i32>} : memref<128xi32, #tpu.memory_space<vmem>>, vector<16xi32>,
          %swap3A_409 = vector.shape_cast %swap3A_408 : vector<16xi32> to vector<16xi32>
          %swap3A_410 = vector.shape_cast %and3A_406 : vector<16xi32> to vector<16xi32>
          tpu.vector_store %arg8[%swap3A_407], %swap3A_410 {strides = array<i32>} : memref<128xi32, #tpu.memory_space<vmem>>, vector<16xi32>,
          %shift_right_logical3A_411 = arith.constant 16 : i32
          %shift_right_logical3A_412 = vector.broadcast %shift_right_logical3A_411 : i32 to vector<16xi32>
          %shift_right_logical3A_413 = arith.shrui %get3A_403, %shift_right_logical3A_412 : vector<16xi32>
          %swap3A_414 = arith.constant 64 : index
          %swap3A_415 = tpu.vector_load %arg9[%swap3A_414] {strides = array<i32>} : memref<128xi32, #tpu.memory_space<vmem>>, vector<16xi32>,
          %swap3A_416 = vector.shape_cast %swap3A_415 : vector<16xi32> to vector<16xi32>
          %swap3A_417 = vector.shape_cast %shift_right_logical3A_413 : vector<16xi32> to vector<16xi32>
          tpu.vector_store %arg9[%swap3A_414], %swap3A_417 {strides = array<i32>} : memref<128xi32, #tpu.memory_space<vmem>>, vector<16xi32>,
          %get3A_418 = arith.index_cast %add3A_327 : i32 to index
          %get3A_419 = arith.constant 80 : index
          %get3A_420 = tpu.vector_load %arg7[%get3A_418, %get3A_419] {strides = array<i32>} : memref<160x128xi32, #tpu.memory_space<vmem>>, vector<1x16xi32>,
          %get3A_421 = vector.shape_cast %get3A_420 : vector<1x16xi32> to vector<16xi32>
          %and3A_422 = arith.constant 65535 : i32
          %and3A_423 = vector.broadcast %and3A_422 : i32 to vector<16xi32>
          %and3A_424 = arith.andi %get3A_421, %and3A_423 : vector<16xi32>
          %swap3A_425 = arith.constant 80 : index
          %swap3A_426 = tpu.vector_load %arg8[%swap3A_425] {strides = array<i32>} : memref<128xi32, #tpu.memory_space<vmem>>, vector<16xi32>,
          %swap3A_427 = vector.shape_cast %swap3A_426 : vector<16xi32> to vector<16xi32>
          %swap3A_428 = vector.shape_cast %and3A_424 : vector<16xi32> to vector<16xi32>
          tpu.vector_store %arg8[%swap3A_425], %swap3A_428 {strides = array<i32>} : memref<128xi32, #tpu.memory_space<vmem>>, vector<16xi32>,
          %shift_right_logical3A_429 = arith.constant 16 : i32
          %shift_right_logical3A_430 = vector.broadcast %shift_right_logical3A_429 : i32 to vector<16xi32>
          %shift_right_logical3A_431 = arith.shrui %get3A_421, %shift_right_logical3A_430 : vector<16xi32>
          %swap3A_432 = arith.constant 80 : index
          %swap3A_433 = tpu.vector_load %arg9[%swap3A_432] {strides = array<i32>} : memref<128xi32, #tpu.memory_space<vmem>>, vector<16xi32>,
          %swap3A_434 = vector.shape_cast %swap3A_433 : vector<16xi32> to vector<16xi32>
          %swap3A_435 = vector.shape_cast %shift_right_logical3A_431 : vector<16xi32> to vector<16xi32>
          tpu.vector_store %arg9[%swap3A_432], %swap3A_435 {strides = array<i32>} : memref<128xi32, #tpu.memory_space<vmem>>, vector<16xi32>,
          %get3A_436 = arith.index_cast %add3A_327 : i32 to index
          %get3A_437 = arith.constant 96 : index
          %get3A_438 = tpu.vector_load %arg7[%get3A_436, %get3A_437] {strides = array<i32>} : memref<160x128xi32, #tpu.memory_space<vmem>>, vector<1x16xi32>,
          %get3A_439 = vector.shape_cast %get3A_438 : vector<1x16xi32> to vector<16xi32>
          %and3A_440 = arith.constant 65535 : i32
          %and3A_441 = vector.broadcast %and3A_440 : i32 to vector<16xi32>
          %and3A_442 = arith.andi %get3A_439, %and3A_441 : vector<16xi32>
          %swap3A_443 = arith.constant 96 : index
          %swap3A_444 = tpu.vector_load %arg8[%swap3A_443] {strides = array<i32>} : memref<128xi32, #tpu.memory_space<vmem>>, vector<16xi32>,
          %swap3A_445 = vector.shape_cast %swap3A_444 : vector<16xi32> to vector<16xi32>
          %swap3A_446 = vector.shape_cast %and3A_442 : vector<16xi32> to vector<16xi32>
          tpu.vector_store %arg8[%swap3A_443], %swap3A_446 {strides = array<i32>} : memref<128xi32, #tpu.memory_space<vmem>>, vector<16xi32>,
          %shift_right_logical3A_447 = arith.constant 16 : i32
          %shift_right_logical3A_448 = vector.broadcast %shift_right_logical3A_447 : i32 to vector<16xi32>
          %shift_right_logical3A_449 = arith.shrui %get3A_439, %shift_right_logical3A_448 : vector<16xi32>
          %swap3A_450 = arith.constant 96 : index
          %swap3A_451 = tpu.vector_load %arg9[%swap3A_450] {strides = array<i32>} : memref<128xi32, #tpu.memory_space<vmem>>, vector<16xi32>,
          %swap3A_452 = vector.shape_cast %swap3A_451 : vector<16xi32> to vector<16xi32>
          %swap3A_453 = vector.shape_cast %shift_right_logical3A_449 : vector<16xi32> to vector<16xi32>
          tpu.vector_store %arg9[%swap3A_450], %swap3A_453 {strides = array<i32>} : memref<128xi32, #tpu.memory_space<vmem>>, vector<16xi32>,
          %get3A_454 = arith.index_cast %add3A_327 : i32 to index
          %get3A_455 = arith.constant 112 : index
          %get3A_456 = tpu.vector_load %arg7[%get3A_454, %get3A_455] {strides = array<i32>} : memref<160x128xi32, #tpu.memory_space<vmem>>, vector<1x16xi32>,
          %get3A_457 = vector.shape_cast %get3A_456 : vector<1x16xi32> to vector<16xi32>
          %and3A_458 = arith.constant 65535 : i32
          %and3A_459 = vector.broadcast %and3A_458 : i32 to vector<16xi32>
          %and3A_460 = arith.andi %get3A_457, %and3A_459 : vector<16xi32>
          %swap3A_461 = arith.constant 112 : index
          %swap3A_462 = tpu.vector_load %arg8[%swap3A_461] {strides = array<i32>} : memref<128xi32, #tpu.memory_space<vmem>>, vector<16xi32>,
          %swap3A_463 = vector.shape_cast %swap3A_462 : vector<16xi32> to vector<16xi32>
          %swap3A_464 = vector.shape_cast %and3A_460 : vector<16xi32> to vector<16xi32>
          tpu.vector_store %arg8[%swap3A_461], %swap3A_464 {strides = array<i32>} : memref<128xi32, #tpu.memory_space<vmem>>, vector<16xi32>,
          %shift_right_logical3A_465 = arith.constant 16 : i32
          %shift_right_logical3A_466 = vector.broadcast %shift_right_logical3A_465 : i32 to vector<16xi32>
          %shift_right_logical3A_467 = arith.shrui %get3A_457, %shift_right_logical3A_466 : vector<16xi32>
          %swap3A_468 = arith.constant 112 : index
          %swap3A_469 = tpu.vector_load %arg9[%swap3A_468] {strides = array<i32>} : memref<128xi32, #tpu.memory_space<vmem>>, vector<16xi32>,
          %swap3A_470 = vector.shape_cast %swap3A_469 : vector<16xi32> to vector<16xi32>
          %swap3A_471 = vector.shape_cast %shift_right_logical3A_467 : vector<16xi32> to vector<16xi32>
          tpu.vector_store %arg9[%swap3A_468], %swap3A_471 {strides = array<i32>} : memref<128xi32, #tpu.memory_space<vmem>>, vector<16xi32>,
          %dma_start3A_472 = arith.constant 0 : i32
          %dma_start3A_473 = arith.constant 0 : i32
          %dma_start3A_474 = tpu.memref_slice %arg2[%dma_start3A_472, %dma_start3A_473] : memref<10000x64xf32, #tpu.memory_space<hbm>> -> memref<10000x64xf32, #tpu.memory_space<hbm>>
          tpu.enqueue_indirect_dma source(%dma_start3A_474 : memref<10000x64xf32, #tpu.memory_space<hbm>>) target(%arg12 : memref<128x64xf32, #tpu.memory_space<vmem>>) offsets(%arg8 : memref<128xi32, #tpu.memory_space<vmem>>) semaphore(%arg15 : memref<!tpu.dma_semaphore, #tpu.memory_space<semaphore_mem>>)
        } else {
        }
        %dma_wait3A_323 = arith.constant 0 : i32
        %dma_wait3A_324 = arith.constant 0 : i32
        %dma_wait3A_325 = tpu.memref_slice %arg2[%dma_wait3A_323, %dma_wait3A_324] : memref<10000x64xf32, #tpu.memory_space<hbm>> -> memref<10000x64xf32, #tpu.memory_space<hbm>>
        tpu.wait_indirect_dma semaphore(%arg16 : memref<!tpu.dma_semaphore, #tpu.memory_space<semaphore_mem>>) src(%dma_wait3A_325 : memref<10000x64xf32, #tpu.memory_space<hbm>>) dst(%arg13 : memref<128x64xf32, #tpu.memory_space<vmem>>)
        "tpu.region"() ({
          %run_scoped3A = tpu.sem_alloc : memref<!tpu.dma_semaphore, #tpu.memory_space<semaphore_mem>>
          %dma_start3A_326 = arith.constant 0 : i32
          %dma_start3A_327 = arith.constant 0 : i32
          %dma_start3A_328 = tpu.memref_slice %arg14[%dma_start3A_326, %dma_start3A_327] : memref<10016x64xf32, #tpu.memory_space<vmem_shared>> -> memref<10016x64xf32, #tpu.memory_space<vmem_shared>>
          tpu.enqueue_indirect_dma source(%arg13 : memref<128x64xf32, #tpu.memory_space<vmem>>) target(%dma_start3A_328 : memref<10016x64xf32, #tpu.memory_space<vmem_shared>>) offsets(%arg11 : memref<128xi32, #tpu.memory_space<vmem>>) semaphore(%run_scoped3A : memref<!tpu.dma_semaphore, #tpu.memory_space<semaphore_mem>>) {add = true}
          %dma_wait3A_329 = arith.constant 0 : i32
          %dma_wait3A_330 = arith.constant 0 : i32
          %dma_wait3A_331 = tpu.memref_slice %arg14[%dma_wait3A_329, %dma_wait3A_330] : memref<10016x64xf32, #tpu.memory_space<vmem_shared>> -> memref<10016x64xf32, #tpu.memory_space<vmem_shared>>
          tpu.wait_indirect_dma semaphore(%run_scoped3A : memref<!tpu.dma_semaphore, #tpu.memory_space<semaphore_mem>>) src(%arg13 : memref<128x64xf32, #tpu.memory_space<vmem>>) dst(%dma_wait3A_331 : memref<10016x64xf32, #tpu.memory_space<vmem_shared>>)
          tpu.yield
        }) : () -> ()
      }
      %scan3A_165 = arith.constant 80 : i32
    } else {
    }
    %eq3A_3 = arith.constant 1 : i32
    %eq3A_4 = arith.cmpi eq, %arg0, %eq3A_3 : i32
    %convert_element_type3A_5 = arith.extui %eq3A_4 : i1 to i32
    %cond3A_6 = arith.constant 0 : i32
    %cond3A_7 = arith.cmpi ne, %convert_element_type3A_5, %cond3A_6 : i32
    scf.if %cond3A_7 {
      %mul3A_8 = arith.constant 160 : i32
      %mul3A_9 = arith.muli %arg1, %mul3A_8 : i32
      "tpu.region"() ({
        %run_scoped3A = tpu.sem_alloc : memref<!tpu.dma_semaphore, #tpu.memory_space<semaphore_mem>>
        %dma_start3A_166 = arith.constant 0 : i32
        %dma_start3A_167 = tpu.memref_slice %arg4[%mul3A_9, %dma_start3A_166] : memref<2560x128xi32, #tpu.memory_space<hbm>> -> memref<160x128xi32, #tpu.memory_space<hbm>>
        %dma_start3A_168 = arith.constant 0 : i32
        %dma_start3A_169 = tpu.memref_slice %arg4[%mul3A_9, %dma_start3A_168] : memref<2560x128xi32, #tpu.memory_space<hbm>> -> memref<160x128xi32, #tpu.memory_space<hbm>>
        tpu.enqueue_dma source(%dma_start3A_169 : memref<160x128xi32, #tpu.memory_space<hbm>>) target(%arg7 : memref<160x128xi32, #tpu.memory_space<vmem>>) target_semaphore(%run_scoped3A : memref<!tpu.dma_semaphore, #tpu.memory_space<semaphore_mem>>)
        %dma_wait3A = arith.constant 0 : i32
        %dma_wait3A_170 = tpu.memref_slice %arg4[%mul3A_9, %dma_wait3A] : memref<2560x128xi32, #tpu.memory_space<hbm>> -> memref<160x128xi32, #tpu.memory_space<hbm>>
        %dma_wait3A_171 = arith.constant 0 : i32
        %dma_wait3A_172 = tpu.memref_slice %arg4[%mul3A_9, %dma_wait3A_171] : memref<2560x128xi32, #tpu.memory_space<hbm>> -> memref<160x128xi32, #tpu.memory_space<hbm>>
        tpu.wait_dma2 semaphore(%run_scoped3A : memref<!tpu.dma_semaphore, #tpu.memory_space<semaphore_mem>>) src(%dma_wait3A_172 : memref<160x128xi32, #tpu.memory_space<hbm>>) dst(%arg7 : memref<160x128xi32, #tpu.memory_space<vmem>>)
        tpu.yield
      }) : () -> ()
      %barrier3A_10 = arith.constant 0 : index
      tpu.barrier barrier_id(%barrier3A_10)
      %get3A = arith.constant 0 : i32
      %get3A_11 = arith.index_cast %get3A : i32 to index
      %get3A_12 = arith.constant 0 : index
      %get3A_13 = tpu.vector_load %arg7[%get3A_11, %get3A_12] {strides = array<i32>} : memref<160x128xi32, #tpu.memory_space<vmem>>, vector<1x16xi32>,
      %get3A_14 = vector.shape_cast %get3A_13 : vector<1x16xi32> to vector<16xi32>
      %and3A = arith.constant 65535 : i32
      %and3A_15 = vector.broadcast %and3A : i32 to vector<16xi32>
      %and3A_16 = arith.andi %get3A_14, %and3A_15 : vector<16xi32>
      %swap3A = arith.constant 0 : index
      %swap3A_17 = tpu.vector_load %arg8[%swap3A] {strides = array<i32>} : memref<128xi32, #tpu.memory_space<vmem>>, vector<16xi32>,
      %swap3A_18 = vector.shape_cast %swap3A_17 : vector<16xi32> to vector<16xi32>
      %swap3A_19 = vector.shape_cast %and3A_16 : vector<16xi32> to vector<16xi32>
      tpu.vector_store %arg8[%swap3A], %swap3A_19 {strides = array<i32>} : memref<128xi32, #tpu.memory_space<vmem>>, vector<16xi32>,
      %shift_right_logical3A = arith.constant 16 : i32
      %shift_right_logical3A_20 = vector.broadcast %shift_right_logical3A : i32 to vector<16xi32>
      %shift_right_logical3A_21 = arith.shrui %get3A_14, %shift_right_logical3A_20 : vector<16xi32>
      %swap3A_22 = arith.constant 0 : index
      %swap3A_23 = tpu.vector_load %arg9[%swap3A_22] {strides = array<i32>} : memref<128xi32, #tpu.memory_space<vmem>>, vector<16xi32>,
      %swap3A_24 = vector.shape_cast %swap3A_23 : vector<16xi32> to vector<16xi32>
      %swap3A_25 = vector.shape_cast %shift_right_logical3A_21 : vector<16xi32> to vector<16xi32>
      tpu.vector_store %arg9[%swap3A_22], %swap3A_25 {strides = array<i32>} : memref<128xi32, #tpu.memory_space<vmem>>, vector<16xi32>,
      %get3A_26 = arith.constant 0 : i32
      %get3A_27 = arith.index_cast %get3A_26 : i32 to index
      %get3A_28 = arith.constant 16 : index
      %get3A_29 = tpu.vector_load %arg7[%get3A_27, %get3A_28] {strides = array<i32>} : memref<160x128xi32, #tpu.memory_space<vmem>>, vector<1x16xi32>,
      %get3A_30 = vector.shape_cast %get3A_29 : vector<1x16xi32> to vector<16xi32>
      %and3A_31 = arith.constant 65535 : i32
      %and3A_32 = vector.broadcast %and3A_31 : i32 to vector<16xi32>
      %and3A_33 = arith.andi %get3A_30, %and3A_32 : vector<16xi32>
      %swap3A_34 = arith.constant 16 : index
      %swap3A_35 = tpu.vector_load %arg8[%swap3A_34] {strides = array<i32>} : memref<128xi32, #tpu.memory_space<vmem>>, vector<16xi32>,
      %swap3A_36 = vector.shape_cast %swap3A_35 : vector<16xi32> to vector<16xi32>
      %swap3A_37 = vector.shape_cast %and3A_33 : vector<16xi32> to vector<16xi32>
      tpu.vector_store %arg8[%swap3A_34], %swap3A_37 {strides = array<i32>} : memref<128xi32, #tpu.memory_space<vmem>>, vector<16xi32>,
      %shift_right_logical3A_38 = arith.constant 16 : i32
      %shift_right_logical3A_39 = vector.broadcast %shift_right_logical3A_38 : i32 to vector<16xi32>
      %shift_right_logical3A_40 = arith.shrui %get3A_30, %shift_right_logical3A_39 : vector<16xi32>
      %swap3A_41 = arith.constant 16 : index
      %swap3A_42 = tpu.vector_load %arg9[%swap3A_41] {strides = array<i32>} : memref<128xi32, #tpu.memory_space<vmem>>, vector<16xi32>,
      %swap3A_43 = vector.shape_cast %swap3A_42 : vector<16xi32> to vector<16xi32>
      %swap3A_44 = vector.shape_cast %shift_right_logical3A_40 : vector<16xi32> to vector<16xi32>
      tpu.vector_store %arg9[%swap3A_41], %swap3A_44 {strides = array<i32>} : memref<128xi32, #tpu.memory_space<vmem>>, vector<16xi32>,
      %get3A_45 = arith.constant 0 : i32
      %get3A_46 = arith.index_cast %get3A_45 : i32 to index
      %get3A_47 = arith.constant 32 : index
      %get3A_48 = tpu.vector_load %arg7[%get3A_46, %get3A_47] {strides = array<i32>} : memref<160x128xi32, #tpu.memory_space<vmem>>, vector<1x16xi32>,
      %get3A_49 = vector.shape_cast %get3A_48 : vector<1x16xi32> to vector<16xi32>
      %and3A_50 = arith.constant 65535 : i32
      %and3A_51 = vector.broadcast %and3A_50 : i32 to vector<16xi32>
      %and3A_52 = arith.andi %get3A_49, %and3A_51 : vector<16xi32>
      %swap3A_53 = arith.constant 32 : index
      %swap3A_54 = tpu.vector_load %arg8[%swap3A_53] {strides = array<i32>} : memref<128xi32, #tpu.memory_space<vmem>>, vector<16xi32>,
      %swap3A_55 = vector.shape_cast %swap3A_54 : vector<16xi32> to vector<16xi32>
      %swap3A_56 = vector.shape_cast %and3A_52 : vector<16xi32> to vector<16xi32>
      tpu.vector_store %arg8[%swap3A_53], %swap3A_56 {strides = array<i32>} : memref<128xi32, #tpu.memory_space<vmem>>, vector<16xi32>,
      %shift_right_logical3A_57 = arith.constant 16 : i32
      %shift_right_logical3A_58 = vector.broadcast %shift_right_logical3A_57 : i32 to vector<16xi32>
      %shift_right_logical3A_59 = arith.shrui %get3A_49, %shift_right_logical3A_58 : vector<16xi32>
      %swap3A_60 = arith.constant 32 : index
      %swap3A_61 = tpu.vector_load %arg9[%swap3A_60] {strides = array<i32>} : memref<128xi32, #tpu.memory_space<vmem>>, vector<16xi32>,
      %swap3A_62 = vector.shape_cast %swap3A_61 : vector<16xi32> to vector<16xi32>
      %swap3A_63 = vector.shape_cast %shift_right_logical3A_59 : vector<16xi32> to vector<16xi32>
      tpu.vector_store %arg9[%swap3A_60], %swap3A_63 {strides = array<i32>} : memref<128xi32, #tpu.memory_space<vmem>>, vector<16xi32>,
      %get3A_64 = arith.constant 0 : i32
      %get3A_65 = arith.index_cast %get3A_64 : i32 to index
      %get3A_66 = arith.constant 48 : index
      %get3A_67 = tpu.vector_load %arg7[%get3A_65, %get3A_66] {strides = array<i32>} : memref<160x128xi32, #tpu.memory_space<vmem>>, vector<1x16xi32>,
      %get3A_68 = vector.shape_cast %get3A_67 : vector<1x16xi32> to vector<16xi32>
      %and3A_69 = arith.constant 65535 : i32
      %and3A_70 = vector.broadcast %and3A_69 : i32 to vector<16xi32>
      %and3A_71 = arith.andi %get3A_68, %and3A_70 : vector<16xi32>
      %swap3A_72 = arith.constant 48 : index
      %swap3A_73 = tpu.vector_load %arg8[%swap3A_72] {strides = array<i32>} : memref<128xi32, #tpu.memory_space<vmem>>, vector<16xi32>,
      %swap3A_74 = vector.shape_cast %swap3A_73 : vector<16xi32> to vector<16xi32>
      %swap3A_75 = vector.shape_cast %and3A_71 : vector<16xi32> to vector<16xi32>
      tpu.vector_store %arg8[%swap3A_72], %swap3A_75 {strides = array<i32>} : memref<128xi32, #tpu.memory_space<vmem>>, vector<16xi32>,
      %shift_right_logical3A_76 = arith.constant 16 : i32
      %shift_right_logical3A_77 = vector.broadcast %shift_right_logical3A_76 : i32 to vector<16xi32>
      %shift_right_logical3A_78 = arith.shrui %get3A_68, %shift_right_logical3A_77 : vector<16xi32>
      %swap3A_79 = arith.constant 48 : index
      %swap3A_80 = tpu.vector_load %arg9[%swap3A_79] {strides = array<i32>} : memref<128xi32, #tpu.memory_space<vmem>>, vector<16xi32>,
      %swap3A_81 = vector.shape_cast %swap3A_80 : vector<16xi32> to vector<16xi32>
      %swap3A_82 = vector.shape_cast %shift_right_logical3A_78 : vector<16xi32> to vector<16xi32>
      tpu.vector_store %arg9[%swap3A_79], %swap3A_82 {strides = array<i32>} : memref<128xi32, #tpu.memory_space<vmem>>, vector<16xi32>,
      %get3A_83 = arith.constant 0 : i32
      %get3A_84 = arith.index_cast %get3A_83 : i32 to index
      %get3A_85 = arith.constant 64 : index
      %get3A_86 = tpu.vector_load %arg7[%get3A_84, %get3A_85] {strides = array<i32>} : memref<160x128xi32, #tpu.memory_space<vmem>>, vector<1x16xi32>,
      %get3A_87 = vector.shape_cast %get3A_86 : vector<1x16xi32> to vector<16xi32>
      %and3A_88 = arith.constant 65535 : i32
      %and3A_89 = vector.broadcast %and3A_88 : i32 to vector<16xi32>
      %and3A_90 = arith.andi %get3A_87, %and3A_89 : vector<16xi32>
      %swap3A_91 = arith.constant 64 : index
      %swap3A_92 = tpu.vector_load %arg8[%swap3A_91] {strides = array<i32>} : memref<128xi32, #tpu.memory_space<vmem>>, vector<16xi32>,
      %swap3A_93 = vector.shape_cast %swap3A_92 : vector<16xi32> to vector<16xi32>
      %swap3A_94 = vector.shape_cast %and3A_90 : vector<16xi32> to vector<16xi32>
      tpu.vector_store %arg8[%swap3A_91], %swap3A_94 {strides = array<i32>} : memref<128xi32, #tpu.memory_space<vmem>>, vector<16xi32>,
      %shift_right_logical3A_95 = arith.constant 16 : i32
      %shift_right_logical3A_96 = vector.broadcast %shift_right_logical3A_95 : i32 to vector<16xi32>
      %shift_right_logical3A_97 = arith.shrui %get3A_87, %shift_right_logical3A_96 : vector<16xi32>
      %swap3A_98 = arith.constant 64 : index
      %swap3A_99 = tpu.vector_load %arg9[%swap3A_98] {strides = array<i32>} : memref<128xi32, #tpu.memory_space<vmem>>, vector<16xi32>,
      %swap3A_100 = vector.shape_cast %swap3A_99 : vector<16xi32> to vector<16xi32>
      %swap3A_101 = vector.shape_cast %shift_right_logical3A_97 : vector<16xi32> to vector<16xi32>
      tpu.vector_store %arg9[%swap3A_98], %swap3A_101 {strides = array<i32>} : memref<128xi32, #tpu.memory_space<vmem>>, vector<16xi32>,
      %get3A_102 = arith.constant 0 : i32
      %get3A_103 = arith.index_cast %get3A_102 : i32 to index
      %get3A_104 = arith.constant 80 : index
      %get3A_105 = tpu.vector_load %arg7[%get3A_103, %get3A_104] {strides = array<i32>} : memref<160x128xi32, #tpu.memory_space<vmem>>, vector<1x16xi32>,
      %get3A_106 = vector.shape_cast %get3A_105 : vector<1x16xi32> to vector<16xi32>
      %and3A_107 = arith.constant 65535 : i32
      %and3A_108 = vector.broadcast %and3A_107 : i32 to vector<16xi32>
      %and3A_109 = arith.andi %get3A_106, %and3A_108 : vector<16xi32>
      %swap3A_110 = arith.constant 80 : index
      %swap3A_111 = tpu.vector_load %arg8[%swap3A_110] {strides = array<i32>} : memref<128xi32, #tpu.memory_space<vmem>>, vector<16xi32>,
      %swap3A_112 = vector.shape_cast %swap3A_111 : vector<16xi32> to vector<16xi32>
      %swap3A_113 = vector.shape_cast %and3A_109 : vector<16xi32> to vector<16xi32>
      tpu.vector_store %arg8[%swap3A_110], %swap3A_113 {strides = array<i32>} : memref<128xi32, #tpu.memory_space<vmem>>, vector<16xi32>,
      %shift_right_logical3A_114 = arith.constant 16 : i32
      %shift_right_logical3A_115 = vector.broadcast %shift_right_logical3A_114 : i32 to vector<16xi32>
      %shift_right_logical3A_116 = arith.shrui %get3A_106, %shift_right_logical3A_115 : vector<16xi32>
      %swap3A_117 = arith.constant 80 : index
      %swap3A_118 = tpu.vector_load %arg9[%swap3A_117] {strides = array<i32>} : memref<128xi32, #tpu.memory_space<vmem>>, vector<16xi32>,
      %swap3A_119 = vector.shape_cast %swap3A_118 : vector<16xi32> to vector<16xi32>
      %swap3A_120 = vector.shape_cast %shift_right_logical3A_116 : vector<16xi32> to vector<16xi32>
      tpu.vector_store %arg9[%swap3A_117], %swap3A_120 {strides = array<i32>} : memref<128xi32, #tpu.memory_space<vmem>>, vector<16xi32>,
      %get3A_121 = arith.constant 0 : i32
      %get3A_122 = arith.index_cast %get3A_121 : i32 to index
      %get3A_123 = arith.constant 96 : index
      %get3A_124 = tpu.vector_load %arg7[%get3A_122, %get3A_123] {strides = array<i32>} : memref<160x128xi32, #tpu.memory_space<vmem>>, vector<1x16xi32>,
      %get3A_125 = vector.shape_cast %get3A_124 : vector<1x16xi32> to vector<16xi32>
      %and3A_126 = arith.constant 65535 : i32
      %and3A_127 = vector.broadcast %and3A_126 : i32 to vector<16xi32>
      %and3A_128 = arith.andi %get3A_125, %and3A_127 : vector<16xi32>
      %swap3A_129 = arith.constant 96 : index
      %swap3A_130 = tpu.vector_load %arg8[%swap3A_129] {strides = array<i32>} : memref<128xi32, #tpu.memory_space<vmem>>, vector<16xi32>,
      %swap3A_131 = vector.shape_cast %swap3A_130 : vector<16xi32> to vector<16xi32>
      %swap3A_132 = vector.shape_cast %and3A_128 : vector<16xi32> to vector<16xi32>
      tpu.vector_store %arg8[%swap3A_129], %swap3A_132 {strides = array<i32>} : memref<128xi32, #tpu.memory_space<vmem>>, vector<16xi32>,
      %shift_right_logical3A_133 = arith.constant 16 : i32
      %shift_right_logical3A_134 = vector.broadcast %shift_right_logical3A_133 : i32 to vector<16xi32>
      %shift_right_logical3A_135 = arith.shrui %get3A_125, %shift_right_logical3A_134 : vector<16xi32>
      %swap3A_136 = arith.constant 96 : index
      %swap3A_137 = tpu.vector_load %arg9[%swap3A_136] {strides = array<i32>} : memref<128xi32, #tpu.memory_space<vmem>>, vector<16xi32>,
      %swap3A_138 = vector.shape_cast %swap3A_137 : vector<16xi32> to vector<16xi32>
      %swap3A_139 = vector.shape_cast %shift_right_logical3A_135 : vector<16xi32> to vector<16xi32>
      tpu.vector_store %arg9[%swap3A_136], %swap3A_139 {strides = array<i32>} : memref<128xi32, #tpu.memory_space<vmem>>, vector<16xi32>,
      %get3A_140 = arith.constant 0 : i32
      %get3A_141 = arith.index_cast %get3A_140 : i32 to index
      %get3A_142 = arith.constant 112 : index
      %get3A_143 = tpu.vector_load %arg7[%get3A_141, %get3A_142] {strides = array<i32>} : memref<160x128xi32, #tpu.memory_space<vmem>>, vector<1x16xi32>,
      %get3A_144 = vector.shape_cast %get3A_143 : vector<1x16xi32> to vector<16xi32>
      %and3A_145 = arith.constant 65535 : i32
      %and3A_146 = vector.broadcast %and3A_145 : i32 to vector<16xi32>
      %and3A_147 = arith.andi %get3A_144, %and3A_146 : vector<16xi32>
      %swap3A_148 = arith.constant 112 : index
      %swap3A_149 = tpu.vector_load %arg8[%swap3A_148] {strides = array<i32>} : memref<128xi32, #tpu.memory_space<vmem>>, vector<16xi32>,
      %swap3A_150 = vector.shape_cast %swap3A_149 : vector<16xi32> to vector<16xi32>
      %swap3A_151 = vector.shape_cast %and3A_147 : vector<16xi32> to vector<16xi32>
      tpu.vector_store %arg8[%swap3A_148], %swap3A_151 {strides = array<i32>} : memref<128xi32, #tpu.memory_space<vmem>>, vector<16xi32>,
      %shift_right_logical3A_152 = arith.constant 16 : i32
      %shift_right_logical3A_153 = vector.broadcast %shift_right_logical3A_152 : i32 to vector<16xi32>
      %shift_right_logical3A_154 = arith.shrui %get3A_144, %shift_right_logical3A_153 : vector<16xi32>
      %swap3A_155 = arith.constant 112 : index
      %swap3A_156 = tpu.vector_load %arg9[%swap3A_155] {strides = array<i32>} : memref<128xi32, #tpu.memory_space<vmem>>, vector<16xi32>,
      %swap3A_157 = vector.shape_cast %swap3A_156 : vector<16xi32> to vector<16xi32>
      %swap3A_158 = vector.shape_cast %shift_right_logical3A_154 : vector<16xi32> to vector<16xi32>
      tpu.vector_store %arg9[%swap3A_155], %swap3A_158 {strides = array<i32>} : memref<128xi32, #tpu.memory_space<vmem>>, vector<16xi32>,
      %dma_start3A = arith.constant 0 : i32
      %dma_start3A_159 = arith.constant 0 : i32
      %dma_start3A_160 = tpu.memref_slice %arg3[%dma_start3A, %dma_start3A_159] : memref<10000x64xf32, #tpu.memory_space<hbm>> -> memref<10000x64xf32, #tpu.memory_space<hbm>>
      tpu.enqueue_indirect_dma source(%dma_start3A_160 : memref<10000x64xf32, #tpu.memory_space<hbm>>) target(%arg12 : memref<128x64xf32, #tpu.memory_space<vmem>>) offsets(%arg8 : memref<128xi32, #tpu.memory_space<vmem>>) semaphore(%arg15 : memref<!tpu.dma_semaphore, #tpu.memory_space<semaphore_mem>>)
      %scan3A = arith.constant 0 : i32
      %scan3A_161 = arith.constant 0 : i32
      %scan3A_162 = arith.constant 80 : i32
      %scan3A_163 = arith.addi %scan3A_161, %scan3A_162 : i32
      %scan3A_164 = arith.constant 1 : i32
      scf.for %scan3A_166 = %scan3A_161 to %scan3A_163 step %scan3A_164  : i32 {
        %mul3A_167 = arith.constant 2 : i32
        %mul3A_168 = arith.muli %mul3A_167, %scan3A_166 : i32
        %add3A = arith.constant 1 : i32
        %add3A_169 = arith.addi %mul3A_168, %add3A : i32
        %get3A_170 = arith.index_cast %add3A_169 : i32 to index
        %get3A_171 = arith.constant 0 : index
        %get3A_172 = tpu.vector_load %arg7[%get3A_170, %get3A_171] {strides = array<i32>} : memref<160x128xi32, #tpu.memory_space<vmem>>, vector<1x16xi32>,
        %get3A_173 = vector.shape_cast %get3A_172 : vector<1x16xi32> to vector<16xi32>
        %and3A_174 = arith.constant 65535 : i32
        %and3A_175 = vector.broadcast %and3A_174 : i32 to vector<16xi32>
        %and3A_176 = arith.andi %get3A_173, %and3A_175 : vector<16xi32>
        %swap3A_177 = arith.constant 0 : index
        %swap3A_178 = tpu.vector_load %arg10[%swap3A_177] {strides = array<i32>} : memref<128xi32, #tpu.memory_space<vmem>>, vector<16xi32>,
        %swap3A_179 = vector.shape_cast %swap3A_178 : vector<16xi32> to vector<16xi32>
        %swap3A_180 = vector.shape_cast %and3A_176 : vector<16xi32> to vector<16xi32>
        tpu.vector_store %arg10[%swap3A_177], %swap3A_180 {strides = array<i32>} : memref<128xi32, #tpu.memory_space<vmem>>, vector<16xi32>,
        %shift_right_logical3A_181 = arith.constant 16 : i32
        %shift_right_logical3A_182 = vector.broadcast %shift_right_logical3A_181 : i32 to vector<16xi32>
        %shift_right_logical3A_183 = arith.shrui %get3A_173, %shift_right_logical3A_182 : vector<16xi32>
        %swap3A_184 = arith.constant 0 : index
        %swap3A_185 = tpu.vector_load %arg11[%swap3A_184] {strides = array<i32>} : memref<128xi32, #tpu.memory_space<vmem>>, vector<16xi32>,
        %swap3A_186 = vector.shape_cast %swap3A_185 : vector<16xi32> to vector<16xi32>
        %swap3A_187 = vector.shape_cast %shift_right_logical3A_183 : vector<16xi32> to vector<16xi32>
        tpu.vector_store %arg11[%swap3A_184], %swap3A_187 {strides = array<i32>} : memref<128xi32, #tpu.memory_space<vmem>>, vector<16xi32>,
        %get3A_188 = arith.index_cast %add3A_169 : i32 to index
        %get3A_189 = arith.constant 16 : index
        %get3A_190 = tpu.vector_load %arg7[%get3A_188, %get3A_189] {strides = array<i32>} : memref<160x128xi32, #tpu.memory_space<vmem>>, vector<1x16xi32>,
        %get3A_191 = vector.shape_cast %get3A_190 : vector<1x16xi32> to vector<16xi32>
        %and3A_192 = arith.constant 65535 : i32
        %and3A_193 = vector.broadcast %and3A_192 : i32 to vector<16xi32>
        %and3A_194 = arith.andi %get3A_191, %and3A_193 : vector<16xi32>
        %swap3A_195 = arith.constant 16 : index
        %swap3A_196 = tpu.vector_load %arg10[%swap3A_195] {strides = array<i32>} : memref<128xi32, #tpu.memory_space<vmem>>, vector<16xi32>,
        %swap3A_197 = vector.shape_cast %swap3A_196 : vector<16xi32> to vector<16xi32>
        %swap3A_198 = vector.shape_cast %and3A_194 : vector<16xi32> to vector<16xi32>
        tpu.vector_store %arg10[%swap3A_195], %swap3A_198 {strides = array<i32>} : memref<128xi32, #tpu.memory_space<vmem>>, vector<16xi32>,
        %shift_right_logical3A_199 = arith.constant 16 : i32
        %shift_right_logical3A_200 = vector.broadcast %shift_right_logical3A_199 : i32 to vector<16xi32>
        %shift_right_logical3A_201 = arith.shrui %get3A_191, %shift_right_logical3A_200 : vector<16xi32>
        %swap3A_202 = arith.constant 16 : index
        %swap3A_203 = tpu.vector_load %arg11[%swap3A_202] {strides = array<i32>} : memref<128xi32, #tpu.memory_space<vmem>>, vector<16xi32>,
        %swap3A_204 = vector.shape_cast %swap3A_203 : vector<16xi32> to vector<16xi32>
        %swap3A_205 = vector.shape_cast %shift_right_logical3A_201 : vector<16xi32> to vector<16xi32>
        tpu.vector_store %arg11[%swap3A_202], %swap3A_205 {strides = array<i32>} : memref<128xi32, #tpu.memory_space<vmem>>, vector<16xi32>,
        %get3A_206 = arith.index_cast %add3A_169 : i32 to index
        %get3A_207 = arith.constant 32 : index
        %get3A_208 = tpu.vector_load %arg7[%get3A_206, %get3A_207] {strides = array<i32>} : memref<160x128xi32, #tpu.memory_space<vmem>>, vector<1x16xi32>,
        %get3A_209 = vector.shape_cast %get3A_208 : vector<1x16xi32> to vector<16xi32>
        %and3A_210 = arith.constant 65535 : i32
        %and3A_211 = vector.broadcast %and3A_210 : i32 to vector<16xi32>
        %and3A_212 = arith.andi %get3A_209, %and3A_211 : vector<16xi32>
        %swap3A_213 = arith.constant 32 : index
        %swap3A_214 = tpu.vector_load %arg10[%swap3A_213] {strides = array<i32>} : memref<128xi32, #tpu.memory_space<vmem>>, vector<16xi32>,
        %swap3A_215 = vector.shape_cast %swap3A_214 : vector<16xi32> to vector<16xi32>
        %swap3A_216 = vector.shape_cast %and3A_212 : vector<16xi32> to vector<16xi32>
        tpu.vector_store %arg10[%swap3A_213], %swap3A_216 {strides = array<i32>} : memref<128xi32, #tpu.memory_space<vmem>>, vector<16xi32>,
        %shift_right_logical3A_217 = arith.constant 16 : i32
        %shift_right_logical3A_218 = vector.broadcast %shift_right_logical3A_217 : i32 to vector<16xi32>
        %shift_right_logical3A_219 = arith.shrui %get3A_209, %shift_right_logical3A_218 : vector<16xi32>
        %swap3A_220 = arith.constant 32 : index
        %swap3A_221 = tpu.vector_load %arg11[%swap3A_220] {strides = array<i32>} : memref<128xi32, #tpu.memory_space<vmem>>, vector<16xi32>,
        %swap3A_222 = vector.shape_cast %swap3A_221 : vector<16xi32> to vector<16xi32>
        %swap3A_223 = vector.shape_cast %shift_right_logical3A_219 : vector<16xi32> to vector<16xi32>
        tpu.vector_store %arg11[%swap3A_220], %swap3A_223 {strides = array<i32>} : memref<128xi32, #tpu.memory_space<vmem>>, vector<16xi32>,
        %get3A_224 = arith.index_cast %add3A_169 : i32 to index
        %get3A_225 = arith.constant 48 : index
        %get3A_226 = tpu.vector_load %arg7[%get3A_224, %get3A_225] {strides = array<i32>} : memref<160x128xi32, #tpu.memory_space<vmem>>, vector<1x16xi32>,
        %get3A_227 = vector.shape_cast %get3A_226 : vector<1x16xi32> to vector<16xi32>
        %and3A_228 = arith.constant 65535 : i32
        %and3A_229 = vector.broadcast %and3A_228 : i32 to vector<16xi32>
        %and3A_230 = arith.andi %get3A_227, %and3A_229 : vector<16xi32>
        %swap3A_231 = arith.constant 48 : index
        %swap3A_232 = tpu.vector_load %arg10[%swap3A_231] {strides = array<i32>} : memref<128xi32, #tpu.memory_space<vmem>>, vector<16xi32>,
        %swap3A_233 = vector.shape_cast %swap3A_232 : vector<16xi32> to vector<16xi32>
        %swap3A_234 = vector.shape_cast %and3A_230 : vector<16xi32> to vector<16xi32>
        tpu.vector_store %arg10[%swap3A_231], %swap3A_234 {strides = array<i32>} : memref<128xi32, #tpu.memory_space<vmem>>, vector<16xi32>,
        %shift_right_logical3A_235 = arith.constant 16 : i32
        %shift_right_logical3A_236 = vector.broadcast %shift_right_logical3A_235 : i32 to vector<16xi32>
        %shift_right_logical3A_237 = arith.shrui %get3A_227, %shift_right_logical3A_236 : vector<16xi32>
        %swap3A_238 = arith.constant 48 : index
        %swap3A_239 = tpu.vector_load %arg11[%swap3A_238] {strides = array<i32>} : memref<128xi32, #tpu.memory_space<vmem>>, vector<16xi32>,
        %swap3A_240 = vector.shape_cast %swap3A_239 : vector<16xi32> to vector<16xi32>
        %swap3A_241 = vector.shape_cast %shift_right_logical3A_237 : vector<16xi32> to vector<16xi32>
        tpu.vector_store %arg11[%swap3A_238], %swap3A_241 {strides = array<i32>} : memref<128xi32, #tpu.memory_space<vmem>>, vector<16xi32>,
        %get3A_242 = arith.index_cast %add3A_169 : i32 to index
        %get3A_243 = arith.constant 64 : index
        %get3A_244 = tpu.vector_load %arg7[%get3A_242, %get3A_243] {strides = array<i32>} : memref<160x128xi32, #tpu.memory_space<vmem>>, vector<1x16xi32>,
        %get3A_245 = vector.shape_cast %get3A_244 : vector<1x16xi32> to vector<16xi32>
        %and3A_246 = arith.constant 65535 : i32
        %and3A_247 = vector.broadcast %and3A_246 : i32 to vector<16xi32>
        %and3A_248 = arith.andi %get3A_245, %and3A_247 : vector<16xi32>
        %swap3A_249 = arith.constant 64 : index
        %swap3A_250 = tpu.vector_load %arg10[%swap3A_249] {strides = array<i32>} : memref<128xi32, #tpu.memory_space<vmem>>, vector<16xi32>,
        %swap3A_251 = vector.shape_cast %swap3A_250 : vector<16xi32> to vector<16xi32>
        %swap3A_252 = vector.shape_cast %and3A_248 : vector<16xi32> to vector<16xi32>
        tpu.vector_store %arg10[%swap3A_249], %swap3A_252 {strides = array<i32>} : memref<128xi32, #tpu.memory_space<vmem>>, vector<16xi32>,
        %shift_right_logical3A_253 = arith.constant 16 : i32
        %shift_right_logical3A_254 = vector.broadcast %shift_right_logical3A_253 : i32 to vector<16xi32>
        %shift_right_logical3A_255 = arith.shrui %get3A_245, %shift_right_logical3A_254 : vector<16xi32>
        %swap3A_256 = arith.constant 64 : index
        %swap3A_257 = tpu.vector_load %arg11[%swap3A_256] {strides = array<i32>} : memref<128xi32, #tpu.memory_space<vmem>>, vector<16xi32>,
        %swap3A_258 = vector.shape_cast %swap3A_257 : vector<16xi32> to vector<16xi32>
        %swap3A_259 = vector.shape_cast %shift_right_logical3A_255 : vector<16xi32> to vector<16xi32>
        tpu.vector_store %arg11[%swap3A_256], %swap3A_259 {strides = array<i32>} : memref<128xi32, #tpu.memory_space<vmem>>, vector<16xi32>,
        %get3A_260 = arith.index_cast %add3A_169 : i32 to index
        %get3A_261 = arith.constant 80 : index
        %get3A_262 = tpu.vector_load %arg7[%get3A_260, %get3A_261] {strides = array<i32>} : memref<160x128xi32, #tpu.memory_space<vmem>>, vector<1x16xi32>,
        %get3A_263 = vector.shape_cast %get3A_262 : vector<1x16xi32> to vector<16xi32>
        %and3A_264 = arith.constant 65535 : i32
        %and3A_265 = vector.broadcast %and3A_264 : i32 to vector<16xi32>
        %and3A_266 = arith.andi %get3A_263, %and3A_265 : vector<16xi32>
        %swap3A_267 = arith.constant 80 : index
        %swap3A_268 = tpu.vector_load %arg10[%swap3A_267] {strides = array<i32>} : memref<128xi32, #tpu.memory_space<vmem>>, vector<16xi32>,
        %swap3A_269 = vector.shape_cast %swap3A_268 : vector<16xi32> to vector<16xi32>
        %swap3A_270 = vector.shape_cast %and3A_266 : vector<16xi32> to vector<16xi32>
        tpu.vector_store %arg10[%swap3A_267], %swap3A_270 {strides = array<i32>} : memref<128xi32, #tpu.memory_space<vmem>>, vector<16xi32>,
        %shift_right_logical3A_271 = arith.constant 16 : i32
        %shift_right_logical3A_272 = vector.broadcast %shift_right_logical3A_271 : i32 to vector<16xi32>
        %shift_right_logical3A_273 = arith.shrui %get3A_263, %shift_right_logical3A_272 : vector<16xi32>
        %swap3A_274 = arith.constant 80 : index
        %swap3A_275 = tpu.vector_load %arg11[%swap3A_274] {strides = array<i32>} : memref<128xi32, #tpu.memory_space<vmem>>, vector<16xi32>,
        %swap3A_276 = vector.shape_cast %swap3A_275 : vector<16xi32> to vector<16xi32>
        %swap3A_277 = vector.shape_cast %shift_right_logical3A_273 : vector<16xi32> to vector<16xi32>
        tpu.vector_store %arg11[%swap3A_274], %swap3A_277 {strides = array<i32>} : memref<128xi32, #tpu.memory_space<vmem>>, vector<16xi32>,
        %get3A_278 = arith.index_cast %add3A_169 : i32 to index
        %get3A_279 = arith.constant 96 : index
        %get3A_280 = tpu.vector_load %arg7[%get3A_278, %get3A_279] {strides = array<i32>} : memref<160x128xi32, #tpu.memory_space<vmem>>, vector<1x16xi32>,
        %get3A_281 = vector.shape_cast %get3A_280 : vector<1x16xi32> to vector<16xi32>
        %and3A_282 = arith.constant 65535 : i32
        %and3A_283 = vector.broadcast %and3A_282 : i32 to vector<16xi32>
        %and3A_284 = arith.andi %get3A_281, %and3A_283 : vector<16xi32>
        %swap3A_285 = arith.constant 96 : index
        %swap3A_286 = tpu.vector_load %arg10[%swap3A_285] {strides = array<i32>} : memref<128xi32, #tpu.memory_space<vmem>>, vector<16xi32>,
        %swap3A_287 = vector.shape_cast %swap3A_286 : vector<16xi32> to vector<16xi32>
        %swap3A_288 = vector.shape_cast %and3A_284 : vector<16xi32> to vector<16xi32>
        tpu.vector_store %arg10[%swap3A_285], %swap3A_288 {strides = array<i32>} : memref<128xi32, #tpu.memory_space<vmem>>, vector<16xi32>,
        %shift_right_logical3A_289 = arith.constant 16 : i32
        %shift_right_logical3A_290 = vector.broadcast %shift_right_logical3A_289 : i32 to vector<16xi32>
        %shift_right_logical3A_291 = arith.shrui %get3A_281, %shift_right_logical3A_290 : vector<16xi32>
        %swap3A_292 = arith.constant 96 : index
        %swap3A_293 = tpu.vector_load %arg11[%swap3A_292] {strides = array<i32>} : memref<128xi32, #tpu.memory_space<vmem>>, vector<16xi32>,
        %swap3A_294 = vector.shape_cast %swap3A_293 : vector<16xi32> to vector<16xi32>
        %swap3A_295 = vector.shape_cast %shift_right_logical3A_291 : vector<16xi32> to vector<16xi32>
        tpu.vector_store %arg11[%swap3A_292], %swap3A_295 {strides = array<i32>} : memref<128xi32, #tpu.memory_space<vmem>>, vector<16xi32>,
        %get3A_296 = arith.index_cast %add3A_169 : i32 to index
        %get3A_297 = arith.constant 112 : index
        %get3A_298 = tpu.vector_load %arg7[%get3A_296, %get3A_297] {strides = array<i32>} : memref<160x128xi32, #tpu.memory_space<vmem>>, vector<1x16xi32>,
        %get3A_299 = vector.shape_cast %get3A_298 : vector<1x16xi32> to vector<16xi32>
        %and3A_300 = arith.constant 65535 : i32
        %and3A_301 = vector.broadcast %and3A_300 : i32 to vector<16xi32>
        %and3A_302 = arith.andi %get3A_299, %and3A_301 : vector<16xi32>
        %swap3A_303 = arith.constant 112 : index
        %swap3A_304 = tpu.vector_load %arg10[%swap3A_303] {strides = array<i32>} : memref<128xi32, #tpu.memory_space<vmem>>, vector<16xi32>,
        %swap3A_305 = vector.shape_cast %swap3A_304 : vector<16xi32> to vector<16xi32>
        %swap3A_306 = vector.shape_cast %and3A_302 : vector<16xi32> to vector<16xi32>
        tpu.vector_store %arg10[%swap3A_303], %swap3A_306 {strides = array<i32>} : memref<128xi32, #tpu.memory_space<vmem>>, vector<16xi32>,
        %shift_right_logical3A_307 = arith.constant 16 : i32
        %shift_right_logical3A_308 = vector.broadcast %shift_right_logical3A_307 : i32 to vector<16xi32>
        %shift_right_logical3A_309 = arith.shrui %get3A_299, %shift_right_logical3A_308 : vector<16xi32>
        %swap3A_310 = arith.constant 112 : index
        %swap3A_311 = tpu.vector_load %arg11[%swap3A_310] {strides = array<i32>} : memref<128xi32, #tpu.memory_space<vmem>>, vector<16xi32>,
        %swap3A_312 = vector.shape_cast %swap3A_311 : vector<16xi32> to vector<16xi32>
        %swap3A_313 = vector.shape_cast %shift_right_logical3A_309 : vector<16xi32> to vector<16xi32>
        tpu.vector_store %arg11[%swap3A_310], %swap3A_313 {strides = array<i32>} : memref<128xi32, #tpu.memory_space<vmem>>, vector<16xi32>,
        %dma_start3A_314 = arith.constant 0 : i32
        %dma_start3A_315 = arith.constant 0 : i32
        %dma_start3A_316 = tpu.memref_slice %arg3[%dma_start3A_314, %dma_start3A_315] : memref<10000x64xf32, #tpu.memory_space<hbm>> -> memref<10000x64xf32, #tpu.memory_space<hbm>>
        tpu.enqueue_indirect_dma source(%dma_start3A_316 : memref<10000x64xf32, #tpu.memory_space<hbm>>) target(%arg13 : memref<128x64xf32, #tpu.memory_space<vmem>>) offsets(%arg10 : memref<128xi32, #tpu.memory_space<vmem>>) semaphore(%arg16 : memref<!tpu.dma_semaphore, #tpu.memory_space<semaphore_mem>>)
        %dma_wait3A = arith.constant 0 : i32
        %dma_wait3A_317 = arith.constant 0 : i32
        %dma_wait3A_318 = tpu.memref_slice %arg3[%dma_wait3A, %dma_wait3A_317] : memref<10000x64xf32, #tpu.memory_space<hbm>> -> memref<10000x64xf32, #tpu.memory_space<hbm>>
        tpu.wait_indirect_dma semaphore(%arg15 : memref<!tpu.dma_semaphore, #tpu.memory_space<semaphore_mem>>) src(%dma_wait3A_318 : memref<10000x64xf32, #tpu.memory_space<hbm>>) dst(%arg12 : memref<128x64xf32, #tpu.memory_space<vmem>>)
        "tpu.region"() ({
          %run_scoped3A = tpu.sem_alloc : memref<!tpu.dma_semaphore, #tpu.memory_space<semaphore_mem>>
          %dma_start3A_326 = arith.constant 0 : i32
          %dma_start3A_327 = arith.constant 0 : i32
          %dma_start3A_328 = tpu.memref_slice %arg14[%dma_start3A_326, %dma_start3A_327] : memref<10016x64xf32, #tpu.memory_space<vmem_shared>> -> memref<10016x64xf32, #tpu.memory_space<vmem_shared>>
          tpu.enqueue_indirect_dma source(%arg12 : memref<128x64xf32, #tpu.memory_space<vmem>>) target(%dma_start3A_328 : memref<10016x64xf32, #tpu.memory_space<vmem_shared>>) offsets(%arg9 : memref<128xi32, #tpu.memory_space<vmem>>) semaphore(%run_scoped3A : memref<!tpu.dma_semaphore, #tpu.memory_space<semaphore_mem>>) {add = true}
          %dma_wait3A_329 = arith.constant 0 : i32
          %dma_wait3A_330 = arith.constant 0 : i32
          %dma_wait3A_331 = tpu.memref_slice %arg14[%dma_wait3A_329, %dma_wait3A_330] : memref<10016x64xf32, #tpu.memory_space<vmem_shared>> -> memref<10016x64xf32, #tpu.memory_space<vmem_shared>>
          tpu.wait_indirect_dma semaphore(%run_scoped3A : memref<!tpu.dma_semaphore, #tpu.memory_space<semaphore_mem>>) src(%arg12 : memref<128x64xf32, #tpu.memory_space<vmem>>) dst(%dma_wait3A_331 : memref<10016x64xf32, #tpu.memory_space<vmem_shared>>)
          tpu.yield
        }) : () -> ()
        %lt3A = arith.constant 79 : i32
        %lt3A_319 = arith.cmpi slt, %scan3A_166, %lt3A : i32
        %convert_element_type3A_320 = arith.extui %lt3A_319 : i1 to i32
        %cond3A_321 = arith.constant 0 : i32
        %cond3A_322 = arith.cmpi ne, %convert_element_type3A_320, %cond3A_321 : i32
        scf.if %cond3A_322 {
          %add3A_326 = arith.constant 2 : i32
          %add3A_327 = arith.addi %mul3A_168, %add3A_326 : i32
          %get3A_328 = arith.index_cast %add3A_327 : i32 to index
          %get3A_329 = arith.constant 0 : index
          %get3A_330 = tpu.vector_load %arg7[%get3A_328, %get3A_329] {strides = array<i32>} : memref<160x128xi32, #tpu.memory_space<vmem>>, vector<1x16xi32>,
          %get3A_331 = vector.shape_cast %get3A_330 : vector<1x16xi32> to vector<16xi32>
          %and3A_332 = arith.constant 65535 : i32
          %and3A_333 = vector.broadcast %and3A_332 : i32 to vector<16xi32>
          %and3A_334 = arith.andi %get3A_331, %and3A_333 : vector<16xi32>
          %swap3A_335 = arith.constant 0 : index
          %swap3A_336 = tpu.vector_load %arg8[%swap3A_335] {strides = array<i32>} : memref<128xi32, #tpu.memory_space<vmem>>, vector<16xi32>,
          %swap3A_337 = vector.shape_cast %swap3A_336 : vector<16xi32> to vector<16xi32>
          %swap3A_338 = vector.shape_cast %and3A_334 : vector<16xi32> to vector<16xi32>
          tpu.vector_store %arg8[%swap3A_335], %swap3A_338 {strides = array<i32>} : memref<128xi32, #tpu.memory_space<vmem>>, vector<16xi32>,
          %shift_right_logical3A_339 = arith.constant 16 : i32
          %shift_right_logical3A_340 = vector.broadcast %shift_right_logical3A_339 : i32 to vector<16xi32>
          %shift_right_logical3A_341 = arith.shrui %get3A_331, %shift_right_logical3A_340 : vector<16xi32>
          %swap3A_342 = arith.constant 0 : index
          %swap3A_343 = tpu.vector_load %arg9[%swap3A_342] {strides = array<i32>} : memref<128xi32, #tpu.memory_space<vmem>>, vector<16xi32>,
          %swap3A_344 = vector.shape_cast %swap3A_343 : vector<16xi32> to vector<16xi32>
          %swap3A_345 = vector.shape_cast %shift_right_logical3A_341 : vector<16xi32> to vector<16xi32>
          tpu.vector_store %arg9[%swap3A_342], %swap3A_345 {strides = array<i32>} : memref<128xi32, #tpu.memory_space<vmem>>, vector<16xi32>,
          %get3A_346 = arith.index_cast %add3A_327 : i32 to index
          %get3A_347 = arith.constant 16 : index
          %get3A_348 = tpu.vector_load %arg7[%get3A_346, %get3A_347] {strides = array<i32>} : memref<160x128xi32, #tpu.memory_space<vmem>>, vector<1x16xi32>,
          %get3A_349 = vector.shape_cast %get3A_348 : vector<1x16xi32> to vector<16xi32>
          %and3A_350 = arith.constant 65535 : i32
          %and3A_351 = vector.broadcast %and3A_350 : i32 to vector<16xi32>
          %and3A_352 = arith.andi %get3A_349, %and3A_351 : vector<16xi32>
          %swap3A_353 = arith.constant 16 : index
          %swap3A_354 = tpu.vector_load %arg8[%swap3A_353] {strides = array<i32>} : memref<128xi32, #tpu.memory_space<vmem>>, vector<16xi32>,
          %swap3A_355 = vector.shape_cast %swap3A_354 : vector<16xi32> to vector<16xi32>
          %swap3A_356 = vector.shape_cast %and3A_352 : vector<16xi32> to vector<16xi32>
          tpu.vector_store %arg8[%swap3A_353], %swap3A_356 {strides = array<i32>} : memref<128xi32, #tpu.memory_space<vmem>>, vector<16xi32>,
          %shift_right_logical3A_357 = arith.constant 16 : i32
          %shift_right_logical3A_358 = vector.broadcast %shift_right_logical3A_357 : i32 to vector<16xi32>
          %shift_right_logical3A_359 = arith.shrui %get3A_349, %shift_right_logical3A_358 : vector<16xi32>
          %swap3A_360 = arith.constant 16 : index
          %swap3A_361 = tpu.vector_load %arg9[%swap3A_360] {strides = array<i32>} : memref<128xi32, #tpu.memory_space<vmem>>, vector<16xi32>,
          %swap3A_362 = vector.shape_cast %swap3A_361 : vector<16xi32> to vector<16xi32>
          %swap3A_363 = vector.shape_cast %shift_right_logical3A_359 : vector<16xi32> to vector<16xi32>
          tpu.vector_store %arg9[%swap3A_360], %swap3A_363 {strides = array<i32>} : memref<128xi32, #tpu.memory_space<vmem>>, vector<16xi32>,
          %get3A_364 = arith.index_cast %add3A_327 : i32 to index
          %get3A_365 = arith.constant 32 : index
          %get3A_366 = tpu.vector_load %arg7[%get3A_364, %get3A_365] {strides = array<i32>} : memref<160x128xi32, #tpu.memory_space<vmem>>, vector<1x16xi32>,
          %get3A_367 = vector.shape_cast %get3A_366 : vector<1x16xi32> to vector<16xi32>
          %and3A_368 = arith.constant 65535 : i32
          %and3A_369 = vector.broadcast %and3A_368 : i32 to vector<16xi32>
          %and3A_370 = arith.andi %get3A_367, %and3A_369 : vector<16xi32>
          %swap3A_371 = arith.constant 32 : index
          %swap3A_372 = tpu.vector_load %arg8[%swap3A_371] {strides = array<i32>} : memref<128xi32, #tpu.memory_space<vmem>>, vector<16xi32>,
          %swap3A_373 = vector.shape_cast %swap3A_372 : vector<16xi32> to vector<16xi32>
          %swap3A_374 = vector.shape_cast %and3A_370 : vector<16xi32> to vector<16xi32>
          tpu.vector_store %arg8[%swap3A_371], %swap3A_374 {strides = array<i32>} : memref<128xi32, #tpu.memory_space<vmem>>, vector<16xi32>,
          %shift_right_logical3A_375 = arith.constant 16 : i32
          %shift_right_logical3A_376 = vector.broadcast %shift_right_logical3A_375 : i32 to vector<16xi32>
          %shift_right_logical3A_377 = arith.shrui %get3A_367, %shift_right_logical3A_376 : vector<16xi32>
          %swap3A_378 = arith.constant 32 : index
          %swap3A_379 = tpu.vector_load %arg9[%swap3A_378] {strides = array<i32>} : memref<128xi32, #tpu.memory_space<vmem>>, vector<16xi32>,
          %swap3A_380 = vector.shape_cast %swap3A_379 : vector<16xi32> to vector<16xi32>
          %swap3A_381 = vector.shape_cast %shift_right_logical3A_377 : vector<16xi32> to vector<16xi32>
          tpu.vector_store %arg9[%swap3A_378], %swap3A_381 {strides = array<i32>} : memref<128xi32, #tpu.memory_space<vmem>>, vector<16xi32>,
          %get3A_382 = arith.index_cast %add3A_327 : i32 to index
          %get3A_383 = arith.constant 48 : index
          %get3A_384 = tpu.vector_load %arg7[%get3A_382, %get3A_383] {strides = array<i32>} : memref<160x128xi32, #tpu.memory_space<vmem>>, vector<1x16xi32>,
          %get3A_385 = vector.shape_cast %get3A_384 : vector<1x16xi32> to vector<16xi32>
          %and3A_386 = arith.constant 65535 : i32
          %and3A_387 = vector.broadcast %and3A_386 : i32 to vector<16xi32>
          %and3A_388 = arith.andi %get3A_385, %and3A_387 : vector<16xi32>
          %swap3A_389 = arith.constant 48 : index
          %swap3A_390 = tpu.vector_load %arg8[%swap3A_389] {strides = array<i32>} : memref<128xi32, #tpu.memory_space<vmem>>, vector<16xi32>,
          %swap3A_391 = vector.shape_cast %swap3A_390 : vector<16xi32> to vector<16xi32>
          %swap3A_392 = vector.shape_cast %and3A_388 : vector<16xi32> to vector<16xi32>
          tpu.vector_store %arg8[%swap3A_389], %swap3A_392 {strides = array<i32>} : memref<128xi32, #tpu.memory_space<vmem>>, vector<16xi32>,
          %shift_right_logical3A_393 = arith.constant 16 : i32
          %shift_right_logical3A_394 = vector.broadcast %shift_right_logical3A_393 : i32 to vector<16xi32>
          %shift_right_logical3A_395 = arith.shrui %get3A_385, %shift_right_logical3A_394 : vector<16xi32>
          %swap3A_396 = arith.constant 48 : index
          %swap3A_397 = tpu.vector_load %arg9[%swap3A_396] {strides = array<i32>} : memref<128xi32, #tpu.memory_space<vmem>>, vector<16xi32>,
          %swap3A_398 = vector.shape_cast %swap3A_397 : vector<16xi32> to vector<16xi32>
          %swap3A_399 = vector.shape_cast %shift_right_logical3A_395 : vector<16xi32> to vector<16xi32>
          tpu.vector_store %arg9[%swap3A_396], %swap3A_399 {strides = array<i32>} : memref<128xi32, #tpu.memory_space<vmem>>, vector<16xi32>,
          %get3A_400 = arith.index_cast %add3A_327 : i32 to index
          %get3A_401 = arith.constant 64 : index
          %get3A_402 = tpu.vector_load %arg7[%get3A_400, %get3A_401] {strides = array<i32>} : memref<160x128xi32, #tpu.memory_space<vmem>>, vector<1x16xi32>,
          %get3A_403 = vector.shape_cast %get3A_402 : vector<1x16xi32> to vector<16xi32>
          %and3A_404 = arith.constant 65535 : i32
          %and3A_405 = vector.broadcast %and3A_404 : i32 to vector<16xi32>
          %and3A_406 = arith.andi %get3A_403, %and3A_405 : vector<16xi32>
          %swap3A_407 = arith.constant 64 : index
          %swap3A_408 = tpu.vector_load %arg8[%swap3A_407] {strides = array<i32>} : memref<128xi32, #tpu.memory_space<vmem>>, vector<16xi32>,
          %swap3A_409 = vector.shape_cast %swap3A_408 : vector<16xi32> to vector<16xi32>
          %swap3A_410 = vector.shape_cast %and3A_406 : vector<16xi32> to vector<16xi32>
          tpu.vector_store %arg8[%swap3A_407], %swap3A_410 {strides = array<i32>} : memref<128xi32, #tpu.memory_space<vmem>>, vector<16xi32>,
          %shift_right_logical3A_411 = arith.constant 16 : i32
          %shift_right_logical3A_412 = vector.broadcast %shift_right_logical3A_411 : i32 to vector<16xi32>
          %shift_right_logical3A_413 = arith.shrui %get3A_403, %shift_right_logical3A_412 : vector<16xi32>
          %swap3A_414 = arith.constant 64 : index
          %swap3A_415 = tpu.vector_load %arg9[%swap3A_414] {strides = array<i32>} : memref<128xi32, #tpu.memory_space<vmem>>, vector<16xi32>,
          %swap3A_416 = vector.shape_cast %swap3A_415 : vector<16xi32> to vector<16xi32>
          %swap3A_417 = vector.shape_cast %shift_right_logical3A_413 : vector<16xi32> to vector<16xi32>
          tpu.vector_store %arg9[%swap3A_414], %swap3A_417 {strides = array<i32>} : memref<128xi32, #tpu.memory_space<vmem>>, vector<16xi32>,
          %get3A_418 = arith.index_cast %add3A_327 : i32 to index
          %get3A_419 = arith.constant 80 : index
          %get3A_420 = tpu.vector_load %arg7[%get3A_418, %get3A_419] {strides = array<i32>} : memref<160x128xi32, #tpu.memory_space<vmem>>, vector<1x16xi32>,
          %get3A_421 = vector.shape_cast %get3A_420 : vector<1x16xi32> to vector<16xi32>
          %and3A_422 = arith.constant 65535 : i32
          %and3A_423 = vector.broadcast %and3A_422 : i32 to vector<16xi32>
          %and3A_424 = arith.andi %get3A_421, %and3A_423 : vector<16xi32>
          %swap3A_425 = arith.constant 80 : index
          %swap3A_426 = tpu.vector_load %arg8[%swap3A_425] {strides = array<i32>} : memref<128xi32, #tpu.memory_space<vmem>>, vector<16xi32>,
          %swap3A_427 = vector.shape_cast %swap3A_426 : vector<16xi32> to vector<16xi32>
          %swap3A_428 = vector.shape_cast %and3A_424 : vector<16xi32> to vector<16xi32>
          tpu.vector_store %arg8[%swap3A_425], %swap3A_428 {strides = array<i32>} : memref<128xi32, #tpu.memory_space<vmem>>, vector<16xi32>,
          %shift_right_logical3A_429 = arith.constant 16 : i32
          %shift_right_logical3A_430 = vector.broadcast %shift_right_logical3A_429 : i32 to vector<16xi32>
          %shift_right_logical3A_431 = arith.shrui %get3A_421, %shift_right_logical3A_430 : vector<16xi32>
          %swap3A_432 = arith.constant 80 : index
          %swap3A_433 = tpu.vector_load %arg9[%swap3A_432] {strides = array<i32>} : memref<128xi32, #tpu.memory_space<vmem>>, vector<16xi32>,
          %swap3A_434 = vector.shape_cast %swap3A_433 : vector<16xi32> to vector<16xi32>
          %swap3A_435 = vector.shape_cast %shift_right_logical3A_431 : vector<16xi32> to vector<16xi32>
          tpu.vector_store %arg9[%swap3A_432], %swap3A_435 {strides = array<i32>} : memref<128xi32, #tpu.memory_space<vmem>>, vector<16xi32>,
          %get3A_436 = arith.index_cast %add3A_327 : i32 to index
          %get3A_437 = arith.constant 96 : index
          %get3A_438 = tpu.vector_load %arg7[%get3A_436, %get3A_437] {strides = array<i32>} : memref<160x128xi32, #tpu.memory_space<vmem>>, vector<1x16xi32>,
          %get3A_439 = vector.shape_cast %get3A_438 : vector<1x16xi32> to vector<16xi32>
          %and3A_440 = arith.constant 65535 : i32
          %and3A_441 = vector.broadcast %and3A_440 : i32 to vector<16xi32>
          %and3A_442 = arith.andi %get3A_439, %and3A_441 : vector<16xi32>
          %swap3A_443 = arith.constant 96 : index
          %swap3A_444 = tpu.vector_load %arg8[%swap3A_443] {strides = array<i32>} : memref<128xi32, #tpu.memory_space<vmem>>, vector<16xi32>,
          %swap3A_445 = vector.shape_cast %swap3A_444 : vector<16xi32> to vector<16xi32>
          %swap3A_446 = vector.shape_cast %and3A_442 : vector<16xi32> to vector<16xi32>
          tpu.vector_store %arg8[%swap3A_443], %swap3A_446 {strides = array<i32>} : memref<128xi32, #tpu.memory_space<vmem>>, vector<16xi32>,
          %shift_right_logical3A_447 = arith.constant 16 : i32
          %shift_right_logical3A_448 = vector.broadcast %shift_right_logical3A_447 : i32 to vector<16xi32>
          %shift_right_logical3A_449 = arith.shrui %get3A_439, %shift_right_logical3A_448 : vector<16xi32>
          %swap3A_450 = arith.constant 96 : index
          %swap3A_451 = tpu.vector_load %arg9[%swap3A_450] {strides = array<i32>} : memref<128xi32, #tpu.memory_space<vmem>>, vector<16xi32>,
          %swap3A_452 = vector.shape_cast %swap3A_451 : vector<16xi32> to vector<16xi32>
          %swap3A_453 = vector.shape_cast %shift_right_logical3A_449 : vector<16xi32> to vector<16xi32>
          tpu.vector_store %arg9[%swap3A_450], %swap3A_453 {strides = array<i32>} : memref<128xi32, #tpu.memory_space<vmem>>, vector<16xi32>,
          %get3A_454 = arith.index_cast %add3A_327 : i32 to index
          %get3A_455 = arith.constant 112 : index
          %get3A_456 = tpu.vector_load %arg7[%get3A_454, %get3A_455] {strides = array<i32>} : memref<160x128xi32, #tpu.memory_space<vmem>>, vector<1x16xi32>,
          %get3A_457 = vector.shape_cast %get3A_456 : vector<1x16xi32> to vector<16xi32>
          %and3A_458 = arith.constant 65535 : i32
          %and3A_459 = vector.broadcast %and3A_458 : i32 to vector<16xi32>
          %and3A_460 = arith.andi %get3A_457, %and3A_459 : vector<16xi32>
          %swap3A_461 = arith.constant 112 : index
          %swap3A_462 = tpu.vector_load %arg8[%swap3A_461] {strides = array<i32>} : memref<128xi32, #tpu.memory_space<vmem>>, vector<16xi32>,
          %swap3A_463 = vector.shape_cast %swap3A_462 : vector<16xi32> to vector<16xi32>
          %swap3A_464 = vector.shape_cast %and3A_460 : vector<16xi32> to vector<16xi32>
          tpu.vector_store %arg8[%swap3A_461], %swap3A_464 {strides = array<i32>} : memref<128xi32, #tpu.memory_space<vmem>>, vector<16xi32>,
          %shift_right_logical3A_465 = arith.constant 16 : i32
          %shift_right_logical3A_466 = vector.broadcast %shift_right_logical3A_465 : i32 to vector<16xi32>
          %shift_right_logical3A_467 = arith.shrui %get3A_457, %shift_right_logical3A_466 : vector<16xi32>
          %swap3A_468 = arith.constant 112 : index
          %swap3A_469 = tpu.vector_load %arg9[%swap3A_468] {strides = array<i32>} : memref<128xi32, #tpu.memory_space<vmem>>, vector<16xi32>,
          %swap3A_470 = vector.shape_cast %swap3A_469 : vector<16xi32> to vector<16xi32>
          %swap3A_471 = vector.shape_cast %shift_right_logical3A_467 : vector<16xi32> to vector<16xi32>
          tpu.vector_store %arg9[%swap3A_468], %swap3A_471 {strides = array<i32>} : memref<128xi32, #tpu.memory_space<vmem>>, vector<16xi32>,
          %dma_start3A_472 = arith.constant 0 : i32
          %dma_start3A_473 = arith.constant 0 : i32
          %dma_start3A_474 = tpu.memref_slice %arg3[%dma_start3A_472, %dma_start3A_473] : memref<10000x64xf32, #tpu.memory_space<hbm>> -> memref<10000x64xf32, #tpu.memory_space<hbm>>
          tpu.enqueue_indirect_dma source(%dma_start3A_474 : memref<10000x64xf32, #tpu.memory_space<hbm>>) target(%arg12 : memref<128x64xf32, #tpu.memory_space<vmem>>) offsets(%arg8 : memref<128xi32, #tpu.memory_space<vmem>>) semaphore(%arg15 : memref<!tpu.dma_semaphore, #tpu.memory_space<semaphore_mem>>)
        } else {
        }
        %dma_wait3A_323 = arith.constant 0 : i32
        %dma_wait3A_324 = arith.constant 0 : i32
        %dma_wait3A_325 = tpu.memref_slice %arg3[%dma_wait3A_323, %dma_wait3A_324] : memref<10000x64xf32, #tpu.memory_space<hbm>> -> memref<10000x64xf32, #tpu.memory_space<hbm>>
        tpu.wait_indirect_dma semaphore(%arg16 : memref<!tpu.dma_semaphore, #tpu.memory_space<semaphore_mem>>) src(%dma_wait3A_325 : memref<10000x64xf32, #tpu.memory_space<hbm>>) dst(%arg13 : memref<128x64xf32, #tpu.memory_space<vmem>>)
        "tpu.region"() ({
          %run_scoped3A = tpu.sem_alloc : memref<!tpu.dma_semaphore, #tpu.memory_space<semaphore_mem>>
          %dma_start3A_326 = arith.constant 0 : i32
          %dma_start3A_327 = arith.constant 0 : i32
          %dma_start3A_328 = tpu.memref_slice %arg14[%dma_start3A_326, %dma_start3A_327] : memref<10016x64xf32, #tpu.memory_space<vmem_shared>> -> memref<10016x64xf32, #tpu.memory_space<vmem_shared>>
          tpu.enqueue_indirect_dma source(%arg13 : memref<128x64xf32, #tpu.memory_space<vmem>>) target(%dma_start3A_328 : memref<10016x64xf32, #tpu.memory_space<vmem_shared>>) offsets(%arg11 : memref<128xi32, #tpu.memory_space<vmem>>) semaphore(%run_scoped3A : memref<!tpu.dma_semaphore, #tpu.memory_space<semaphore_mem>>) {add = true}
          %dma_wait3A_329 = arith.constant 0 : i32
          %dma_wait3A_330 = arith.constant 0 : i32
          %dma_wait3A_331 = tpu.memref_slice %arg14[%dma_wait3A_329, %dma_wait3A_330] : memref<10016x64xf32, #tpu.memory_space<vmem_shared>> -> memref<10016x64xf32, #tpu.memory_space<vmem_shared>>
          tpu.wait_indirect_dma semaphore(%run_scoped3A : memref<!tpu.dma_semaphore, #tpu.memory_space<semaphore_mem>>) src(%arg13 : memref<128x64xf32, #tpu.memory_space<vmem>>) dst(%dma_wait3A_331 : memref<10016x64xf32, #tpu.memory_space<vmem_shared>>)
          tpu.yield
        }) : () -> ()
      }
      %scan3A_165 = arith.constant 80 : i32
    } else {
    }
    %barrier3A = arith.constant 0 : index
    tpu.barrier barrier_id(%barrier3A)
    "tpu.region"() ({
      %run_scoped3A = tpu.sem_alloc : memref<!tpu.dma_semaphore, #tpu.memory_space<semaphore_mem>>
      %dma_start3A = arith.constant 0 : i32
      %dma_start3A_8 = tpu.memref_slice %arg6[%arg0, %mul3A_0, %dma_start3A] : memref<2x10016x64xf32, #tpu.memory_space<hbm>> -> memref<1x626x64xf32, #tpu.memory_space<hbm>>
      %dma_start3A_9 = tpu.memref_squeeze %dma_start3A_8 : memref<1x626x64xf32, #tpu.memory_space<hbm>> -> memref<626x64xf32, #tpu.memory_space<hbm>>
      %dma_start3A_10 = arith.constant 0 : i32
      %dma_start3A_11 = tpu.memref_slice %arg14[%mul3A_0, %dma_start3A_10] : memref<10016x64xf32, #tpu.memory_space<vmem_shared>> -> memref<626x64xf32, #tpu.memory_space<vmem_shared>>
      tpu.enqueue_dma source(%dma_start3A_11 : memref<626x64xf32, #tpu.memory_space<vmem_shared>>) target(%dma_start3A_9 : memref<626x64xf32, #tpu.memory_space<hbm>>) target_semaphore(%run_scoped3A : memref<!tpu.dma_semaphore, #tpu.memory_space<semaphore_mem>>)
      %dma_wait3A = arith.constant 0 : i32
      %dma_wait3A_12 = tpu.memref_slice %arg6[%arg0, %mul3A_0, %dma_wait3A] : memref<2x10016x64xf32, #tpu.memory_space<hbm>> -> memref<1x626x64xf32, #tpu.memory_space<hbm>>
      %dma_wait3A_13 = tpu.memref_squeeze %dma_wait3A_12 : memref<1x626x64xf32, #tpu.memory_space<hbm>> -> memref<626x64xf32, #tpu.memory_space<hbm>>
      %dma_wait3A_14 = arith.constant 0 : i32
      %dma_wait3A_15 = tpu.memref_slice %arg14[%mul3A_0, %dma_wait3A_14] : memref<10016x64xf32, #tpu.memory_space<vmem_shared>> -> memref<626x64xf32, #tpu.memory_space<vmem_shared>>
      tpu.wait_dma2 semaphore(%run_scoped3A : memref<!tpu.dma_semaphore, #tpu.memory_space<semaphore_mem>>) src(%dma_wait3A_15 : memref<626x64xf32, #tpu.memory_space<vmem_shared>>) dst(%dma_wait3A_13 : memref<626x64xf32, #tpu.memory_space<hbm>>)
      tpu.yield
    }) : () -> ()
    return
  }
}

module attributes {stable_mosaic.version = 14 : i64} {
  func.func @body(%arg0: memref<2x10016x16xf32, #tpu.memory_space<vmem>>, %arg1: memref<10000x16xf32, #tpu.memory_space<vmem>>, %arg2: memref<10000x1xf32, #tpu.memory_space<vmem>>, %arg3: memref<10000x16xf32, #tpu.memory_space<vmem>>) attributes {dimension_semantics = [], scalar_prefetch = 0 : i64, scratch_operands = 0 : i64, tpu.core_type = #tpu.core_type<tc>} {
    %get3A = arith.constant 0 : index
    %get3A_0 = arith.constant 0 : index
    %get3A_1 = arith.constant 0 : index
    %get3A_2 = vector.load %arg0[%get3A, %get3A_0, %get3A_1] : memref<2x10016x16xf32, #tpu.memory_space<vmem>>, vector<1x10000x1xf32>
    %get3A_3 = vector.shape_cast %get3A_2 : vector<1x10000x1xf32> to vector<10000x1xf32>
    %get3A_4 = arith.constant 1 : index
    %get3A_5 = arith.constant 0 : index
    %get3A_6 = arith.constant 0 : index
    %get3A_7 = vector.load %arg0[%get3A_4, %get3A_5, %get3A_6] : memref<2x10016x16xf32, #tpu.memory_space<vmem>>, vector<1x10000x1xf32>
    %get3A_8 = vector.shape_cast %get3A_7 : vector<1x10000x1xf32> to vector<10000x1xf32>
    %add3A = arith.addf %get3A_3, %get3A_8 : vector<10000x1xf32>
    %add3A_9 = arith.constant 1.000000e+00 : f32
    %add3A_10 = vector.broadcast %add3A_9 : f32 to vector<10000x1xf32>
    %add3A_11 = arith.addf %add3A, %add3A_10 : vector<10000x1xf32>
    %rsqrt3A = math.rsqrt %add3A_11 : vector<10000x1xf32>
    %swap3A = arith.constant 0 : index
    %swap3A_12 = arith.constant 0 : index
    %swap3A_13 = vector.load %arg2[%swap3A, %swap3A_12] : memref<10000x1xf32, #tpu.memory_space<vmem>>, vector<10000x1xf32>
    tpu.vector_store %arg2[%swap3A, %swap3A_12], %rsqrt3A {strides = array<i32>} : memref<10000x1xf32, #tpu.memory_space<vmem>>, vector<10000x1xf32>,
    %get3A_14 = arith.constant 0 : index
    %get3A_15 = arith.constant 0 : index
    %get3A_16 = vector.load %arg1[%get3A_14, %get3A_15] : memref<10000x16xf32, #tpu.memory_space<vmem>>, vector<10000x16xf32>
    %mul3A = vector.broadcast %rsqrt3A : vector<10000x1xf32> to vector<10000x16xf32>
    %mul3A_17 = arith.mulf %mul3A, %get3A_16 : vector<10000x16xf32>
    %swap3A_18 = arith.constant 0 : index
    %swap3A_19 = arith.constant 0 : index
    %swap3A_20 = vector.load %arg3[%swap3A_18, %swap3A_19] : memref<10000x16xf32, #tpu.memory_space<vmem>>, vector<10000x16xf32>
    tpu.vector_store %arg3[%swap3A_18, %swap3A_19], %mul3A_17 {strides = array<i32>} : memref<10000x16xf32, #tpu.memory_space<vmem>>, vector<10000x16xf32>,
    return
  }
}

module attributes {stable_mosaic.version = 14 : i64} {
  func.func @body(%arg0: i32, %arg1: memref<2x1000x16xf32, #tpu.memory_space<vmem>>, %arg2: memref<1000x16xf32, #tpu.memory_space<vmem>>, %arg3: memref<1000x1xf32, #tpu.memory_space<vmem>>, %arg4: memref<16x128xf32, #tpu.memory_space<vmem>>, %arg5: memref<128x128xf32, #tpu.memory_space<vmem>>, %arg6: memref<1x128xf32, #tpu.memory_space<vmem>>, %arg7: memref<1000x128xf32, #tpu.memory_space<vmem>>, %arg8: memref<1000x128xf32, #tpu.memory_space<vmem>>) attributes {dimension_semantics = [#tpu.dimension_semantics<arbitrary>], iteration_bounds = array<i64: 10>, scalar_prefetch = 0 : i64, scratch_operands = 0 : i64, tpu.core_type = #tpu.core_type<tc>, window_params = [{transform_indices = @transform_0, window_bounds = array<i64: 2, 1000, 16>}, {transform_indices = @transform_1, window_bounds = array<i64: 1000, 16>}, {transform_indices = @transform_2, window_bounds = array<i64: 1000, 1>}, {pipeline_mode = #tpu.pipeline_mode<synchronous>, transform_indices = @transform_3, window_bounds = array<i64: 16, 128>}, {pipeline_mode = #tpu.pipeline_mode<synchronous>, transform_indices = @transform_4, window_bounds = array<i64: 128, 128>}, {pipeline_mode = #tpu.pipeline_mode<synchronous>, transform_indices = @transform_5, window_bounds = array<i64: 1, 128>}, {transform_indices = @transform_6, window_bounds = array<i64: 1000, 128>}, {transform_indices = @transform_7, window_bounds = array<i64: 1000, 128>}]} {
    %get3A = arith.constant 0 : index
    %get3A_0 = arith.constant 0 : index
    %get3A_1 = vector.load %arg3[%get3A, %get3A_0] : memref<1000x1xf32, #tpu.memory_space<vmem>>, vector<1000x1xf32>
    %get3A_2 = arith.constant 0 : index
    %get3A_3 = arith.constant 0 : index
    %get3A_4 = arith.constant 0 : index
    %get3A_5 = vector.load %arg1[%get3A_2, %get3A_3, %get3A_4] : memref<2x1000x16xf32, #tpu.memory_space<vmem>>, vector<1x1000x16xf32>
    %get3A_6 = vector.shape_cast %get3A_5 : vector<1x1000x16xf32> to vector<1000x16xf32>
    %get3A_7 = arith.constant 1 : index
    %get3A_8 = arith.constant 0 : index
    %get3A_9 = arith.constant 0 : index
    %get3A_10 = vector.load %arg1[%get3A_7, %get3A_8, %get3A_9] : memref<2x1000x16xf32, #tpu.memory_space<vmem>>, vector<1x1000x16xf32>
    %get3A_11 = vector.shape_cast %get3A_10 : vector<1x1000x16xf32> to vector<1000x16xf32>
    %add3A = arith.addf %get3A_6, %get3A_11 : vector<1000x16xf32>
    %get3A_12 = arith.constant 0 : index
    %get3A_13 = arith.constant 0 : index
    %get3A_14 = vector.load %arg2[%get3A_12, %get3A_13] : memref<1000x16xf32, #tpu.memory_space<vmem>>, vector<1000x16xf32>
    %add3A_15 = arith.addf %add3A, %get3A_14 : vector<1000x16xf32>
    %get3A_16 = arith.constant 0 : index
    %get3A_17 = arith.constant 0 : index
    %get3A_18 = vector.load %arg4[%get3A_16, %get3A_17] : memref<16x128xf32, #tpu.memory_space<vmem>>, vector<16x128xf32>
    %dot_general3A = arith.constant dense<0.000000e+00> : vector<1000x128xf32>
    %dot_general3A_19 = tpu.matmul %add3A_15, %get3A_18, %dot_general3A {dimension_numbers = #tpu.dot_dimension_numbers<[1], [0], [0], [1], [0, 0, 1, 1], [], []>, transpose_lhs_hint = false} : vector<1000x16xf32>, vector<16x128xf32>, vector<1000x128xf32> -> vector<1000x128xf32>
    %mul3A = vector.broadcast %get3A_1 : vector<1000x1xf32> to vector<1000x128xf32>
    %mul3A_20 = arith.mulf %mul3A, %dot_general3A_19 : vector<1000x128xf32>
    %get3A_21 = arith.constant 0 : index
    %get3A_22 = arith.constant 0 : index
    %get3A_23 = vector.load %arg6[%get3A_21, %get3A_22] : memref<1x128xf32, #tpu.memory_space<vmem>>, vector<1x128xf32>
    %add3A_24 = vector.broadcast %get3A_23 : vector<1x128xf32> to vector<1000x128xf32>
    %add3A_25 = arith.addf %mul3A_20, %add3A_24 : vector<1000x128xf32>
    %max3A = arith.constant 0.000000e+00 : f32
    %max3A_26 = vector.broadcast %max3A : f32 to vector<1000x128xf32>
    %max3A_27 = arith.maximumf %add3A_25, %max3A_26 : vector<1000x128xf32>
    %swap3A = arith.constant 0 : index
    %swap3A_28 = arith.constant 0 : index
    %swap3A_29 = vector.load %arg7[%swap3A, %swap3A_28] : memref<1000x128xf32, #tpu.memory_space<vmem>>, vector<1000x128xf32>
    tpu.vector_store %arg7[%swap3A, %swap3A_28], %max3A_27 {strides = array<i32>} : memref<1000x128xf32, #tpu.memory_space<vmem>>, vector<1000x128xf32>,
    %get3A_30 = arith.constant 0 : index
    %get3A_31 = arith.constant 0 : index
    %get3A_32 = vector.load %arg5[%get3A_30, %get3A_31] : memref<128x128xf32, #tpu.memory_space<vmem>>, vector<128x128xf32>
    %dot_general3A_33 = arith.constant dense<0.000000e+00> : vector<1000x128xf32>
    %dot_general3A_34 = tpu.matmul %max3A_27, %get3A_32, %dot_general3A_33 {dimension_numbers = #tpu.dot_dimension_numbers<[1], [0], [0], [1], [0, 0, 1, 1], [], []>, transpose_lhs_hint = false} : vector<1000x128xf32>, vector<128x128xf32>, vector<1000x128xf32> -> vector<1000x128xf32>
    %mul3A_35 = vector.broadcast %get3A_1 : vector<1000x1xf32> to vector<1000x128xf32>
    %mul3A_36 = arith.mulf %mul3A_35, %dot_general3A_34 : vector<1000x128xf32>
    %swap3A_37 = arith.constant 0 : index
    %swap3A_38 = arith.constant 0 : index
    %swap3A_39 = vector.load %arg8[%swap3A_37, %swap3A_38] : memref<1000x128xf32, #tpu.memory_space<vmem>>, vector<1000x128xf32>
    tpu.vector_store %arg8[%swap3A_37, %swap3A_38], %mul3A_36 {strides = array<i32>} : memref<1000x128xf32, #tpu.memory_space<vmem>>, vector<1000x128xf32>,
    return
  }
  func.func @transform_0(%arg0: i32) -> (i32, i32, i32) {
    %c0_i32 = arith.constant 0 : i32
    %c0_i32_0 = arith.constant 0 : i32
    %c0_i32_1 = arith.constant 0 : i32
    return %c0_i32, %arg0, %c0_i32_0 : i32, i32, i32
  }
  func.func @transform_1(%arg0: i32) -> (i32, i32) {
    %c0_i32 = arith.constant 0 : i32
    %c0_i32_0 = arith.constant 0 : i32
    return %arg0, %c0_i32 : i32, i32
  }
  func.func @transform_2(%arg0: i32) -> (i32, i32) {
    %c0_i32 = arith.constant 0 : i32
    %c0_i32_0 = arith.constant 0 : i32
    return %arg0, %c0_i32 : i32, i32
  }
  func.func @transform_3(%arg0: i32) -> (i32, i32) {
    %c0_i32 = arith.constant 0 : i32
    %c0_i32_0 = arith.constant 0 : i32
    %c0_i32_1 = arith.constant 0 : i32
    return %c0_i32, %c0_i32_0 : i32, i32
  }
  func.func @transform_4(%arg0: i32) -> (i32, i32) {
    %c0_i32 = arith.constant 0 : i32
    %c0_i32_0 = arith.constant 0 : i32
    %c0_i32_1 = arith.constant 0 : i32
    return %c0_i32, %c0_i32_0 : i32, i32
  }
  func.func @transform_5(%arg0: i32) -> (i32, i32) {
    %c0_i32 = arith.constant 0 : i32
    %c0_i32_0 = arith.constant 0 : i32
    %c0_i32_1 = arith.constant 0 : i32
    return %c0_i32, %c0_i32_0 : i32, i32
  }
  func.func @transform_6(%arg0: i32) -> (i32, i32) {
    %c0_i32 = arith.constant 0 : i32
    %c0_i32_0 = arith.constant 0 : i32
    return %arg0, %c0_i32 : i32, i32
  }
  func.func @transform_7(%arg0: i32) -> (i32, i32) {
    %c0_i32 = arith.constant 0 : i32
    %c0_i32_0 = arith.constant 0 : i32
    return %arg0, %c0_i32 : i32, i32
  }
}

module attributes {stable_mosaic.version = 14 : i64} {
  func.func @body(%arg0: i32, %arg1: memref<2x1000x64xf32, #tpu.memory_space<vmem>>, %arg2: memref<1000x128xf32, #tpu.memory_space<vmem>>, %arg3: memref<1000x1xf32, #tpu.memory_space<vmem>>, %arg4: memref<1x128xf32, #tpu.memory_space<vmem>>, %arg5: memref<1000x128xf32, #tpu.memory_space<vmem>>) attributes {dimension_semantics = [#tpu.dimension_semantics<arbitrary>], iteration_bounds = array<i64: 10>, scalar_prefetch = 0 : i64, scratch_operands = 0 : i64, tpu.core_type = #tpu.core_type<tc>, window_params = [{transform_indices = @transform_0, window_bounds = array<i64: 2, 1000, 64>}, {transform_indices = @transform_1, window_bounds = array<i64: 1000, 128>}, {transform_indices = @transform_2, window_bounds = array<i64: 1000, 1>}, {pipeline_mode = #tpu.pipeline_mode<synchronous>, transform_indices = @transform_3, window_bounds = array<i64: 1, 128>}, {transform_indices = @transform_4, window_bounds = array<i64: 1000, 128>}]} {
    %get3A = arith.constant 0 : index
    %get3A_0 = arith.constant 0 : index
    %get3A_1 = arith.constant 0 : index
    %get3A_2 = vector.load %arg1[%get3A, %get3A_0, %get3A_1] : memref<2x1000x64xf32, #tpu.memory_space<vmem>>, vector<1x1000x64xf32>
    %get3A_3 = vector.shape_cast %get3A_2 : vector<1x1000x64xf32> to vector<1000x64xf32>
    %get3A_4 = arith.constant 1 : index
    %get3A_5 = arith.constant 0 : index
    %get3A_6 = arith.constant 0 : index
    %get3A_7 = vector.load %arg1[%get3A_4, %get3A_5, %get3A_6] : memref<2x1000x64xf32, #tpu.memory_space<vmem>>, vector<1x1000x64xf32>
    %get3A_8 = vector.shape_cast %get3A_7 : vector<1x1000x64xf32> to vector<1000x64xf32>
    %concatenate3A = tpu.concatenate %get3A_3, %get3A_8 in 1 : vector<1000x64xf32>, vector<1000x64xf32> -> vector<1000x128xf32>
    %get3A_9 = arith.constant 0 : index
    %get3A_10 = arith.constant 0 : index
    %get3A_11 = vector.load %arg2[%get3A_9, %get3A_10] : memref<1000x128xf32, #tpu.memory_space<vmem>>, vector<1000x128xf32>
    %add3A = arith.addf %concatenate3A, %get3A_11 : vector<1000x128xf32>
    %get3A_12 = arith.constant 0 : index
    %get3A_13 = arith.constant 0 : index
    %get3A_14 = vector.load %arg3[%get3A_12, %get3A_13] : memref<1000x1xf32, #tpu.memory_space<vmem>>, vector<1000x1xf32>
    %mul3A = vector.broadcast %get3A_14 : vector<1000x1xf32> to vector<1000x128xf32>
    %mul3A_15 = arith.mulf %mul3A, %add3A : vector<1000x128xf32>
    %get3A_16 = arith.constant 0 : index
    %get3A_17 = arith.constant 0 : index
    %get3A_18 = vector.load %arg4[%get3A_16, %get3A_17] : memref<1x128xf32, #tpu.memory_space<vmem>>, vector<1x128xf32>
    %add3A_19 = vector.broadcast %get3A_18 : vector<1x128xf32> to vector<1000x128xf32>
    %add3A_20 = arith.addf %mul3A_15, %add3A_19 : vector<1000x128xf32>
    %max3A = arith.constant 0.000000e+00 : f32
    %max3A_21 = vector.broadcast %max3A : f32 to vector<1000x128xf32>
    %max3A_22 = arith.maximumf %add3A_20, %max3A_21 : vector<1000x128xf32>
    %swap3A = arith.constant 0 : index
    %swap3A_23 = arith.constant 0 : index
    %swap3A_24 = vector.load %arg5[%swap3A, %swap3A_23] : memref<1000x128xf32, #tpu.memory_space<vmem>>, vector<1000x128xf32>
    tpu.vector_store %arg5[%swap3A, %swap3A_23], %max3A_22 {strides = array<i32>} : memref<1000x128xf32, #tpu.memory_space<vmem>>, vector<1000x128xf32>,
    return
  }
  func.func @transform_0(%arg0: i32) -> (i32, i32, i32) {
    %c0_i32 = arith.constant 0 : i32
    %c0_i32_0 = arith.constant 0 : i32
    %c0_i32_1 = arith.constant 0 : i32
    return %c0_i32, %arg0, %c0_i32_0 : i32, i32, i32
  }
  func.func @transform_1(%arg0: i32) -> (i32, i32) {
    %c0_i32 = arith.constant 0 : i32
    %c0_i32_0 = arith.constant 0 : i32
    return %arg0, %c0_i32 : i32, i32
  }
  func.func @transform_2(%arg0: i32) -> (i32, i32) {
    %c0_i32 = arith.constant 0 : i32
    %c0_i32_0 = arith.constant 0 : i32
    return %arg0, %c0_i32 : i32, i32
  }
  func.func @transform_3(%arg0: i32) -> (i32, i32) {
    %c0_i32 = arith.constant 0 : i32
    %c0_i32_0 = arith.constant 0 : i32
    %c0_i32_1 = arith.constant 0 : i32
    return %c0_i32, %c0_i32_0 : i32, i32
  }
  func.func @transform_4(%arg0: i32) -> (i32, i32) {
    %c0_i32 = arith.constant 0 : i32
    %c0_i32_0 = arith.constant 0 : i32
    return %arg0, %c0_i32 : i32, i32
  }
}

</mosaic_0001>

<sc_bundles>
// kernel: kernel.11.cloned.1.call-start
scs
__scs_entry_jumppad:
0x0: {  	(pc) =	sbr.rel $0x88, $3  }
0x1: {  	(tag) =	ssettag $0x0;
	lr =	simm.s32 $0x1  }
0x2: {  	[smem:$0x3F9B] =	sst lr;
	_ =	strace $0xD0000000  }
0x3: {  	_ = 	snop  }
0x4: {  	_ = 	snop  }
0x5: {  	_ = 	snop  }
0x6: {  	_ = 	snop  }
0x7: {  	_ = 	snop  }
__scs_overlays_trampoline_lowered:
0x8: {  	[smem:$0x3FAA] =	sst s0  }
0x9: {  	[smem:$0x3FAB] =	sst s1  }
0xa: {  	[smem:$0x3FAC] =	sst s2  }
0xb: {  	[smem:$0x3FAD] =	sst s3  }
0xc: {  	[smem:$0x3FAE] =	sst s4  }
0xd: {  	[smem:$0x3FAF] =	sst s5  }
0xe: {  	[smem:$0x3FB0] =	sst s6  }
0xf: {  	[smem:$0x3FB1] =	sst s7  }
0x10: {  	[smem:$0x3FB2] =	sst s8  }
0x11: {  	[smem:$0x3FB3] =	sst s9;
	s0 =	simm.s32 @!p0 $0x0  }
0x12: {  	s1 =	sld [smem:$0x3F99];
	s0 =	simm.s32 @p0 $0x1  }
0x13: {  	[smem:$0x3FB4] =	sst s0;
	s0 =	simm.s32 @!p1 $0x0  }
0x14: {  	s2 =	sld [smem:$0x3F98];
	s0 =	simm.s32 @p1 $0x1  }
0x15: {  	[smem:$0x3FB5] =	sst s0;
	s0 =	simm.s32 @!p2 $0x0  }
0x16: {  	s3 =	sld [smem:$0x3FDB];
	s0 =	simm.s32 @p2 $0x1  }
0x17: {  	s4 =	simm.s32 $0x1BF5;
	[smem:$0x3FB7] =	sst s0  }
0x18: {  	s0 =	sld [smem:$0x3F9A];
	_ =	swait.ge [sflag:s4], $0x0  }
0x19: {  	s7 =	sld [smem:$0x3F9B]  }
0x1a: {  	s8 =	sadd.s32 $0xFFFFE003, lr  }
0x1b: {  	s9 =	sadd.s32 $0xFFFFFEF7, lr;
	s5 =	simm.s32 $0xFFFFFFFF;
	p2 =	slt.u32 s8, $0xFFFFF086  }
0x1c: {  	p1 =	slt.u32 s9, $0xF7A;
	s5 =	simm.s32 @!p2 $0x0  }
0x1d: {  	s5 =	simm.s32 @p1 $0x1;
	p0 =	seq.s32 s7, s2  }
0x1e: {  	s7 =	smul.u32 @!p0 $0xF7A, s2;
	p2 =	seq.s32 @!p0 s5, $0x0  }
0x1f: {  	s9 =	smul.u32 $0xF7A, s1;
	s8 =	simm.s32 @!p0 $0x1BF5;
	p2 =	por !p2, p0  }
0x20: {  	[sflag:s8] =	ssyncset.s32 @!p0 $0xFFFFF086;
	s6 =	sadd.s32 @!p0 s3, s7;
	s7 =	simm.s32 @!p0 $0x108  }
0x21: {  	s3 =	sadd.s32 s3, s9;
	s6 =	sadd.s32 @!p0 $0x88, s6;
	s7 =	simm.s32 @p2 $0x1082  }
0x22: {  	[simem:s7], [sflag:s8] =	dma.local @!p0 [hbm:s6], $0xF7A  }
0x23: {  	s9 =	sor.u32 $0xD0000000, s2;
	s6 =	simm.s32 $0x108;
	_ =	swait.ge @!p0 [sflag:s8], $0x0  }
0x24: {  	s3 =	sadd.s32 $0x88, s3;
	s6 =	simm.s32 @!p1 $0x1082;
	[sflag:s4] =	ssyncset.s32 $0xFFFFF086  }
0x25: {  	[simem:s6], [sflag:s4] =	dma.local [hbm:s3], $0xF7A  }
0x26: {  	[smem:$0x3F9B] =	sst s1;
	(tag) =	ssettag s2;
	_ =	strace s9  }
0x27: {  	s1 =	sld [smem:$0x3FAB]  }
0x28: {  	s2 =	sld [smem:$0x3FAC]  }
0x29: {  	s4 =	sld [smem:$0x3FAE]  }
0x2a: {  	p0 =	seq.s32 s5, $0x0;
	s5 =	sld [smem:$0x3FAF]  }
0x2b: {  	s6 =	sld [smem:$0x3FB0]  }
0x2c: {  	s7 =	sld [smem:$0x3FB1]  }
0x2d: {  	s3 =	simm.s32 $0x108;
	s8 =	sld [smem:$0x3FB2]  }
0x2e: {  	s3 =	simm.s32 @!p0 $0x1082;
	s9 =	sld [smem:$0x3FB3]  }
0x2f: {  	lr =	sadd.s32 s0, s3;
	s0 =	sld [smem:$0x3FAA]  }
0x30: {  	s3 =	sld [smem:$0x3FAD]  }
0x31: {  	[smem:$0x3FB6] =	sst s10  }
0x32: {  	s10 =	sld [smem:$0x3FB4];
	_ =	sdelay $0x3  }
0x33: {  	p0 =	seq.s32 s10, $0x1;
	s10 =	sld [smem:$0x3FB6];
	_ =	sdelay $0x3  }
0x34: {  	[smem:$0x3FB6] =	sst s10  }
0x35: {  	s10 =	sld [smem:$0x3FB5];
	_ =	sdelay $0x3  }
0x36: {  	p1 =	seq.s32 s10, $0x1;
	s10 =	sld [smem:$0x3FB6];
	_ =	sdelay $0x3  }
0x37: {  	[smem:$0x3FB6] =	sst s10  }
0x38: {  	s10 =	sld [smem:$0x3FB7]  }
0x39: {  	_ = 	snop;
	(pc) =	sbr.ind lr, $3  }
0x3a: {  	_ = 	snop  }
0x3b: {  	_ = 	snop  }
0x3c: {  	p2 =	seq.s32 s10, $0x1;
	s10 =	sld [smem:$0x3FB6]  }
0x3d: {  	_ =	shalt  }
0x3e: {  	_ =	shalt  }
0x3f: {  	_ =	shalt  }
0x40: {  	_ =	shalt  }
0x41: {  	_ =	shalt  }
0x42: {  	_ =	shalt  }
0x43: {  	_ =	shalt  }
0x44: {  	_ =	shalt  }
0x45: {  	_ =	shalt  }
0x46: {  	_ =	shalt  }
0x47: {  	_ =	shalt  }
0x48: {  	_ =	shalt  }
0x49: {  	_ =	shalt  }
0x4a: {  	_ =	shalt  }
0x4b: {  	_ =	shalt  }
0x4c: {  	_ =	shalt  }
0x4d: {  	_ =	shalt  }
0x4e: {  	_ =	shalt  }
0x4f: {  	_ =	shalt  }
0x50: {  	_ =	shalt  }
0x51: {  	_ =	shalt  }
0x52: {  	_ =	shalt  }
0x53: {  	_ =	shalt  }
0x54: {  	_ =	shalt  }
0x55: {  	_ =	shalt  }
0x56: {  	_ =	shalt  }
0x57: {  	_ =	shalt  }
0x58: {  	_ =	shalt  }
0x59: {  	_ =	shalt  }
0x5a: {  	_ =	shalt  }
0x5b: {  	_ =	shalt  }
0x5c: {  	_ =	shalt  }
0x5d: {  	_ =	shalt  }
0x5e: {  	_ =	shalt  }
0x5f: {  	_ =	shalt  }
0x60: {  	_ =	shalt  }
0x61: {  	_ =	shalt  }
0x62: {  	_ =	shalt  }
0x63: {  	_ =	shalt  }
0x64: {  	_ =	shalt  }
0x65: {  	_ =	shalt  }
0x66: {  	_ =	shalt  }
0x67: {  	_ =	shalt  }
0x68: {  	_ =	shalt  }
0x69: {  	_ =	shalt  }
0x6a: {  	_ =	shalt  }
0x6b: {  	_ =	shalt  }
0x6c: {  	_ =	shalt  }
0x6d: {  	_ =	shalt  }
0x6e: {  	_ =	shalt  }
0x6f: {  	_ =	shalt  }
0x70: {  	_ =	shalt  }
0x71: {  	_ =	shalt  }
0x72: {  	_ =	shalt  }
0x73: {  	_ =	shalt  }
0x74: {  	_ =	shalt  }
0x75: {  	_ =	shalt  }
0x76: {  	_ =	shalt  }
0x77: {  	_ =	shalt  }
0x78: {  	_ =	shalt  }
0x79: {  	_ =	shalt  }
0x7a: {  	_ =	shalt  }
0x7b: {  	_ =	shalt  }
0x7c: {  	_ =	shalt  }
0x7d: {  	_ =	shalt  }
0x7e: {  	_ =	shalt  }
0x7f: {  	_ =	shalt  }
0x80: {  	_ =	shalt  }
0x81: {  	_ =	shalt  }
0x82: {  	_ =	shalt  }
0x83: {  	_ =	shalt  }
0x84: {  	_ =	shalt  }
0x85: {  	_ =	shalt  }
0x86: {  	_ =	shalt  }
0x87: {  	_ =	shalt  }
.Lfunc_end0:
.L_simem_size_0:
called_computation.1_lowered:
.L_overlay_start_0:
0x88: {  	s2 =	sld [smem:$0x3FD9]  }
0x89: {  	s3 =	sld [smem:$0x3FFE];
	_ =	sdelay $0x1  }
0x8a: {  	s1 =	srdreg.scid  }
0x8b: {  	s0 =	sand.u32 $0x1, s1  }
0x8c: {  	s17 =	sshll.u32 s0, $0xA;
	s2 =	sadd.s32 s3, s2  }
0x8d: {  	s2 =	sadd.s32 s2, s17  }
0x8e: {  	[smem:$0x3FC2] =	sst s2  }
0x8f: {  	_ = 	snop  }
0x90: {  	s2 =	sld [smem:$0x3FD0];
	(tm) =	ssettm $0x1  }
0x91: {  	s18 =	sld [smem:$0x3FFB];
	_ =	sdelay $0x3  }
0x92: {  	_ =	strace s18  }
0x93: {  	s3 =	sld [smem:$0x3FFC];
	_ =	sdelay $0x3  }
0x94: {  	_ =	strace s3  }
0x95: {  	s3 =	sld [smem:$0x3FFD];
	_ =	sdelay $0x3  }
0x96: {  	_ =	strace s3  }
0x97: {  	_ =	strace $0x8FFFFFFF  }
0x98: {  	s19 =	sld [smem:$0x3FDB];
	_ =	sdelay $0x1  }
0x99: {  	s4 =	simm.s32 $_scs_section_size  }
0x9a: {  	s5 =	simm.s32 $_size__tile_overlayer_lowered;
	s6 =	simm.s32 $_tile_overlayer_lowered  }
0x9b: {  	s22 =	simm.s32 $0x1BFF;
	s21 =	sshll.u32 s6, $0x1;
	s3 =	sadd.s32 s4, s19  }
0x9c: {  	s7 =	simm.s32 $0x0;
	s20 =	sshll.u32 s5, $0x1;
	s5 =	sadd.s32 s21, s3  }
0x9d: {  	[timem:s7], [sflag:s22] =	dma.local [hbm:s5], s20  }
0x9e: {  	_ =	swait.ge [sflag:s22], s20  }
0x9f: {  	s4 =	ssub.s32 $0x0, s20;
	[sflag:s22] =	ssyncset.done $0x0  }
0xa0: {  	[sflag:s22] =	ssyncadd.s32 s4;
	_ =	sdelay $0x1  }
0xa1: {  	s23 =	simm.s32 $0x1B8B  }
0xa2: {  	_ =	swait.ge [sflag:s23], $0x1  }
0xa3: {  	[sflag:s23] =	ssyncset.done $0x0  }
0xa4: {  	s25 =	simm.s32 $0x1B8E;
	s24 =	sld [smem:$0x3FFE];
	[sflag:s23] =	ssyncadd.s32 $0xFFFFFFFF  }
0xa5: {  	s26 =	simm.s32 $execute0_lowered;
	[smem:$0x3FD2] =	sst s25  }
0xa6: {  	s5 =	sshll.u32 s26, $0x1;
	_ =	strace $0x80000049;
	[dreg:$0x1] =	wrdreg $0xFFFFFFFF  }
0xa7: {  	s28 =	simm.s32 $_size_execute0_lowered;
	s3 =	sadd.s32 s3, s5;
	[dreg:$0x0] =	wrdreg $0x0  }
0xa8: {  	s5 =	sshll.u32 s28, $0x1;
	[dreg:$0x2] =	wrdreg s3  }
0xa9: {  	[dreg:$0x3] =	wrdreg s5  }
0xaa: {  	[dreg:$0x4] =	wrdreg $0xC0  }
0xab: {  	_ =	task [dreg:s7], $0x5FFFF  }
0xac: {  	[dreg:$0x1] =	wrdreg $0xFFFFFFFF  }
0xad: {  	[dreg:$0x0] =	wrdreg $0x60  }
0xae: {  	[dreg:$0x2] =	wrdreg s24  }
0xaf: {  	[dreg:$0x3] =	wrdreg s2  }
0xb0: {  	[dreg:$0x4] =	wrdreg $0x3A000  }
0xb1: {  	[dreg:$0x5] =	wrdreg $0x9  }
0xb2: {  	_ =	task.clear_ibuf [dreg:s7], $0x6FFFF;
	_ =	strace $0x90000049  }
0xb3: {  	s29 =	simm.s32 $0x9;
	_ =	strace $0x8000004B  }
0xb4: {  	_ =	swait.ge [sflag:s29], $0x1  }
0xb5: {  	[sflag:s29] =	ssyncadd.s32 $0xFFFFFFFF  }
0xb6: {  	_ =	strace $0x9000004B  }
0xb7: {  	_ =	sfence  }
0xb8: {  	s30 =	sld [smem:$0x0];
	_ =	sdelay $0x2  }
0xb9: {  	s31 =	sshll.u32 s1, $0xD;
	s1 =	sshrl.u32 s1, $0x2  }
0xba: {  	s3 =	sand.u32 $0x4000, s31;
	s1 =	sadd.s32 s1, s30  }
0xbb: {  	s0 =	sor.u32 s3, s0;
	s1 =	sshll.u32 s1, $0x11  }
0xbc: {  	s0 =	sor.u32 s1, s0  }
0xbd: {  	s0 =	sadd.s32 $0x8F2B, s0  }
0xbe: {  	[sflag:s0] =	ssyncadd.remote.s32 $0x1  }
0xbf: {  	_ =	sfence.sel $0xFFFF  }
0xc0: {  	[dreg:$0x0] =	wrdreg $0xFFFFFFFF;
	(pc) =	sbr.abs _section_cstart, $3  }
0xc1: {  	[dreg:$0x1] =	wrdreg $0xFFFFFFFF  }
0xc2: {  	_ =	task.clear_ibuf [dreg:s7], $0x2FFFF;
	_ =	strace $0x9FFFFFFF  }
0xc3: {  	(tm) =	ssettm $0x7FFFFFFF  }
tec
execute0_lowered:
.L_overlay_start_1:
0x0: {  	(tag) =	ssettag $0x1  }
0x1: {  	s5 =	rddreg [dreg:$0x0]  }
0x2: {  	s10 =	rddreg [dreg:$0x1]  }
0x3: {  	s1 =	rddreg [dreg:$0x2]  }
0x4: {  	s0 =	rddreg [dreg:$0x3];
	s3 =	simm.s32 $0x0  }
0x5: {  	s4 =	srdreg.scid;
	s2 =	stileid.u32;
	s16 =	simm.s32 $0x2A00  }
0x6: {  	s17 =	simm.s32 $0x2900;
	s18 =	simm.s32 $0x3200;
	s19 =	simm.s32 $0x1  }
0x7: {  	s20 =	simm.s32 $0x2880;
	s21 =	simm.s32 $0x2;
	s22 =	simm.s32 $0x2980  }
0x8: {  	[smem:$0x7FF] =	sst s3;
	s7 =	sand.u32 $0x1, s4;
	s8 =	smul.u32 $0x2720, s2  }
0x9: {  	s4 =	sadd.s32 $0x2400, s5;
	s9 =	sadd.s32 $0xC400, s5;
	s12 =	smul.u32 $0x600, s2  }
0xa: {  	s5 =	sadd.s32 $0x1E00, s5;
	s13 =	smul.u32 $0x3000, s2;
	s28 =	sshll.u32 s2, $0x6  }
0xb: {  	s30 =	sshll.u32 s2, $0xA;
	_ =	strace $0x8000004A;
	s6 =	ssub.s32 $0x2, s7  }
0xc: {  	s15 =	smul.u32 $0x27200, s7;
	p0 =	seq.s32 s7, $0x1;
	s11 =	sshrl.u32 s6, $0x1  }
0xd: {  	s14 =	sadd.s32 s8, s1;
	s7 =	sadd.s32 s9, s12;
	s29 =	sshrl.u32 s13, $0x3  }
.Ltmp0:
0xe: {  	s13 =	simm.s32 $0x3;
	s11 =	ssub.s32 s6, s11;
	(pc) =	sbr.rel .LBB2_1-.Ltmp0, $4  }
0xf: {  	s6 =	sor.u32 $0x1C03, s28;
	s8 =	sadd.s32 s8, s15;
	s12 =	sadd.s32 s9, s29  }
0x10: {  	s9 =	sadd.s32 s30, s9;
	s15 =	simm.s32 $0x2800;
	s31 =	sshrl.u32 s8, $0x3  }
0x11: {  	s8 =	sadd.s32 $0x500, s12;
	s9 =	sadd.s32 $0x6000, s9;
	s11 =	smax.u32 s11, $0x1  }
0x12: {  	s12 =	sshrl.u32 s14, $0x3;
	s14 =	simm.s32 $0x80;
	s10 =	sadd.s32 s10, s31  }
.LBB2_9:
0x13: {  	[tilespmem:$0x28E0] =	vst @!p2 v0  }
0x14: {  	v0 =	vld @!p2 [tilespmem:s24+$0x170];
	_ =	sdelay $0x4  }
0x15: {  	v1 =	vand.u32 @!p2 $0xFFFF, v0  }
0x16: {  	v0 =	vshrl.u32 @!p2 v0, $0x10;
	[tilespmem:$0x2870] =	vst @!p2 v1  }
0x17: {  	[tilespmem:$0x28F0] =	vst @!p2 v0  }
0x18: {  	[tilespmem:s29], [sflag:$0x1] =	stream.indirect.gather @!p2 [hbm4b:s4+s26], $0x10, s28, s26, $0xb8;
	[tilespmem:$0x6120] =	vst v63  }
0x19: {  	_ =	swait.ge [sflag:s21], $0x800  }
0x1a: {  	[sflag:s21] =	ssyncset.done $0x0  }
0x1b: {  	[sflag:s21] =	ssyncadd.s32 $0xFFFFF800  }
0x1c: {  	[spmem:s1] =	stream.indirect.scatter.add.f32 [tilespmem:s18], [sflag:$0x3], $0x10, s22, s14, $0xb8;
	[tilespmem:$0x6120] =	vst v63  }
0x1d: {  	_ =	swait.ge [sflag:s13], $0x800  }
0x1e: {  	[sflag:s13] =	ssyncset.done $0x0  }
0x1f: {  	[sflag:s13] =	ssyncadd.s32 $0xFFFFF800  }
.LBB2_10:
0x20: {  	s3 =	sadd.s32 $0x1, s3  }
0x21: {  	p1 =	sne.s32 s3, s11  }
.Ltmp1:
0x22: {  	[bflag:$0x0] =	sbarrier.arrive $0xFFFF;
	(pc) =	sbr.rel @!p1 .LBB2_11-.Ltmp1, $4  }
0x23: {  	[hbm:s10], [sflag:s6] =	dma.local [spmem:s12], $0x4E4  }
0x24: {  	_ =	swait.ge [sflag:s13], $0x4E4  }
0x25: {  	[sflag:s13] =	ssyncset.done $0x0  }
0x26: {  	[sflag:s13] =	ssyncadd.s32 $0xFFFFFB1C  }
.LBB2_1:
.Ltmp2:
0x27: {  	(pc) =	sbr.rel @!p0 .LBB2_2-.Ltmp2, $4  }
0x28: {  	[spmem:s12], [sflag:s6] =	dma.local [hbm:s5], $0x4E4  }
0x29: {  	_ =	swait.ge [sflag:s13], $0x4E4  }
0x2a: {  	[sflag:s13] =	ssyncset.done $0x0  }
0x2b: {  	s23 =	simm.s32 $0x0;
	[sflag:s13] =	ssyncadd.s32 $0xFFFFFB1C  }
0x2c: {  	[tilespmem:s23], [sflag:$0x3] =	stream.linear.gather [hbm4b:s9+s23], $0x2000, $0x38;
	[tilespmem:$0x6120] =	vst v63  }
0x2d: {  	_ =	swait.ge [sflag:s13], $0x2000  }
0x2e: {  	[sflag:s13] =	ssyncset.done $0x0  }
0x2f: {  	[sflag:s13] =	ssyncadd.s32 $0xFFFFE000  }
0x30: {  	[bflag:$0x0] =	sbarrier.arrive $0xFFFF  }
0x31: {  	v0 =	vld [tilespmem:$0x0];
	_ =	sdelay $0x1  }
0x32: {  	v1 =	vld [tilespmem:$0x10];
	_ =	sdelay $0x1  }
0x33: {  	v2 =	vld [tilespmem:$0x20]  }
0x34: {  	v3 =	vand.u32 $0xFFFF, v0  }
0x35: {  	v0 =	vshrl.u32 v0, $0x10;
	[tilespmem:$0x2800] =	vst v3;
	v3 =	vld [tilespmem:$0x30]  }
0x36: {  	[tilespmem:$0x2880] =	vst v0;
	v0 =	vand.u32 $0xFFFF, v1  }
0x37: {  	[tilespmem:$0x2810] =	vst v0;
	v0 =	vshrl.u32 v1, $0x10;
	v1 =	vld [tilespmem:$0x40]  }
0x38: {  	[tilespmem:$0x2890] =	vst v0;
	v0 =	vand.u32 $0xFFFF, v2  }
0x39: {  	[tilespmem:$0x2820] =	vst v0;
	v0 =	vshrl.u32 v2, $0x10;
	v2 =	vld [tilespmem:$0x50]  }
0x3a: {  	[tilespmem:$0x28A0] =	vst v0;
	v0 =	vand.u32 $0xFFFF, v3  }
0x3b: {  	[tilespmem:$0x2830] =	vst v0;
	v0 =	vshrl.u32 v3, $0x10;
	v3 =	vld [tilespmem:$0x60]  }
0x3c: {  	[tilespmem:$0x28B0] =	vst v0;
	v0 =	vand.u32 $0xFFFF, v1  }
0x3d: {  	[tilespmem:$0x2840] =	vst v0;
	v0 =	vshrl.u32 v1, $0x10;
	v1 =	vld [tilespmem:$0x70]  }
0x3e: {  	[tilespmem:$0x28C0] =	vst v0;
	v0 =	vand.u32 $0xFFFF, v2  }
0x3f: {  	[tilespmem:$0x2850] =	vst v0;
	v0 =	vshrl.u32 v2, $0x10  }
0x40: {  	[tilespmem:$0x28D0] =	vst v0;
	v0 =	vand.u32 $0xFFFF, v3  }
0x41: {  	[tilespmem:$0x2860] =	vst v0;
	v0 =	vshrl.u32 v3, $0x10  }
0x42: {  	[tilespmem:$0x28E0] =	vst v0;
	v0 =	vand.u32 $0xFFFF, v1  }
0x43: {  	[tilespmem:$0x2870] =	vst v0;
	v0 =	vshrl.u32 v1, $0x10  }
0x44: {  	s31 =	simm.s32 $0x0;
	[tilespmem:$0x28F0] =	vst v0  }
0x45: {  	[tilespmem:s16], [sflag:$0x1] =	stream.indirect.gather [hbm4b:s4+s14], $0x10, s15, s14, $0xb8;
	[tilespmem:$0x6120] =	vst v63  }
0x46: {  	v0 =	vld [tilespmem:s31+$0x80];
	_ =	sdelay $0x4  }
0x47: {  	v1 =	vand.u32 $0xFFFF, v0  }
0x48: {  	v0 =	vshrl.u32 v0, $0x10;
	[tilespmem:$0x2900] =	vst v1  }
0x49: {  	[tilespmem:$0x2980] =	vst v0  }
0x4a: {  	v0 =	vld [tilespmem:s31+$0x90];
	_ =	sdelay $0x4  }
0x4b: {  	v1 =	vand.u32 $0xFFFF, v0  }
0x4c: {  	v0 =	vshrl.u32 v0, $0x10;
	[tilespmem:$0x2910] =	vst v1  }
0x4d: {  	[tilespmem:$0x2990] =	vst v0  }
0x4e: {  	v0 =	vld [tilespmem:s31+$0xA0];
	_ =	sdelay $0x4  }
0x4f: {  	v1 =	vand.u32 $0xFFFF, v0  }
0x50: {  	v0 =	vshrl.u32 v0, $0x10;
	[tilespmem:$0x2920] =	vst v1  }
0x51: {  	[tilespmem:$0x29A0] =	vst v0  }
0x52: {  	v0 =	vld [tilespmem:s31+$0xB0];
	_ =	sdelay $0x4  }
0x53: {  	v1 =	vand.u32 $0xFFFF, v0  }
0x54: {  	v0 =	vshrl.u32 v0, $0x10;
	[tilespmem:$0x2930] =	vst v1  }
0x55: {  	[tilespmem:$0x29B0] =	vst v0  }
0x56: {  	v0 =	vld [tilespmem:s31+$0xC0];
	_ =	sdelay $0x4  }
0x57: {  	v1 =	vand.u32 $0xFFFF, v0  }
0x58: {  	v0 =	vshrl.u32 v0, $0x10;
	[tilespmem:$0x2940] =	vst v1  }
0x59: {  	[tilespmem:$0x29C0] =	vst v0  }
0x5a: {  	v0 =	vld [tilespmem:s31+$0xD0];
	_ =	sdelay $0x4  }
0x5b: {  	v1 =	vand.u32 $0xFFFF, v0  }
0x5c: {  	v0 =	vshrl.u32 v0, $0x10;
	[tilespmem:$0x2950] =	vst v1  }
0x5d: {  	[tilespmem:$0x29D0] =	vst v0  }
0x5e: {  	v0 =	vld [tilespmem:s31+$0xE0];
	_ =	sdelay $0x4  }
0x5f: {  	v1 =	vand.u32 $0xFFFF, v0  }
0x60: {  	v0 =	vshrl.u32 v0, $0x10;
	[tilespmem:$0x2960] =	vst v1  }
0x61: {  	[tilespmem:$0x29E0] =	vst v0  }
0x62: {  	v0 =	vld [tilespmem:s31+$0xF0];
	_ =	sdelay $0x4  }
0x63: {  	v1 =	vand.u32 $0xFFFF, v0  }
0x64: {  	v0 =	vshrl.u32 v0, $0x10;
	[tilespmem:$0x2970] =	vst v1  }
0x65: {  	[tilespmem:$0x29F0] =	vst v0  }
0x66: {  	[tilespmem:s18], [sflag:$0x2] =	stream.indirect.gather [hbm4b:s4+s14], $0x10, s17, s14, $0xb8;
	[tilespmem:$0x6120] =	vst v63  }
0x67: {  	_ =	swait.ge [sflag:s19], $0x800  }
0x68: {  	[sflag:s19] =	ssyncset.done $0x0  }
0x69: {  	[sflag:s19] =	ssyncadd.s32 $0xFFFFF800  }
0x6a: {  	[spmem:s1] =	stream.indirect.scatter.add.f32 [tilespmem:s16], [sflag:$0x3], $0x10, s20, s14, $0xb8;
	[tilespmem:$0x6120] =	vst v63  }
0x6b: {  	_ =	swait.ge [sflag:s13], $0x800  }
0x6c: {  	p2 =	por $0x0, $0x0;
	[sflag:s13] =	ssyncset.done $0x0  }
0x6d: {  	s24 =	simm.s32 @!p2 $0x0;
	[sflag:s13] =	ssyncadd.s32 $0xFFFFF800  }
0x6e: {  	v0 =	vld @!p2 [tilespmem:s24+$0x100];
	_ =	sdelay $0x4  }
0x6f: {  	v1 =	vand.u32 @!p2 $0xFFFF, v0  }
0x70: {  	v0 =	vshrl.u32 @!p2 v0, $0x10;
	[tilespmem:$0x2800] =	vst @!p2 v1  }
0x71: {  	[tilespmem:$0x2880] =	vst @!p2 v0  }
0x72: {  	v0 =	vld @!p2 [tilespmem:s24+$0x110];
	_ =	sdelay $0x4  }
0x73: {  	v1 =	vand.u32 @!p2 $0xFFFF, v0  }
0x74: {  	v0 =	vshrl.u32 @!p2 v0, $0x10;
	[tilespmem:$0x2810] =	vst @!p2 v1  }
0x75: {  	[tilespmem:$0x2890] =	vst @!p2 v0  }
0x76: {  	v0 =	vld @!p2 [tilespmem:s24+$0x120];
	_ =	sdelay $0x4  }
0x77: {  	v1 =	vand.u32 @!p2 $0xFFFF, v0  }
0x78: {  	v0 =	vshrl.u32 @!p2 v0, $0x10;
	[tilespmem:$0x2820] =	vst @!p2 v1  }
0x79: {  	[tilespmem:$0x28A0] =	vst @!p2 v0  }
0x7a: {  	v0 =	vld @!p2 [tilespmem:s24+$0x130];
	_ =	sdelay $0x4  }
0x7b: {  	v1 =	vand.u32 @!p2 $0xFFFF, v0  }
0x7c: {  	v0 =	vshrl.u32 @!p2 v0, $0x10;
	[tilespmem:$0x2830] =	vst @!p2 v1  }
0x7d: {  	[tilespmem:$0x28B0] =	vst @!p2 v0  }
0x7e: {  	v0 =	vld @!p2 [tilespmem:s24+$0x140];
	_ =	sdelay $0x4  }
0x7f: {  	v1 =	vand.u32 @!p2 $0xFFFF, v0  }
0x80: {  	v0 =	vshrl.u32 @!p2 v0, $0x10;
	[tilespmem:$0x2840] =	vst @!p2 v1  }
0x81: {  	[tilespmem:$0x28C0] =	vst @!p2 v0  }
0x82: {  	v0 =	vld @!p2 [tilespmem:s24+$0x150];
	_ =	sdelay $0x4  }
0x83: {  	v1 =	vand.u32 @!p2 $0xFFFF, v0  }
0x84: {  	v0 =	vshrl.u32 @!p2 v0, $0x10;
	[tilespmem:$0x2850] =	vst @!p2 v1  }
0x85: {  	[tilespmem:$0x28D0] =	vst @!p2 v0  }
0x86: {  	v0 =	vld @!p2 [tilespmem:s24+$0x160];
	_ =	sdelay $0x4  }
0x87: {  	s23 =	simm.s32 $0x400;
	v1 =	vand.u32 @!p2 $0xFFFF, v0  }
0x88: {  	s26 =	simm.s32 @!p2 $0x80;
	s28 =	simm.s32 @!p2 $0x2800;
	s29 =	simm.s32 @!p2 $0x2A00;
	v0 =	vshrl.u32 @!p2 v0, $0x10;
	[tilespmem:$0x2860] =	vst @!p2 v1  }
.LBB2_8:
0x89: {  	[tilespmem:$0x28E0] =	vst @!p2 v0;
	s25 =	smov.u32 s23;
	s23 =	sadd.s32 $0x400, s23  }
0x8a: {  	p1 =	sne.s32 s23, $0x8000;
	v0 =	vld @!p2 [tilespmem:s24+$0x170];
	_ =	sdelay $0x4  }
0x8b: {  	v1 =	vand.u32 @!p2 $0xFFFF, v0;
	v0 =	vshrl.u32 @!p2 v0, $0x10  }
0x8c: {  	[tilespmem:$0x2870] =	vst @!p2 v1  }
0x8d: {  	[tilespmem:$0x28F0] =	vst @!p2 v0  }
0x8e: {  	[tilespmem:s29], [sflag:$0x1] =	stream.indirect.gather @!p2 [hbm4b:s4+s26], $0x10, s28, s26, $0xb8;
	[tilespmem:$0x6120] =	vst v63  }
0x8f: {  	_ =	swait.ge [sflag:s21], $0x800  }
0x90: {  	[sflag:s21] =	ssyncset.done $0x0  }
0x91: {  	[sflag:s21] =	ssyncadd.s32 $0xFFFFF800  }
0x92: {  	[spmem:s1] =	stream.indirect.scatter.add.f32 [tilespmem:s18], [sflag:$0x3], $0x10, s22, s14, $0xb8;
	[tilespmem:$0x6120] =	vst v63  }
0x93: {  	_ =	swait.ge [sflag:s13], $0x800  }
0x94: {  	[sflag:s13] =	ssyncset.done $0x0  }
0x95: {  	s24 =	sshra.s32 s25, $0x2;
	[sflag:s13] =	ssyncadd.s32 $0xFFFFF800  }
0x96: {  	v0 =	vld [tilespmem:s24+$0x80];
	_ =	sdelay $0x4  }
0x97: {  	v1 =	vand.u32 $0xFFFF, v0;
	v0 =	vshrl.u32 v0, $0x10  }
0x98: {  	[tilespmem:$0x2900] =	vst v1  }
0x99: {  	[tilespmem:$0x2980] =	vst v0  }
0x9a: {  	v0 =	vld [tilespmem:s24+$0x90];
	_ =	sdelay $0x4  }
0x9b: {  	v1 =	vand.u32 $0xFFFF, v0;
	v0 =	vshrl.u32 v0, $0x10  }
0x9c: {  	[tilespmem:$0x2910] =	vst v1  }
0x9d: {  	[tilespmem:$0x2990] =	vst v0  }
0x9e: {  	v0 =	vld [tilespmem:s24+$0xA0];
	_ =	sdelay $0x4  }
0x9f: {  	v1 =	vand.u32 $0xFFFF, v0;
	v0 =	vshrl.u32 v0, $0x10  }
0xa0: {  	[tilespmem:$0x2920] =	vst v1  }
0xa1: {  	[tilespmem:$0x29A0] =	vst v0  }
0xa2: {  	v0 =	vld [tilespmem:s24+$0xB0];
	_ =	sdelay $0x4  }
0xa3: {  	v1 =	vand.u32 $0xFFFF, v0;
	v0 =	vshrl.u32 v0, $0x10  }
0xa4: {  	[tilespmem:$0x2930] =	vst v1  }
0xa5: {  	[tilespmem:$0x29B0] =	vst v0  }
0xa6: {  	v0 =	vld [tilespmem:s24+$0xC0];
	_ =	sdelay $0x4  }
0xa7: {  	v1 =	vand.u32 $0xFFFF, v0;
	v0 =	vshrl.u32 v0, $0x10  }
0xa8: {  	[tilespmem:$0x2940] =	vst v1  }
0xa9: {  	[tilespmem:$0x29C0] =	vst v0  }
0xaa: {  	v0 =	vld [tilespmem:s24+$0xD0];
	_ =	sdelay $0x4  }
0xab: {  	v1 =	vand.u32 $0xFFFF, v0;
	v0 =	vshrl.u32 v0, $0x10  }
0xac: {  	[tilespmem:$0x2950] =	vst v1  }
0xad: {  	[tilespmem:$0x29D0] =	vst v0  }
0xae: {  	v0 =	vld [tilespmem:s24+$0xE0];
	_ =	sdelay $0x4  }
0xaf: {  	v1 =	vand.u32 $0xFFFF, v0;
	v0 =	vshrl.u32 v0, $0x10  }
0xb0: {  	[tilespmem:$0x2960] =	vst v1  }
0xb1: {  	[tilespmem:$0x29E0] =	vst v0  }
0xb2: {  	v0 =	vld [tilespmem:s24+$0xF0];
	_ =	sdelay $0x4  }
0xb3: {  	v1 =	vand.u32 $0xFFFF, v0;
	v0 =	vshrl.u32 v0, $0x10  }
0xb4: {  	p2 =	seq.s32 s25, $0x7C00;
	[tilespmem:$0x2970] =	vst v1  }
0xb5: {  	s24 =	sshra.s32 @!p2 s25, $0x2;
	[tilespmem:$0x29F0] =	vst v0  }
0xb6: {  	[tilespmem:s18], [sflag:$0x2] =	stream.indirect.gather [hbm4b:s4+s14], $0x10, s17, s14, $0xb8;
	[tilespmem:$0x6120] =	vst v63  }
0xb7: {  	_ =	swait.ge [sflag:s19], $0x800  }
0xb8: {  	[sflag:s19] =	ssyncset.done $0x0  }
0xb9: {  	[sflag:s19] =	ssyncadd.s32 $0xFFFFF800  }
0xba: {  	[spmem:s1] =	stream.indirect.scatter.add.f32 [tilespmem:s16], [sflag:$0x3], $0x10, s20, s14, $0xb8;
	[tilespmem:$0x6120] =	vst v63  }
0xbb: {  	_ =	swait.ge [sflag:s13], $0x800  }
0xbc: {  	[sflag:s13] =	ssyncset.done $0x0  }
0xbd: {  	[sflag:s13] =	ssyncadd.s32 $0xFFFFF800  }
0xbe: {  	v0 =	vld @!p2 [tilespmem:s24+$0x100];
	_ =	sdelay $0x4  }
0xbf: {  	v1 =	vand.u32 @!p2 $0xFFFF, v0;
	v0 =	vshrl.u32 @!p2 v0, $0x10  }
0xc0: {  	[tilespmem:$0x2800] =	vst @!p2 v1  }
0xc1: {  	[tilespmem:$0x2880] =	vst @!p2 v0  }
0xc2: {  	v0 =	vld @!p2 [tilespmem:s24+$0x110];
	_ =	sdelay $0x4  }
0xc3: {  	v1 =	vand.u32 @!p2 $0xFFFF, v0;
	v0 =	vshrl.u32 @!p2 v0, $0x10  }
0xc4: {  	[tilespmem:$0x2810] =	vst @!p2 v1  }
0xc5: {  	[tilespmem:$0x2890] =	vst @!p2 v0  }
0xc6: {  	v0 =	vld @!p2 [tilespmem:s24+$0x120];
	_ =	sdelay $0x4  }
0xc7: {  	v1 =	vand.u32 @!p2 $0xFFFF, v0;
	v0 =	vshrl.u32 @!p2 v0, $0x10  }
0xc8: {  	[tilespmem:$0x2820] =	vst @!p2 v1  }
0xc9: {  	[tilespmem:$0x28A0] =	vst @!p2 v0  }
0xca: {  	v0 =	vld @!p2 [tilespmem:s24+$0x130];
	_ =	sdelay $0x4  }
0xcb: {  	v1 =	vand.u32 @!p2 $0xFFFF, v0;
	v0 =	vshrl.u32 @!p2 v0, $0x10  }
0xcc: {  	[tilespmem:$0x2830] =	vst @!p2 v1  }
0xcd: {  	[tilespmem:$0x28B0] =	vst @!p2 v0  }
0xce: {  	v0 =	vld @!p2 [tilespmem:s24+$0x140];
	_ =	sdelay $0x4  }
0xcf: {  	v1 =	vand.u32 @!p2 $0xFFFF, v0;
	v0 =	vshrl.u32 @!p2 v0, $0x10  }
0xd0: {  	[tilespmem:$0x2840] =	vst @!p2 v1  }
0xd1: {  	[tilespmem:$0x28C0] =	vst @!p2 v0  }
0xd2: {  	v0 =	vld @!p2 [tilespmem:s24+$0x150];
	_ =	sdelay $0x4  }
0xd3: {  	v1 =	vand.u32 @!p2 $0xFFFF, v0;
	v0 =	vshrl.u32 @!p2 v0, $0x10  }
0xd4: {  	[tilespmem:$0x2850] =	vst @!p2 v1  }
0xd5: {  	s26 =	simm.s32 @!p2 $0x80;
	s28 =	simm.s32 @!p2 $0x2800;
	s29 =	simm.s32 @!p2 $0x2A00;
	[tilespmem:$0x28D0] =	vst @!p2 v0  }
0xd6: {  	v0 =	vld @!p2 [tilespmem:s24+$0x160];
	_ =	sdelay $0x1  }
.Ltmp3:
0xd7: {  	(pc) =	sbr.rel @p1 .LBB2_8-.Ltmp3, $3  }
0xd8: {  	_ =	sdelay $0x1  }
0xd9: {  	v1 =	vand.u32 @!p2 $0xFFFF, v0;
	v0 =	vshrl.u32 @!p2 v0, $0x10  }
0xda: {  	[tilespmem:$0x2860] =	vst @!p2 v1  }
.Ltmp4:
0xdb: {  	_ = 	snop;
	(pc) =	sbr.rel .LBB2_9-.Ltmp4, $1  }
0xdc: {  	_ =	sdelay $0x3  }
.LBB2_2:
0xdd: {  	[tilespmem:s23], [sflag:$0x3] =	stream.linear.gather [hbm4b:s7+s23], $0x2800, $0x38;
	[tilespmem:$0x6120] =	vst v63  }
0xde: {  	_ =	swait.ge [sflag:s13], $0x2800  }
0xdf: {  	[sflag:s13] =	ssyncset.done $0x0  }
0xe0: {  	[sflag:s13] =	ssyncadd.s32 $0xFFFFD800  }
0xe1: {  	[bflag:$0x0] =	sbarrier.arrive $0xFFFF  }
0xe2: {  	v0 =	vld [tilespmem:$0x0];
	_ =	sdelay $0x1  }
0xe3: {  	v1 =	vld [tilespmem:$0x10];
	_ =	sdelay $0x1  }
0xe4: {  	v2 =	vld [tilespmem:$0x20]  }
0xe5: {  	v3 =	vand.u32 $0xFFFF, v0  }
0xe6: {  	v0 =	vshrl.u32 v0, $0x10;
	[tilespmem:$0x2800] =	vst v3;
	v3 =	vld [tilespmem:$0x30]  }
0xe7: {  	[tilespmem:$0x2880] =	vst v0;
	v0 =	vand.u32 $0xFFFF, v1  }
0xe8: {  	[tilespmem:$0x2810] =	vst v0;
	v0 =	vshrl.u32 v1, $0x10;
	v1 =	vld [tilespmem:$0x40]  }
0xe9: {  	[tilespmem:$0x2890] =	vst v0;
	v0 =	vand.u32 $0xFFFF, v2  }
0xea: {  	[tilespmem:$0x2820] =	vst v0;
	v0 =	vshrl.u32 v2, $0x10;
	v2 =	vld [tilespmem:$0x50]  }
0xeb: {  	[tilespmem:$0x28A0] =	vst v0;
	v0 =	vand.u32 $0xFFFF, v3  }
0xec: {  	[tilespmem:$0x2830] =	vst v0;
	v0 =	vshrl.u32 v3, $0x10;
	v3 =	vld [tilespmem:$0x60]  }
0xed: {  	[tilespmem:$0x28B0] =	vst v0;
	v0 =	vand.u32 $0xFFFF, v1  }
0xee: {  	[tilespmem:$0x2840] =	vst v0;
	v0 =	vshrl.u32 v1, $0x10;
	v1 =	vld [tilespmem:$0x70]  }
0xef: {  	[tilespmem:$0x28C0] =	vst v0;
	v0 =	vand.u32 $0xFFFF, v2  }
0xf0: {  	[tilespmem:$0x2850] =	vst v0;
	v0 =	vshrl.u32 v2, $0x10  }
0xf1: {  	[tilespmem:$0x28D0] =	vst v0;
	v0 =	vand.u32 $0xFFFF, v3  }
0xf2: {  	[tilespmem:$0x2860] =	vst v0;
	v0 =	vshrl.u32 v3, $0x10  }
0xf3: {  	[tilespmem:$0x28E0] =	vst v0;
	v0 =	vand.u32 $0xFFFF, v1  }
0xf4: {  	[tilespmem:$0x2870] =	vst v0;
	v0 =	vshrl.u32 v1, $0x10  }
0xf5: {  	s31 =	simm.s32 $0x0;
	[tilespmem:$0x28F0] =	vst v0  }
0xf6: {  	[tilespmem:s16], [sflag:$0x1] =	stream.indirect.gather [hbm4b:s4+s14], $0x10, s15, s14, $0xb8;
	[tilespmem:$0x6120] =	vst v63  }
0xf7: {  	v0 =	vld [tilespmem:s31+$0x80];
	_ =	sdelay $0x4  }
0xf8: {  	v1 =	vand.u32 $0xFFFF, v0  }
0xf9: {  	v0 =	vshrl.u32 v0, $0x10;
	[tilespmem:$0x2900] =	vst v1  }
0xfa: {  	[tilespmem:$0x2980] =	vst v0  }
0xfb: {  	v0 =	vld [tilespmem:s31+$0x90];
	_ =	sdelay $0x4  }
0xfc: {  	v1 =	vand.u32 $0xFFFF, v0  }
0xfd: {  	v0 =	vshrl.u32 v0, $0x10;
	[tilespmem:$0x2910] =	vst v1  }
0xfe: {  	[tilespmem:$0x2990] =	vst v0  }
0xff: {  	v0 =	vld [tilespmem:s31+$0xA0];
	_ =	sdelay $0x4  }
0x100: {  	v1 =	vand.u32 $0xFFFF, v0  }
0x101: {  	v0 =	vshrl.u32 v0, $0x10;
	[tilespmem:$0x2920] =	vst v1  }
0x102: {  	[tilespmem:$0x29A0] =	vst v0  }
0x103: {  	v0 =	vld [tilespmem:s31+$0xB0];
	_ =	sdelay $0x4  }
0x104: {  	v1 =	vand.u32 $0xFFFF, v0  }
0x105: {  	v0 =	vshrl.u32 v0, $0x10;
	[tilespmem:$0x2930] =	vst v1  }
0x106: {  	[tilespmem:$0x29B0] =	vst v0  }
0x107: {  	v0 =	vld [tilespmem:s31+$0xC0];
	_ =	sdelay $0x4  }
0x108: {  	v1 =	vand.u32 $0xFFFF, v0  }
0x109: {  	v0 =	vshrl.u32 v0, $0x10;
	[tilespmem:$0x2940] =	vst v1  }
0x10a: {  	[tilespmem:$0x29C0] =	vst v0  }
0x10b: {  	v0 =	vld [tilespmem:s31+$0xD0];
	_ =	sdelay $0x4  }
0x10c: {  	v1 =	vand.u32 $0xFFFF, v0  }
0x10d: {  	v0 =	vshrl.u32 v0, $0x10;
	[tilespmem:$0x2950] =	vst v1  }
0x10e: {  	[tilespmem:$0x29D0] =	vst v0  }
0x10f: {  	v0 =	vld [tilespmem:s31+$0xE0];
	_ =	sdelay $0x4  }
0x110: {  	v1 =	vand.u32 $0xFFFF, v0  }
0x111: {  	v0 =	vshrl.u32 v0, $0x10;
	[tilespmem:$0x2960] =	vst v1  }
0x112: {  	[tilespmem:$0x29E0] =	vst v0  }
0x113: {  	v0 =	vld [tilespmem:s31+$0xF0];
	_ =	sdelay $0x4  }
0x114: {  	v1 =	vand.u32 $0xFFFF, v0  }
0x115: {  	v0 =	vshrl.u32 v0, $0x10;
	[tilespmem:$0x2970] =	vst v1  }
0x116: {  	[tilespmem:$0x29F0] =	vst v0  }
0x117: {  	[tilespmem:s18], [sflag:$0x2] =	stream.indirect.gather [hbm4b:s4+s14], $0x10, s17, s14, $0xb8;
	[tilespmem:$0x6120] =	vst v63  }
0x118: {  	_ =	swait.ge [sflag:s19], $0x800  }
0x119: {  	[sflag:s19] =	ssyncset.done $0x0  }
0x11a: {  	[sflag:s19] =	ssyncadd.s32 $0xFFFFF800  }
0x11b: {  	[spmem:s1] =	stream.indirect.scatter.add.f32 [tilespmem:s16], [sflag:$0x3], $0x10, s20, s14, $0xb8;
	[tilespmem:$0x6120] =	vst v63  }
0x11c: {  	_ =	swait.ge [sflag:s13], $0x800  }
0x11d: {  	p2 =	por $0x0, $0x0;
	[sflag:s13] =	ssyncset.done $0x0  }
0x11e: {  	s24 =	simm.s32 @!p2 $0x0;
	[sflag:s13] =	ssyncadd.s32 $0xFFFFF800  }
0x11f: {  	v0 =	vld @!p2 [tilespmem:s24+$0x100];
	_ =	sdelay $0x4  }
0x120: {  	v1 =	vand.u32 @!p2 $0xFFFF, v0  }
0x121: {  	v0 =	vshrl.u32 @!p2 v0, $0x10;
	[tilespmem:$0x2800] =	vst @!p2 v1  }
0x122: {  	[tilespmem:$0x2880] =	vst @!p2 v0  }
0x123: {  	v0 =	vld @!p2 [tilespmem:s24+$0x110];
	_ =	sdelay $0x4  }
0x124: {  	v1 =	vand.u32 @!p2 $0xFFFF, v0  }
0x125: {  	v0 =	vshrl.u32 @!p2 v0, $0x10;
	[tilespmem:$0x2810] =	vst @!p2 v1  }
0x126: {  	[tilespmem:$0x2890] =	vst @!p2 v0  }
0x127: {  	v0 =	vld @!p2 [tilespmem:s24+$0x120];
	_ =	sdelay $0x4  }
0x128: {  	v1 =	vand.u32 @!p2 $0xFFFF, v0  }
0x129: {  	v0 =	vshrl.u32 @!p2 v0, $0x10;
	[tilespmem:$0x2820] =	vst @!p2 v1  }
0x12a: {  	[tilespmem:$0x28A0] =	vst @!p2 v0  }
0x12b: {  	v0 =	vld @!p2 [tilespmem:s24+$0x130];
	_ =	sdelay $0x4  }
0x12c: {  	v1 =	vand.u32 @!p2 $0xFFFF, v0  }
0x12d: {  	v0 =	vshrl.u32 @!p2 v0, $0x10;
	[tilespmem:$0x2830] =	vst @!p2 v1  }
0x12e: {  	[tilespmem:$0x28B0] =	vst @!p2 v0  }
0x12f: {  	v0 =	vld @!p2 [tilespmem:s24+$0x140];
	_ =	sdelay $0x4  }
0x130: {  	v1 =	vand.u32 @!p2 $0xFFFF, v0  }
0x131: {  	v0 =	vshrl.u32 @!p2 v0, $0x10;
	[tilespmem:$0x2840] =	vst @!p2 v1  }
0x132: {  	[tilespmem:$0x28C0] =	vst @!p2 v0  }
0x133: {  	v0 =	vld @!p2 [tilespmem:s24+$0x150];
	_ =	sdelay $0x4  }
0x134: {  	v1 =	vand.u32 @!p2 $0xFFFF, v0  }
0x135: {  	v0 =	vshrl.u32 @!p2 v0, $0x10;
	[tilespmem:$0x2850] =	vst @!p2 v1  }
0x136: {  	[tilespmem:$0x28D0] =	vst @!p2 v0  }
0x137: {  	v0 =	vld @!p2 [tilespmem:s24+$0x160];
	_ =	sdelay $0x4  }
0x138: {  	s23 =	simm.s32 $0x400;
	v1 =	vand.u32 @!p2 $0xFFFF, v0  }
0x139: {  	s26 =	simm.s32 @!p2 $0x80;
	s28 =	simm.s32 @!p2 $0x2800;
	s29 =	simm.s32 @!p2 $0x2A00;
	v0 =	vshrl.u32 @!p2 v0, $0x10;
	[tilespmem:$0x2860] =	vst @!p2 v1  }
.LBB2_3:
0x13a: {  	[tilespmem:$0x28E0] =	vst @!p2 v0;
	s25 =	smov.u32 s23;
	s23 =	sadd.s32 $0x400, s23  }
0x13b: {  	p1 =	sne.s32 s23, $0xA000;
	v0 =	vld @!p2 [tilespmem:s24+$0x170];
	_ =	sdelay $0x4  }
0x13c: {  	v1 =	vand.u32 @!p2 $0xFFFF, v0;
	v0 =	vshrl.u32 @!p2 v0, $0x10  }
0x13d: {  	[tilespmem:$0x2870] =	vst @!p2 v1  }
0x13e: {  	[tilespmem:$0x28F0] =	vst @!p2 v0  }
0x13f: {  	[tilespmem:s29], [sflag:$0x1] =	stream.indirect.gather @!p2 [hbm4b:s4+s26], $0x10, s28, s26, $0xb8;
	[tilespmem:$0x6120] =	vst v63  }
0x140: {  	_ =	swait.ge [sflag:s21], $0x800  }
0x141: {  	[sflag:s21] =	ssyncset.done $0x0  }
0x142: {  	[sflag:s21] =	ssyncadd.s32 $0xFFFFF800  }
0x143: {  	[spmem:s1] =	stream.indirect.scatter.add.f32 [tilespmem:s18], [sflag:$0x3], $0x10, s22, s14, $0xb8;
	[tilespmem:$0x6120] =	vst v63  }
0x144: {  	_ =	swait.ge [sflag:s13], $0x800  }
0x145: {  	[sflag:s13] =	ssyncset.done $0x0  }
0x146: {  	s24 =	sshra.s32 s25, $0x2;
	[sflag:s13] =	ssyncadd.s32 $0xFFFFF800  }
0x147: {  	v0 =	vld [tilespmem:s24+$0x80];
	_ =	sdelay $0x4  }
0x148: {  	v1 =	vand.u32 $0xFFFF, v0;
	v0 =	vshrl.u32 v0, $0x10  }
0x149: {  	[tilespmem:$0x2900] =	vst v1  }
0x14a: {  	[tilespmem:$0x2980] =	vst v0  }
0x14b: {  	v0 =	vld [tilespmem:s24+$0x90];
	_ =	sdelay $0x4  }
0x14c: {  	v1 =	vand.u32 $0xFFFF, v0;
	v0 =	vshrl.u32 v0, $0x10  }
0x14d: {  	[tilespmem:$0x2910] =	vst v1  }
0x14e: {  	[tilespmem:$0x2990] =	vst v0  }
0x14f: {  	v0 =	vld [tilespmem:s24+$0xA0];
	_ =	sdelay $0x4  }
0x150: {  	v1 =	vand.u32 $0xFFFF, v0;
	v0 =	vshrl.u32 v0, $0x10  }
0x151: {  	[tilespmem:$0x2920] =	vst v1  }
0x152: {  	[tilespmem:$0x29A0] =	vst v0  }
0x153: {  	v0 =	vld [tilespmem:s24+$0xB0];
	_ =	sdelay $0x4  }
0x154: {  	v1 =	vand.u32 $0xFFFF, v0;
	v0 =	vshrl.u32 v0, $0x10  }
0x155: {  	[tilespmem:$0x2930] =	vst v1  }
0x156: {  	[tilespmem:$0x29B0] =	vst v0  }
0x157: {  	v0 =	vld [tilespmem:s24+$0xC0];
	_ =	sdelay $0x4  }
0x158: {  	v1 =	vand.u32 $0xFFFF, v0;
	v0 =	vshrl.u32 v0, $0x10  }
0x159: {  	[tilespmem:$0x2940] =	vst v1  }
0x15a: {  	[tilespmem:$0x29C0] =	vst v0  }
0x15b: {  	v0 =	vld [tilespmem:s24+$0xD0];
	_ =	sdelay $0x4  }
0x15c: {  	v1 =	vand.u32 $0xFFFF, v0;
	v0 =	vshrl.u32 v0, $0x10  }
0x15d: {  	[tilespmem:$0x2950] =	vst v1  }
0x15e: {  	[tilespmem:$0x29D0] =	vst v0  }
0x15f: {  	v0 =	vld [tilespmem:s24+$0xE0];
	_ =	sdelay $0x4  }
0x160: {  	v1 =	vand.u32 $0xFFFF, v0;
	v0 =	vshrl.u32 v0, $0x10  }
0x161: {  	[tilespmem:$0x2960] =	vst v1  }
0x162: {  	[tilespmem:$0x29E0] =	vst v0  }
0x163: {  	v0 =	vld [tilespmem:s24+$0xF0];
	_ =	sdelay $0x4  }
0x164: {  	v1 =	vand.u32 $0xFFFF, v0;
	v0 =	vshrl.u32 v0, $0x10  }
0x165: {  	p2 =	seq.s32 s25, $0x9C00;
	[tilespmem:$0x2970] =	vst v1  }
0x166: {  	s24 =	sshra.s32 @!p2 s25, $0x2;
	[tilespmem:$0x29F0] =	vst v0  }
0x167: {  	[tilespmem:s18], [sflag:$0x2] =	stream.indirect.gather [hbm4b:s4+s14], $0x10, s17, s14, $0xb8;
	[tilespmem:$0x6120] =	vst v63  }
0x168: {  	_ =	swait.ge [sflag:s19], $0x800  }
0x169: {  	[sflag:s19] =	ssyncset.done $0x0  }
0x16a: {  	[sflag:s19] =	ssyncadd.s32 $0xFFFFF800  }
0x16b: {  	[spmem:s1] =	stream.indirect.scatter.add.f32 [tilespmem:s16], [sflag:$0x3], $0x10, s20, s14, $0xb8;
	[tilespmem:$0x6120] =	vst v63  }
0x16c: {  	_ =	swait.ge [sflag:s13], $0x800  }
0x16d: {  	[sflag:s13] =	ssyncset.done $0x0  }
0x16e: {  	[sflag:s13] =	ssyncadd.s32 $0xFFFFF800  }
0x16f: {  	v0 =	vld @!p2 [tilespmem:s24+$0x100];
	_ =	sdelay $0x4  }
0x170: {  	v1 =	vand.u32 @!p2 $0xFFFF, v0;
	v0 =	vshrl.u32 @!p2 v0, $0x10  }
0x171: {  	[tilespmem:$0x2800] =	vst @!p2 v1  }
0x172: {  	[tilespmem:$0x2880] =	vst @!p2 v0  }
0x173: {  	v0 =	vld @!p2 [tilespmem:s24+$0x110];
	_ =	sdelay $0x4  }
0x174: {  	v1 =	vand.u32 @!p2 $0xFFFF, v0;
	v0 =	vshrl.u32 @!p2 v0, $0x10  }
0x175: {  	[tilespmem:$0x2810] =	vst @!p2 v1  }
0x176: {  	[tilespmem:$0x2890] =	vst @!p2 v0  }
0x177: {  	v0 =	vld @!p2 [tilespmem:s24+$0x120];
	_ =	sdelay $0x4  }
0x178: {  	v1 =	vand.u32 @!p2 $0xFFFF, v0;
	v0 =	vshrl.u32 @!p2 v0, $0x10  }
0x179: {  	[tilespmem:$0x2820] =	vst @!p2 v1  }
0x17a: {  	[tilespmem:$0x28A0] =	vst @!p2 v0  }
0x17b: {  	v0 =	vld @!p2 [tilespmem:s24+$0x130];
	_ =	sdelay $0x4  }
0x17c: {  	v1 =	vand.u32 @!p2 $0xFFFF, v0;
	v0 =	vshrl.u32 @!p2 v0, $0x10  }
0x17d: {  	[tilespmem:$0x2830] =	vst @!p2 v1  }
0x17e: {  	[tilespmem:$0x28B0] =	vst @!p2 v0  }
0x17f: {  	v0 =	vld @!p2 [tilespmem:s24+$0x140];
	_ =	sdelay $0x4  }
0x180: {  	v1 =	vand.u32 @!p2 $0xFFFF, v0;
	v0 =	vshrl.u32 @!p2 v0, $0x10  }
0x181: {  	[tilespmem:$0x2840] =	vst @!p2 v1  }
0x182: {  	[tilespmem:$0x28C0] =	vst @!p2 v0  }
0x183: {  	v0 =	vld @!p2 [tilespmem:s24+$0x150];
	_ =	sdelay $0x4  }
0x184: {  	v1 =	vand.u32 @!p2 $0xFFFF, v0;
	v0 =	vshrl.u32 @!p2 v0, $0x10  }
0x185: {  	[tilespmem:$0x2850] =	vst @!p2 v1  }
0x186: {  	s26 =	simm.s32 @!p2 $0x80;
	s28 =	simm.s32 @!p2 $0x2800;
	s29 =	simm.s32 @!p2 $0x2A00;
	[tilespmem:$0x28D0] =	vst @!p2 v0  }
0x187: {  	v0 =	vld @!p2 [tilespmem:s24+$0x160];
	_ =	sdelay $0x1  }
.Ltmp5:
0x188: {  	(pc) =	sbr.rel @p1 .LBB2_3-.Ltmp5, $3  }
0x189: {  	_ =	sdelay $0x1  }
0x18a: {  	v1 =	vand.u32 @!p2 $0xFFFF, v0;
	v0 =	vshrl.u32 @!p2 v0, $0x10  }
0x18b: {  	[tilespmem:$0x2860] =	vst @!p2 v1  }
0x18c: {  	[tilespmem:$0x28E0] =	vst @!p2 v0  }
0x18d: {  	v0 =	vld @!p2 [tilespmem:s24+$0x170];
	_ =	sdelay $0x4  }
0x18e: {  	v1 =	vand.u32 @!p2 $0xFFFF, v0  }
0x18f: {  	v0 =	vshrl.u32 @!p2 v0, $0x10;
	[tilespmem:$0x2870] =	vst @!p2 v1  }
0x190: {  	[tilespmem:$0x28F0] =	vst @!p2 v0  }
0x191: {  	[tilespmem:s29], [sflag:$0x1] =	stream.indirect.gather @!p2 [hbm4b:s4+s26], $0x10, s28, s26, $0xb8;
	[tilespmem:$0x6120] =	vst v63  }
0x192: {  	_ =	swait.ge [sflag:s21], $0x800  }
0x193: {  	[sflag:s21] =	ssyncset.done $0x0  }
0x194: {  	[sflag:s21] =	ssyncadd.s32 $0xFFFFF800  }
0x195: {  	[spmem:s1] =	stream.indirect.scatter.add.f32 [tilespmem:s18], [sflag:$0x3], $0x10, s22, s14, $0xb8;
	[tilespmem:$0x6120] =	vst v63  }
0x196: {  	_ =	swait.ge [sflag:s13], $0x800  }
0x197: {  	[sflag:s13] =	ssyncset.done $0x0  }
0x198: {  	s23 =	simm.s32 $0x0;
	[sflag:s13] =	ssyncadd.s32 $0xFFFFF800  }
0x199: {  	[tilespmem:s23], [sflag:$0x3] =	stream.linear.gather [hbm4b:s8+s23], $0x800, $0x38;
	[tilespmem:$0x6120] =	vst v63  }
0x19a: {  	_ =	swait.ge [sflag:s13], $0x800  }
0x19b: {  	[sflag:s13] =	ssyncset.done $0x0  }
0x19c: {  	[sflag:s13] =	ssyncadd.s32 $0xFFFFF800  }
0x19d: {  	[bflag:$0x0] =	sbarrier.arrive $0xFFFF  }
0x19e: {  	v0 =	vld [tilespmem:$0x0];
	_ =	sdelay $0x1  }
0x19f: {  	v1 =	vld [tilespmem:$0x10];
	_ =	sdelay $0x1  }
0x1a0: {  	v2 =	vld [tilespmem:$0x20]  }
0x1a1: {  	v3 =	vand.u32 $0xFFFF, v0  }
0x1a2: {  	v0 =	vshrl.u32 v0, $0x10;
	[tilespmem:$0x2800] =	vst v3;
	v3 =	vld [tilespmem:$0x30]  }
0x1a3: {  	[tilespmem:$0x2880] =	vst v0;
	v0 =	vand.u32 $0xFFFF, v1  }
0x1a4: {  	[tilespmem:$0x2810] =	vst v0;
	v0 =	vshrl.u32 v1, $0x10;
	v1 =	vld [tilespmem:$0x40]  }
0x1a5: {  	[tilespmem:$0x2890] =	vst v0;
	v0 =	vand.u32 $0xFFFF, v2  }
0x1a6: {  	[tilespmem:$0x2820] =	vst v0;
	v0 =	vshrl.u32 v2, $0x10;
	v2 =	vld [tilespmem:$0x50]  }
0x1a7: {  	[tilespmem:$0x28A0] =	vst v0;
	v0 =	vand.u32 $0xFFFF, v3  }
0x1a8: {  	[tilespmem:$0x2830] =	vst v0;
	v0 =	vshrl.u32 v3, $0x10;
	v3 =	vld [tilespmem:$0x60]  }
0x1a9: {  	[tilespmem:$0x28B0] =	vst v0;
	v0 =	vand.u32 $0xFFFF, v1  }
0x1aa: {  	[tilespmem:$0x2840] =	vst v0;
	v0 =	vshrl.u32 v1, $0x10;
	v1 =	vld [tilespmem:$0x70]  }
0x1ab: {  	[tilespmem:$0x28C0] =	vst v0;
	v0 =	vand.u32 $0xFFFF, v2  }
0x1ac: {  	[tilespmem:$0x2850] =	vst v0;
	v0 =	vshrl.u32 v2, $0x10  }
0x1ad: {  	[tilespmem:$0x28D0] =	vst v0;
	v0 =	vand.u32 $0xFFFF, v3  }
0x1ae: {  	[tilespmem:$0x2860] =	vst v0;
	v0 =	vshrl.u32 v3, $0x10  }
0x1af: {  	[tilespmem:$0x28E0] =	vst v0;
	v0 =	vand.u32 $0xFFFF, v1  }
0x1b0: {  	[tilespmem:$0x2870] =	vst v0;
	v0 =	vshrl.u32 v1, $0x10  }
0x1b1: {  	s31 =	simm.s32 $0x0;
	[tilespmem:$0x28F0] =	vst v0  }
0x1b2: {  	[tilespmem:s16], [sflag:$0x1] =	stream.indirect.gather [hbm4b:s4+s14], $0x10, s15, s14, $0xb8;
	[tilespmem:$0x6120] =	vst v63  }
0x1b3: {  	v0 =	vld [tilespmem:s31+$0x80];
	_ =	sdelay $0x4  }
0x1b4: {  	v1 =	vand.u32 $0xFFFF, v0  }
0x1b5: {  	v0 =	vshrl.u32 v0, $0x10;
	[tilespmem:$0x2900] =	vst v1  }
0x1b6: {  	[tilespmem:$0x2980] =	vst v0  }
0x1b7: {  	v0 =	vld [tilespmem:s31+$0x90];
	_ =	sdelay $0x4  }
0x1b8: {  	v1 =	vand.u32 $0xFFFF, v0  }
0x1b9: {  	v0 =	vshrl.u32 v0, $0x10;
	[tilespmem:$0x2910] =	vst v1  }
0x1ba: {  	[tilespmem:$0x2990] =	vst v0  }
0x1bb: {  	v0 =	vld [tilespmem:s31+$0xA0];
	_ =	sdelay $0x4  }
0x1bc: {  	v1 =	vand.u32 $0xFFFF, v0  }
0x1bd: {  	v0 =	vshrl.u32 v0, $0x10;
	[tilespmem:$0x2920] =	vst v1  }
0x1be: {  	[tilespmem:$0x29A0] =	vst v0  }
0x1bf: {  	v0 =	vld [tilespmem:s31+$0xB0];
	_ =	sdelay $0x4  }
0x1c0: {  	v1 =	vand.u32 $0xFFFF, v0  }
0x1c1: {  	v0 =	vshrl.u32 v0, $0x10;
	[tilespmem:$0x2930] =	vst v1  }
0x1c2: {  	[tilespmem:$0x29B0] =	vst v0  }
0x1c3: {  	v0 =	vld [tilespmem:s31+$0xC0];
	_ =	sdelay $0x4  }
0x1c4: {  	v1 =	vand.u32 $0xFFFF, v0  }
0x1c5: {  	v0 =	vshrl.u32 v0, $0x10;
	[tilespmem:$0x2940] =	vst v1  }
0x1c6: {  	[tilespmem:$0x29C0] =	vst v0  }
0x1c7: {  	v0 =	vld [tilespmem:s31+$0xD0];
	_ =	sdelay $0x4  }
0x1c8: {  	v1 =	vand.u32 $0xFFFF, v0  }
0x1c9: {  	v0 =	vshrl.u32 v0, $0x10;
	[tilespmem:$0x2950] =	vst v1  }
0x1ca: {  	[tilespmem:$0x29D0] =	vst v0  }
0x1cb: {  	v0 =	vld [tilespmem:s31+$0xE0];
	_ =	sdelay $0x4  }
0x1cc: {  	v1 =	vand.u32 $0xFFFF, v0  }
0x1cd: {  	v0 =	vshrl.u32 v0, $0x10;
	[tilespmem:$0x2960] =	vst v1  }
0x1ce: {  	[tilespmem:$0x29E0] =	vst v0  }
0x1cf: {  	v0 =	vld [tilespmem:s31+$0xF0];
	_ =	sdelay $0x4  }
0x1d0: {  	v1 =	vand.u32 $0xFFFF, v0  }
0x1d1: {  	v0 =	vshrl.u32 v0, $0x10;
	[tilespmem:$0x2970] =	vst v1  }
0x1d2: {  	[tilespmem:$0x29F0] =	vst v0  }
0x1d3: {  	[tilespmem:s18], [sflag:$0x2] =	stream.indirect.gather [hbm4b:s4+s14], $0x10, s17, s14, $0xb8;
	[tilespmem:$0x6120] =	vst v63  }
0x1d4: {  	_ =	swait.ge [sflag:s19], $0x800  }
0x1d5: {  	[sflag:s19] =	ssyncset.done $0x0  }
0x1d6: {  	[sflag:s19] =	ssyncadd.s32 $0xFFFFF800  }
0x1d7: {  	[spmem:s1] =	stream.indirect.scatter.add.f32 [tilespmem:s16], [sflag:$0x3], $0x10, s20, s14, $0xb8;
	[tilespmem:$0x6120] =	vst v63  }
0x1d8: {  	_ =	swait.ge [sflag:s13], $0x800  }
0x1d9: {  	p2 =	por $0x0, $0x0;
	[sflag:s13] =	ssyncset.done $0x0  }
0x1da: {  	s24 =	simm.s32 @!p2 $0x0;
	[sflag:s13] =	ssyncadd.s32 $0xFFFFF800  }
0x1db: {  	v0 =	vld @!p2 [tilespmem:s24+$0x100];
	_ =	sdelay $0x4  }
0x1dc: {  	v1 =	vand.u32 @!p2 $0xFFFF, v0  }
0x1dd: {  	v0 =	vshrl.u32 @!p2 v0, $0x10;
	[tilespmem:$0x2800] =	vst @!p2 v1  }
0x1de: {  	[tilespmem:$0x2880] =	vst @!p2 v0  }
0x1df: {  	v0 =	vld @!p2 [tilespmem:s24+$0x110];
	_ =	sdelay $0x4  }
0x1e0: {  	v1 =	vand.u32 @!p2 $0xFFFF, v0  }
0x1e1: {  	v0 =	vshrl.u32 @!p2 v0, $0x10;
	[tilespmem:$0x2810] =	vst @!p2 v1  }
0x1e2: {  	[tilespmem:$0x2890] =	vst @!p2 v0  }
0x1e3: {  	v0 =	vld @!p2 [tilespmem:s24+$0x120];
	_ =	sdelay $0x4  }
0x1e4: {  	v1 =	vand.u32 @!p2 $0xFFFF, v0  }
0x1e5: {  	v0 =	vshrl.u32 @!p2 v0, $0x10;
	[tilespmem:$0x2820] =	vst @!p2 v1  }
0x1e6: {  	[tilespmem:$0x28A0] =	vst @!p2 v0  }
0x1e7: {  	v0 =	vld @!p2 [tilespmem:s24+$0x130];
	_ =	sdelay $0x4  }
0x1e8: {  	v1 =	vand.u32 @!p2 $0xFFFF, v0  }
0x1e9: {  	v0 =	vshrl.u32 @!p2 v0, $0x10;
	[tilespmem:$0x2830] =	vst @!p2 v1  }
0x1ea: {  	[tilespmem:$0x28B0] =	vst @!p2 v0  }
0x1eb: {  	v0 =	vld @!p2 [tilespmem:s24+$0x140];
	_ =	sdelay $0x4  }
0x1ec: {  	v1 =	vand.u32 @!p2 $0xFFFF, v0  }
0x1ed: {  	v0 =	vshrl.u32 @!p2 v0, $0x10;
	[tilespmem:$0x2840] =	vst @!p2 v1  }
0x1ee: {  	[tilespmem:$0x28C0] =	vst @!p2 v0  }
0x1ef: {  	v0 =	vld @!p2 [tilespmem:s24+$0x150];
	_ =	sdelay $0x4  }
0x1f0: {  	v1 =	vand.u32 @!p2 $0xFFFF, v0  }
0x1f1: {  	v0 =	vshrl.u32 @!p2 v0, $0x10;
	[tilespmem:$0x2850] =	vst @!p2 v1  }
0x1f2: {  	[tilespmem:$0x28D0] =	vst @!p2 v0  }
0x1f3: {  	v0 =	vld @!p2 [tilespmem:s24+$0x160];
	_ =	sdelay $0x4  }
0x1f4: {  	s26 =	simm.s32 @!p2 $0x80;
	v1 =	vand.u32 @!p2 $0xFFFF, v0  }
0x1f5: {  	s28 =	simm.s32 @!p2 $0x2800;
	s29 =	simm.s32 @!p2 $0x2A00;
	s23 =	simm.s32 $0x400;
	v0 =	vshrl.u32 @!p2 v0, $0x10;
	[tilespmem:$0x2860] =	vst @!p2 v1  }
.LBB2_5:
0x1f6: {  	[tilespmem:$0x28E0] =	vst @!p2 v0;
	s25 =	smov.u32 s23;
	s23 =	sadd.s32 $0x400, s23  }
0x1f7: {  	p1 =	seq.s32 s23, $0x2000;
	v0 =	vld @!p2 [tilespmem:s24+$0x170];
	_ =	sdelay $0x4  }
0x1f8: {  	v1 =	vand.u32 @!p2 $0xFFFF, v0;
	v0 =	vshrl.u32 @!p2 v0, $0x10  }
0x1f9: {  	[tilespmem:$0x2870] =	vst @!p2 v1  }
0x1fa: {  	[tilespmem:$0x28F0] =	vst @!p2 v0  }
0x1fb: {  	[tilespmem:s29], [sflag:$0x1] =	stream.indirect.gather @!p2 [hbm4b:s4+s26], $0x10, s28, s26, $0xb8;
	[tilespmem:$0x6120] =	vst v63  }
0x1fc: {  	_ =	swait.ge [sflag:s21], $0x800  }
0x1fd: {  	[sflag:s21] =	ssyncset.done $0x0  }
0x1fe: {  	[sflag:s21] =	ssyncadd.s32 $0xFFFFF800  }
0x1ff: {  	[spmem:s1] =	stream.indirect.scatter.add.f32 [tilespmem:s18], [sflag:$0x3], $0x10, s22, s14, $0xb8;
	[tilespmem:$0x6120] =	vst v63  }
0x200: {  	_ =	swait.ge [sflag:s13], $0x800  }
0x201: {  	[sflag:s13] =	ssyncset.done $0x0  }
0x202: {  	s24 =	sshra.s32 s25, $0x2;
	[sflag:s13] =	ssyncadd.s32 $0xFFFFF800  }
0x203: {  	v0 =	vld [tilespmem:s24+$0x80];
	_ =	sdelay $0x4  }
0x204: {  	v1 =	vand.u32 $0xFFFF, v0;
	v0 =	vshrl.u32 v0, $0x10  }
0x205: {  	[tilespmem:$0x2900] =	vst v1  }
0x206: {  	[tilespmem:$0x2980] =	vst v0  }
0x207: {  	v0 =	vld [tilespmem:s24+$0x90];
	_ =	sdelay $0x4  }
0x208: {  	v1 =	vand.u32 $0xFFFF, v0;
	v0 =	vshrl.u32 v0, $0x10  }
0x209: {  	[tilespmem:$0x2910] =	vst v1  }
0x20a: {  	[tilespmem:$0x2990] =	vst v0  }
0x20b: {  	v0 =	vld [tilespmem:s24+$0xA0];
	_ =	sdelay $0x4  }
0x20c: {  	v1 =	vand.u32 $0xFFFF, v0;
	v0 =	vshrl.u32 v0, $0x10  }
0x20d: {  	[tilespmem:$0x2920] =	vst v1  }
0x20e: {  	[tilespmem:$0x29A0] =	vst v0  }
0x20f: {  	v0 =	vld [tilespmem:s24+$0xB0];
	_ =	sdelay $0x4  }
0x210: {  	v1 =	vand.u32 $0xFFFF, v0;
	v0 =	vshrl.u32 v0, $0x10  }
0x211: {  	[tilespmem:$0x2930] =	vst v1  }
0x212: {  	[tilespmem:$0x29B0] =	vst v0  }
0x213: {  	v0 =	vld [tilespmem:s24+$0xC0];
	_ =	sdelay $0x4  }
0x214: {  	v1 =	vand.u32 $0xFFFF, v0;
	v0 =	vshrl.u32 v0, $0x10  }
0x215: {  	[tilespmem:$0x2940] =	vst v1  }
0x216: {  	[tilespmem:$0x29C0] =	vst v0  }
0x217: {  	v0 =	vld [tilespmem:s24+$0xD0];
	_ =	sdelay $0x4  }
0x218: {  	v1 =	vand.u32 $0xFFFF, v0;
	v0 =	vshrl.u32 v0, $0x10  }
0x219: {  	[tilespmem:$0x2950] =	vst v1  }
0x21a: {  	[tilespmem:$0x29D0] =	vst v0  }
0x21b: {  	v0 =	vld [tilespmem:s24+$0xE0];
	_ =	sdelay $0x4  }
0x21c: {  	v1 =	vand.u32 $0xFFFF, v0;
	v0 =	vshrl.u32 v0, $0x10  }
0x21d: {  	[tilespmem:$0x2960] =	vst v1  }
0x21e: {  	[tilespmem:$0x29E0] =	vst v0  }
0x21f: {  	v0 =	vld [tilespmem:s24+$0xF0];
	_ =	sdelay $0x4  }
0x220: {  	v1 =	vand.u32 $0xFFFF, v0;
	v0 =	vshrl.u32 v0, $0x10  }
0x221: {  	p2 =	seq.s32 s25, $0x1C00;
	[tilespmem:$0x2970] =	vst v1  }
0x222: {  	s24 =	sshra.s32 @!p2 s25, $0x2;
	[tilespmem:$0x29F0] =	vst v0  }
0x223: {  	[tilespmem:s18], [sflag:$0x2] =	stream.indirect.gather [hbm4b:s4+s14], $0x10, s17, s14, $0xb8;
	[tilespmem:$0x6120] =	vst v63  }
0x224: {  	_ =	swait.ge [sflag:s19], $0x800  }
0x225: {  	[sflag:s19] =	ssyncset.done $0x0  }
0x226: {  	[sflag:s19] =	ssyncadd.s32 $0xFFFFF800  }
0x227: {  	[spmem:s1] =	stream.indirect.scatter.add.f32 [tilespmem:s16], [sflag:$0x3], $0x10, s20, s14, $0xb8;
	[tilespmem:$0x6120] =	vst v63  }
0x228: {  	_ =	swait.ge [sflag:s13], $0x800  }
0x229: {  	[sflag:s13] =	ssyncset.done $0x0  }
0x22a: {  	[sflag:s13] =	ssyncadd.s32 $0xFFFFF800  }
0x22b: {  	v0 =	vld @!p2 [tilespmem:s24+$0x100];
	_ =	sdelay $0x4  }
0x22c: {  	v1 =	vand.u32 @!p2 $0xFFFF, v0;
	v0 =	vshrl.u32 @!p2 v0, $0x10  }
0x22d: {  	[tilespmem:$0x2800] =	vst @!p2 v1  }
0x22e: {  	[tilespmem:$0x2880] =	vst @!p2 v0  }
0x22f: {  	v0 =	vld @!p2 [tilespmem:s24+$0x110];
	_ =	sdelay $0x4  }
0x230: {  	v1 =	vand.u32 @!p2 $0xFFFF, v0;
	v0 =	vshrl.u32 @!p2 v0, $0x10  }
0x231: {  	[tilespmem:$0x2810] =	vst @!p2 v1  }
0x232: {  	[tilespmem:$0x2890] =	vst @!p2 v0  }
0x233: {  	v0 =	vld @!p2 [tilespmem:s24+$0x120];
	_ =	sdelay $0x4  }
0x234: {  	v1 =	vand.u32 @!p2 $0xFFFF, v0;
	v0 =	vshrl.u32 @!p2 v0, $0x10  }
0x235: {  	[tilespmem:$0x2820] =	vst @!p2 v1  }
0x236: {  	[tilespmem:$0x28A0] =	vst @!p2 v0  }
0x237: {  	v0 =	vld @!p2 [tilespmem:s24+$0x130];
	_ =	sdelay $0x4  }
0x238: {  	v1 =	vand.u32 @!p2 $0xFFFF, v0;
	v0 =	vshrl.u32 @!p2 v0, $0x10  }
0x239: {  	[tilespmem:$0x2830] =	vst @!p2 v1  }
0x23a: {  	[tilespmem:$0x28B0] =	vst @!p2 v0  }
0x23b: {  	v0 =	vld @!p2 [tilespmem:s24+$0x140];
	_ =	sdelay $0x4  }
0x23c: {  	v1 =	vand.u32 @!p2 $0xFFFF, v0;
	v0 =	vshrl.u32 @!p2 v0, $0x10  }
0x23d: {  	[tilespmem:$0x2840] =	vst @!p2 v1  }
0x23e: {  	[tilespmem:$0x28C0] =	vst @!p2 v0  }
0x23f: {  	v0 =	vld @!p2 [tilespmem:s24+$0x150];
	_ =	sdelay $0x4  }
0x240: {  	v1 =	vand.u32 @!p2 $0xFFFF, v0;
	v0 =	vshrl.u32 @!p2 v0, $0x10  }
0x241: {  	[tilespmem:$0x2850] =	vst @!p2 v1  }
0x242: {  	s26 =	simm.s32 @!p2 $0x80;
	s28 =	simm.s32 @!p2 $0x2800;
	s29 =	simm.s32 @!p2 $0x2A00;
	[tilespmem:$0x28D0] =	vst @!p2 v0  }
0x243: {  	v0 =	vld @!p2 [tilespmem:s24+$0x160];
	_ =	sdelay $0x1  }
.Ltmp6:
0x244: {  	(pc) =	sbr.rel @!p1 .LBB2_5-.Ltmp6, $3  }
0x245: {  	_ =	sdelay $0x1  }
0x246: {  	v1 =	vand.u32 @!p2 $0xFFFF, v0;
	v0 =	vshrl.u32 @!p2 v0, $0x10  }
0x247: {  	[tilespmem:$0x2860] =	vst @!p2 v1  }
0x248: {  	[tilespmem:$0x28E0] =	vst @!p2 v0  }
0x249: {  	v0 =	vld @!p2 [tilespmem:s24+$0x170];
	_ =	sdelay $0x4  }
0x24a: {  	v1 =	vand.u32 @!p2 $0xFFFF, v0  }
0x24b: {  	v0 =	vshrl.u32 @!p2 v0, $0x10;
	[tilespmem:$0x2870] =	vst @!p2 v1  }
0x24c: {  	[tilespmem:$0x28F0] =	vst @!p2 v0  }
0x24d: {  	[tilespmem:s29], [sflag:$0x1] =	stream.indirect.gather @!p2 [hbm4b:s4+s26], $0x10, s28, s26, $0xb8;
	[tilespmem:$0x6120] =	vst v63  }
0x24e: {  	_ =	swait.ge [sflag:s21], $0x800  }
0x24f: {  	[sflag:s21] =	ssyncset.done $0x0  }
.Ltmp7:
0x250: {  	[sflag:s21] =	ssyncadd.s32 $0xFFFFF800;
	(pc) =	sbr.rel .LBB2_10-.Ltmp7, $4  }
0x251: {  	[spmem:s1] =	stream.indirect.scatter.add.f32 [tilespmem:s18], [sflag:$0x3], $0x10, s22, s14, $0xb8;
	[tilespmem:$0x6120] =	vst v63  }
0x252: {  	_ =	swait.ge [sflag:s13], $0x800  }
0x253: {  	[sflag:s13] =	ssyncset.done $0x0  }
0x254: {  	[sflag:s13] =	ssyncadd.s32 $0xFFFFF800  }
.LBB2_11:
0x255: {  	_ =	sfence.sel $0x180000  }
0x256: {  	[bflag:$0x0] =	sbarrier.arrive $0xFFFF  }
0x257: {  	p0 =	sne.s32 s2, $0x0;
	_ =	strace $0x9000004A  }
0x258: {  	s0 =	sadd.s32 @!p0 $0x100000, s0;
	[bflag:$0x2] =	sbarrier.arrive $0xFFFF  }
0x259: {  	[sflag:s0] =	ssyncadd.tile.s32 @!p0 $0x1;
	_ =	shalt  }
.Lfunc_end2:
_tile_overlayer_lowered:
.L_overlay_start_2:
0x25a: {  	(tag) =	ssettag $0x2  }
0x25b: {  	s0 =	rddreg [dreg:$0x0];
	s2 =	stileid.u32  }
0x25c: {  	s1 =	rddreg [dreg:$0x1];
	p0 =	sne.s32 s2, $0x0  }
0x25d: {  	s3 =	rddreg [dreg:$0x2];
	[bflag:$0x3] =	sbarrier.arrive $0xFFFF;
	s2 =	simm.s32 @!p0 $0x1C03  }
0x25e: {  	[timem:s3], [sflag:s2] =	dma.local @!p0 [hbm:s0], s1  }
0x25f: {  	s0 =	simm.s32 @!p0 $0x3  }
0x260: {  	_ =	swait.ge @!p0 [sflag:s0], s1  }
0x261: {  	s1 =	ssub.s32 @!p0 $0x0, s1;
	[sflag:s0] =	ssyncset.done @!p0 $0x0  }
0x262: {  	[sflag:s0] =	ssyncadd.s32 @!p0 s1  }
0x263: {  	[bflag:$0x3] =	sbarrier.arrive $0xFFFF  }
0x264: {  	_ =	shalt  }

// kernel: kernel.14.cloned.1.call-start
scs
__scs_entry_jumppad:
0x0: {  	(pc) =	sbr.rel $0x88, $3  }
0x1: {  	(tag) =	ssettag $0x0;
	lr =	simm.s32 $0x1  }
0x2: {  	[smem:$0x3F9B] =	sst lr;
	_ =	strace $0xD0000000  }
0x3: {  	_ = 	snop  }
0x4: {  	_ = 	snop  }
0x5: {  	_ = 	snop  }
0x6: {  	_ = 	snop  }
0x7: {  	_ = 	snop  }
__scs_overlays_trampoline_lowered:
0x8: {  	[smem:$0x3FAA] =	sst s0  }
0x9: {  	[smem:$0x3FAB] =	sst s1  }
0xa: {  	[smem:$0x3FAC] =	sst s2  }
0xb: {  	[smem:$0x3FAD] =	sst s3  }
0xc: {  	[smem:$0x3FAE] =	sst s4  }
0xd: {  	[smem:$0x3FAF] =	sst s5  }
0xe: {  	[smem:$0x3FB0] =	sst s6  }
0xf: {  	[smem:$0x3FB1] =	sst s7  }
0x10: {  	[smem:$0x3FB2] =	sst s8  }
0x11: {  	[smem:$0x3FB3] =	sst s9;
	s0 =	simm.s32 @!p0 $0x0  }
0x12: {  	s1 =	sld [smem:$0x3F99];
	s0 =	simm.s32 @p0 $0x1  }
0x13: {  	[smem:$0x3FB4] =	sst s0;
	s0 =	simm.s32 @!p1 $0x0  }
0x14: {  	s2 =	sld [smem:$0x3F98];
	s0 =	simm.s32 @p1 $0x1  }
0x15: {  	[smem:$0x3FB5] =	sst s0;
	s0 =	simm.s32 @!p2 $0x0  }
0x16: {  	s3 =	sld [smem:$0x3FDB];
	s0 =	simm.s32 @p2 $0x1  }
0x17: {  	s4 =	simm.s32 $0x1BF5;
	[smem:$0x3FB7] =	sst s0  }
0x18: {  	s0 =	sld [smem:$0x3F9A];
	_ =	swait.ge [sflag:s4], $0x0  }
0x19: {  	s7 =	sld [smem:$0x3F9B]  }
0x1a: {  	s8 =	sadd.s32 $0xFFFFE003, lr  }
0x1b: {  	s9 =	sadd.s32 $0xFFFFFEF7, lr;
	s5 =	simm.s32 $0xFFFFFFFF;
	p2 =	slt.u32 s8, $0xFFFFF086  }
0x1c: {  	p1 =	slt.u32 s9, $0xF7A;
	s5 =	simm.s32 @!p2 $0x0  }
0x1d: {  	s5 =	simm.s32 @p1 $0x1;
	p0 =	seq.s32 s7, s2  }
0x1e: {  	s7 =	smul.u32 @!p0 $0xF7A, s2;
	p2 =	seq.s32 @!p0 s5, $0x0  }
0x1f: {  	s9 =	smul.u32 $0xF7A, s1;
	s8 =	simm.s32 @!p0 $0x1BF5;
	p2 =	por !p2, p0  }
0x20: {  	[sflag:s8] =	ssyncset.s32 @!p0 $0xFFFFF086;
	s6 =	sadd.s32 @!p0 s3, s7;
	s7 =	simm.s32 @!p0 $0x108  }
0x21: {  	s3 =	sadd.s32 s3, s9;
	s6 =	sadd.s32 @!p0 $0x88, s6;
	s7 =	simm.s32 @p2 $0x1082  }
0x22: {  	[simem:s7], [sflag:s8] =	dma.local @!p0 [hbm:s6], $0xF7A  }
0x23: {  	s9 =	sor.u32 $0xD0000000, s2;
	s6 =	simm.s32 $0x108;
	_ =	swait.ge @!p0 [sflag:s8], $0x0  }
0x24: {  	s3 =	sadd.s32 $0x88, s3;
	s6 =	simm.s32 @!p1 $0x1082;
	[sflag:s4] =	ssyncset.s32 $0xFFFFF086  }
0x25: {  	[simem:s6], [sflag:s4] =	dma.local [hbm:s3], $0xF7A  }
0x26: {  	[smem:$0x3F9B] =	sst s1;
	(tag) =	ssettag s2;
	_ =	strace s9  }
0x27: {  	s1 =	sld [smem:$0x3FAB]  }
0x28: {  	s2 =	sld [smem:$0x3FAC]  }
0x29: {  	s4 =	sld [smem:$0x3FAE]  }
0x2a: {  	p0 =	seq.s32 s5, $0x0;
	s5 =	sld [smem:$0x3FAF]  }
0x2b: {  	s6 =	sld [smem:$0x3FB0]  }
0x2c: {  	s7 =	sld [smem:$0x3FB1]  }
0x2d: {  	s3 =	simm.s32 $0x108;
	s8 =	sld [smem:$0x3FB2]  }
0x2e: {  	s3 =	simm.s32 @!p0 $0x1082;
	s9 =	sld [smem:$0x3FB3]  }
0x2f: {  	lr =	sadd.s32 s0, s3;
	s0 =	sld [smem:$0x3FAA]  }
0x30: {  	s3 =	sld [smem:$0x3FAD]  }
0x31: {  	[smem:$0x3FB6] =	sst s10  }
0x32: {  	s10 =	sld [smem:$0x3FB4];
	_ =	sdelay $0x3  }
0x33: {  	p0 =	seq.s32 s10, $0x1;
	s10 =	sld [smem:$0x3FB6];
	_ =	sdelay $0x3  }
0x34: {  	[smem:$0x3FB6] =	sst s10  }
0x35: {  	s10 =	sld [smem:$0x3FB5];
	_ =	sdelay $0x3  }
0x36: {  	p1 =	seq.s32 s10, $0x1;
	s10 =	sld [smem:$0x3FB6];
	_ =	sdelay $0x3  }
0x37: {  	[smem:$0x3FB6] =	sst s10  }
0x38: {  	s10 =	sld [smem:$0x3FB7]  }
0x39: {  	_ = 	snop;
	(pc) =	sbr.ind lr, $3  }
0x3a: {  	_ = 	snop  }
0x3b: {  	_ = 	snop  }
0x3c: {  	p2 =	seq.s32 s10, $0x1;
	s10 =	sld [smem:$0x3FB6]  }
0x3d: {  	_ =	shalt  }
0x3e: {  	_ =	shalt  }
0x3f: {  	_ =	shalt  }
0x40: {  	_ =	shalt  }
0x41: {  	_ =	shalt  }
0x42: {  	_ =	shalt  }
0x43: {  	_ =	shalt  }
0x44: {  	_ =	shalt  }
0x45: {  	_ =	shalt  }
0x46: {  	_ =	shalt  }
0x47: {  	_ =	shalt  }
0x48: {  	_ =	shalt  }
0x49: {  	_ =	shalt  }
0x4a: {  	_ =	shalt  }
0x4b: {  	_ =	shalt  }
0x4c: {  	_ =	shalt  }
0x4d: {  	_ =	shalt  }
0x4e: {  	_ =	shalt  }
0x4f: {  	_ =	shalt  }
0x50: {  	_ =	shalt  }
0x51: {  	_ =	shalt  }
0x52: {  	_ =	shalt  }
0x53: {  	_ =	shalt  }
0x54: {  	_ =	shalt  }
0x55: {  	_ =	shalt  }
0x56: {  	_ =	shalt  }
0x57: {  	_ =	shalt  }
0x58: {  	_ =	shalt  }
0x59: {  	_ =	shalt  }
0x5a: {  	_ =	shalt  }
0x5b: {  	_ =	shalt  }
0x5c: {  	_ =	shalt  }
0x5d: {  	_ =	shalt  }
0x5e: {  	_ =	shalt  }
0x5f: {  	_ =	shalt  }
0x60: {  	_ =	shalt  }
0x61: {  	_ =	shalt  }
0x62: {  	_ =	shalt  }
0x63: {  	_ =	shalt  }
0x64: {  	_ =	shalt  }
0x65: {  	_ =	shalt  }
0x66: {  	_ =	shalt  }
0x67: {  	_ =	shalt  }
0x68: {  	_ =	shalt  }
0x69: {  	_ =	shalt  }
0x6a: {  	_ =	shalt  }
0x6b: {  	_ =	shalt  }
0x6c: {  	_ =	shalt  }
0x6d: {  	_ =	shalt  }
0x6e: {  	_ =	shalt  }
0x6f: {  	_ =	shalt  }
0x70: {  	_ =	shalt  }
0x71: {  	_ =	shalt  }
0x72: {  	_ =	shalt  }
0x73: {  	_ =	shalt  }
0x74: {  	_ =	shalt  }
0x75: {  	_ =	shalt  }
0x76: {  	_ =	shalt  }
0x77: {  	_ =	shalt  }
0x78: {  	_ =	shalt  }
0x79: {  	_ =	shalt  }
0x7a: {  	_ =	shalt  }
0x7b: {  	_ =	shalt  }
0x7c: {  	_ =	shalt  }
0x7d: {  	_ =	shalt  }
0x7e: {  	_ =	shalt  }
0x7f: {  	_ =	shalt  }
0x80: {  	_ =	shalt  }
0x81: {  	_ =	shalt  }
0x82: {  	_ =	shalt  }
0x83: {  	_ =	shalt  }
0x84: {  	_ =	shalt  }
0x85: {  	_ =	shalt  }
0x86: {  	_ =	shalt  }
0x87: {  	_ =	shalt  }
.Lfunc_end0:
.L_simem_size_0:
called_computation.2_lowered:
.L_overlay_start_0:
0x88: {  	s2 =	sld [smem:$0x3FD9]  }
0x89: {  	s3 =	sld [smem:$0x3FFE];
	_ =	sdelay $0x1  }
0x8a: {  	s1 =	srdreg.scid  }
0x8b: {  	s0 =	sand.u32 $0x1, s1  }
0x8c: {  	s17 =	sshll.u32 s0, $0xA;
	s2 =	sadd.s32 s3, s2  }
0x8d: {  	s2 =	sadd.s32 s2, s17  }
0x8e: {  	[smem:$0x3FC2] =	sst s2  }
0x8f: {  	_ = 	snop  }
0x90: {  	s2 =	sld [smem:$0x3FD0];
	(tm) =	ssettm $0x1  }
0x91: {  	s18 =	sld [smem:$0x3FFB];
	_ =	sdelay $0x3  }
0x92: {  	_ =	strace s18  }
0x93: {  	s3 =	sld [smem:$0x3FFC];
	_ =	sdelay $0x3  }
0x94: {  	_ =	strace s3  }
0x95: {  	s3 =	sld [smem:$0x3FFD];
	_ =	sdelay $0x3  }
0x96: {  	_ =	strace s3  }
0x97: {  	_ =	strace $0x8FFFFFFF  }
0x98: {  	s19 =	sld [smem:$0x3FDB];
	_ =	sdelay $0x1  }
0x99: {  	s4 =	simm.s32 $_scs_section_size  }
0x9a: {  	s5 =	simm.s32 $_size__tile_overlayer_lowered;
	s6 =	simm.s32 $_tile_overlayer_lowered  }
0x9b: {  	s22 =	simm.s32 $0x1BFF;
	s21 =	sshll.u32 s6, $0x1;
	s3 =	sadd.s32 s4, s19  }
0x9c: {  	s7 =	simm.s32 $0x0;
	s20 =	sshll.u32 s5, $0x1;
	s5 =	sadd.s32 s21, s3  }
0x9d: {  	[timem:s7], [sflag:s22] =	dma.local [hbm:s5], s20  }
0x9e: {  	_ =	swait.ge [sflag:s22], s20  }
0x9f: {  	s4 =	ssub.s32 $0x0, s20;
	[sflag:s22] =	ssyncset.done $0x0  }
0xa0: {  	[sflag:s22] =	ssyncadd.s32 s4;
	_ =	sdelay $0x1  }
0xa1: {  	s23 =	simm.s32 $0x1B8B  }
0xa2: {  	_ =	swait.ge [sflag:s23], $0x1  }
0xa3: {  	[sflag:s23] =	ssyncset.done $0x0  }
0xa4: {  	s25 =	simm.s32 $0x1B8E;
	s24 =	sld [smem:$0x3FFE];
	[sflag:s23] =	ssyncadd.s32 $0xFFFFFFFF  }
0xa5: {  	s26 =	simm.s32 $execute0_lowered;
	[smem:$0x3FD2] =	sst s25  }
0xa6: {  	s5 =	sshll.u32 s26, $0x1;
	_ =	strace $0x8000004C;
	[dreg:$0x1] =	wrdreg $0xFFFFFFFF  }
0xa7: {  	s28 =	simm.s32 $_size_execute0_lowered;
	s3 =	sadd.s32 s3, s5;
	[dreg:$0x0] =	wrdreg $0x0  }
0xa8: {  	s5 =	sshll.u32 s28, $0x1;
	[dreg:$0x2] =	wrdreg s3  }
0xa9: {  	[dreg:$0x3] =	wrdreg s5  }
0xaa: {  	[dreg:$0x4] =	wrdreg $0xC0  }
0xab: {  	_ =	task [dreg:s7], $0x5FFFF  }
0xac: {  	[dreg:$0x1] =	wrdreg $0xFFFFFFFF  }
0xad: {  	[dreg:$0x0] =	wrdreg $0x60  }
0xae: {  	[dreg:$0x2] =	wrdreg s2  }
0xaf: {  	[dreg:$0x3] =	wrdreg s24  }
0xb0: {  	[dreg:$0x4] =	wrdreg $0x92000  }
0xb1: {  	[dreg:$0x5] =	wrdreg $0x9  }
0xb2: {  	_ =	task.clear_ibuf [dreg:s7], $0x6FFFF;
	_ =	strace $0x9000004C  }
0xb3: {  	s29 =	simm.s32 $0x9;
	_ =	strace $0x8000004E  }
0xb4: {  	_ =	swait.ge [sflag:s29], $0x1  }
0xb5: {  	[sflag:s29] =	ssyncadd.s32 $0xFFFFFFFF  }
0xb6: {  	_ =	strace $0x9000004E  }
0xb7: {  	_ =	sfence  }
0xb8: {  	s30 =	sld [smem:$0x0];
	_ =	sdelay $0x2  }
0xb9: {  	s31 =	sshll.u32 s1, $0xD;
	s1 =	sshrl.u32 s1, $0x2  }
0xba: {  	s3 =	sand.u32 $0x4000, s31;
	s1 =	sadd.s32 s1, s30  }
0xbb: {  	s0 =	sor.u32 s3, s0;
	s1 =	sshll.u32 s1, $0x11  }
0xbc: {  	s0 =	sor.u32 s1, s0  }
0xbd: {  	s0 =	sadd.s32 $0x8F2B, s0  }
0xbe: {  	[sflag:s0] =	ssyncadd.remote.s32 $0x1  }
0xbf: {  	_ =	sfence.sel $0xFFFF  }
0xc0: {  	[dreg:$0x0] =	wrdreg $0xFFFFFFFF;
	(pc) =	sbr.abs _section_cstart, $3  }
0xc1: {  	[dreg:$0x1] =	wrdreg $0xFFFFFFFF  }
0xc2: {  	_ =	task.clear_ibuf [dreg:s7], $0x2FFFF;
	_ =	strace $0x9FFFFFFF  }
0xc3: {  	(tm) =	ssettm $0x7FFFFFFF  }
tec
execute0_lowered:
.L_overlay_start_1:
0x0: {  	(tag) =	ssettag $0x1  }
0x1: {  	s2 =	rddreg [dreg:$0x0]  }
0x2: {  	s7 =	rddreg [dreg:$0x1]  }
0x3: {  	s3 =	rddreg [dreg:$0x2]  }
0x4: {  	s0 =	rddreg [dreg:$0x3]  }
0x5: {  	s1 =	stileid.u32;
	s5 =	srdreg.scid  }
0x6: {  	s4 =	simm.s32 $0x0;
	s14 =	simm.s32 $0x5000;
	s15 =	simm.s32 $0x5200  }
0x7: {  	s16 =	simm.s32 $0x5100;
	s17 =	simm.s32 $0x7200;
	s18 =	simm.s32 $0x1  }
0x8: {  	s19 =	simm.s32 $0x5080;
	s20 =	simm.s32 $0x2;
	s21 =	simm.s32 $0x5180  }
0x9: {  	s22 =	simm.s32 $0x0;
	s6 =	smul.u32 $0xA00, s1;
	s8 =	sand.u32 $0x1, s5  }
0xa: {  	s9 =	smul.u32 $0x9C80, s1;
	[smem:$0x7FF] =	sst s4;
	s5 =	sadd.s32 $0x3D600, s7  }
0xb: {  	s30 =	sshll.u32 s1, $0x6;
	s10 =	smul.u32 $0x9C800, s8;
	_ =	strace $0x8000004D  }
0xc: {  	s12 =	ssub.s32 $0x2, s8;
	p0 =	seq.s32 s8, $0x1;
	s11 =	sadd.s32 s6, s7  }
.Ltmp0:
0xd: {  	s6 =	sadd.s32 $0x1E00, s7;
	s13 =	sshrl.u32 s12, $0x1;
	(pc) =	sbr.rel .LBB2_1-.Ltmp0, $4  }
0xe: {  	s31 =	sadd.s32 s9, s3;
	s10 =	sadd.s32 s9, s10;
	s12 =	ssub.s32 s12, s13  }
0xf: {  	s8 =	sadd.s32 $0xC400, s11;
	s11 =	sshrl.u32 s31, $0x3;
	s10 =	sshrl.u32 s10, $0x3  }
0x10: {  	s13 =	simm.s32 $0x80;
	s10 =	sadd.s32 s10, s7;
	s7 =	sor.u32 $0x1C03, s30  }
0x11: {  	s9 =	sadd.s32 $0x51000, s10;
	s10 =	smax.u32 s12, $0x1;
	s12 =	simm.s32 $0x3  }
.LBB2_7:
0x12: {  	[tilespmem:$0x50E0] =	vst @!p2 v0  }
0x13: {  	v0 =	vld @!p2 [tilespmem:s24+$0x170];
	_ =	sdelay $0x4  }
0x14: {  	v1 =	vand.u32 @!p2 $0xFFFF, v0  }
0x15: {  	v0 =	vshrl.u32 @!p2 v0, $0x10;
	[tilespmem:$0x5070] =	vst @!p2 v1  }
0x16: {  	[tilespmem:$0x50F0] =	vst @!p2 v0  }
0x17: {  	[tilespmem:s29], [sflag:$0x1] =	stream.indirect.gather @!p2 [hbm4b:s5+s26], $0x40, s28, s26, $0xb8;
	[tilespmem:$0x12E80] =	vst v63  }
0x18: {  	_ =	swait.ge [sflag:s20], $0x2000  }
0x19: {  	[sflag:s20] =	ssyncset.done $0x0  }
0x1a: {  	[sflag:s20] =	ssyncadd.s32 $0xFFFFE000  }
0x1b: {  	[spmem:s3] =	stream.indirect.scatter.add.f32 [tilespmem:s17], [sflag:$0x3], $0x40, s21, s13, $0xb8;
	[tilespmem:$0x12E80] =	vst v63  }
0x1c: {  	_ =	swait.ge [sflag:s12], $0x2000  }
0x1d: {  	[sflag:s12] =	ssyncset.done $0x0  }
0x1e: {  	[sflag:s12] =	ssyncadd.s32 $0xFFFFE000  }
.LBB2_8:
0x1f: {  	s22 =	sadd.s32 $0x1, s22  }
0x20: {  	p1 =	sne.s32 s22, s10  }
.Ltmp1:
0x21: {  	[bflag:$0x0] =	sbarrier.arrive $0xFFFF;
	(pc) =	sbr.rel @!p1 .LBB2_9-.Ltmp1, $4  }
0x22: {  	[hbm:s9], [sflag:s7] =	dma.local [spmem:s11], $0x1390  }
0x23: {  	_ =	swait.ge [sflag:s12], $0x1390  }
0x24: {  	[sflag:s12] =	ssyncset.done $0x0  }
0x25: {  	[sflag:s12] =	ssyncadd.s32 $0xFFFFEC70  }
.LBB2_1:
0x26: {  	[spmem:s11], [sflag:s7] =	dma.local [hbm:s6], $0x1390  }
0x27: {  	_ =	swait.ge [sflag:s12], $0x1390  }
0x28: {  	[sflag:s12] =	ssyncset.done $0x0  }
0x29: {  	[sflag:s12] =	ssyncadd.s32 $0xFFFFEC70  }
0x2a: {  	[tilespmem:s4], [sflag:$0x3] =	stream.linear.gather [hbm4b:s8+s4], $0x5000, $0x38;
	[tilespmem:$0x12E80] =	vst v63  }
0x2b: {  	_ =	swait.ge [sflag:s12], $0x5000  }
0x2c: {  	[sflag:s12] =	ssyncset.done $0x0  }
0x2d: {  	[sflag:s12] =	ssyncadd.s32 $0xFFFFB000  }
0x2e: {  	[bflag:$0x0] =	sbarrier.arrive $0xFFFF  }
0x2f: {  	v0 =	vld [tilespmem:$0x0];
	_ =	sdelay $0x1  }
0x30: {  	v1 =	vld [tilespmem:$0x10];
	_ =	sdelay $0x1  }
0x31: {  	v2 =	vld [tilespmem:$0x20]  }
0x32: {  	v3 =	vand.u32 $0xFFFF, v0  }
0x33: {  	v45 =	vld [tilespmem:$0x30];
	v0 =	vshrl.u32 v0, $0x10;
	[tilespmem:$0x5000] =	vst v3  }
0x34: {  	v46 =	vand.u32 $0xFFFF, v1;
	[tilespmem:$0x5080] =	vst v0  }
0x35: {  	v48 =	vld [tilespmem:$0x40];
	v47 =	vshrl.u32 v1, $0x10;
	[tilespmem:$0x5010] =	vst v46  }
0x36: {  	v49 =	vand.u32 $0xFFFF, v2;
	[tilespmem:$0x5090] =	vst v47  }
0x37: {  	v51 =	vld [tilespmem:$0x50];
	v50 =	vshrl.u32 v2, $0x10;
	[tilespmem:$0x5020] =	vst v49  }
0x38: {  	v52 =	vand.u32 $0xFFFF, v45;
	[tilespmem:$0x50A0] =	vst v50  }
0x39: {  	v54 =	vld [tilespmem:$0x60];
	v53 =	vshrl.u32 v45, $0x10;
	[tilespmem:$0x5030] =	vst v52  }
0x3a: {  	v55 =	vand.u32 $0xFFFF, v48;
	[tilespmem:$0x50B0] =	vst v53  }
0x3b: {  	v57 =	vld [tilespmem:$0x70];
	v56 =	vshrl.u32 v48, $0x10;
	[tilespmem:$0x5040] =	vst v55  }
0x3c: {  	v58 =	vand.u32 $0xFFFF, v51;
	[tilespmem:$0x50C0] =	vst v56  }
0x3d: {  	v59 =	vshrl.u32 v51, $0x10;
	[tilespmem:$0x5050] =	vst v58  }
.Ltmp2:
0x3e: {  	v60 =	vand.u32 $0xFFFF, v54;
	[tilespmem:$0x50D0] =	vst v59;
	(pc) =	sbr.rel @!p0 .LBB2_2-.Ltmp2, $4  }
0x3f: {  	v61 =	vshrl.u32 v54, $0x10;
	[tilespmem:$0x5060] =	vst v60  }
0x40: {  	v62 =	vand.u32 $0xFFFF, v57;
	[tilespmem:$0x50E0] =	vst v61  }
0x41: {  	v63 =	vshrl.u32 v57, $0x10;
	[tilespmem:$0x5070] =	vst v62  }
0x42: {  	[tilespmem:$0x50F0] =	vst v63  }
0x43: {  	[tilespmem:s15], [sflag:$0x1] =	stream.indirect.gather [hbm4b:s5+s13], $0x40, s14, s13, $0xb8;
	[tilespmem:$0x12E80] =	vst v63  }
0x44: {  	s23 =	simm.s32 $0x0  }
0x45: {  	v0 =	vld [tilespmem:s23+$0x80];
	_ =	sdelay $0x4  }
0x46: {  	v1 =	vand.u32 $0xFFFF, v0  }
0x47: {  	v0 =	vshrl.u32 v0, $0x10;
	[tilespmem:$0x5100] =	vst v1  }
0x48: {  	[tilespmem:$0x5180] =	vst v0  }
0x49: {  	v0 =	vld [tilespmem:s23+$0x90];
	_ =	sdelay $0x4  }
0x4a: {  	v1 =	vand.u32 $0xFFFF, v0  }
0x4b: {  	v0 =	vshrl.u32 v0, $0x10;
	[tilespmem:$0x5110] =	vst v1  }
0x4c: {  	[tilespmem:$0x5190] =	vst v0  }
0x4d: {  	v0 =	vld [tilespmem:s23+$0xA0];
	_ =	sdelay $0x4  }
0x4e: {  	v1 =	vand.u32 $0xFFFF, v0  }
0x4f: {  	v0 =	vshrl.u32 v0, $0x10;
	[tilespmem:$0x5120] =	vst v1  }
0x50: {  	[tilespmem:$0x51A0] =	vst v0  }
0x51: {  	v0 =	vld [tilespmem:s23+$0xB0];
	_ =	sdelay $0x4  }
0x52: {  	v1 =	vand.u32 $0xFFFF, v0  }
0x53: {  	v0 =	vshrl.u32 v0, $0x10;
	[tilespmem:$0x5130] =	vst v1  }
0x54: {  	[tilespmem:$0x51B0] =	vst v0  }
0x55: {  	v0 =	vld [tilespmem:s23+$0xC0];
	_ =	sdelay $0x4  }
0x56: {  	v1 =	vand.u32 $0xFFFF, v0  }
0x57: {  	v0 =	vshrl.u32 v0, $0x10;
	[tilespmem:$0x5140] =	vst v1  }
0x58: {  	[tilespmem:$0x51C0] =	vst v0  }
0x59: {  	v0 =	vld [tilespmem:s23+$0xD0];
	_ =	sdelay $0x4  }
0x5a: {  	v1 =	vand.u32 $0xFFFF, v0  }
0x5b: {  	v0 =	vshrl.u32 v0, $0x10;
	[tilespmem:$0x5150] =	vst v1  }
0x5c: {  	[tilespmem:$0x51D0] =	vst v0  }
0x5d: {  	v0 =	vld [tilespmem:s23+$0xE0];
	_ =	sdelay $0x4  }
0x5e: {  	v1 =	vand.u32 $0xFFFF, v0  }
0x5f: {  	v0 =	vshrl.u32 v0, $0x10;
	[tilespmem:$0x5160] =	vst v1  }
0x60: {  	[tilespmem:$0x51E0] =	vst v0  }
0x61: {  	v0 =	vld [tilespmem:s23+$0xF0];
	_ =	sdelay $0x4  }
0x62: {  	v1 =	vand.u32 $0xFFFF, v0  }
0x63: {  	v0 =	vshrl.u32 v0, $0x10;
	[tilespmem:$0x5170] =	vst v1  }
0x64: {  	[tilespmem:$0x51F0] =	vst v0  }
0x65: {  	[tilespmem:s17], [sflag:$0x2] =	stream.indirect.gather [hbm4b:s5+s13], $0x40, s16, s13, $0xb8;
	[tilespmem:$0x12E80] =	vst v63  }
0x66: {  	_ =	swait.ge [sflag:s18], $0x2000  }
0x67: {  	[sflag:s18] =	ssyncset.done $0x0  }
0x68: {  	[sflag:s18] =	ssyncadd.s32 $0xFFFFE000  }
0x69: {  	[spmem:s3] =	stream.indirect.scatter.add.f32 [tilespmem:s15], [sflag:$0x3], $0x40, s19, s13, $0xb8;
	[tilespmem:$0x12E80] =	vst v63  }
0x6a: {  	_ =	swait.ge [sflag:s12], $0x2000  }
0x6b: {  	p2 =	por $0x0, $0x0;
	[sflag:s12] =	ssyncset.done $0x0  }
0x6c: {  	s24 =	simm.s32 @!p2 $0x0;
	[sflag:s12] =	ssyncadd.s32 $0xFFFFE000  }
0x6d: {  	v0 =	vld @!p2 [tilespmem:s24+$0x100];
	_ =	sdelay $0x4  }
0x6e: {  	v1 =	vand.u32 @!p2 $0xFFFF, v0  }
0x6f: {  	v0 =	vshrl.u32 @!p2 v0, $0x10;
	[tilespmem:$0x5000] =	vst @!p2 v1  }
0x70: {  	[tilespmem:$0x5080] =	vst @!p2 v0  }
0x71: {  	v0 =	vld @!p2 [tilespmem:s24+$0x110];
	_ =	sdelay $0x4  }
0x72: {  	v1 =	vand.u32 @!p2 $0xFFFF, v0  }
0x73: {  	v0 =	vshrl.u32 @!p2 v0, $0x10;
	[tilespmem:$0x5010] =	vst @!p2 v1  }
0x74: {  	[tilespmem:$0x5090] =	vst @!p2 v0  }
0x75: {  	v0 =	vld @!p2 [tilespmem:s24+$0x120];
	_ =	sdelay $0x4  }
0x76: {  	v1 =	vand.u32 @!p2 $0xFFFF, v0  }
0x77: {  	v0 =	vshrl.u32 @!p2 v0, $0x10;
	[tilespmem:$0x5020] =	vst @!p2 v1  }
0x78: {  	[tilespmem:$0x50A0] =	vst @!p2 v0  }
0x79: {  	v0 =	vld @!p2 [tilespmem:s24+$0x130];
	_ =	sdelay $0x4  }
0x7a: {  	v1 =	vand.u32 @!p2 $0xFFFF, v0  }
0x7b: {  	v0 =	vshrl.u32 @!p2 v0, $0x10;
	[tilespmem:$0x5030] =	vst @!p2 v1  }
0x7c: {  	[tilespmem:$0x50B0] =	vst @!p2 v0  }
0x7d: {  	v0 =	vld @!p2 [tilespmem:s24+$0x140];
	_ =	sdelay $0x4  }
0x7e: {  	v1 =	vand.u32 @!p2 $0xFFFF, v0  }
0x7f: {  	v0 =	vshrl.u32 @!p2 v0, $0x10;
	[tilespmem:$0x5040] =	vst @!p2 v1  }
0x80: {  	[tilespmem:$0x50C0] =	vst @!p2 v0  }
0x81: {  	v0 =	vld @!p2 [tilespmem:s24+$0x150];
	_ =	sdelay $0x4  }
0x82: {  	v1 =	vand.u32 @!p2 $0xFFFF, v0  }
0x83: {  	v0 =	vshrl.u32 @!p2 v0, $0x10;
	[tilespmem:$0x5050] =	vst @!p2 v1  }
0x84: {  	[tilespmem:$0x50D0] =	vst @!p2 v0  }
0x85: {  	v0 =	vld @!p2 [tilespmem:s24+$0x160];
	_ =	sdelay $0x4  }
0x86: {  	s26 =	simm.s32 @!p2 $0x80;
	v1 =	vand.u32 @!p2 $0xFFFF, v0  }
0x87: {  	s28 =	simm.s32 @!p2 $0x5000;
	s29 =	simm.s32 @!p2 $0x5200;
	s23 =	simm.s32 $0x400;
	v0 =	vshrl.u32 @!p2 v0, $0x10;
	[tilespmem:$0x5060] =	vst @!p2 v1  }
.LBB2_6:
0x88: {  	[tilespmem:$0x50E0] =	vst @!p2 v0;
	s25 =	smov.u32 s23;
	s23 =	sadd.s32 $0x400, s23  }
0x89: {  	p1 =	sne.s32 s23, $0x14000;
	v0 =	vld @!p2 [tilespmem:s24+$0x170];
	_ =	sdelay $0x4  }
0x8a: {  	v1 =	vand.u32 @!p2 $0xFFFF, v0;
	v0 =	vshrl.u32 @!p2 v0, $0x10  }
0x8b: {  	[tilespmem:$0x5070] =	vst @!p2 v1  }
0x8c: {  	[tilespmem:$0x50F0] =	vst @!p2 v0  }
0x8d: {  	[tilespmem:s29], [sflag:$0x1] =	stream.indirect.gather @!p2 [hbm4b:s5+s26], $0x40, s28, s26, $0xb8;
	[tilespmem:$0x12E80] =	vst v63  }
0x8e: {  	_ =	swait.ge [sflag:s20], $0x2000  }
0x8f: {  	[sflag:s20] =	ssyncset.done $0x0  }
0x90: {  	[sflag:s20] =	ssyncadd.s32 $0xFFFFE000  }
0x91: {  	[spmem:s3] =	stream.indirect.scatter.add.f32 [tilespmem:s17], [sflag:$0x3], $0x40, s21, s13, $0xb8;
	[tilespmem:$0x12E80] =	vst v63  }
0x92: {  	_ =	swait.ge [sflag:s12], $0x2000  }
0x93: {  	[sflag:s12] =	ssyncset.done $0x0  }
0x94: {  	s24 =	sshra.s32 s25, $0x2;
	[sflag:s12] =	ssyncadd.s32 $0xFFFFE000  }
0x95: {  	v0 =	vld [tilespmem:s24+$0x80];
	_ =	sdelay $0x4  }
0x96: {  	v1 =	vand.u32 $0xFFFF, v0;
	v0 =	vshrl.u32 v0, $0x10  }
0x97: {  	[tilespmem:$0x5100] =	vst v1  }
0x98: {  	[tilespmem:$0x5180] =	vst v0  }
0x99: {  	v0 =	vld [tilespmem:s24+$0x90];
	_ =	sdelay $0x4  }
0x9a: {  	v1 =	vand.u32 $0xFFFF, v0;
	v0 =	vshrl.u32 v0, $0x10  }
0x9b: {  	[tilespmem:$0x5110] =	vst v1  }
0x9c: {  	[tilespmem:$0x5190] =	vst v0  }
0x9d: {  	v0 =	vld [tilespmem:s24+$0xA0];
	_ =	sdelay $0x4  }
0x9e: {  	v1 =	vand.u32 $0xFFFF, v0;
	v0 =	vshrl.u32 v0, $0x10  }
0x9f: {  	[tilespmem:$0x5120] =	vst v1  }
0xa0: {  	[tilespmem:$0x51A0] =	vst v0  }
0xa1: {  	v0 =	vld [tilespmem:s24+$0xB0];
	_ =	sdelay $0x4  }
0xa2: {  	v1 =	vand.u32 $0xFFFF, v0;
	v0 =	vshrl.u32 v0, $0x10  }
0xa3: {  	[tilespmem:$0x5130] =	vst v1  }
0xa4: {  	[tilespmem:$0x51B0] =	vst v0  }
0xa5: {  	v0 =	vld [tilespmem:s24+$0xC0];
	_ =	sdelay $0x4  }
0xa6: {  	v1 =	vand.u32 $0xFFFF, v0;
	v0 =	vshrl.u32 v0, $0x10  }
0xa7: {  	[tilespmem:$0x5140] =	vst v1  }
0xa8: {  	[tilespmem:$0x51C0] =	vst v0  }
0xa9: {  	v0 =	vld [tilespmem:s24+$0xD0];
	_ =	sdelay $0x4  }
0xaa: {  	v1 =	vand.u32 $0xFFFF, v0;
	v0 =	vshrl.u32 v0, $0x10  }
0xab: {  	[tilespmem:$0x5150] =	vst v1  }
0xac: {  	[tilespmem:$0x51D0] =	vst v0  }
0xad: {  	v0 =	vld [tilespmem:s24+$0xE0];
	_ =	sdelay $0x4  }
0xae: {  	v1 =	vand.u32 $0xFFFF, v0;
	v0 =	vshrl.u32 v0, $0x10  }
0xaf: {  	[tilespmem:$0x5160] =	vst v1  }
0xb0: {  	[tilespmem:$0x51E0] =	vst v0  }
0xb1: {  	v0 =	vld [tilespmem:s24+$0xF0];
	_ =	sdelay $0x4  }
0xb2: {  	v1 =	vand.u32 $0xFFFF, v0;
	v0 =	vshrl.u32 v0, $0x10  }
0xb3: {  	p2 =	seq.s32 s25, $0x13C00;
	[tilespmem:$0x5170] =	vst v1  }
0xb4: {  	s24 =	sshra.s32 @!p2 s25, $0x2;
	[tilespmem:$0x51F0] =	vst v0  }
0xb5: {  	[tilespmem:s17], [sflag:$0x2] =	stream.indirect.gather [hbm4b:s5+s13], $0x40, s16, s13, $0xb8;
	[tilespmem:$0x12E80] =	vst v63  }
0xb6: {  	_ =	swait.ge [sflag:s18], $0x2000  }
0xb7: {  	[sflag:s18] =	ssyncset.done $0x0  }
0xb8: {  	[sflag:s18] =	ssyncadd.s32 $0xFFFFE000  }
0xb9: {  	[spmem:s3] =	stream.indirect.scatter.add.f32 [tilespmem:s15], [sflag:$0x3], $0x40, s19, s13, $0xb8;
	[tilespmem:$0x12E80] =	vst v63  }
0xba: {  	_ =	swait.ge [sflag:s12], $0x2000  }
0xbb: {  	[sflag:s12] =	ssyncset.done $0x0  }
0xbc: {  	[sflag:s12] =	ssyncadd.s32 $0xFFFFE000  }
0xbd: {  	v0 =	vld @!p2 [tilespmem:s24+$0x100];
	_ =	sdelay $0x4  }
0xbe: {  	v1 =	vand.u32 @!p2 $0xFFFF, v0;
	v0 =	vshrl.u32 @!p2 v0, $0x10  }
0xbf: {  	[tilespmem:$0x5000] =	vst @!p2 v1  }
0xc0: {  	[tilespmem:$0x5080] =	vst @!p2 v0  }
0xc1: {  	v0 =	vld @!p2 [tilespmem:s24+$0x110];
	_ =	sdelay $0x4  }
0xc2: {  	v1 =	vand.u32 @!p2 $0xFFFF, v0;
	v0 =	vshrl.u32 @!p2 v0, $0x10  }
0xc3: {  	[tilespmem:$0x5010] =	vst @!p2 v1  }
0xc4: {  	[tilespmem:$0x5090] =	vst @!p2 v0  }
0xc5: {  	v0 =	vld @!p2 [tilespmem:s24+$0x120];
	_ =	sdelay $0x4  }
0xc6: {  	v1 =	vand.u32 @!p2 $0xFFFF, v0;
	v0 =	vshrl.u32 @!p2 v0, $0x10  }
0xc7: {  	[tilespmem:$0x5020] =	vst @!p2 v1  }
0xc8: {  	[tilespmem:$0x50A0] =	vst @!p2 v0  }
0xc9: {  	v0 =	vld @!p2 [tilespmem:s24+$0x130];
	_ =	sdelay $0x4  }
0xca: {  	v1 =	vand.u32 @!p2 $0xFFFF, v0;
	v0 =	vshrl.u32 @!p2 v0, $0x10  }
0xcb: {  	[tilespmem:$0x5030] =	vst @!p2 v1  }
0xcc: {  	[tilespmem:$0x50B0] =	vst @!p2 v0  }
0xcd: {  	v0 =	vld @!p2 [tilespmem:s24+$0x140];
	_ =	sdelay $0x4  }
0xce: {  	v1 =	vand.u32 @!p2 $0xFFFF, v0;
	v0 =	vshrl.u32 @!p2 v0, $0x10  }
0xcf: {  	[tilespmem:$0x5040] =	vst @!p2 v1  }
0xd0: {  	[tilespmem:$0x50C0] =	vst @!p2 v0  }
0xd1: {  	v0 =	vld @!p2 [tilespmem:s24+$0x150];
	_ =	sdelay $0x4  }
0xd2: {  	v1 =	vand.u32 @!p2 $0xFFFF, v0;
	v0 =	vshrl.u32 @!p2 v0, $0x10  }
0xd3: {  	[tilespmem:$0x5050] =	vst @!p2 v1  }
0xd4: {  	s26 =	simm.s32 @!p2 $0x80;
	s28 =	simm.s32 @!p2 $0x5000;
	s29 =	simm.s32 @!p2 $0x5200;
	[tilespmem:$0x50D0] =	vst @!p2 v0  }
0xd5: {  	v0 =	vld @!p2 [tilespmem:s24+$0x160];
	_ =	sdelay $0x1  }
.Ltmp3:
0xd6: {  	(pc) =	sbr.rel @p1 .LBB2_6-.Ltmp3, $3  }
0xd7: {  	_ =	sdelay $0x1  }
0xd8: {  	v1 =	vand.u32 @!p2 $0xFFFF, v0;
	v0 =	vshrl.u32 @!p2 v0, $0x10  }
0xd9: {  	[tilespmem:$0x5060] =	vst @!p2 v1  }
.Ltmp4:
0xda: {  	_ = 	snop;
	(pc) =	sbr.rel .LBB2_7-.Ltmp4, $1  }
0xdb: {  	_ =	sdelay $0x3  }
.LBB2_2:
0xdc: {  	[tilespmem:s15], [sflag:$0x1] =	stream.indirect.gather [hbm4b:s2+s13], $0x40, s14, s13, $0xb8;
	[tilespmem:$0x12E80] =	vst v63  }
0xdd: {  	s23 =	simm.s32 $0x0  }
0xde: {  	v0 =	vld [tilespmem:s23+$0x80];
	_ =	sdelay $0x4  }
0xdf: {  	v1 =	vand.u32 $0xFFFF, v0  }
0xe0: {  	v0 =	vshrl.u32 v0, $0x10;
	[tilespmem:$0x5100] =	vst v1  }
0xe1: {  	[tilespmem:$0x5180] =	vst v0  }
0xe2: {  	v0 =	vld [tilespmem:s23+$0x90];
	_ =	sdelay $0x4  }
0xe3: {  	v1 =	vand.u32 $0xFFFF, v0  }
0xe4: {  	v0 =	vshrl.u32 v0, $0x10;
	[tilespmem:$0x5110] =	vst v1  }
0xe5: {  	[tilespmem:$0x5190] =	vst v0  }
0xe6: {  	v0 =	vld [tilespmem:s23+$0xA0];
	_ =	sdelay $0x4  }
0xe7: {  	v1 =	vand.u32 $0xFFFF, v0  }
0xe8: {  	v0 =	vshrl.u32 v0, $0x10;
	[tilespmem:$0x5120] =	vst v1  }
0xe9: {  	[tilespmem:$0x51A0] =	vst v0  }
0xea: {  	v0 =	vld [tilespmem:s23+$0xB0];
	_ =	sdelay $0x4  }
0xeb: {  	v1 =	vand.u32 $0xFFFF, v0  }
0xec: {  	v0 =	vshrl.u32 v0, $0x10;
	[tilespmem:$0x5130] =	vst v1  }
0xed: {  	[tilespmem:$0x51B0] =	vst v0  }
0xee: {  	v0 =	vld [tilespmem:s23+$0xC0];
	_ =	sdelay $0x4  }
0xef: {  	v1 =	vand.u32 $0xFFFF, v0  }
0xf0: {  	v0 =	vshrl.u32 v0, $0x10;
	[tilespmem:$0x5140] =	vst v1  }
0xf1: {  	[tilespmem:$0x51C0] =	vst v0  }
0xf2: {  	v0 =	vld [tilespmem:s23+$0xD0];
	_ =	sdelay $0x4  }
0xf3: {  	v1 =	vand.u32 $0xFFFF, v0  }
0xf4: {  	v0 =	vshrl.u32 v0, $0x10;
	[tilespmem:$0x5150] =	vst v1  }
0xf5: {  	[tilespmem:$0x51D0] =	vst v0  }
0xf6: {  	v0 =	vld [tilespmem:s23+$0xE0];
	_ =	sdelay $0x4  }
0xf7: {  	v1 =	vand.u32 $0xFFFF, v0  }
0xf8: {  	v0 =	vshrl.u32 v0, $0x10;
	[tilespmem:$0x5160] =	vst v1  }
0xf9: {  	[tilespmem:$0x51E0] =	vst v0  }
0xfa: {  	v0 =	vld [tilespmem:s23+$0xF0];
	_ =	sdelay $0x4  }
0xfb: {  	v1 =	vand.u32 $0xFFFF, v0  }
0xfc: {  	v0 =	vshrl.u32 v0, $0x10;
	[tilespmem:$0x5170] =	vst v1  }
0xfd: {  	[tilespmem:$0x51F0] =	vst v0  }
0xfe: {  	[tilespmem:s17], [sflag:$0x2] =	stream.indirect.gather [hbm4b:s2+s13], $0x40, s16, s13, $0xb8;
	[tilespmem:$0x12E80] =	vst v63  }
0xff: {  	_ =	swait.ge [sflag:s18], $0x2000  }
0x100: {  	[sflag:s18] =	ssyncset.done $0x0  }
0x101: {  	[sflag:s18] =	ssyncadd.s32 $0xFFFFE000  }
0x102: {  	[spmem:s3] =	stream.indirect.scatter.add.f32 [tilespmem:s15], [sflag:$0x3], $0x40, s19, s13, $0xb8;
	[tilespmem:$0x12E80] =	vst v63  }
0x103: {  	_ =	swait.ge [sflag:s12], $0x2000  }
0x104: {  	p2 =	por $0x0, $0x0;
	[sflag:s12] =	ssyncset.done $0x0  }
0x105: {  	s24 =	simm.s32 @!p2 $0x0;
	[sflag:s12] =	ssyncadd.s32 $0xFFFFE000  }
0x106: {  	v0 =	vld @!p2 [tilespmem:s24+$0x100];
	_ =	sdelay $0x4  }
0x107: {  	v1 =	vand.u32 @!p2 $0xFFFF, v0  }
0x108: {  	v0 =	vshrl.u32 @!p2 v0, $0x10;
	[tilespmem:$0x5000] =	vst @!p2 v1  }
0x109: {  	[tilespmem:$0x5080] =	vst @!p2 v0  }
0x10a: {  	v0 =	vld @!p2 [tilespmem:s24+$0x110];
	_ =	sdelay $0x4  }
0x10b: {  	v1 =	vand.u32 @!p2 $0xFFFF, v0  }
0x10c: {  	v0 =	vshrl.u32 @!p2 v0, $0x10;
	[tilespmem:$0x5010] =	vst @!p2 v1  }
0x10d: {  	[tilespmem:$0x5090] =	vst @!p2 v0  }
0x10e: {  	v0 =	vld @!p2 [tilespmem:s24+$0x120];
	_ =	sdelay $0x4  }
0x10f: {  	v1 =	vand.u32 @!p2 $0xFFFF, v0  }
0x110: {  	v0 =	vshrl.u32 @!p2 v0, $0x10;
	[tilespmem:$0x5020] =	vst @!p2 v1  }
0x111: {  	[tilespmem:$0x50A0] =	vst @!p2 v0  }
0x112: {  	v0 =	vld @!p2 [tilespmem:s24+$0x130];
	_ =	sdelay $0x4  }
0x113: {  	v1 =	vand.u32 @!p2 $0xFFFF, v0  }
0x114: {  	v0 =	vshrl.u32 @!p2 v0, $0x10;
	[tilespmem:$0x5030] =	vst @!p2 v1  }
0x115: {  	[tilespmem:$0x50B0] =	vst @!p2 v0  }
0x116: {  	v0 =	vld @!p2 [tilespmem:s24+$0x140];
	_ =	sdelay $0x4  }
0x117: {  	v1 =	vand.u32 @!p2 $0xFFFF, v0  }
0x118: {  	v0 =	vshrl.u32 @!p2 v0, $0x10;
	[tilespmem:$0x5040] =	vst @!p2 v1  }
0x119: {  	[tilespmem:$0x50C0] =	vst @!p2 v0  }
0x11a: {  	v0 =	vld @!p2 [tilespmem:s24+$0x150];
	_ =	sdelay $0x4  }
0x11b: {  	v1 =	vand.u32 @!p2 $0xFFFF, v0  }
0x11c: {  	v0 =	vshrl.u32 @!p2 v0, $0x10;
	[tilespmem:$0x5050] =	vst @!p2 v1  }
0x11d: {  	[tilespmem:$0x50D0] =	vst @!p2 v0  }
0x11e: {  	v0 =	vld @!p2 [tilespmem:s24+$0x160];
	_ =	sdelay $0x4  }
0x11f: {  	s26 =	simm.s32 @!p2 $0x80;
	v1 =	vand.u32 @!p2 $0xFFFF, v0  }
0x120: {  	s28 =	simm.s32 @!p2 $0x5000;
	s29 =	simm.s32 @!p2 $0x5200;
	s23 =	simm.s32 $0x400;
	v0 =	vshrl.u32 @!p2 v0, $0x10;
	[tilespmem:$0x5060] =	vst @!p2 v1  }
.LBB2_3:
0x121: {  	[tilespmem:$0x50E0] =	vst @!p2 v0;
	s25 =	smov.u32 s23;
	s23 =	sadd.s32 $0x400, s23  }
0x122: {  	p1 =	seq.s32 s23, $0x14000;
	v0 =	vld @!p2 [tilespmem:s24+$0x170];
	_ =	sdelay $0x4  }
0x123: {  	v1 =	vand.u32 @!p2 $0xFFFF, v0;
	v0 =	vshrl.u32 @!p2 v0, $0x10  }
0x124: {  	[tilespmem:$0x5070] =	vst @!p2 v1  }
0x125: {  	[tilespmem:$0x50F0] =	vst @!p2 v0  }
0x126: {  	[tilespmem:s29], [sflag:$0x1] =	stream.indirect.gather @!p2 [hbm4b:s2+s26], $0x40, s28, s26, $0xb8;
	[tilespmem:$0x12E80] =	vst v63  }
0x127: {  	_ =	swait.ge [sflag:s20], $0x2000  }
0x128: {  	[sflag:s20] =	ssyncset.done $0x0  }
0x129: {  	[sflag:s20] =	ssyncadd.s32 $0xFFFFE000  }
0x12a: {  	[spmem:s3] =	stream.indirect.scatter.add.f32 [tilespmem:s17], [sflag:$0x3], $0x40, s21, s13, $0xb8;
	[tilespmem:$0x12E80] =	vst v63  }
0x12b: {  	_ =	swait.ge [sflag:s12], $0x2000  }
0x12c: {  	[sflag:s12] =	ssyncset.done $0x0  }
0x12d: {  	s24 =	sshra.s32 s25, $0x2;
	[sflag:s12] =	ssyncadd.s32 $0xFFFFE000  }
0x12e: {  	v0 =	vld [tilespmem:s24+$0x80];
	_ =	sdelay $0x4  }
0x12f: {  	v1 =	vand.u32 $0xFFFF, v0;
	v0 =	vshrl.u32 v0, $0x10  }
0x130: {  	[tilespmem:$0x5100] =	vst v1  }
0x131: {  	[tilespmem:$0x5180] =	vst v0  }
0x132: {  	v0 =	vld [tilespmem:s24+$0x90];
	_ =	sdelay $0x4  }
0x133: {  	v1 =	vand.u32 $0xFFFF, v0;
	v0 =	vshrl.u32 v0, $0x10  }
0x134: {  	[tilespmem:$0x5110] =	vst v1  }
0x135: {  	[tilespmem:$0x5190] =	vst v0  }
0x136: {  	v0 =	vld [tilespmem:s24+$0xA0];
	_ =	sdelay $0x4  }
0x137: {  	v1 =	vand.u32 $0xFFFF, v0;
	v0 =	vshrl.u32 v0, $0x10  }
0x138: {  	[tilespmem:$0x5120] =	vst v1  }
0x139: {  	[tilespmem:$0x51A0] =	vst v0  }
0x13a: {  	v0 =	vld [tilespmem:s24+$0xB0];
	_ =	sdelay $0x4  }
0x13b: {  	v1 =	vand.u32 $0xFFFF, v0;
	v0 =	vshrl.u32 v0, $0x10  }
0x13c: {  	[tilespmem:$0x5130] =	vst v1  }
0x13d: {  	[tilespmem:$0x51B0] =	vst v0  }
0x13e: {  	v0 =	vld [tilespmem:s24+$0xC0];
	_ =	sdelay $0x4  }
0x13f: {  	v1 =	vand.u32 $0xFFFF, v0;
	v0 =	vshrl.u32 v0, $0x10  }
0x140: {  	[tilespmem:$0x5140] =	vst v1  }
0x141: {  	[tilespmem:$0x51C0] =	vst v0  }
0x142: {  	v0 =	vld [tilespmem:s24+$0xD0];
	_ =	sdelay $0x4  }
0x143: {  	v1 =	vand.u32 $0xFFFF, v0;
	v0 =	vshrl.u32 v0, $0x10  }
0x144: {  	[tilespmem:$0x5150] =	vst v1  }
0x145: {  	[tilespmem:$0x51D0] =	vst v0  }
0x146: {  	v0 =	vld [tilespmem:s24+$0xE0];
	_ =	sdelay $0x4  }
0x147: {  	v1 =	vand.u32 $0xFFFF, v0;
	v0 =	vshrl.u32 v0, $0x10  }
0x148: {  	[tilespmem:$0x5160] =	vst v1  }
0x149: {  	[tilespmem:$0x51E0] =	vst v0  }
0x14a: {  	v0 =	vld [tilespmem:s24+$0xF0];
	_ =	sdelay $0x4  }
0x14b: {  	v1 =	vand.u32 $0xFFFF, v0;
	v0 =	vshrl.u32 v0, $0x10  }
0x14c: {  	p2 =	seq.s32 s25, $0x13C00;
	[tilespmem:$0x5170] =	vst v1  }
0x14d: {  	s24 =	sshra.s32 @!p2 s25, $0x2;
	[tilespmem:$0x51F0] =	vst v0  }
0x14e: {  	[tilespmem:s17], [sflag:$0x2] =	stream.indirect.gather [hbm4b:s2+s13], $0x40, s16, s13, $0xb8;
	[tilespmem:$0x12E80] =	vst v63  }
0x14f: {  	_ =	swait.ge [sflag:s18], $0x2000  }
0x150: {  	[sflag:s18] =	ssyncset.done $0x0  }
0x151: {  	[sflag:s18] =	ssyncadd.s32 $0xFFFFE000  }
0x152: {  	[spmem:s3] =	stream.indirect.scatter.add.f32 [tilespmem:s15], [sflag:$0x3], $0x40, s19, s13, $0xb8;
	[tilespmem:$0x12E80] =	vst v63  }
0x153: {  	_ =	swait.ge [sflag:s12], $0x2000  }
0x154: {  	[sflag:s12] =	ssyncset.done $0x0  }
0x155: {  	[sflag:s12] =	ssyncadd.s32 $0xFFFFE000  }
0x156: {  	v0 =	vld @!p2 [tilespmem:s24+$0x100];
	_ =	sdelay $0x4  }
0x157: {  	v1 =	vand.u32 @!p2 $0xFFFF, v0;
	v0 =	vshrl.u32 @!p2 v0, $0x10  }
0x158: {  	[tilespmem:$0x5000] =	vst @!p2 v1  }
0x159: {  	[tilespmem:$0x5080] =	vst @!p2 v0  }
0x15a: {  	v0 =	vld @!p2 [tilespmem:s24+$0x110];
	_ =	sdelay $0x4  }
0x15b: {  	v1 =	vand.u32 @!p2 $0xFFFF, v0;
	v0 =	vshrl.u32 @!p2 v0, $0x10  }
0x15c: {  	[tilespmem:$0x5010] =	vst @!p2 v1  }
0x15d: {  	[tilespmem:$0x5090] =	vst @!p2 v0  }
0x15e: {  	v0 =	vld @!p2 [tilespmem:s24+$0x120];
	_ =	sdelay $0x4  }
0x15f: {  	v1 =	vand.u32 @!p2 $0xFFFF, v0;
	v0 =	vshrl.u32 @!p2 v0, $0x10  }
0x160: {  	[tilespmem:$0x5020] =	vst @!p2 v1  }
0x161: {  	[tilespmem:$0x50A0] =	vst @!p2 v0  }
0x162: {  	v0 =	vld @!p2 [tilespmem:s24+$0x130];
	_ =	sdelay $0x4  }
0x163: {  	v1 =	vand.u32 @!p2 $0xFFFF, v0;
	v0 =	vshrl.u32 @!p2 v0, $0x10  }
0x164: {  	[tilespmem:$0x5030] =	vst @!p2 v1  }
0x165: {  	[tilespmem:$0x50B0] =	vst @!p2 v0  }
0x166: {  	v0 =	vld @!p2 [tilespmem:s24+$0x140];
	_ =	sdelay $0x4  }
0x167: {  	v1 =	vand.u32 @!p2 $0xFFFF, v0;
	v0 =	vshrl.u32 @!p2 v0, $0x10  }
0x168: {  	[tilespmem:$0x5040] =	vst @!p2 v1  }
0x169: {  	[tilespmem:$0x50C0] =	vst @!p2 v0  }
0x16a: {  	v0 =	vld @!p2 [tilespmem:s24+$0x150];
	_ =	sdelay $0x4  }
0x16b: {  	v1 =	vand.u32 @!p2 $0xFFFF, v0;
	v0 =	vshrl.u32 @!p2 v0, $0x10  }
0x16c: {  	[tilespmem:$0x5050] =	vst @!p2 v1  }
0x16d: {  	s26 =	simm.s32 @!p2 $0x80;
	s28 =	simm.s32 @!p2 $0x5000;
	s29 =	simm.s32 @!p2 $0x5200;
	[tilespmem:$0x50D0] =	vst @!p2 v0  }
0x16e: {  	v0 =	vld @!p2 [tilespmem:s24+$0x160];
	_ =	sdelay $0x1  }
.Ltmp5:
0x16f: {  	(pc) =	sbr.rel @!p1 .LBB2_3-.Ltmp5, $3  }
0x170: {  	_ =	sdelay $0x1  }
0x171: {  	v1 =	vand.u32 @!p2 $0xFFFF, v0;
	v0 =	vshrl.u32 @!p2 v0, $0x10  }
0x172: {  	[tilespmem:$0x5060] =	vst @!p2 v1  }
0x173: {  	[tilespmem:$0x50E0] =	vst @!p2 v0  }
0x174: {  	v0 =	vld @!p2 [tilespmem:s24+$0x170];
	_ =	sdelay $0x4  }
0x175: {  	v1 =	vand.u32 @!p2 $0xFFFF, v0  }
0x176: {  	v0 =	vshrl.u32 @!p2 v0, $0x10;
	[tilespmem:$0x5070] =	vst @!p2 v1  }
0x177: {  	[tilespmem:$0x50F0] =	vst @!p2 v0  }
0x178: {  	[tilespmem:s29], [sflag:$0x1] =	stream.indirect.gather @!p2 [hbm4b:s2+s26], $0x40, s28, s26, $0xb8;
	[tilespmem:$0x12E80] =	vst v63  }
0x179: {  	_ =	swait.ge [sflag:s20], $0x2000  }
0x17a: {  	[sflag:s20] =	ssyncset.done $0x0  }
.Ltmp6:
0x17b: {  	[sflag:s20] =	ssyncadd.s32 $0xFFFFE000;
	(pc) =	sbr.rel .LBB2_8-.Ltmp6, $4  }
0x17c: {  	[spmem:s3] =	stream.indirect.scatter.add.f32 [tilespmem:s17], [sflag:$0x3], $0x40, s21, s13, $0xb8;
	[tilespmem:$0x12E80] =	vst v63  }
0x17d: {  	_ =	swait.ge [sflag:s12], $0x2000  }
0x17e: {  	[sflag:s12] =	ssyncset.done $0x0  }
0x17f: {  	[sflag:s12] =	ssyncadd.s32 $0xFFFFE000  }
.LBB2_9:
0x180: {  	_ =	sfence.sel $0x180000  }
0x181: {  	[bflag:$0x0] =	sbarrier.arrive $0xFFFF  }
0x182: {  	p0 =	sne.s32 s1, $0x0;
	_ =	strace $0x9000004D  }
0x183: {  	s0 =	sadd.s32 @!p0 $0x100000, s0;
	[bflag:$0x2] =	sbarrier.arrive $0xFFFF  }
0x184: {  	[sflag:s0] =	ssyncadd.tile.s32 @!p0 $0x1;
	_ =	shalt  }
.Lfunc_end2:
_tile_overlayer_lowered:
.L_overlay_start_2:
0x185: {  	(tag) =	ssettag $0x2  }
0x186: {  	s0 =	rddreg [dreg:$0x0];
	s2 =	stileid.u32  }
0x187: {  	s1 =	rddreg [dreg:$0x1];
	p0 =	sne.s32 s2, $0x0  }
0x188: {  	s3 =	rddreg [dreg:$0x2];
	[bflag:$0x3] =	sbarrier.arrive $0xFFFF;
	s2 =	simm.s32 @!p0 $0x1C03  }
0x189: {  	[timem:s3], [sflag:s2] =	dma.local @!p0 [hbm:s0], s1  }
0x18a: {  	s0 =	simm.s32 @!p0 $0x3  }
0x18b: {  	_ =	swait.ge @!p0 [sflag:s0], s1  }
0x18c: {  	s1 =	ssub.s32 @!p0 $0x0, s1;
	[sflag:s0] =	ssyncset.done @!p0 $0x0  }
0x18d: {  	[sflag:s0] =	ssyncadd.s32 @!p0 s1  }
0x18e: {  	[bflag:$0x3] =	sbarrier.arrive $0xFFFF  }
0x18f: {  	_ =	shalt  }

// kernel: kernel.8.cloned.1.call-start
scs
__scs_entry_jumppad:
0x0: {  	(pc) =	sbr.rel $0x88, $3  }
0x1: {  	(tag) =	ssettag $0x0;
	lr =	simm.s32 $0x1  }
0x2: {  	[smem:$0x3F9B] =	sst lr;
	_ =	strace $0xD0000000  }
0x3: {  	_ = 	snop  }
0x4: {  	_ = 	snop  }
0x5: {  	_ = 	snop  }
0x6: {  	_ = 	snop  }
0x7: {  	_ = 	snop  }
__scs_overlays_trampoline_lowered:
0x8: {  	[smem:$0x3FAA] =	sst s0  }
0x9: {  	[smem:$0x3FAB] =	sst s1  }
0xa: {  	[smem:$0x3FAC] =	sst s2  }
0xb: {  	[smem:$0x3FAD] =	sst s3  }
0xc: {  	[smem:$0x3FAE] =	sst s4  }
0xd: {  	[smem:$0x3FAF] =	sst s5  }
0xe: {  	[smem:$0x3FB0] =	sst s6  }
0xf: {  	[smem:$0x3FB1] =	sst s7  }
0x10: {  	[smem:$0x3FB2] =	sst s8  }
0x11: {  	[smem:$0x3FB3] =	sst s9;
	s0 =	simm.s32 @!p0 $0x0  }
0x12: {  	s1 =	sld [smem:$0x3F99];
	s0 =	simm.s32 @p0 $0x1  }
0x13: {  	[smem:$0x3FB4] =	sst s0;
	s0 =	simm.s32 @!p1 $0x0  }
0x14: {  	s2 =	sld [smem:$0x3F98];
	s0 =	simm.s32 @p1 $0x1  }
0x15: {  	[smem:$0x3FB5] =	sst s0;
	s0 =	simm.s32 @!p2 $0x0  }
0x16: {  	s3 =	sld [smem:$0x3FDB];
	s0 =	simm.s32 @p2 $0x1  }
0x17: {  	s4 =	simm.s32 $0x1BF5;
	[smem:$0x3FB7] =	sst s0  }
0x18: {  	s0 =	sld [smem:$0x3F9A];
	_ =	swait.ge [sflag:s4], $0x0  }
0x19: {  	s7 =	sld [smem:$0x3F9B]  }
0x1a: {  	s8 =	sadd.s32 $0xFFFFE003, lr  }
0x1b: {  	s9 =	sadd.s32 $0xFFFFFEF7, lr;
	s5 =	simm.s32 $0xFFFFFFFF;
	p2 =	slt.u32 s8, $0xFFFFF086  }
0x1c: {  	p1 =	slt.u32 s9, $0xF7A;
	s5 =	simm.s32 @!p2 $0x0  }
0x1d: {  	s5 =	simm.s32 @p1 $0x1;
	p0 =	seq.s32 s7, s2  }
0x1e: {  	s7 =	smul.u32 @!p0 $0xF7A, s2;
	p2 =	seq.s32 @!p0 s5, $0x0  }
0x1f: {  	s9 =	smul.u32 $0xF7A, s1;
	s8 =	simm.s32 @!p0 $0x1BF5;
	p2 =	por !p2, p0  }
0x20: {  	[sflag:s8] =	ssyncset.s32 @!p0 $0xFFFFF086;
	s6 =	sadd.s32 @!p0 s3, s7;
	s7 =	simm.s32 @!p0 $0x108  }
0x21: {  	s3 =	sadd.s32 s3, s9;
	s6 =	sadd.s32 @!p0 $0x88, s6;
	s7 =	simm.s32 @p2 $0x1082  }
0x22: {  	[simem:s7], [sflag:s8] =	dma.local @!p0 [hbm:s6], $0xF7A  }
0x23: {  	s9 =	sor.u32 $0xD0000000, s2;
	s6 =	simm.s32 $0x108;
	_ =	swait.ge @!p0 [sflag:s8], $0x0  }
0x24: {  	s3 =	sadd.s32 $0x88, s3;
	s6 =	simm.s32 @!p1 $0x1082;
	[sflag:s4] =	ssyncset.s32 $0xFFFFF086  }
0x25: {  	[simem:s6], [sflag:s4] =	dma.local [hbm:s3], $0xF7A  }
0x26: {  	[smem:$0x3F9B] =	sst s1;
	(tag) =	ssettag s2;
	_ =	strace s9  }
0x27: {  	s1 =	sld [smem:$0x3FAB]  }
0x28: {  	s2 =	sld [smem:$0x3FAC]  }
0x29: {  	s4 =	sld [smem:$0x3FAE]  }
0x2a: {  	p0 =	seq.s32 s5, $0x0;
	s5 =	sld [smem:$0x3FAF]  }
0x2b: {  	s6 =	sld [smem:$0x3FB0]  }
0x2c: {  	s7 =	sld [smem:$0x3FB1]  }
0x2d: {  	s3 =	simm.s32 $0x108;
	s8 =	sld [smem:$0x3FB2]  }
0x2e: {  	s3 =	simm.s32 @!p0 $0x1082;
	s9 =	sld [smem:$0x3FB3]  }
0x2f: {  	lr =	sadd.s32 s0, s3;
	s0 =	sld [smem:$0x3FAA]  }
0x30: {  	s3 =	sld [smem:$0x3FAD]  }
0x31: {  	[smem:$0x3FB6] =	sst s10  }
0x32: {  	s10 =	sld [smem:$0x3FB4];
	_ =	sdelay $0x3  }
0x33: {  	p0 =	seq.s32 s10, $0x1;
	s10 =	sld [smem:$0x3FB6];
	_ =	sdelay $0x3  }
0x34: {  	[smem:$0x3FB6] =	sst s10  }
0x35: {  	s10 =	sld [smem:$0x3FB5];
	_ =	sdelay $0x3  }
0x36: {  	p1 =	seq.s32 s10, $0x1;
	s10 =	sld [smem:$0x3FB6];
	_ =	sdelay $0x3  }
0x37: {  	[smem:$0x3FB6] =	sst s10  }
0x38: {  	s10 =	sld [smem:$0x3FB7]  }
0x39: {  	_ = 	snop;
	(pc) =	sbr.ind lr, $3  }
0x3a: {  	_ = 	snop  }
0x3b: {  	_ = 	snop  }
0x3c: {  	p2 =	seq.s32 s10, $0x1;
	s10 =	sld [smem:$0x3FB6]  }
0x3d: {  	_ =	shalt  }
0x3e: {  	_ =	shalt  }
0x3f: {  	_ =	shalt  }
0x40: {  	_ =	shalt  }
0x41: {  	_ =	shalt  }
0x42: {  	_ =	shalt  }
0x43: {  	_ =	shalt  }
0x44: {  	_ =	shalt  }
0x45: {  	_ =	shalt  }
0x46: {  	_ =	shalt  }
0x47: {  	_ =	shalt  }
0x48: {  	_ =	shalt  }
0x49: {  	_ =	shalt  }
0x4a: {  	_ =	shalt  }
0x4b: {  	_ =	shalt  }
0x4c: {  	_ =	shalt  }
0x4d: {  	_ =	shalt  }
0x4e: {  	_ =	shalt  }
0x4f: {  	_ =	shalt  }
0x50: {  	_ =	shalt  }
0x51: {  	_ =	shalt  }
0x52: {  	_ =	shalt  }
0x53: {  	_ =	shalt  }
0x54: {  	_ =	shalt  }
0x55: {  	_ =	shalt  }
0x56: {  	_ =	shalt  }
0x57: {  	_ =	shalt  }
0x58: {  	_ =	shalt  }
0x59: {  	_ =	shalt  }
0x5a: {  	_ =	shalt  }
0x5b: {  	_ =	shalt  }
0x5c: {  	_ =	shalt  }
0x5d: {  	_ =	shalt  }
0x5e: {  	_ =	shalt  }
0x5f: {  	_ =	shalt  }
0x60: {  	_ =	shalt  }
0x61: {  	_ =	shalt  }
0x62: {  	_ =	shalt  }
0x63: {  	_ =	shalt  }
0x64: {  	_ =	shalt  }
0x65: {  	_ =	shalt  }
0x66: {  	_ =	shalt  }
0x67: {  	_ =	shalt  }
0x68: {  	_ =	shalt  }
0x69: {  	_ =	shalt  }
0x6a: {  	_ =	shalt  }
0x6b: {  	_ =	shalt  }
0x6c: {  	_ =	shalt  }
0x6d: {  	_ =	shalt  }
0x6e: {  	_ =	shalt  }
0x6f: {  	_ =	shalt  }
0x70: {  	_ =	shalt  }
0x71: {  	_ =	shalt  }
0x72: {  	_ =	shalt  }
0x73: {  	_ =	shalt  }
0x74: {  	_ =	shalt  }
0x75: {  	_ =	shalt  }
0x76: {  	_ =	shalt  }
0x77: {  	_ =	shalt  }
0x78: {  	_ =	shalt  }
0x79: {  	_ =	shalt  }
0x7a: {  	_ =	shalt  }
0x7b: {  	_ =	shalt  }
0x7c: {  	_ =	shalt  }
0x7d: {  	_ =	shalt  }
0x7e: {  	_ =	shalt  }
0x7f: {  	_ =	shalt  }
0x80: {  	_ =	shalt  }
0x81: {  	_ =	shalt  }
0x82: {  	_ =	shalt  }
0x83: {  	_ =	shalt  }
0x84: {  	_ =	shalt  }
0x85: {  	_ =	shalt  }
0x86: {  	_ =	shalt  }
0x87: {  	_ =	shalt  }
.Lfunc_end0:
.L_simem_size_0:
called_computation_lowered:
.L_overlay_start_0:
0x88: {  	s2 =	sld [smem:$0x3FD9]  }
0x89: {  	s3 =	sld [smem:$0x3FFE];
	_ =	sdelay $0x1  }
0x8a: {  	s1 =	srdreg.scid  }
0x8b: {  	s0 =	sand.u32 $0x1, s1  }
0x8c: {  	s17 =	sshll.u32 s0, $0xA;
	s2 =	sadd.s32 s3, s2  }
0x8d: {  	s2 =	sadd.s32 s2, s17  }
0x8e: {  	[smem:$0x3FC2] =	sst s2  }
0x8f: {  	_ = 	snop  }
0x90: {  	s2 =	sld [smem:$0x3FD0];
	(tm) =	ssettm $0x1  }
0x91: {  	s18 =	sld [smem:$0x3FFB];
	_ =	sdelay $0x3  }
0x92: {  	_ =	strace s18  }
0x93: {  	s3 =	sld [smem:$0x3FFC];
	_ =	sdelay $0x3  }
0x94: {  	_ =	strace s3  }
0x95: {  	s3 =	sld [smem:$0x3FFD];
	_ =	sdelay $0x3  }
0x96: {  	_ =	strace s3  }
0x97: {  	_ =	strace $0x8FFFFFFF  }
0x98: {  	s19 =	sld [smem:$0x3FDB];
	_ =	sdelay $0x1  }
0x99: {  	s4 =	simm.s32 $_scs_section_size  }
0x9a: {  	s5 =	simm.s32 $_size__tile_overlayer_lowered;
	s6 =	simm.s32 $_tile_overlayer_lowered  }
0x9b: {  	s22 =	simm.s32 $0x1BFF;
	s21 =	sshll.u32 s6, $0x1;
	s3 =	sadd.s32 s4, s19  }
0x9c: {  	s7 =	simm.s32 $0x0;
	s20 =	sshll.u32 s5, $0x1;
	s5 =	sadd.s32 s21, s3  }
0x9d: {  	[timem:s7], [sflag:s22] =	dma.local [hbm:s5], s20  }
0x9e: {  	_ =	swait.ge [sflag:s22], s20  }
0x9f: {  	s4 =	ssub.s32 $0x0, s20;
	[sflag:s22] =	ssyncset.done $0x0  }
0xa0: {  	[sflag:s22] =	ssyncadd.s32 s4;
	_ =	sdelay $0x1  }
0xa1: {  	s23 =	simm.s32 $0x1B8B  }
0xa2: {  	_ =	swait.ge [sflag:s23], $0x1  }
0xa3: {  	[sflag:s23] =	ssyncset.done $0x0  }
0xa4: {  	s25 =	simm.s32 $0x1B8E;
	s24 =	sld [smem:$0x3FFE];
	[sflag:s23] =	ssyncadd.s32 $0xFFFFFFFF  }
0xa5: {  	s26 =	simm.s32 $execute0_lowered;
	[smem:$0x3FD2] =	sst s25  }
0xa6: {  	s5 =	sshll.u32 s26, $0x1;
	_ =	strace $0x80000046;
	[dreg:$0x1] =	wrdreg $0xFFFFFFFF  }
0xa7: {  	s28 =	simm.s32 $_size_execute0_lowered;
	s3 =	sadd.s32 s3, s5;
	[dreg:$0x0] =	wrdreg $0x0  }
0xa8: {  	s5 =	sshll.u32 s28, $0x1;
	[dreg:$0x2] =	wrdreg s3  }
0xa9: {  	[dreg:$0x3] =	wrdreg s5  }
0xaa: {  	[dreg:$0x4] =	wrdreg $0xC0  }
0xab: {  	_ =	task [dreg:s7], $0x5FFFF  }
0xac: {  	[dreg:$0x1] =	wrdreg $0xFFFFFFFF  }
0xad: {  	[dreg:$0x0] =	wrdreg $0x60  }
0xae: {  	[dreg:$0x2] =	wrdreg s2  }
0xaf: {  	[dreg:$0x3] =	wrdreg s24  }
0xb0: {  	[dreg:$0x4] =	wrdreg $0x30000  }
0xb1: {  	[dreg:$0x5] =	wrdreg $0x9  }
0xb2: {  	_ =	task.clear_ibuf [dreg:s7], $0x6FFFF;
	_ =	strace $0x90000046  }
0xb3: {  	s29 =	simm.s32 $0x9;
	_ =	strace $0x80000048  }
0xb4: {  	_ =	swait.ge [sflag:s29], $0x1  }
0xb5: {  	[sflag:s29] =	ssyncadd.s32 $0xFFFFFFFF  }
0xb6: {  	_ =	strace $0x90000048  }
0xb7: {  	_ =	sfence  }
0xb8: {  	s30 =	sld [smem:$0x0];
	_ =	sdelay $0x2  }
0xb9: {  	s31 =	sshll.u32 s1, $0xD;
	s1 =	sshrl.u32 s1, $0x2  }
0xba: {  	s3 =	sand.u32 $0x4000, s31;
	s1 =	sadd.s32 s1, s30  }
0xbb: {  	s0 =	sor.u32 s3, s0;
	s1 =	sshll.u32 s1, $0x11  }
0xbc: {  	s0 =	sor.u32 s1, s0  }
0xbd: {  	s0 =	sadd.s32 $0x8F2B, s0  }
0xbe: {  	[sflag:s0] =	ssyncadd.remote.s32 $0x1  }
0xbf: {  	_ =	sfence.sel $0xFFFF  }
0xc0: {  	[dreg:$0x0] =	wrdreg $0xFFFFFFFF;
	(pc) =	sbr.abs _section_cstart, $3  }
0xc1: {  	[dreg:$0x1] =	wrdreg $0xFFFFFFFF  }
0xc2: {  	_ =	task.clear_ibuf [dreg:s7], $0x2FFFF;
	_ =	strace $0x9FFFFFFF  }
0xc3: {  	(tm) =	ssettm $0x7FFFFFFF  }
tec
execute0_lowered:
.L_overlay_start_1:
0x0: {  	(tag) =	ssettag $0x1  }
0x1: {  	s6 =	rddreg [dreg:$0x0]  }
0x2: {  	s7 =	rddreg [dreg:$0x1]  }
0x3: {  	s2 =	rddreg [dreg:$0x2]  }
0x4: {  	s0 =	rddreg [dreg:$0x3]  }
0x5: {  	s4 =	srdreg.scid;
	s1 =	stileid.u32;
	s3 =	simm.s32 $0x0  }
0x6: {  	s13 =	simm.s32 $0x80;
	s14 =	simm.s32 $0x0;
	s5 =	sand.u32 $0x1, s4  }
0x7: {  	s8 =	smul.u32 $0x2720, s1;
	[smem:$0x7FF] =	sst s3;
	s10 =	sshll.u32 s1, $0x1  }
0x8: {  	s4 =	sadd.s32 $0x2400, s7;
	s31 =	sshll.u32 s1, $0x6;
	s9 =	smul.u32 $0x27200, s5  }
0x9: {  	_ =	strace $0x80000047;
	s10 =	sor.u32 s5, s10;
	s11 =	ssub.s32 $0x2, s5  }
0xa: {  	s5 =	sadd.s32 $0x1E00, s7;
	s10 =	smul.u32 $0x500, s10;
	s12 =	sadd.s32 s8, s2  }
0xb: {  	s30 =	sshrl.u32 s11, $0x1;
	s9 =	sadd.s32 s8, s9;
	s12 =	sshrl.u32 s12, $0x3  }
0xc: {  	s9 =	sshrl.u32 s9, $0x3;
	s6 =	sadd.s32 s6, s10;
	s10 =	simm.s32 $0x1  }
0xd: {  	s7 =	sadd.s32 s9, s7;
	s9 =	ssub.s32 s11, s30;
	s11 =	sor.u32 $0x1C01, s31  }
0xe: {  	s7 =	sadd.s32 $0x2600, s7;
	s8 =	smax.u32 s9, $0x1;
	s9 =	simm.s32 $0x2800  }
.LBB2_1:
0xf: {  	[tilespmem:s9], [sflag:$0x1] =	stream.linear.gather [hbm4b:s4+s3], $0x800, $0x38;
	[tilespmem:$0x5720] =	vst v63  }
0x10: {  	_ =	swait.ge [sflag:s10], $0x800  }
0x11: {  	[sflag:s10] =	ssyncset.done $0x0  }
0x12: {  	[sflag:s10] =	ssyncadd.s32 $0xFFFFF800  }
0x13: {  	[tilespmem:s3], [sflag:$0x1] =	stream.linear.gather [hbm4b:s6+s3], $0x2800, $0x38;
	[tilespmem:$0x5720] =	vst v63  }
0x14: {  	_ =	swait.ge [sflag:s10], $0x2800  }
0x15: {  	[sflag:s10] =	ssyncset.done $0x0  }
0x16: {  	[sflag:s10] =	ssyncadd.s32 $0xFFFFD800  }
0x17: {  	[spmem:s12], [sflag:s11] =	dma.local [hbm:s5], $0x4E4  }
0x18: {  	_ =	swait.ge [sflag:s10], $0x4E4  }
0x19: {  	[sflag:s10] =	ssyncset.done $0x0  }
0x1a: {  	[sflag:s10] =	ssyncadd.s32 $0xFFFFFB1C  }
0x1b: {  	s15 =	simm.s32 $0x0;
	[bflag:$0x0] =	sbarrier.arrive $0xFFFF  }
0x1c: {  	[spmem:s2] =	stream.indirect.scatter.add.f32 [tilespmem:s9], [sflag:$0x1], $0x10, s15, s13, $0xb8;
	[tilespmem:$0x5720] =	vst v63  }
0x1d: {  	_ =	swait.ge [sflag:s10], $0x800  }
0x1e: {  	s15 =	simm.s32 $0x200;
	[sflag:s10] =	ssyncset.done $0x0  }
.LBB2_2:
0x1f: {  	s16 =	sshra.s32 s15, $0x2;
	[sflag:s10] =	ssyncadd.s32 $0xFFFFF800;
	p0 =	sne.s32 s15, $0x9E00  }
0x20: {  	[spmem:s2] =	stream.indirect.scatter.add.f32 [tilespmem:s9], [sflag:$0x1], $0x10, s16, s13, $0xb8;
	[tilespmem:$0x5720] =	vst v63  }
.Ltmp0:
0x21: {  	_ = 	snop;
	(pc) =	sbr.rel @p0 .LBB2_2-.Ltmp0, $4  }
0x22: {  	_ = 	snop  }
0x23: {  	s15 =	sadd.s32 $0x200, s15  }
0x24: {  	_ =	swait.ge [sflag:s10], $0x800  }
0x25: {  	[sflag:s10] =	ssyncset.done $0x0  }
0x26: {  	s14 =	sadd.s32 $0x1, s14  }
0x27: {  	[sflag:s10] =	ssyncadd.s32 $0xFFFFF800;
	p0 =	sne.s32 s14, s8  }
.Ltmp1:
0x28: {  	[bflag:$0x0] =	sbarrier.arrive $0xFFFF;
	(pc) =	sbr.rel @p0 .LBB2_1-.Ltmp1, $4  }
0x29: {  	[hbm:s7], [sflag:s11] =	dma.local [spmem:s12], $0x4E4  }
0x2a: {  	_ =	swait.ge [sflag:s10], $0x4E4  }
0x2b: {  	[sflag:s10] =	ssyncset.done $0x0  }
0x2c: {  	[sflag:s10] =	ssyncadd.s32 $0xFFFFFB1C  }
0x2d: {  	_ =	sfence.sel $0x180000  }
0x2e: {  	[bflag:$0x0] =	sbarrier.arrive $0xFFFF  }
0x2f: {  	p0 =	sne.s32 s1, $0x0;
	_ =	strace $0x90000047  }
0x30: {  	s0 =	sadd.s32 @!p0 $0x100000, s0;
	[bflag:$0x2] =	sbarrier.arrive $0xFFFF  }
0x31: {  	[sflag:s0] =	ssyncadd.tile.s32 @!p0 $0x1;
	_ =	shalt  }
.Lfunc_end2:
_tile_overlayer_lowered:
.L_overlay_start_2:
0x32: {  	(tag) =	ssettag $0x2  }
0x33: {  	s0 =	rddreg [dreg:$0x0];
	s2 =	stileid.u32  }
0x34: {  	s1 =	rddreg [dreg:$0x1];
	p0 =	sne.s32 s2, $0x0  }
0x35: {  	s3 =	rddreg [dreg:$0x2];
	[bflag:$0x3] =	sbarrier.arrive $0xFFFF;
	s2 =	simm.s32 @!p0 $0x1C01  }
0x36: {  	[timem:s3], [sflag:s2] =	dma.local @!p0 [hbm:s0], s1  }
0x37: {  	s0 =	simm.s32 @!p0 $0x1  }
0x38: {  	_ =	swait.ge @!p0 [sflag:s0], s1  }
0x39: {  	s1 =	ssub.s32 @!p0 $0x0, s1;
	[sflag:s0] =	ssyncset.done @!p0 $0x0  }
0x3a: {  	[sflag:s0] =	ssyncadd.s32 @!p0 s1  }
0x3b: {  	[bflag:$0x3] =	sbarrier.arrive $0xFFFF  }
0x3c: {  	_ =	shalt  }

</sc_bundles>
